<compile_context>
chip_gen: v7x
topology: tpu7x:2x2x1
jax: 0.10.2.dev20260603
libtpu: 0.0.44.dev20260713+nightly
codegen_flags: <defaults>
</compile_context>

<pallas_src>
import functools

import jax
import jax.numpy as jnp
from jax import lax
from jax.experimental import pallas as pl
from jax.experimental.pallas import tpu as pltpu
from jax.experimental.pallas import tpu_sc as plsc

NC = 2
NS = 16
NW = NC * NS
VL = 16

G = 16
NBUF = 3


def _sc_gather_kernel(BP, D, S):
    win_nodes = BP // NS
    win_idx = win_nodes * S
    groups_per_core = win_nodes // G // NC
    gidx = G * S
    gvr = gidx // VL
    mesh = plsc.VectorSubcoreMesh(core_axis_name="c", subcore_axis_name="s")

    @functools.partial(
        pl.kernel,
        mesh=mesh,
        out_type=(
            jax.ShapeDtypeStruct((BP, D), jnp.float32),
            jax.ShapeDtypeStruct((BP, D), jnp.float32),
        ),
        scratch_types=[
            pltpu.VMEM((win_nodes,), jnp.int32),
            pltpu.VMEM((win_idx,), jnp.int32),
            pltpu.VMEM((win_nodes // NC, D), jnp.float32),
        ] + [pltpu.VMEM((gidx, D), jnp.float32) for _ in range(NBUF)]
          + [pltpu.VMEM((G, D), jnp.float32) for _ in range(NBUF)]
          + [pltpu.SemaphoreType.DMA for _ in range(2 * NBUF + 1)],
    )
    def sc_kernel(nodes_hbm, neigh_hbm, feat_hbm, self_out, nsum_out,
                  sidx_v, nidx_v, srows, *bufs):
        rows = bufs[:NBUF]
        accs = bufs[NBUF:2 * NBUF]
        gsems = bufs[2 * NBUF:3 * NBUF]
        osems = bufs[3 * NBUF:4 * NBUF]
        ssem = bufs[4 * NBUF]

        s = lax.axis_index("s")
        c = lax.axis_index("c")
        wbase = s * win_nodes
        pltpu.sync_copy(nodes_hbm.at[pl.ds(wbase, win_nodes)], sidx_v)
        pltpu.sync_copy(neigh_hbm.at[pl.ds(s * win_idx, win_idx)], nidx_v)

        for j in range(groups_per_core):
            iv = sidx_v[pl.ds((NC * j + c) * G, G)]
            pltpu.make_async_copy(
                feat_hbm.at[iv], srows.at[pl.ds(j * G, G)], ssem).start()

        def fire(j, b):
            goff = (NC * j + c) * gidx
            for k in range(gvr):
                iv = nidx_v[pl.ds(goff + k * VL, VL)]
                pltpu.make_async_copy(
                    feat_hbm.at[iv], rows[b].at[pl.ds(k * VL, VL)],
                    gsems[b]).start()

        def drain(b):
            pltpu.make_async_copy(
                self_out.at[pl.ds(0, gidx)], rows[b], gsems[b]).wait()

        def reduce(b):
            @pl.loop(0, G)
            def _(node):
                for l in range(0, D, VL):
                    acc = rows[b][node * S, pl.ds(l, VL)]
                    for jj in range(1, S):
                        acc = acc + rows[b][node * S + jj, pl.ds(l, VL)]
                    accs[b][node, pl.ds(l, VL)] = acc

        for b0 in range(NBUF - 1):
            fire(b0, b0)

        @pl.loop(0, groups_per_core, step=NBUF)
        def _(cc):
            for b in range(NBUF):
                j = cc + b

                @pl.when(j + NBUF - 1 < groups_per_core)
                def _():
                    fire(j + NBUF - 1, (b + NBUF - 1) % NBUF)

                @pl.when(j < groups_per_core)
                def _():
                    drain(b)

                    @pl.when(cc > 0)
                    def _():
                        pltpu.make_async_copy(
                            accs[b], nsum_out.at[pl.ds(0, G)],
                            osems[b]).wait()
                    reduce(b)
                    pltpu.make_async_copy(
                        accs[b],
                        nsum_out.at[pl.ds(wbase + (NC * j + c) * G, G)],
                        osems[b]).start()

        for b in range(NBUF):
            pltpu.make_async_copy(
                accs[b], nsum_out.at[pl.ds(0, G)], osems[b]).wait()

        pltpu.make_async_copy(
            self_out.at[pl.ds(0, win_nodes // NC)], srows, ssem).wait()
        for j in range(groups_per_core):
            pltpu.make_async_copy(
                srows.at[pl.ds(j * G, G)],
                self_out.at[pl.ds(wbase + (NC * j + c) * G, G)],
                ssem).start()
        for j in range(groups_per_core):
            pltpu.make_async_copy(
                srows.at[pl.ds(0, G)], self_out.at[pl.ds(0, G)], ssem).wait()

    return sc_kernel


def _mm_body(self_ref, nsum_ref, w1_ref, w2_ref, o_ref):
    acc = jnp.dot(self_ref[...], w1_ref[...],
                  preferred_element_type=jnp.float32)
    acc = acc + jnp.dot(nsum_ref[...], w2_ref[...],
                        preferred_element_type=jnp.float32)
    o_ref[...] = jnp.maximum(acc, 0.0)


def kernel(nodes, features, neigh_idx, W):
    B = nodes.shape[0]
    D = features.shape[1]
    S = neigh_idx.shape[1]
    E = W.shape[0]

    BP = -(-B // (G * NW)) * (G * NW)
    pad = BP - B
    nodes_p = jnp.pad(nodes.astype(jnp.int32), (0, pad))
    neigh_p = jnp.pad(neigh_idx.astype(jnp.int32).reshape(-1), (0, pad * S))

    self_feats, nsum = _sc_gather_kernel(BP, D, S)(nodes_p, neigh_p, features)

    w1 = W[:, :D].T
    w2 = W[:, D:].T * (1.0 / S)

    blk = 1000
    grid = -(-B // blk)
    out_p = pl.pallas_call(
        _mm_body,
        grid=(grid,),
        in_specs=[
            pl.BlockSpec((blk, D), lambda i: (i, 0)),
            pl.BlockSpec((blk, D), lambda i: (i, 0)),
            pl.BlockSpec((D, E), lambda i: (0, 0)),
            pl.BlockSpec((D, E), lambda i: (0, 0)),
        ],
        out_specs=pl.BlockSpec((blk, E), lambda i: (i, 0)),
        out_shape=jax.ShapeDtypeStruct((B, E), jnp.float32),
    )(self_feats, nsum, w1, w2)

    return out_p

# --- scband reference (transcript-rebuilt; emitter-appended) ---
"""Pipeline reference for scband-encoder-1924145349130 (READ-ONLY COPY).

The authoritative reference and input builder live on the scoring server;
editing this copy changes nothing except your own understanding.
"""

import jax, jax.numpy as jnp
import numpy as np

N_NODES = 100000
D_FEAT = 128
EMBED_DIM = 128
BATCH = 10000
NUM_SAMPLE = 10


def setup_inputs(seed: int = 0) -> dict:
    key = jax.random.key(seed)
    k1, k2, k3, k4 = jax.random.split(key, 4)
    nodes = jax.random.randint(k1, (BATCH,), 0, N_NODES, dtype=jnp.int64 if jax.config.jax_enable_x64 else jnp.int32)
    features = jax.random.normal(k2, (N_NODES, D_FEAT), dtype=jnp.float32)
    neigh_idx = jax.random.randint(k3, (BATCH, NUM_SAMPLE), 0, N_NODES, dtype=jnp.int64 if jax.config.jax_enable_x64 else jnp.int32)
    # xavier-uniform init for weight [embed_dim, 2*feat_dim] (non-gcn MeanAggregator)
    fan_in, fan_out = 2 * D_FEAT, EMBED_DIM
    limit = float(np.sqrt(6.0 / (fan_in + fan_out)))
    W = jax.random.uniform(k4, (EMBED_DIM, 2 * D_FEAT), minval=-limit, maxval=limit, dtype=jnp.float32)
    return {"nodes": nodes, "features": features, "neigh_idx": neigh_idx, "W": W}


def reference(nodes, features, neigh_idx, W):
    # MeanAggregator: gather sampled neighbor features and mean over samples
    neigh_feats = jnp.mean(jnp.take(features, neigh_idx, axis=0), axis=1)  # [B, d_feat]
    # self features (gcn=False path)
    self_feats = jnp.take(features, nodes, axis=0)  # [B, d_feat]
    combined = jnp.concatenate([self_feats, neigh_feats], axis=1)  # [B, 2*d_feat]
    out = jax.nn.relu(W @ combined.T)  # [embed_dim, B]
    return out.T  # [B, embed_dim]

if __name__ == "__main__":
    import jax
    _d = setup_inputs()
    print(jax.jit(kernel)(*tuple(_d.values())))

</pallas_src>

<mosaic_0001>
#map = affine_map<(d0, d1) -> (0)>
#map1 = affine_map<(d0, d1) -> (0, 0)>
module attributes {stable_mosaic.version = 14 : i64} {
  func.func @sc_kernel(%arg0: i32, %arg1: i32, %arg2: memref<10240xi32, #tpu.memory_space<hbm>>, %arg3: memref<102400xi32, #tpu.memory_space<hbm>>, %arg4: memref<100000x128xf32, #tpu.memory_space<hbm>>, %arg5: memref<10240x128xf32, #tpu.memory_space<hbm>>, %arg6: memref<10240x128xf32, #tpu.memory_space<hbm>>, %arg7: memref<640xi32, #tpu.memory_space<vmem>>, %arg8: memref<6400xi32, #tpu.memory_space<vmem>>, %arg9: memref<320x128xf32, #tpu.memory_space<vmem>>, %arg10: memref<160x128xf32, #tpu.memory_space<vmem>>, %arg11: memref<160x128xf32, #tpu.memory_space<vmem>>, %arg12: memref<160x128xf32, #tpu.memory_space<vmem>>, %arg13: memref<16x128xf32, #tpu.memory_space<vmem>>, %arg14: memref<16x128xf32, #tpu.memory_space<vmem>>, %arg15: memref<16x128xf32, #tpu.memory_space<vmem>>, %arg16: memref<!tpu.dma_semaphore, #tpu.memory_space<semaphore_mem>>, %arg17: memref<!tpu.dma_semaphore, #tpu.memory_space<semaphore_mem>>, %arg18: memref<!tpu.dma_semaphore, #tpu.memory_space<semaphore_mem>>, %arg19: memref<!tpu.dma_semaphore, #tpu.memory_space<semaphore_mem>>, %arg20: memref<!tpu.dma_semaphore, #tpu.memory_space<semaphore_mem>>, %arg21: memref<!tpu.dma_semaphore, #tpu.memory_space<semaphore_mem>>, %arg22: memref<!tpu.dma_semaphore, #tpu.memory_space<semaphore_mem>>) attributes {dimension_semantics = [#tpu.dimension_semantics<core_parallel>, #tpu.dimension_semantics<subcore_parallel>], iteration_bounds = array<i64: 2, 16>, scalar_prefetch = 0 : i64, scratch_operands = 16 : i64, tpu.core_type = #tpu.core_type<sc_vector_subcore>, window_params = [{transform_indices = #map}, {transform_indices = #map}, {transform_indices = #map1}, {transform_indices = #map1}, {transform_indices = #map1}]} {
    %mul3A = arith.constant 640 : i32
    %mul3A_0 = arith.muli %arg1, %mul3A : i32
    "tpu.region"() ({
      %run_scoped3A = tpu.sem_alloc : memref<!tpu.dma_semaphore, #tpu.memory_space<semaphore_mem>>
      %dma_start3A_1055 = tpu.memref_slice %arg2[%mul3A_0] : memref<10240xi32, #tpu.memory_space<hbm>> -> memref<640xi32, #tpu.memory_space<hbm>>
      %dma_start3A_1056 = tpu.memref_slice %arg2[%mul3A_0] : memref<10240xi32, #tpu.memory_space<hbm>> -> memref<640xi32, #tpu.memory_space<hbm>>
      tpu.enqueue_dma source(%dma_start3A_1056 : memref<640xi32, #tpu.memory_space<hbm>>) target(%arg7 : memref<640xi32, #tpu.memory_space<vmem>>) target_semaphore(%run_scoped3A : memref<!tpu.dma_semaphore, #tpu.memory_space<semaphore_mem>>)
      %dma_wait3A_1057 = tpu.memref_slice %arg2[%mul3A_0] : memref<10240xi32, #tpu.memory_space<hbm>> -> memref<640xi32, #tpu.memory_space<hbm>>
      %dma_wait3A_1058 = tpu.memref_slice %arg2[%mul3A_0] : memref<10240xi32, #tpu.memory_space<hbm>> -> memref<640xi32, #tpu.memory_space<hbm>>
      tpu.wait_dma2 semaphore(%run_scoped3A : memref<!tpu.dma_semaphore, #tpu.memory_space<semaphore_mem>>) src(%dma_wait3A_1058 : memref<640xi32, #tpu.memory_space<hbm>>) dst(%arg7 : memref<640xi32, #tpu.memory_space<vmem>>)
      tpu.yield
    }) : () -> ()
    %mul3A_1 = arith.constant 6400 : i32
    %mul3A_2 = arith.muli %arg1, %mul3A_1 : i32
    "tpu.region"() ({
      %run_scoped3A = tpu.sem_alloc : memref<!tpu.dma_semaphore, #tpu.memory_space<semaphore_mem>>
      %dma_start3A_1055 = tpu.memref_slice %arg3[%mul3A_2] : memref<102400xi32, #tpu.memory_space<hbm>> -> memref<6400xi32, #tpu.memory_space<hbm>>
      %dma_start3A_1056 = tpu.memref_slice %arg3[%mul3A_2] : memref<102400xi32, #tpu.memory_space<hbm>> -> memref<6400xi32, #tpu.memory_space<hbm>>
      tpu.enqueue_dma source(%dma_start3A_1056 : memref<6400xi32, #tpu.memory_space<hbm>>) target(%arg8 : memref<6400xi32, #tpu.memory_space<vmem>>) target_semaphore(%run_scoped3A : memref<!tpu.dma_semaphore, #tpu.memory_space<semaphore_mem>>)
      %dma_wait3A_1057 = tpu.memref_slice %arg3[%mul3A_2] : memref<102400xi32, #tpu.memory_space<hbm>> -> memref<6400xi32, #tpu.memory_space<hbm>>
      %dma_wait3A_1058 = tpu.memref_slice %arg3[%mul3A_2] : memref<102400xi32, #tpu.memory_space<hbm>> -> memref<6400xi32, #tpu.memory_space<hbm>>
      tpu.wait_dma2 semaphore(%run_scoped3A : memref<!tpu.dma_semaphore, #tpu.memory_space<semaphore_mem>>) src(%dma_wait3A_1058 : memref<6400xi32, #tpu.memory_space<hbm>>) dst(%arg8 : memref<6400xi32, #tpu.memory_space<vmem>>)
      tpu.yield
    }) : () -> ()
    %add3A = arith.constant 0 : i32
    %add3A_3 = arith.addi %add3A, %arg0 : i32
    %mul3A_4 = arith.constant 16 : i32
    %mul3A_5 = arith.muli %add3A_3, %mul3A_4 : i32
    %get3A = arith.index_cast %mul3A_5 : i32 to index
    %get3A_6 = tpu.vector_load %arg7[%get3A] {strides = array<i32>} : memref<640xi32, #tpu.memory_space<vmem>>, vector<16xi32>,
    %get3A_7 = vector.shape_cast %get3A_6 : vector<16xi32> to vector<16xi32>
    %dma_start3A = arith.constant 0 : i32
    %dma_start3A_8 = arith.constant 0 : i32
    %dma_start3A_9 = tpu.memref_slice %arg9[%dma_start3A, %dma_start3A_8] : memref<320x128xf32, #tpu.memory_space<vmem>> -> memref<16x128xf32, #tpu.memory_space<vmem>>
    %dma_start3A_10 = arith.constant 0 : i32
    %dma_start3A_11 = arith.constant 0 : i32
    %dma_start3A_12 = tpu.memref_slice %arg4[%dma_start3A_10, %dma_start3A_11] : memref<100000x128xf32, #tpu.memory_space<hbm>> -> memref<100000x128xf32, #tpu.memory_space<hbm>>
    tpu.enqueue_indirect_dma source(%dma_start3A_12 : memref<100000x128xf32, #tpu.memory_space<hbm>>) target(%dma_start3A_9 : memref<16x128xf32, #tpu.memory_space<vmem>>) offsets(%get3A_7 : vector<16xi32>) semaphore(%arg22 : memref<!tpu.dma_semaphore, #tpu.memory_space<semaphore_mem>>)
    %add3A_13 = arith.constant 2 : i32
    %add3A_14 = arith.addi %add3A_13, %arg0 : i32
    %mul3A_15 = arith.constant 16 : i32
    %mul3A_16 = arith.muli %add3A_14, %mul3A_15 : i32
    %get3A_17 = arith.index_cast %mul3A_16 : i32 to index
    %get3A_18 = tpu.vector_load %arg7[%get3A_17] {strides = array<i32>} : memref<640xi32, #tpu.memory_space<vmem>>, vector<16xi32>,
    %get3A_19 = vector.shape_cast %get3A_18 : vector<16xi32> to vector<16xi32>
    %dma_start3A_20 = arith.constant 16 : i32
    %dma_start3A_21 = arith.constant 0 : i32
    %dma_start3A_22 = tpu.memref_slice %arg9[%dma_start3A_20, %dma_start3A_21] : memref<320x128xf32, #tpu.memory_space<vmem>> -> memref<16x128xf32, #tpu.memory_space<vmem>>
    %dma_start3A_23 = arith.constant 0 : i32
    %dma_start3A_24 = arith.constant 0 : i32
    %dma_start3A_25 = tpu.memref_slice %arg4[%dma_start3A_23, %dma_start3A_24] : memref<100000x128xf32, #tpu.memory_space<hbm>> -> memref<100000x128xf32, #tpu.memory_space<hbm>>
    tpu.enqueue_indirect_dma source(%dma_start3A_25 : memref<100000x128xf32, #tpu.memory_space<hbm>>) target(%dma_start3A_22 : memref<16x128xf32, #tpu.memory_space<vmem>>) offsets(%get3A_19 : vector<16xi32>) semaphore(%arg22 : memref<!tpu.dma_semaphore, #tpu.memory_space<semaphore_mem>>)
    %add3A_26 = arith.constant 4 : i32
    %add3A_27 = arith.addi %add3A_26, %arg0 : i32
    %mul3A_28 = arith.constant 16 : i32
    %mul3A_29 = arith.muli %add3A_27, %mul3A_28 : i32
    %get3A_30 = arith.index_cast %mul3A_29 : i32 to index
    %get3A_31 = tpu.vector_load %arg7[%get3A_30] {strides = array<i32>} : memref<640xi32, #tpu.memory_space<vmem>>, vector<16xi32>,
    %get3A_32 = vector.shape_cast %get3A_31 : vector<16xi32> to vector<16xi32>
    %dma_start3A_33 = arith.constant 32 : i32
    %dma_start3A_34 = arith.constant 0 : i32
    %dma_start3A_35 = tpu.memref_slice %arg9[%dma_start3A_33, %dma_start3A_34] : memref<320x128xf32, #tpu.memory_space<vmem>> -> memref<16x128xf32, #tpu.memory_space<vmem>>
    %dma_start3A_36 = arith.constant 0 : i32
    %dma_start3A_37 = arith.constant 0 : i32
    %dma_start3A_38 = tpu.memref_slice %arg4[%dma_start3A_36, %dma_start3A_37] : memref<100000x128xf32, #tpu.memory_space<hbm>> -> memref<100000x128xf32, #tpu.memory_space<hbm>>
    tpu.enqueue_indirect_dma source(%dma_start3A_38 : memref<100000x128xf32, #tpu.memory_space<hbm>>) target(%dma_start3A_35 : memref<16x128xf32, #tpu.memory_space<vmem>>) offsets(%get3A_32 : vector<16xi32>) semaphore(%arg22 : memref<!tpu.dma_semaphore, #tpu.memory_space<semaphore_mem>>)
    %add3A_39 = arith.constant 6 : i32
    %add3A_40 = arith.addi %add3A_39, %arg0 : i32
    %mul3A_41 = arith.constant 16 : i32
    %mul3A_42 = arith.muli %add3A_40, %mul3A_41 : i32
    %get3A_43 = arith.index_cast %mul3A_42 : i32 to index
    %get3A_44 = tpu.vector_load %arg7[%get3A_43] {strides = array<i32>} : memref<640xi32, #tpu.memory_space<vmem>>, vector<16xi32>,
    %get3A_45 = vector.shape_cast %get3A_44 : vector<16xi32> to vector<16xi32>
    %dma_start3A_46 = arith.constant 48 : i32
    %dma_start3A_47 = arith.constant 0 : i32
    %dma_start3A_48 = tpu.memref_slice %arg9[%dma_start3A_46, %dma_start3A_47] : memref<320x128xf32, #tpu.memory_space<vmem>> -> memref<16x128xf32, #tpu.memory_space<vmem>>
    %dma_start3A_49 = arith.constant 0 : i32
    %dma_start3A_50 = arith.constant 0 : i32
    %dma_start3A_51 = tpu.memref_slice %arg4[%dma_start3A_49, %dma_start3A_50] : memref<100000x128xf32, #tpu.memory_space<hbm>> -> memref<100000x128xf32, #tpu.memory_space<hbm>>
    tpu.enqueue_indirect_dma source(%dma_start3A_51 : memref<100000x128xf32, #tpu.memory_space<hbm>>) target(%dma_start3A_48 : memref<16x128xf32, #tpu.memory_space<vmem>>) offsets(%get3A_45 : vector<16xi32>) semaphore(%arg22 : memref<!tpu.dma_semaphore, #tpu.memory_space<semaphore_mem>>)
    %add3A_52 = arith.constant 8 : i32
    %add3A_53 = arith.addi %add3A_52, %arg0 : i32
    %mul3A_54 = arith.constant 16 : i32
    %mul3A_55 = arith.muli %add3A_53, %mul3A_54 : i32
    %get3A_56 = arith.index_cast %mul3A_55 : i32 to index
    %get3A_57 = tpu.vector_load %arg7[%get3A_56] {strides = array<i32>} : memref<640xi32, #tpu.memory_space<vmem>>, vector<16xi32>,
    %get3A_58 = vector.shape_cast %get3A_57 : vector<16xi32> to vector<16xi32>
    %dma_start3A_59 = arith.constant 64 : i32
    %dma_start3A_60 = arith.constant 0 : i32
    %dma_start3A_61 = tpu.memref_slice %arg9[%dma_start3A_59, %dma_start3A_60] : memref<320x128xf32, #tpu.memory_space<vmem>> -> memref<16x128xf32, #tpu.memory_space<vmem>>
    %dma_start3A_62 = arith.constant 0 : i32
    %dma_start3A_63 = arith.constant 0 : i32
    %dma_start3A_64 = tpu.memref_slice %arg4[%dma_start3A_62, %dma_start3A_63] : memref<100000x128xf32, #tpu.memory_space<hbm>> -> memref<100000x128xf32, #tpu.memory_space<hbm>>
    tpu.enqueue_indirect_dma source(%dma_start3A_64 : memref<100000x128xf32, #tpu.memory_space<hbm>>) target(%dma_start3A_61 : memref<16x128xf32, #tpu.memory_space<vmem>>) offsets(%get3A_58 : vector<16xi32>) semaphore(%arg22 : memref<!tpu.dma_semaphore, #tpu.memory_space<semaphore_mem>>)
    %add3A_65 = arith.constant 10 : i32
    %add3A_66 = arith.addi %add3A_65, %arg0 : i32
    %mul3A_67 = arith.constant 16 : i32
    %mul3A_68 = arith.muli %add3A_66, %mul3A_67 : i32
    %get3A_69 = arith.index_cast %mul3A_68 : i32 to index
    %get3A_70 = tpu.vector_load %arg7[%get3A_69] {strides = array<i32>} : memref<640xi32, #tpu.memory_space<vmem>>, vector<16xi32>,
    %get3A_71 = vector.shape_cast %get3A_70 : vector<16xi32> to vector<16xi32>
    %dma_start3A_72 = arith.constant 80 : i32
    %dma_start3A_73 = arith.constant 0 : i32
    %dma_start3A_74 = tpu.memref_slice %arg9[%dma_start3A_72, %dma_start3A_73] : memref<320x128xf32, #tpu.memory_space<vmem>> -> memref<16x128xf32, #tpu.memory_space<vmem>>
    %dma_start3A_75 = arith.constant 0 : i32
    %dma_start3A_76 = arith.constant 0 : i32
    %dma_start3A_77 = tpu.memref_slice %arg4[%dma_start3A_75, %dma_start3A_76] : memref<100000x128xf32, #tpu.memory_space<hbm>> -> memref<100000x128xf32, #tpu.memory_space<hbm>>
    tpu.enqueue_indirect_dma source(%dma_start3A_77 : memref<100000x128xf32, #tpu.memory_space<hbm>>) target(%dma_start3A_74 : memref<16x128xf32, #tpu.memory_space<vmem>>) offsets(%get3A_71 : vector<16xi32>) semaphore(%arg22 : memref<!tpu.dma_semaphore, #tpu.memory_space<semaphore_mem>>)
    %add3A_78 = arith.constant 12 : i32
    %add3A_79 = arith.addi %add3A_78, %arg0 : i32
    %mul3A_80 = arith.constant 16 : i32
    %mul3A_81 = arith.muli %add3A_79, %mul3A_80 : i32
    %get3A_82 = arith.index_cast %mul3A_81 : i32 to index
    %get3A_83 = tpu.vector_load %arg7[%get3A_82] {strides = array<i32>} : memref<640xi32, #tpu.memory_space<vmem>>, vector<16xi32>,
    %get3A_84 = vector.shape_cast %get3A_83 : vector<16xi32> to vector<16xi32>
    %dma_start3A_85 = arith.constant 96 : i32
    %dma_start3A_86 = arith.constant 0 : i32
    %dma_start3A_87 = tpu.memref_slice %arg9[%dma_start3A_85, %dma_start3A_86] : memref<320x128xf32, #tpu.memory_space<vmem>> -> memref<16x128xf32, #tpu.memory_space<vmem>>
    %dma_start3A_88 = arith.constant 0 : i32
    %dma_start3A_89 = arith.constant 0 : i32
    %dma_start3A_90 = tpu.memref_slice %arg4[%dma_start3A_88, %dma_start3A_89] : memref<100000x128xf32, #tpu.memory_space<hbm>> -> memref<100000x128xf32, #tpu.memory_space<hbm>>
    tpu.enqueue_indirect_dma source(%dma_start3A_90 : memref<100000x128xf32, #tpu.memory_space<hbm>>) target(%dma_start3A_87 : memref<16x128xf32, #tpu.memory_space<vmem>>) offsets(%get3A_84 : vector<16xi32>) semaphore(%arg22 : memref<!tpu.dma_semaphore, #tpu.memory_space<semaphore_mem>>)
    %add3A_91 = arith.constant 14 : i32
    %add3A_92 = arith.addi %add3A_91, %arg0 : i32
    %mul3A_93 = arith.constant 16 : i32
    %mul3A_94 = arith.muli %add3A_92, %mul3A_93 : i32
    %get3A_95 = arith.index_cast %mul3A_94 : i32 to index
    %get3A_96 = tpu.vector_load %arg7[%get3A_95] {strides = array<i32>} : memref<640xi32, #tpu.memory_space<vmem>>, vector<16xi32>,
    %get3A_97 = vector.shape_cast %get3A_96 : vector<16xi32> to vector<16xi32>
    %dma_start3A_98 = arith.constant 112 : i32
    %dma_start3A_99 = arith.constant 0 : i32
    %dma_start3A_100 = tpu.memref_slice %arg9[%dma_start3A_98, %dma_start3A_99] : memref<320x128xf32, #tpu.memory_space<vmem>> -> memref<16x128xf32, #tpu.memory_space<vmem>>
    %dma_start3A_101 = arith.constant 0 : i32
    %dma_start3A_102 = arith.constant 0 : i32
    %dma_start3A_103 = tpu.memref_slice %arg4[%dma_start3A_101, %dma_start3A_102] : memref<100000x128xf32, #tpu.memory_space<hbm>> -> memref<100000x128xf32, #tpu.memory_space<hbm>>
    tpu.enqueue_indirect_dma source(%dma_start3A_103 : memref<100000x128xf32, #tpu.memory_space<hbm>>) target(%dma_start3A_100 : memref<16x128xf32, #tpu.memory_space<vmem>>) offsets(%get3A_97 : vector<16xi32>) semaphore(%arg22 : memref<!tpu.dma_semaphore, #tpu.memory_space<semaphore_mem>>)
    %add3A_104 = arith.constant 16 : i32
    %add3A_105 = arith.addi %add3A_104, %arg0 : i32
    %mul3A_106 = arith.constant 16 : i32
    %mul3A_107 = arith.muli %add3A_105, %mul3A_106 : i32
    %get3A_108 = arith.index_cast %mul3A_107 : i32 to index
    %get3A_109 = tpu.vector_load %arg7[%get3A_108] {strides = array<i32>} : memref<640xi32, #tpu.memory_space<vmem>>, vector<16xi32>,
    %get3A_110 = vector.shape_cast %get3A_109 : vector<16xi32> to vector<16xi32>
    %dma_start3A_111 = arith.constant 128 : i32
    %dma_start3A_112 = arith.constant 0 : i32
    %dma_start3A_113 = tpu.memref_slice %arg9[%dma_start3A_111, %dma_start3A_112] : memref<320x128xf32, #tpu.memory_space<vmem>> -> memref<16x128xf32, #tpu.memory_space<vmem>>
    %dma_start3A_114 = arith.constant 0 : i32
    %dma_start3A_115 = arith.constant 0 : i32
    %dma_start3A_116 = tpu.memref_slice %arg4[%dma_start3A_114, %dma_start3A_115] : memref<100000x128xf32, #tpu.memory_space<hbm>> -> memref<100000x128xf32, #tpu.memory_space<hbm>>
    tpu.enqueue_indirect_dma source(%dma_start3A_116 : memref<100000x128xf32, #tpu.memory_space<hbm>>) target(%dma_start3A_113 : memref<16x128xf32, #tpu.memory_space<vmem>>) offsets(%get3A_110 : vector<16xi32>) semaphore(%arg22 : memref<!tpu.dma_semaphore, #tpu.memory_space<semaphore_mem>>)
    %add3A_117 = arith.constant 18 : i32
    %add3A_118 = arith.addi %add3A_117, %arg0 : i32
    %mul3A_119 = arith.constant 16 : i32
    %mul3A_120 = arith.muli %add3A_118, %mul3A_119 : i32
    %get3A_121 = arith.index_cast %mul3A_120 : i32 to index
    %get3A_122 = tpu.vector_load %arg7[%get3A_121] {strides = array<i32>} : memref<640xi32, #tpu.memory_space<vmem>>, vector<16xi32>,
    %get3A_123 = vector.shape_cast %get3A_122 : vector<16xi32> to vector<16xi32>
    %dma_start3A_124 = arith.constant 144 : i32
    %dma_start3A_125 = arith.constant 0 : i32
    %dma_start3A_126 = tpu.memref_slice %arg9[%dma_start3A_124, %dma_start3A_125] : memref<320x128xf32, #tpu.memory_space<vmem>> -> memref<16x128xf32, #tpu.memory_space<vmem>>
    %dma_start3A_127 = arith.constant 0 : i32
    %dma_start3A_128 = arith.constant 0 : i32
    %dma_start3A_129 = tpu.memref_slice %arg4[%dma_start3A_127, %dma_start3A_128] : memref<100000x128xf32, #tpu.memory_space<hbm>> -> memref<100000x128xf32, #tpu.memory_space<hbm>>
    tpu.enqueue_indirect_dma source(%dma_start3A_129 : memref<100000x128xf32, #tpu.memory_space<hbm>>) target(%dma_start3A_126 : memref<16x128xf32, #tpu.memory_space<vmem>>) offsets(%get3A_123 : vector<16xi32>) semaphore(%arg22 : memref<!tpu.dma_semaphore, #tpu.memory_space<semaphore_mem>>)
    %add3A_130 = arith.constant 20 : i32
    %add3A_131 = arith.addi %add3A_130, %arg0 : i32
    %mul3A_132 = arith.constant 16 : i32
    %mul3A_133 = arith.muli %add3A_131, %mul3A_132 : i32
    %get3A_134 = arith.index_cast %mul3A_133 : i32 to index
    %get3A_135 = tpu.vector_load %arg7[%get3A_134] {strides = array<i32>} : memref<640xi32, #tpu.memory_space<vmem>>, vector<16xi32>,
    %get3A_136 = vector.shape_cast %get3A_135 : vector<16xi32> to vector<16xi32>
    %dma_start3A_137 = arith.constant 160 : i32
    %dma_start3A_138 = arith.constant 0 : i32
    %dma_start3A_139 = tpu.memref_slice %arg9[%dma_start3A_137, %dma_start3A_138] : memref<320x128xf32, #tpu.memory_space<vmem>> -> memref<16x128xf32, #tpu.memory_space<vmem>>
    %dma_start3A_140 = arith.constant 0 : i32
    %dma_start3A_141 = arith.constant 0 : i32
    %dma_start3A_142 = tpu.memref_slice %arg4[%dma_start3A_140, %dma_start3A_141] : memref<100000x128xf32, #tpu.memory_space<hbm>> -> memref<100000x128xf32, #tpu.memory_space<hbm>>
    tpu.enqueue_indirect_dma source(%dma_start3A_142 : memref<100000x128xf32, #tpu.memory_space<hbm>>) target(%dma_start3A_139 : memref<16x128xf32, #tpu.memory_space<vmem>>) offsets(%get3A_136 : vector<16xi32>) semaphore(%arg22 : memref<!tpu.dma_semaphore, #tpu.memory_space<semaphore_mem>>)
    %add3A_143 = arith.constant 22 : i32
    %add3A_144 = arith.addi %add3A_143, %arg0 : i32
    %mul3A_145 = arith.constant 16 : i32
    %mul3A_146 = arith.muli %add3A_144, %mul3A_145 : i32
    %get3A_147 = arith.index_cast %mul3A_146 : i32 to index
    %get3A_148 = tpu.vector_load %arg7[%get3A_147] {strides = array<i32>} : memref<640xi32, #tpu.memory_space<vmem>>, vector<16xi32>,
    %get3A_149 = vector.shape_cast %get3A_148 : vector<16xi32> to vector<16xi32>
    %dma_start3A_150 = arith.constant 176 : i32
    %dma_start3A_151 = arith.constant 0 : i32
    %dma_start3A_152 = tpu.memref_slice %arg9[%dma_start3A_150, %dma_start3A_151] : memref<320x128xf32, #tpu.memory_space<vmem>> -> memref<16x128xf32, #tpu.memory_space<vmem>>
    %dma_start3A_153 = arith.constant 0 : i32
    %dma_start3A_154 = arith.constant 0 : i32
    %dma_start3A_155 = tpu.memref_slice %arg4[%dma_start3A_153, %dma_start3A_154] : memref<100000x128xf32, #tpu.memory_space<hbm>> -> memref<100000x128xf32, #tpu.memory_space<hbm>>
    tpu.enqueue_indirect_dma source(%dma_start3A_155 : memref<100000x128xf32, #tpu.memory_space<hbm>>) target(%dma_start3A_152 : memref<16x128xf32, #tpu.memory_space<vmem>>) offsets(%get3A_149 : vector<16xi32>) semaphore(%arg22 : memref<!tpu.dma_semaphore, #tpu.memory_space<semaphore_mem>>)
    %add3A_156 = arith.constant 24 : i32
    %add3A_157 = arith.addi %add3A_156, %arg0 : i32
    %mul3A_158 = arith.constant 16 : i32
    %mul3A_159 = arith.muli %add3A_157, %mul3A_158 : i32
    %get3A_160 = arith.index_cast %mul3A_159 : i32 to index
    %get3A_161 = tpu.vector_load %arg7[%get3A_160] {strides = array<i32>} : memref<640xi32, #tpu.memory_space<vmem>>, vector<16xi32>,
    %get3A_162 = vector.shape_cast %get3A_161 : vector<16xi32> to vector<16xi32>
    %dma_start3A_163 = arith.constant 192 : i32
    %dma_start3A_164 = arith.constant 0 : i32
    %dma_start3A_165 = tpu.memref_slice %arg9[%dma_start3A_163, %dma_start3A_164] : memref<320x128xf32, #tpu.memory_space<vmem>> -> memref<16x128xf32, #tpu.memory_space<vmem>>
    %dma_start3A_166 = arith.constant 0 : i32
    %dma_start3A_167 = arith.constant 0 : i32
    %dma_start3A_168 = tpu.memref_slice %arg4[%dma_start3A_166, %dma_start3A_167] : memref<100000x128xf32, #tpu.memory_space<hbm>> -> memref<100000x128xf32, #tpu.memory_space<hbm>>
    tpu.enqueue_indirect_dma source(%dma_start3A_168 : memref<100000x128xf32, #tpu.memory_space<hbm>>) target(%dma_start3A_165 : memref<16x128xf32, #tpu.memory_space<vmem>>) offsets(%get3A_162 : vector<16xi32>) semaphore(%arg22 : memref<!tpu.dma_semaphore, #tpu.memory_space<semaphore_mem>>)
    %add3A_169 = arith.constant 26 : i32
    %add3A_170 = arith.addi %add3A_169, %arg0 : i32
    %mul3A_171 = arith.constant 16 : i32
    %mul3A_172 = arith.muli %add3A_170, %mul3A_171 : i32
    %get3A_173 = arith.index_cast %mul3A_172 : i32 to index
    %get3A_174 = tpu.vector_load %arg7[%get3A_173] {strides = array<i32>} : memref<640xi32, #tpu.memory_space<vmem>>, vector<16xi32>,
    %get3A_175 = vector.shape_cast %get3A_174 : vector<16xi32> to vector<16xi32>
    %dma_start3A_176 = arith.constant 208 : i32
    %dma_start3A_177 = arith.constant 0 : i32
    %dma_start3A_178 = tpu.memref_slice %arg9[%dma_start3A_176, %dma_start3A_177] : memref<320x128xf32, #tpu.memory_space<vmem>> -> memref<16x128xf32, #tpu.memory_space<vmem>>
    %dma_start3A_179 = arith.constant 0 : i32
    %dma_start3A_180 = arith.constant 0 : i32
    %dma_start3A_181 = tpu.memref_slice %arg4[%dma_start3A_179, %dma_start3A_180] : memref<100000x128xf32, #tpu.memory_space<hbm>> -> memref<100000x128xf32, #tpu.memory_space<hbm>>
    tpu.enqueue_indirect_dma source(%dma_start3A_181 : memref<100000x128xf32, #tpu.memory_space<hbm>>) target(%dma_start3A_178 : memref<16x128xf32, #tpu.memory_space<vmem>>) offsets(%get3A_175 : vector<16xi32>) semaphore(%arg22 : memref<!tpu.dma_semaphore, #tpu.memory_space<semaphore_mem>>)
    %add3A_182 = arith.constant 28 : i32
    %add3A_183 = arith.addi %add3A_182, %arg0 : i32
    %mul3A_184 = arith.constant 16 : i32
    %mul3A_185 = arith.muli %add3A_183, %mul3A_184 : i32
    %get3A_186 = arith.index_cast %mul3A_185 : i32 to index
    %get3A_187 = tpu.vector_load %arg7[%get3A_186] {strides = array<i32>} : memref<640xi32, #tpu.memory_space<vmem>>, vector<16xi32>,
    %get3A_188 = vector.shape_cast %get3A_187 : vector<16xi32> to vector<16xi32>
    %dma_start3A_189 = arith.constant 224 : i32
    %dma_start3A_190 = arith.constant 0 : i32
    %dma_start3A_191 = tpu.memref_slice %arg9[%dma_start3A_189, %dma_start3A_190] : memref<320x128xf32, #tpu.memory_space<vmem>> -> memref<16x128xf32, #tpu.memory_space<vmem>>
    %dma_start3A_192 = arith.constant 0 : i32
    %dma_start3A_193 = arith.constant 0 : i32
    %dma_start3A_194 = tpu.memref_slice %arg4[%dma_start3A_192, %dma_start3A_193] : memref<100000x128xf32, #tpu.memory_space<hbm>> -> memref<100000x128xf32, #tpu.memory_space<hbm>>
    tpu.enqueue_indirect_dma source(%dma_start3A_194 : memref<100000x128xf32, #tpu.memory_space<hbm>>) target(%dma_start3A_191 : memref<16x128xf32, #tpu.memory_space<vmem>>) offsets(%get3A_188 : vector<16xi32>) semaphore(%arg22 : memref<!tpu.dma_semaphore, #tpu.memory_space<semaphore_mem>>)
    %add3A_195 = arith.constant 30 : i32
    %add3A_196 = arith.addi %add3A_195, %arg0 : i32
    %mul3A_197 = arith.constant 16 : i32
    %mul3A_198 = arith.muli %add3A_196, %mul3A_197 : i32
    %get3A_199 = arith.index_cast %mul3A_198 : i32 to index
    %get3A_200 = tpu.vector_load %arg7[%get3A_199] {strides = array<i32>} : memref<640xi32, #tpu.memory_space<vmem>>, vector<16xi32>,
    %get3A_201 = vector.shape_cast %get3A_200 : vector<16xi32> to vector<16xi32>
    %dma_start3A_202 = arith.constant 240 : i32
    %dma_start3A_203 = arith.constant 0 : i32
    %dma_start3A_204 = tpu.memref_slice %arg9[%dma_start3A_202, %dma_start3A_203] : memref<320x128xf32, #tpu.memory_space<vmem>> -> memref<16x128xf32, #tpu.memory_space<vmem>>
    %dma_start3A_205 = arith.constant 0 : i32
    %dma_start3A_206 = arith.constant 0 : i32
    %dma_start3A_207 = tpu.memref_slice %arg4[%dma_start3A_205, %dma_start3A_206] : memref<100000x128xf32, #tpu.memory_space<hbm>> -> memref<100000x128xf32, #tpu.memory_space<hbm>>
    tpu.enqueue_indirect_dma source(%dma_start3A_207 : memref<100000x128xf32, #tpu.memory_space<hbm>>) target(%dma_start3A_204 : memref<16x128xf32, #tpu.memory_space<vmem>>) offsets(%get3A_201 : vector<16xi32>) semaphore(%arg22 : memref<!tpu.dma_semaphore, #tpu.memory_space<semaphore_mem>>)
    %add3A_208 = arith.constant 32 : i32
    %add3A_209 = arith.addi %add3A_208, %arg0 : i32
    %mul3A_210 = arith.constant 16 : i32
    %mul3A_211 = arith.muli %add3A_209, %mul3A_210 : i32
    %get3A_212 = arith.index_cast %mul3A_211 : i32 to index
    %get3A_213 = tpu.vector_load %arg7[%get3A_212] {strides = array<i32>} : memref<640xi32, #tpu.memory_space<vmem>>, vector<16xi32>,
    %get3A_214 = vector.shape_cast %get3A_213 : vector<16xi32> to vector<16xi32>
    %dma_start3A_215 = arith.constant 256 : i32
    %dma_start3A_216 = arith.constant 0 : i32
    %dma_start3A_217 = tpu.memref_slice %arg9[%dma_start3A_215, %dma_start3A_216] : memref<320x128xf32, #tpu.memory_space<vmem>> -> memref<16x128xf32, #tpu.memory_space<vmem>>
    %dma_start3A_218 = arith.constant 0 : i32
    %dma_start3A_219 = arith.constant 0 : i32
    %dma_start3A_220 = tpu.memref_slice %arg4[%dma_start3A_218, %dma_start3A_219] : memref<100000x128xf32, #tpu.memory_space<hbm>> -> memref<100000x128xf32, #tpu.memory_space<hbm>>
    tpu.enqueue_indirect_dma source(%dma_start3A_220 : memref<100000x128xf32, #tpu.memory_space<hbm>>) target(%dma_start3A_217 : memref<16x128xf32, #tpu.memory_space<vmem>>) offsets(%get3A_214 : vector<16xi32>) semaphore(%arg22 : memref<!tpu.dma_semaphore, #tpu.memory_space<semaphore_mem>>)
    %add3A_221 = arith.constant 34 : i32
    %add3A_222 = arith.addi %add3A_221, %arg0 : i32
    %mul3A_223 = arith.constant 16 : i32
    %mul3A_224 = arith.muli %add3A_222, %mul3A_223 : i32
    %get3A_225 = arith.index_cast %mul3A_224 : i32 to index
    %get3A_226 = tpu.vector_load %arg7[%get3A_225] {strides = array<i32>} : memref<640xi32, #tpu.memory_space<vmem>>, vector<16xi32>,
    %get3A_227 = vector.shape_cast %get3A_226 : vector<16xi32> to vector<16xi32>
    %dma_start3A_228 = arith.constant 272 : i32
    %dma_start3A_229 = arith.constant 0 : i32
    %dma_start3A_230 = tpu.memref_slice %arg9[%dma_start3A_228, %dma_start3A_229] : memref<320x128xf32, #tpu.memory_space<vmem>> -> memref<16x128xf32, #tpu.memory_space<vmem>>
    %dma_start3A_231 = arith.constant 0 : i32
    %dma_start3A_232 = arith.constant 0 : i32
    %dma_start3A_233 = tpu.memref_slice %arg4[%dma_start3A_231, %dma_start3A_232] : memref<100000x128xf32, #tpu.memory_space<hbm>> -> memref<100000x128xf32, #tpu.memory_space<hbm>>
    tpu.enqueue_indirect_dma source(%dma_start3A_233 : memref<100000x128xf32, #tpu.memory_space<hbm>>) target(%dma_start3A_230 : memref<16x128xf32, #tpu.memory_space<vmem>>) offsets(%get3A_227 : vector<16xi32>) semaphore(%arg22 : memref<!tpu.dma_semaphore, #tpu.memory_space<semaphore_mem>>)
    %add3A_234 = arith.constant 36 : i32
    %add3A_235 = arith.addi %add3A_234, %arg0 : i32
    %mul3A_236 = arith.constant 16 : i32
    %mul3A_237 = arith.muli %add3A_235, %mul3A_236 : i32
    %get3A_238 = arith.index_cast %mul3A_237 : i32 to index
    %get3A_239 = tpu.vector_load %arg7[%get3A_238] {strides = array<i32>} : memref<640xi32, #tpu.memory_space<vmem>>, vector<16xi32>,
    %get3A_240 = vector.shape_cast %get3A_239 : vector<16xi32> to vector<16xi32>
    %dma_start3A_241 = arith.constant 288 : i32
    %dma_start3A_242 = arith.constant 0 : i32
    %dma_start3A_243 = tpu.memref_slice %arg9[%dma_start3A_241, %dma_start3A_242] : memref<320x128xf32, #tpu.memory_space<vmem>> -> memref<16x128xf32, #tpu.memory_space<vmem>>
    %dma_start3A_244 = arith.constant 0 : i32
    %dma_start3A_245 = arith.constant 0 : i32
    %dma_start3A_246 = tpu.memref_slice %arg4[%dma_start3A_244, %dma_start3A_245] : memref<100000x128xf32, #tpu.memory_space<hbm>> -> memref<100000x128xf32, #tpu.memory_space<hbm>>
    tpu.enqueue_indirect_dma source(%dma_start3A_246 : memref<100000x128xf32, #tpu.memory_space<hbm>>) target(%dma_start3A_243 : memref<16x128xf32, #tpu.memory_space<vmem>>) offsets(%get3A_240 : vector<16xi32>) semaphore(%arg22 : memref<!tpu.dma_semaphore, #tpu.memory_space<semaphore_mem>>)
    %add3A_247 = arith.constant 38 : i32
    %add3A_248 = arith.addi %add3A_247, %arg0 : i32
    %mul3A_249 = arith.constant 16 : i32
    %mul3A_250 = arith.muli %add3A_248, %mul3A_249 : i32
    %get3A_251 = arith.index_cast %mul3A_250 : i32 to index
    %get3A_252 = tpu.vector_load %arg7[%get3A_251] {strides = array<i32>} : memref<640xi32, #tpu.memory_space<vmem>>, vector<16xi32>,
    %get3A_253 = vector.shape_cast %get3A_252 : vector<16xi32> to vector<16xi32>
    %dma_start3A_254 = arith.constant 304 : i32
    %dma_start3A_255 = arith.constant 0 : i32
    %dma_start3A_256 = tpu.memref_slice %arg9[%dma_start3A_254, %dma_start3A_255] : memref<320x128xf32, #tpu.memory_space<vmem>> -> memref<16x128xf32, #tpu.memory_space<vmem>>
    %dma_start3A_257 = arith.constant 0 : i32
    %dma_start3A_258 = arith.constant 0 : i32
    %dma_start3A_259 = tpu.memref_slice %arg4[%dma_start3A_257, %dma_start3A_258] : memref<100000x128xf32, #tpu.memory_space<hbm>> -> memref<100000x128xf32, #tpu.memory_space<hbm>>
    tpu.enqueue_indirect_dma source(%dma_start3A_259 : memref<100000x128xf32, #tpu.memory_space<hbm>>) target(%dma_start3A_256 : memref<16x128xf32, #tpu.memory_space<vmem>>) offsets(%get3A_253 : vector<16xi32>) semaphore(%arg22 : memref<!tpu.dma_semaphore, #tpu.memory_space<semaphore_mem>>)
    %add3A_260 = arith.constant 0 : i32
    %add3A_261 = arith.addi %add3A_260, %arg0 : i32
    %mul3A_262 = arith.constant 160 : i32
    %mul3A_263 = arith.muli %add3A_261, %mul3A_262 : i32
    %add3A_264 = arith.constant 0 : i32
    %add3A_265 = arith.addi %mul3A_263, %add3A_264 : i32
    %get3A_266 = arith.index_cast %add3A_265 : i32 to index
    %get3A_267 = tpu.vector_load %arg8[%get3A_266] {strides = array<i32>} : memref<6400xi32, #tpu.memory_space<vmem>>, vector<16xi32>,
    %get3A_268 = vector.shape_cast %get3A_267 : vector<16xi32> to vector<16xi32>
    %dma_start3A_269 = arith.constant 0 : i32
    %dma_start3A_270 = arith.constant 0 : i32
    %dma_start3A_271 = tpu.memref_slice %arg10[%dma_start3A_269, %dma_start3A_270] : memref<160x128xf32, #tpu.memory_space<vmem>> -> memref<16x128xf32, #tpu.memory_space<vmem>>
    %dma_start3A_272 = arith.constant 0 : i32
    %dma_start3A_273 = arith.constant 0 : i32
    %dma_start3A_274 = tpu.memref_slice %arg4[%dma_start3A_272, %dma_start3A_273] : memref<100000x128xf32, #tpu.memory_space<hbm>> -> memref<100000x128xf32, #tpu.memory_space<hbm>>
    tpu.enqueue_indirect_dma source(%dma_start3A_274 : memref<100000x128xf32, #tpu.memory_space<hbm>>) target(%dma_start3A_271 : memref<16x128xf32, #tpu.memory_space<vmem>>) offsets(%get3A_268 : vector<16xi32>) semaphore(%arg16 : memref<!tpu.dma_semaphore, #tpu.memory_space<semaphore_mem>>)
    %add3A_275 = arith.constant 16 : i32
    %add3A_276 = arith.addi %mul3A_263, %add3A_275 : i32
    %get3A_277 = arith.index_cast %add3A_276 : i32 to index
    %get3A_278 = tpu.vector_load %arg8[%get3A_277] {strides = array<i32>} : memref<6400xi32, #tpu.memory_space<vmem>>, vector<16xi32>,
    %get3A_279 = vector.shape_cast %get3A_278 : vector<16xi32> to vector<16xi32>
    %dma_start3A_280 = arith.constant 16 : i32
    %dma_start3A_281 = arith.constant 0 : i32
    %dma_start3A_282 = tpu.memref_slice %arg10[%dma_start3A_280, %dma_start3A_281] : memref<160x128xf32, #tpu.memory_space<vmem>> -> memref<16x128xf32, #tpu.memory_space<vmem>>
    %dma_start3A_283 = arith.constant 0 : i32
    %dma_start3A_284 = arith.constant 0 : i32
    %dma_start3A_285 = tpu.memref_slice %arg4[%dma_start3A_283, %dma_start3A_284] : memref<100000x128xf32, #tpu.memory_space<hbm>> -> memref<100000x128xf32, #tpu.memory_space<hbm>>
    tpu.enqueue_indirect_dma source(%dma_start3A_285 : memref<100000x128xf32, #tpu.memory_space<hbm>>) target(%dma_start3A_282 : memref<16x128xf32, #tpu.memory_space<vmem>>) offsets(%get3A_279 : vector<16xi32>) semaphore(%arg16 : memref<!tpu.dma_semaphore, #tpu.memory_space<semaphore_mem>>)
    %add3A_286 = arith.constant 32 : i32
    %add3A_287 = arith.addi %mul3A_263, %add3A_286 : i32
    %get3A_288 = arith.index_cast %add3A_287 : i32 to index
    %get3A_289 = tpu.vector_load %arg8[%get3A_288] {strides = array<i32>} : memref<6400xi32, #tpu.memory_space<vmem>>, vector<16xi32>,
    %get3A_290 = vector.shape_cast %get3A_289 : vector<16xi32> to vector<16xi32>
    %dma_start3A_291 = arith.constant 32 : i32
    %dma_start3A_292 = arith.constant 0 : i32
    %dma_start3A_293 = tpu.memref_slice %arg10[%dma_start3A_291, %dma_start3A_292] : memref<160x128xf32, #tpu.memory_space<vmem>> -> memref<16x128xf32, #tpu.memory_space<vmem>>
    %dma_start3A_294 = arith.constant 0 : i32
    %dma_start3A_295 = arith.constant 0 : i32
    %dma_start3A_296 = tpu.memref_slice %arg4[%dma_start3A_294, %dma_start3A_295] : memref<100000x128xf32, #tpu.memory_space<hbm>> -> memref<100000x128xf32, #tpu.memory_space<hbm>>
    tpu.enqueue_indirect_dma source(%dma_start3A_296 : memref<100000x128xf32, #tpu.memory_space<hbm>>) target(%dma_start3A_293 : memref<16x128xf32, #tpu.memory_space<vmem>>) offsets(%get3A_290 : vector<16xi32>) semaphore(%arg16 : memref<!tpu.dma_semaphore, #tpu.memory_space<semaphore_mem>>)
    %add3A_297 = arith.constant 48 : i32
    %add3A_298 = arith.addi %mul3A_263, %add3A_297 : i32
    %get3A_299 = arith.index_cast %add3A_298 : i32 to index
    %get3A_300 = tpu.vector_load %arg8[%get3A_299] {strides = array<i32>} : memref<6400xi32, #tpu.memory_space<vmem>>, vector<16xi32>,
    %get3A_301 = vector.shape_cast %get3A_300 : vector<16xi32> to vector<16xi32>
    %dma_start3A_302 = arith.constant 48 : i32
    %dma_start3A_303 = arith.constant 0 : i32
    %dma_start3A_304 = tpu.memref_slice %arg10[%dma_start3A_302, %dma_start3A_303] : memref<160x128xf32, #tpu.memory_space<vmem>> -> memref<16x128xf32, #tpu.memory_space<vmem>>
    %dma_start3A_305 = arith.constant 0 : i32
    %dma_start3A_306 = arith.constant 0 : i32
    %dma_start3A_307 = tpu.memref_slice %arg4[%dma_start3A_305, %dma_start3A_306] : memref<100000x128xf32, #tpu.memory_space<hbm>> -> memref<100000x128xf32, #tpu.memory_space<hbm>>
    tpu.enqueue_indirect_dma source(%dma_start3A_307 : memref<100000x128xf32, #tpu.memory_space<hbm>>) target(%dma_start3A_304 : memref<16x128xf32, #tpu.memory_space<vmem>>) offsets(%get3A_301 : vector<16xi32>) semaphore(%arg16 : memref<!tpu.dma_semaphore, #tpu.memory_space<semaphore_mem>>)
    %add3A_308 = arith.constant 64 : i32
    %add3A_309 = arith.addi %mul3A_263, %add3A_308 : i32
    %get3A_310 = arith.index_cast %add3A_309 : i32 to index
    %get3A_311 = tpu.vector_load %arg8[%get3A_310] {strides = array<i32>} : memref<6400xi32, #tpu.memory_space<vmem>>, vector<16xi32>,
    %get3A_312 = vector.shape_cast %get3A_311 : vector<16xi32> to vector<16xi32>
    %dma_start3A_313 = arith.constant 64 : i32
    %dma_start3A_314 = arith.constant 0 : i32
    %dma_start3A_315 = tpu.memref_slice %arg10[%dma_start3A_313, %dma_start3A_314] : memref<160x128xf32, #tpu.memory_space<vmem>> -> memref<16x128xf32, #tpu.memory_space<vmem>>
    %dma_start3A_316 = arith.constant 0 : i32
    %dma_start3A_317 = arith.constant 0 : i32
    %dma_start3A_318 = tpu.memref_slice %arg4[%dma_start3A_316, %dma_start3A_317] : memref<100000x128xf32, #tpu.memory_space<hbm>> -> memref<100000x128xf32, #tpu.memory_space<hbm>>
    tpu.enqueue_indirect_dma source(%dma_start3A_318 : memref<100000x128xf32, #tpu.memory_space<hbm>>) target(%dma_start3A_315 : memref<16x128xf32, #tpu.memory_space<vmem>>) offsets(%get3A_312 : vector<16xi32>) semaphore(%arg16 : memref<!tpu.dma_semaphore, #tpu.memory_space<semaphore_mem>>)
    %add3A_319 = arith.constant 80 : i32
    %add3A_320 = arith.addi %mul3A_263, %add3A_319 : i32
    %get3A_321 = arith.index_cast %add3A_320 : i32 to index
    %get3A_322 = tpu.vector_load %arg8[%get3A_321] {strides = array<i32>} : memref<6400xi32, #tpu.memory_space<vmem>>, vector<16xi32>,
    %get3A_323 = vector.shape_cast %get3A_322 : vector<16xi32> to vector<16xi32>
    %dma_start3A_324 = arith.constant 80 : i32
    %dma_start3A_325 = arith.constant 0 : i32
    %dma_start3A_326 = tpu.memref_slice %arg10[%dma_start3A_324, %dma_start3A_325] : memref<160x128xf32, #tpu.memory_space<vmem>> -> memref<16x128xf32, #tpu.memory_space<vmem>>
    %dma_start3A_327 = arith.constant 0 : i32
    %dma_start3A_328 = arith.constant 0 : i32
    %dma_start3A_329 = tpu.memref_slice %arg4[%dma_start3A_327, %dma_start3A_328] : memref<100000x128xf32, #tpu.memory_space<hbm>> -> memref<100000x128xf32, #tpu.memory_space<hbm>>
    tpu.enqueue_indirect_dma source(%dma_start3A_329 : memref<100000x128xf32, #tpu.memory_space<hbm>>) target(%dma_start3A_326 : memref<16x128xf32, #tpu.memory_space<vmem>>) offsets(%get3A_323 : vector<16xi32>) semaphore(%arg16 : memref<!tpu.dma_semaphore, #tpu.memory_space<semaphore_mem>>)
    %add3A_330 = arith.constant 96 : i32
    %add3A_331 = arith.addi %mul3A_263, %add3A_330 : i32
    %get3A_332 = arith.index_cast %add3A_331 : i32 to index
    %get3A_333 = tpu.vector_load %arg8[%get3A_332] {strides = array<i32>} : memref<6400xi32, #tpu.memory_space<vmem>>, vector<16xi32>,
    %get3A_334 = vector.shape_cast %get3A_333 : vector<16xi32> to vector<16xi32>
    %dma_start3A_335 = arith.constant 96 : i32
    %dma_start3A_336 = arith.constant 0 : i32
    %dma_start3A_337 = tpu.memref_slice %arg10[%dma_start3A_335, %dma_start3A_336] : memref<160x128xf32, #tpu.memory_space<vmem>> -> memref<16x128xf32, #tpu.memory_space<vmem>>
    %dma_start3A_338 = arith.constant 0 : i32
    %dma_start3A_339 = arith.constant 0 : i32
    %dma_start3A_340 = tpu.memref_slice %arg4[%dma_start3A_338, %dma_start3A_339] : memref<100000x128xf32, #tpu.memory_space<hbm>> -> memref<100000x128xf32, #tpu.memory_space<hbm>>
    tpu.enqueue_indirect_dma source(%dma_start3A_340 : memref<100000x128xf32, #tpu.memory_space<hbm>>) target(%dma_start3A_337 : memref<16x128xf32, #tpu.memory_space<vmem>>) offsets(%get3A_334 : vector<16xi32>) semaphore(%arg16 : memref<!tpu.dma_semaphore, #tpu.memory_space<semaphore_mem>>)
    %add3A_341 = arith.constant 112 : i32
    %add3A_342 = arith.addi %mul3A_263, %add3A_341 : i32
    %get3A_343 = arith.index_cast %add3A_342 : i32 to index
    %get3A_344 = tpu.vector_load %arg8[%get3A_343] {strides = array<i32>} : memref<6400xi32, #tpu.memory_space<vmem>>, vector<16xi32>,
    %get3A_345 = vector.shape_cast %get3A_344 : vector<16xi32> to vector<16xi32>
    %dma_start3A_346 = arith.constant 112 : i32
    %dma_start3A_347 = arith.constant 0 : i32
    %dma_start3A_348 = tpu.memref_slice %arg10[%dma_start3A_346, %dma_start3A_347] : memref<160x128xf32, #tpu.memory_space<vmem>> -> memref<16x128xf32, #tpu.memory_space<vmem>>
    %dma_start3A_349 = arith.constant 0 : i32
    %dma_start3A_350 = arith.constant 0 : i32
    %dma_start3A_351 = tpu.memref_slice %arg4[%dma_start3A_349, %dma_start3A_350] : memref<100000x128xf32, #tpu.memory_space<hbm>> -> memref<100000x128xf32, #tpu.memory_space<hbm>>
    tpu.enqueue_indirect_dma source(%dma_start3A_351 : memref<100000x128xf32, #tpu.memory_space<hbm>>) target(%dma_start3A_348 : memref<16x128xf32, #tpu.memory_space<vmem>>) offsets(%get3A_345 : vector<16xi32>) semaphore(%arg16 : memref<!tpu.dma_semaphore, #tpu.memory_space<semaphore_mem>>)
    %add3A_352 = arith.constant 128 : i32
    %add3A_353 = arith.addi %mul3A_263, %add3A_352 : i32
    %get3A_354 = arith.index_cast %add3A_353 : i32 to index
    %get3A_355 = tpu.vector_load %arg8[%get3A_354] {strides = array<i32>} : memref<6400xi32, #tpu.memory_space<vmem>>, vector<16xi32>,
    %get3A_356 = vector.shape_cast %get3A_355 : vector<16xi32> to vector<16xi32>
    %dma_start3A_357 = arith.constant 128 : i32
    %dma_start3A_358 = arith.constant 0 : i32
    %dma_start3A_359 = tpu.memref_slice %arg10[%dma_start3A_357, %dma_start3A_358] : memref<160x128xf32, #tpu.memory_space<vmem>> -> memref<16x128xf32, #tpu.memory_space<vmem>>
    %dma_start3A_360 = arith.constant 0 : i32
    %dma_start3A_361 = arith.constant 0 : i32
    %dma_start3A_362 = tpu.memref_slice %arg4[%dma_start3A_360, %dma_start3A_361] : memref<100000x128xf32, #tpu.memory_space<hbm>> -> memref<100000x128xf32, #tpu.memory_space<hbm>>
    tpu.enqueue_indirect_dma source(%dma_start3A_362 : memref<100000x128xf32, #tpu.memory_space<hbm>>) target(%dma_start3A_359 : memref<16x128xf32, #tpu.memory_space<vmem>>) offsets(%get3A_356 : vector<16xi32>) semaphore(%arg16 : memref<!tpu.dma_semaphore, #tpu.memory_space<semaphore_mem>>)
    %add3A_363 = arith.constant 144 : i32
    %add3A_364 = arith.addi %mul3A_263, %add3A_363 : i32
    %get3A_365 = arith.index_cast %add3A_364 : i32 to index
    %get3A_366 = tpu.vector_load %arg8[%get3A_365] {strides = array<i32>} : memref<6400xi32, #tpu.memory_space<vmem>>, vector<16xi32>,
    %get3A_367 = vector.shape_cast %get3A_366 : vector<16xi32> to vector<16xi32>
    %dma_start3A_368 = arith.constant 144 : i32
    %dma_start3A_369 = arith.constant 0 : i32
    %dma_start3A_370 = tpu.memref_slice %arg10[%dma_start3A_368, %dma_start3A_369] : memref<160x128xf32, #tpu.memory_space<vmem>> -> memref<16x128xf32, #tpu.memory_space<vmem>>
    %dma_start3A_371 = arith.constant 0 : i32
    %dma_start3A_372 = arith.constant 0 : i32
    %dma_start3A_373 = tpu.memref_slice %arg4[%dma_start3A_371, %dma_start3A_372] : memref<100000x128xf32, #tpu.memory_space<hbm>> -> memref<100000x128xf32, #tpu.memory_space<hbm>>
    tpu.enqueue_indirect_dma source(%dma_start3A_373 : memref<100000x128xf32, #tpu.memory_space<hbm>>) target(%dma_start3A_370 : memref<16x128xf32, #tpu.memory_space<vmem>>) offsets(%get3A_367 : vector<16xi32>) semaphore(%arg16 : memref<!tpu.dma_semaphore, #tpu.memory_space<semaphore_mem>>)
    %add3A_374 = arith.constant 2 : i32
    %add3A_375 = arith.addi %add3A_374, %arg0 : i32
    %mul3A_376 = arith.constant 160 : i32
    %mul3A_377 = arith.muli %add3A_375, %mul3A_376 : i32
    %add3A_378 = arith.constant 0 : i32
    %add3A_379 = arith.addi %mul3A_377, %add3A_378 : i32
    %get3A_380 = arith.index_cast %add3A_379 : i32 to index
    %get3A_381 = tpu.vector_load %arg8[%get3A_380] {strides = array<i32>} : memref<6400xi32, #tpu.memory_space<vmem>>, vector<16xi32>,
    %get3A_382 = vector.shape_cast %get3A_381 : vector<16xi32> to vector<16xi32>
    %dma_start3A_383 = arith.constant 0 : i32
    %dma_start3A_384 = arith.constant 0 : i32
    %dma_start3A_385 = tpu.memref_slice %arg11[%dma_start3A_383, %dma_start3A_384] : memref<160x128xf32, #tpu.memory_space<vmem>> -> memref<16x128xf32, #tpu.memory_space<vmem>>
    %dma_start3A_386 = arith.constant 0 : i32
    %dma_start3A_387 = arith.constant 0 : i32
    %dma_start3A_388 = tpu.memref_slice %arg4[%dma_start3A_386, %dma_start3A_387] : memref<100000x128xf32, #tpu.memory_space<hbm>> -> memref<100000x128xf32, #tpu.memory_space<hbm>>
    tpu.enqueue_indirect_dma source(%dma_start3A_388 : memref<100000x128xf32, #tpu.memory_space<hbm>>) target(%dma_start3A_385 : memref<16x128xf32, #tpu.memory_space<vmem>>) offsets(%get3A_382 : vector<16xi32>) semaphore(%arg17 : memref<!tpu.dma_semaphore, #tpu.memory_space<semaphore_mem>>)
    %add3A_389 = arith.constant 16 : i32
    %add3A_390 = arith.addi %mul3A_377, %add3A_389 : i32
    %get3A_391 = arith.index_cast %add3A_390 : i32 to index
    %get3A_392 = tpu.vector_load %arg8[%get3A_391] {strides = array<i32>} : memref<6400xi32, #tpu.memory_space<vmem>>, vector<16xi32>,
    %get3A_393 = vector.shape_cast %get3A_392 : vector<16xi32> to vector<16xi32>
    %dma_start3A_394 = arith.constant 16 : i32
    %dma_start3A_395 = arith.constant 0 : i32
    %dma_start3A_396 = tpu.memref_slice %arg11[%dma_start3A_394, %dma_start3A_395] : memref<160x128xf32, #tpu.memory_space<vmem>> -> memref<16x128xf32, #tpu.memory_space<vmem>>
    %dma_start3A_397 = arith.constant 0 : i32
    %dma_start3A_398 = arith.constant 0 : i32
    %dma_start3A_399 = tpu.memref_slice %arg4[%dma_start3A_397, %dma_start3A_398] : memref<100000x128xf32, #tpu.memory_space<hbm>> -> memref<100000x128xf32, #tpu.memory_space<hbm>>
    tpu.enqueue_indirect_dma source(%dma_start3A_399 : memref<100000x128xf32, #tpu.memory_space<hbm>>) target(%dma_start3A_396 : memref<16x128xf32, #tpu.memory_space<vmem>>) offsets(%get3A_393 : vector<16xi32>) semaphore(%arg17 : memref<!tpu.dma_semaphore, #tpu.memory_space<semaphore_mem>>)
    %add3A_400 = arith.constant 32 : i32
    %add3A_401 = arith.addi %mul3A_377, %add3A_400 : i32
    %get3A_402 = arith.index_cast %add3A_401 : i32 to index
    %get3A_403 = tpu.vector_load %arg8[%get3A_402] {strides = array<i32>} : memref<6400xi32, #tpu.memory_space<vmem>>, vector<16xi32>,
    %get3A_404 = vector.shape_cast %get3A_403 : vector<16xi32> to vector<16xi32>
    %dma_start3A_405 = arith.constant 32 : i32
    %dma_start3A_406 = arith.constant 0 : i32
    %dma_start3A_407 = tpu.memref_slice %arg11[%dma_start3A_405, %dma_start3A_406] : memref<160x128xf32, #tpu.memory_space<vmem>> -> memref<16x128xf32, #tpu.memory_space<vmem>>
    %dma_start3A_408 = arith.constant 0 : i32
    %dma_start3A_409 = arith.constant 0 : i32
    %dma_start3A_410 = tpu.memref_slice %arg4[%dma_start3A_408, %dma_start3A_409] : memref<100000x128xf32, #tpu.memory_space<hbm>> -> memref<100000x128xf32, #tpu.memory_space<hbm>>
    tpu.enqueue_indirect_dma source(%dma_start3A_410 : memref<100000x128xf32, #tpu.memory_space<hbm>>) target(%dma_start3A_407 : memref<16x128xf32, #tpu.memory_space<vmem>>) offsets(%get3A_404 : vector<16xi32>) semaphore(%arg17 : memref<!tpu.dma_semaphore, #tpu.memory_space<semaphore_mem>>)
    %add3A_411 = arith.constant 48 : i32
    %add3A_412 = arith.addi %mul3A_377, %add3A_411 : i32
    %get3A_413 = arith.index_cast %add3A_412 : i32 to index
    %get3A_414 = tpu.vector_load %arg8[%get3A_413] {strides = array<i32>} : memref<6400xi32, #tpu.memory_space<vmem>>, vector<16xi32>,
    %get3A_415 = vector.shape_cast %get3A_414 : vector<16xi32> to vector<16xi32>
    %dma_start3A_416 = arith.constant 48 : i32
    %dma_start3A_417 = arith.constant 0 : i32
    %dma_start3A_418 = tpu.memref_slice %arg11[%dma_start3A_416, %dma_start3A_417] : memref<160x128xf32, #tpu.memory_space<vmem>> -> memref<16x128xf32, #tpu.memory_space<vmem>>
    %dma_start3A_419 = arith.constant 0 : i32
    %dma_start3A_420 = arith.constant 0 : i32
    %dma_start3A_421 = tpu.memref_slice %arg4[%dma_start3A_419, %dma_start3A_420] : memref<100000x128xf32, #tpu.memory_space<hbm>> -> memref<100000x128xf32, #tpu.memory_space<hbm>>
    tpu.enqueue_indirect_dma source(%dma_start3A_421 : memref<100000x128xf32, #tpu.memory_space<hbm>>) target(%dma_start3A_418 : memref<16x128xf32, #tpu.memory_space<vmem>>) offsets(%get3A_415 : vector<16xi32>) semaphore(%arg17 : memref<!tpu.dma_semaphore, #tpu.memory_space<semaphore_mem>>)
    %add3A_422 = arith.constant 64 : i32
    %add3A_423 = arith.addi %mul3A_377, %add3A_422 : i32
    %get3A_424 = arith.index_cast %add3A_423 : i32 to index
    %get3A_425 = tpu.vector_load %arg8[%get3A_424] {strides = array<i32>} : memref<6400xi32, #tpu.memory_space<vmem>>, vector<16xi32>,
    %get3A_426 = vector.shape_cast %get3A_425 : vector<16xi32> to vector<16xi32>
    %dma_start3A_427 = arith.constant 64 : i32
    %dma_start3A_428 = arith.constant 0 : i32
    %dma_start3A_429 = tpu.memref_slice %arg11[%dma_start3A_427, %dma_start3A_428] : memref<160x128xf32, #tpu.memory_space<vmem>> -> memref<16x128xf32, #tpu.memory_space<vmem>>
    %dma_start3A_430 = arith.constant 0 : i32
    %dma_start3A_431 = arith.constant 0 : i32
    %dma_start3A_432 = tpu.memref_slice %arg4[%dma_start3A_430, %dma_start3A_431] : memref<100000x128xf32, #tpu.memory_space<hbm>> -> memref<100000x128xf32, #tpu.memory_space<hbm>>
    tpu.enqueue_indirect_dma source(%dma_start3A_432 : memref<100000x128xf32, #tpu.memory_space<hbm>>) target(%dma_start3A_429 : memref<16x128xf32, #tpu.memory_space<vmem>>) offsets(%get3A_426 : vector<16xi32>) semaphore(%arg17 : memref<!tpu.dma_semaphore, #tpu.memory_space<semaphore_mem>>)
    %add3A_433 = arith.constant 80 : i32
    %add3A_434 = arith.addi %mul3A_377, %add3A_433 : i32
    %get3A_435 = arith.index_cast %add3A_434 : i32 to index
    %get3A_436 = tpu.vector_load %arg8[%get3A_435] {strides = array<i32>} : memref<6400xi32, #tpu.memory_space<vmem>>, vector<16xi32>,
    %get3A_437 = vector.shape_cast %get3A_436 : vector<16xi32> to vector<16xi32>
    %dma_start3A_438 = arith.constant 80 : i32
    %dma_start3A_439 = arith.constant 0 : i32
    %dma_start3A_440 = tpu.memref_slice %arg11[%dma_start3A_438, %dma_start3A_439] : memref<160x128xf32, #tpu.memory_space<vmem>> -> memref<16x128xf32, #tpu.memory_space<vmem>>
    %dma_start3A_441 = arith.constant 0 : i32
    %dma_start3A_442 = arith.constant 0 : i32
    %dma_start3A_443 = tpu.memref_slice %arg4[%dma_start3A_441, %dma_start3A_442] : memref<100000x128xf32, #tpu.memory_space<hbm>> -> memref<100000x128xf32, #tpu.memory_space<hbm>>
    tpu.enqueue_indirect_dma source(%dma_start3A_443 : memref<100000x128xf32, #tpu.memory_space<hbm>>) target(%dma_start3A_440 : memref<16x128xf32, #tpu.memory_space<vmem>>) offsets(%get3A_437 : vector<16xi32>) semaphore(%arg17 : memref<!tpu.dma_semaphore, #tpu.memory_space<semaphore_mem>>)
    %add3A_444 = arith.constant 96 : i32
    %add3A_445 = arith.addi %mul3A_377, %add3A_444 : i32
    %get3A_446 = arith.index_cast %add3A_445 : i32 to index
    %get3A_447 = tpu.vector_load %arg8[%get3A_446] {strides = array<i32>} : memref<6400xi32, #tpu.memory_space<vmem>>, vector<16xi32>,
    %get3A_448 = vector.shape_cast %get3A_447 : vector<16xi32> to vector<16xi32>
    %dma_start3A_449 = arith.constant 96 : i32
    %dma_start3A_450 = arith.constant 0 : i32
    %dma_start3A_451 = tpu.memref_slice %arg11[%dma_start3A_449, %dma_start3A_450] : memref<160x128xf32, #tpu.memory_space<vmem>> -> memref<16x128xf32, #tpu.memory_space<vmem>>
    %dma_start3A_452 = arith.constant 0 : i32
    %dma_start3A_453 = arith.constant 0 : i32
    %dma_start3A_454 = tpu.memref_slice %arg4[%dma_start3A_452, %dma_start3A_453] : memref<100000x128xf32, #tpu.memory_space<hbm>> -> memref<100000x128xf32, #tpu.memory_space<hbm>>
    tpu.enqueue_indirect_dma source(%dma_start3A_454 : memref<100000x128xf32, #tpu.memory_space<hbm>>) target(%dma_start3A_451 : memref<16x128xf32, #tpu.memory_space<vmem>>) offsets(%get3A_448 : vector<16xi32>) semaphore(%arg17 : memref<!tpu.dma_semaphore, #tpu.memory_space<semaphore_mem>>)
    %add3A_455 = arith.constant 112 : i32
    %add3A_456 = arith.addi %mul3A_377, %add3A_455 : i32
    %get3A_457 = arith.index_cast %add3A_456 : i32 to index
    %get3A_458 = tpu.vector_load %arg8[%get3A_457] {strides = array<i32>} : memref<6400xi32, #tpu.memory_space<vmem>>, vector<16xi32>,
    %get3A_459 = vector.shape_cast %get3A_458 : vector<16xi32> to vector<16xi32>
    %dma_start3A_460 = arith.constant 112 : i32
    %dma_start3A_461 = arith.constant 0 : i32
    %dma_start3A_462 = tpu.memref_slice %arg11[%dma_start3A_460, %dma_start3A_461] : memref<160x128xf32, #tpu.memory_space<vmem>> -> memref<16x128xf32, #tpu.memory_space<vmem>>
    %dma_start3A_463 = arith.constant 0 : i32
    %dma_start3A_464 = arith.constant 0 : i32
    %dma_start3A_465 = tpu.memref_slice %arg4[%dma_start3A_463, %dma_start3A_464] : memref<100000x128xf32, #tpu.memory_space<hbm>> -> memref<100000x128xf32, #tpu.memory_space<hbm>>
    tpu.enqueue_indirect_dma source(%dma_start3A_465 : memref<100000x128xf32, #tpu.memory_space<hbm>>) target(%dma_start3A_462 : memref<16x128xf32, #tpu.memory_space<vmem>>) offsets(%get3A_459 : vector<16xi32>) semaphore(%arg17 : memref<!tpu.dma_semaphore, #tpu.memory_space<semaphore_mem>>)
    %add3A_466 = arith.constant 128 : i32
    %add3A_467 = arith.addi %mul3A_377, %add3A_466 : i32
    %get3A_468 = arith.index_cast %add3A_467 : i32 to index
    %get3A_469 = tpu.vector_load %arg8[%get3A_468] {strides = array<i32>} : memref<6400xi32, #tpu.memory_space<vmem>>, vector<16xi32>,
    %get3A_470 = vector.shape_cast %get3A_469 : vector<16xi32> to vector<16xi32>
    %dma_start3A_471 = arith.constant 128 : i32
    %dma_start3A_472 = arith.constant 0 : i32
    %dma_start3A_473 = tpu.memref_slice %arg11[%dma_start3A_471, %dma_start3A_472] : memref<160x128xf32, #tpu.memory_space<vmem>> -> memref<16x128xf32, #tpu.memory_space<vmem>>
    %dma_start3A_474 = arith.constant 0 : i32
    %dma_start3A_475 = arith.constant 0 : i32
    %dma_start3A_476 = tpu.memref_slice %arg4[%dma_start3A_474, %dma_start3A_475] : memref<100000x128xf32, #tpu.memory_space<hbm>> -> memref<100000x128xf32, #tpu.memory_space<hbm>>
    tpu.enqueue_indirect_dma source(%dma_start3A_476 : memref<100000x128xf32, #tpu.memory_space<hbm>>) target(%dma_start3A_473 : memref<16x128xf32, #tpu.memory_space<vmem>>) offsets(%get3A_470 : vector<16xi32>) semaphore(%arg17 : memref<!tpu.dma_semaphore, #tpu.memory_space<semaphore_mem>>)
    %add3A_477 = arith.constant 144 : i32
    %add3A_478 = arith.addi %mul3A_377, %add3A_477 : i32
    %get3A_479 = arith.index_cast %add3A_478 : i32 to index
    %get3A_480 = tpu.vector_load %arg8[%get3A_479] {strides = array<i32>} : memref<6400xi32, #tpu.memory_space<vmem>>, vector<16xi32>,
    %get3A_481 = vector.shape_cast %get3A_480 : vector<16xi32> to vector<16xi32>
    %dma_start3A_482 = arith.constant 144 : i32
    %dma_start3A_483 = arith.constant 0 : i32
    %dma_start3A_484 = tpu.memref_slice %arg11[%dma_start3A_482, %dma_start3A_483] : memref<160x128xf32, #tpu.memory_space<vmem>> -> memref<16x128xf32, #tpu.memory_space<vmem>>
    %dma_start3A_485 = arith.constant 0 : i32
    %dma_start3A_486 = arith.constant 0 : i32
    %dma_start3A_487 = tpu.memref_slice %arg4[%dma_start3A_485, %dma_start3A_486] : memref<100000x128xf32, #tpu.memory_space<hbm>> -> memref<100000x128xf32, #tpu.memory_space<hbm>>
    tpu.enqueue_indirect_dma source(%dma_start3A_487 : memref<100000x128xf32, #tpu.memory_space<hbm>>) target(%dma_start3A_484 : memref<16x128xf32, #tpu.memory_space<vmem>>) offsets(%get3A_481 : vector<16xi32>) semaphore(%arg17 : memref<!tpu.dma_semaphore, #tpu.memory_space<semaphore_mem>>)
    %scan3A = arith.constant 0 : i32
    %scan3A_488 = arith.constant 7 : i32
    %scan3A_489 = arith.addi %scan3A, %scan3A_488 : i32
    %scan3A_490 = arith.constant 1 : i32
    scf.for %scan3A_1055 = %scan3A to %scan3A_489 step %scan3A_490  : i32 {
      %mul3A_1056 = arith.constant 3 : i32
      %mul3A_1057 = arith.muli %scan3A_1055, %mul3A_1056 : i32
      %add3A_1058 = arith.constant 0 : i32
      %add3A_1059 = arith.addi %add3A_1058, %mul3A_1057 : i32
      %add3A_1060 = arith.constant 0 : i32
      %add3A_1061 = arith.addi %add3A_1059, %add3A_1060 : i32
      %add3A_1062 = arith.constant 3 : i32
      %add3A_1063 = arith.addi %add3A_1061, %add3A_1062 : i32
      %sub3A = arith.constant 1 : i32
      %sub3A_1064 = arith.subi %add3A_1063, %sub3A : i32
      %lt3A = arith.constant 20 : i32
      %lt3A_1065 = arith.cmpi slt, %sub3A_1064, %lt3A : i32
      %convert_element_type3A = arith.extui %lt3A_1065 : i1 to i32
      %cond3A = arith.constant 0 : i32
      %cond3A_1066 = arith.cmpi ne, %convert_element_type3A, %cond3A : i32
      scf.if %cond3A_1066 {
        %add3A_1104 = arith.constant 3 : i32
        %add3A_1105 = arith.addi %add3A_1061, %add3A_1104 : i32
        %sub3A_1106 = arith.constant 1 : i32
        %sub3A_1107 = arith.subi %add3A_1105, %sub3A_1106 : i32
        %mul3A_1108 = arith.constant 2 : i32
        %mul3A_1109 = arith.muli %mul3A_1108, %sub3A_1107 : i32
        %add3A_1110 = arith.addi %mul3A_1109, %arg0 : i32
        %mul3A_1111 = arith.constant 160 : i32
        %mul3A_1112 = arith.muli %add3A_1110, %mul3A_1111 : i32
        %add3A_1113 = arith.constant 0 : i32
        %add3A_1114 = arith.addi %mul3A_1112, %add3A_1113 : i32
        %get3A_1115 = arith.index_cast %add3A_1114 : i32 to index
        %get3A_1116 = tpu.vector_load %arg8[%get3A_1115] {strides = array<i32>} : memref<6400xi32, #tpu.memory_space<vmem>>, vector<16xi32>,
        %get3A_1117 = vector.shape_cast %get3A_1116 : vector<16xi32> to vector<16xi32>
        %dma_start3A_1118 = arith.constant 0 : i32
        %dma_start3A_1119 = arith.constant 0 : i32
        %dma_start3A_1120 = tpu.memref_slice %arg12[%dma_start3A_1118, %dma_start3A_1119] : memref<160x128xf32, #tpu.memory_space<vmem>> -> memref<16x128xf32, #tpu.memory_space<vmem>>
        %dma_start3A_1121 = arith.constant 0 : i32
        %dma_start3A_1122 = arith.constant 0 : i32
        %dma_start3A_1123 = tpu.memref_slice %arg4[%dma_start3A_1121, %dma_start3A_1122] : memref<100000x128xf32, #tpu.memory_space<hbm>> -> memref<100000x128xf32, #tpu.memory_space<hbm>>
        tpu.enqueue_indirect_dma source(%dma_start3A_1123 : memref<100000x128xf32, #tpu.memory_space<hbm>>) target(%dma_start3A_1120 : memref<16x128xf32, #tpu.memory_space<vmem>>) offsets(%get3A_1117 : vector<16xi32>) semaphore(%arg18 : memref<!tpu.dma_semaphore, #tpu.memory_space<semaphore_mem>>)
        %add3A_1124 = arith.constant 16 : i32
        %add3A_1125 = arith.addi %mul3A_1112, %add3A_1124 : i32
        %get3A_1126 = arith.index_cast %add3A_1125 : i32 to index
        %get3A_1127 = tpu.vector_load %arg8[%get3A_1126] {strides = array<i32>} : memref<6400xi32, #tpu.memory_space<vmem>>, vector<16xi32>,
        %get3A_1128 = vector.shape_cast %get3A_1127 : vector<16xi32> to vector<16xi32>
        %dma_start3A_1129 = arith.constant 16 : i32
        %dma_start3A_1130 = arith.constant 0 : i32
        %dma_start3A_1131 = tpu.memref_slice %arg12[%dma_start3A_1129, %dma_start3A_1130] : memref<160x128xf32, #tpu.memory_space<vmem>> -> memref<16x128xf32, #tpu.memory_space<vmem>>
        %dma_start3A_1132 = arith.constant 0 : i32
        %dma_start3A_1133 = arith.constant 0 : i32
        %dma_start3A_1134 = tpu.memref_slice %arg4[%dma_start3A_1132, %dma_start3A_1133] : memref<100000x128xf32, #tpu.memory_space<hbm>> -> memref<100000x128xf32, #tpu.memory_space<hbm>>
        tpu.enqueue_indirect_dma source(%dma_start3A_1134 : memref<100000x128xf32, #tpu.memory_space<hbm>>) target(%dma_start3A_1131 : memref<16x128xf32, #tpu.memory_space<vmem>>) offsets(%get3A_1128 : vector<16xi32>) semaphore(%arg18 : memref<!tpu.dma_semaphore, #tpu.memory_space<semaphore_mem>>)
        %add3A_1135 = arith.constant 32 : i32
        %add3A_1136 = arith.addi %mul3A_1112, %add3A_1135 : i32
        %get3A_1137 = arith.index_cast %add3A_1136 : i32 to index
        %get3A_1138 = tpu.vector_load %arg8[%get3A_1137] {strides = array<i32>} : memref<6400xi32, #tpu.memory_space<vmem>>, vector<16xi32>,
        %get3A_1139 = vector.shape_cast %get3A_1138 : vector<16xi32> to vector<16xi32>
        %dma_start3A_1140 = arith.constant 32 : i32
        %dma_start3A_1141 = arith.constant 0 : i32
        %dma_start3A_1142 = tpu.memref_slice %arg12[%dma_start3A_1140, %dma_start3A_1141] : memref<160x128xf32, #tpu.memory_space<vmem>> -> memref<16x128xf32, #tpu.memory_space<vmem>>
        %dma_start3A_1143 = arith.constant 0 : i32
        %dma_start3A_1144 = arith.constant 0 : i32
        %dma_start3A_1145 = tpu.memref_slice %arg4[%dma_start3A_1143, %dma_start3A_1144] : memref<100000x128xf32, #tpu.memory_space<hbm>> -> memref<100000x128xf32, #tpu.memory_space<hbm>>
        tpu.enqueue_indirect_dma source(%dma_start3A_1145 : memref<100000x128xf32, #tpu.memory_space<hbm>>) target(%dma_start3A_1142 : memref<16x128xf32, #tpu.memory_space<vmem>>) offsets(%get3A_1139 : vector<16xi32>) semaphore(%arg18 : memref<!tpu.dma_semaphore, #tpu.memory_space<semaphore_mem>>)
        %add3A_1146 = arith.constant 48 : i32
        %add3A_1147 = arith.addi %mul3A_1112, %add3A_1146 : i32
        %get3A_1148 = arith.index_cast %add3A_1147 : i32 to index
        %get3A_1149 = tpu.vector_load %arg8[%get3A_1148] {strides = array<i32>} : memref<6400xi32, #tpu.memory_space<vmem>>, vector<16xi32>,
        %get3A_1150 = vector.shape_cast %get3A_1149 : vector<16xi32> to vector<16xi32>
        %dma_start3A_1151 = arith.constant 48 : i32
        %dma_start3A_1152 = arith.constant 0 : i32
        %dma_start3A_1153 = tpu.memref_slice %arg12[%dma_start3A_1151, %dma_start3A_1152] : memref<160x128xf32, #tpu.memory_space<vmem>> -> memref<16x128xf32, #tpu.memory_space<vmem>>
        %dma_start3A_1154 = arith.constant 0 : i32
        %dma_start3A_1155 = arith.constant 0 : i32
        %dma_start3A_1156 = tpu.memref_slice %arg4[%dma_start3A_1154, %dma_start3A_1155] : memref<100000x128xf32, #tpu.memory_space<hbm>> -> memref<100000x128xf32, #tpu.memory_space<hbm>>
        tpu.enqueue_indirect_dma source(%dma_start3A_1156 : memref<100000x128xf32, #tpu.memory_space<hbm>>) target(%dma_start3A_1153 : memref<16x128xf32, #tpu.memory_space<vmem>>) offsets(%get3A_1150 : vector<16xi32>) semaphore(%arg18 : memref<!tpu.dma_semaphore, #tpu.memory_space<semaphore_mem>>)
        %add3A_1157 = arith.constant 64 : i32
        %add3A_1158 = arith.addi %mul3A_1112, %add3A_1157 : i32
        %get3A_1159 = arith.index_cast %add3A_1158 : i32 to index
        %get3A_1160 = tpu.vector_load %arg8[%get3A_1159] {strides = array<i32>} : memref<6400xi32, #tpu.memory_space<vmem>>, vector<16xi32>,
        %get3A_1161 = vector.shape_cast %get3A_1160 : vector<16xi32> to vector<16xi32>
        %dma_start3A_1162 = arith.constant 64 : i32
        %dma_start3A_1163 = arith.constant 0 : i32
        %dma_start3A_1164 = tpu.memref_slice %arg12[%dma_start3A_1162, %dma_start3A_1163] : memref<160x128xf32, #tpu.memory_space<vmem>> -> memref<16x128xf32, #tpu.memory_space<vmem>>
        %dma_start3A_1165 = arith.constant 0 : i32
        %dma_start3A_1166 = arith.constant 0 : i32
        %dma_start3A_1167 = tpu.memref_slice %arg4[%dma_start3A_1165, %dma_start3A_1166] : memref<100000x128xf32, #tpu.memory_space<hbm>> -> memref<100000x128xf32, #tpu.memory_space<hbm>>
        tpu.enqueue_indirect_dma source(%dma_start3A_1167 : memref<100000x128xf32, #tpu.memory_space<hbm>>) target(%dma_start3A_1164 : memref<16x128xf32, #tpu.memory_space<vmem>>) offsets(%get3A_1161 : vector<16xi32>) semaphore(%arg18 : memref<!tpu.dma_semaphore, #tpu.memory_space<semaphore_mem>>)
        %add3A_1168 = arith.constant 80 : i32
        %add3A_1169 = arith.addi %mul3A_1112, %add3A_1168 : i32
        %get3A_1170 = arith.index_cast %add3A_1169 : i32 to index
        %get3A_1171 = tpu.vector_load %arg8[%get3A_1170] {strides = array<i32>} : memref<6400xi32, #tpu.memory_space<vmem>>, vector<16xi32>,
        %get3A_1172 = vector.shape_cast %get3A_1171 : vector<16xi32> to vector<16xi32>
        %dma_start3A_1173 = arith.constant 80 : i32
        %dma_start3A_1174 = arith.constant 0 : i32
        %dma_start3A_1175 = tpu.memref_slice %arg12[%dma_start3A_1173, %dma_start3A_1174] : memref<160x128xf32, #tpu.memory_space<vmem>> -> memref<16x128xf32, #tpu.memory_space<vmem>>
        %dma_start3A_1176 = arith.constant 0 : i32
        %dma_start3A_1177 = arith.constant 0 : i32
        %dma_start3A_1178 = tpu.memref_slice %arg4[%dma_start3A_1176, %dma_start3A_1177] : memref<100000x128xf32, #tpu.memory_space<hbm>> -> memref<100000x128xf32, #tpu.memory_space<hbm>>
        tpu.enqueue_indirect_dma source(%dma_start3A_1178 : memref<100000x128xf32, #tpu.memory_space<hbm>>) target(%dma_start3A_1175 : memref<16x128xf32, #tpu.memory_space<vmem>>) offsets(%get3A_1172 : vector<16xi32>) semaphore(%arg18 : memref<!tpu.dma_semaphore, #tpu.memory_space<semaphore_mem>>)
        %add3A_1179 = arith.constant 96 : i32
        %add3A_1180 = arith.addi %mul3A_1112, %add3A_1179 : i32
        %get3A_1181 = arith.index_cast %add3A_1180 : i32 to index
        %get3A_1182 = tpu.vector_load %arg8[%get3A_1181] {strides = array<i32>} : memref<6400xi32, #tpu.memory_space<vmem>>, vector<16xi32>,
        %get3A_1183 = vector.shape_cast %get3A_1182 : vector<16xi32> to vector<16xi32>
        %dma_start3A_1184 = arith.constant 96 : i32
        %dma_start3A_1185 = arith.constant 0 : i32
        %dma_start3A_1186 = tpu.memref_slice %arg12[%dma_start3A_1184, %dma_start3A_1185] : memref<160x128xf32, #tpu.memory_space<vmem>> -> memref<16x128xf32, #tpu.memory_space<vmem>>
        %dma_start3A_1187 = arith.constant 0 : i32
        %dma_start3A_1188 = arith.constant 0 : i32
        %dma_start3A_1189 = tpu.memref_slice %arg4[%dma_start3A_1187, %dma_start3A_1188] : memref<100000x128xf32, #tpu.memory_space<hbm>> -> memref<100000x128xf32, #tpu.memory_space<hbm>>
        tpu.enqueue_indirect_dma source(%dma_start3A_1189 : memref<100000x128xf32, #tpu.memory_space<hbm>>) target(%dma_start3A_1186 : memref<16x128xf32, #tpu.memory_space<vmem>>) offsets(%get3A_1183 : vector<16xi32>) semaphore(%arg18 : memref<!tpu.dma_semaphore, #tpu.memory_space<semaphore_mem>>)
        %add3A_1190 = arith.constant 112 : i32
        %add3A_1191 = arith.addi %mul3A_1112, %add3A_1190 : i32
        %get3A_1192 = arith.index_cast %add3A_1191 : i32 to index
        %get3A_1193 = tpu.vector_load %arg8[%get3A_1192] {strides = array<i32>} : memref<6400xi32, #tpu.memory_space<vmem>>, vector<16xi32>,
        %get3A_1194 = vector.shape_cast %get3A_1193 : vector<16xi32> to vector<16xi32>
        %dma_start3A_1195 = arith.constant 112 : i32
        %dma_start3A_1196 = arith.constant 0 : i32
        %dma_start3A_1197 = tpu.memref_slice %arg12[%dma_start3A_1195, %dma_start3A_1196] : memref<160x128xf32, #tpu.memory_space<vmem>> -> memref<16x128xf32, #tpu.memory_space<vmem>>
        %dma_start3A_1198 = arith.constant 0 : i32
        %dma_start3A_1199 = arith.constant 0 : i32
        %dma_start3A_1200 = tpu.memref_slice %arg4[%dma_start3A_1198, %dma_start3A_1199] : memref<100000x128xf32, #tpu.memory_space<hbm>> -> memref<100000x128xf32, #tpu.memory_space<hbm>>
        tpu.enqueue_indirect_dma source(%dma_start3A_1200 : memref<100000x128xf32, #tpu.memory_space<hbm>>) target(%dma_start3A_1197 : memref<16x128xf32, #tpu.memory_space<vmem>>) offsets(%get3A_1194 : vector<16xi32>) semaphore(%arg18 : memref<!tpu.dma_semaphore, #tpu.memory_space<semaphore_mem>>)
        %add3A_1201 = arith.constant 128 : i32
        %add3A_1202 = arith.addi %mul3A_1112, %add3A_1201 : i32
        %get3A_1203 = arith.index_cast %add3A_1202 : i32 to index
        %get3A_1204 = tpu.vector_load %arg8[%get3A_1203] {strides = array<i32>} : memref<6400xi32, #tpu.memory_space<vmem>>, vector<16xi32>,
        %get3A_1205 = vector.shape_cast %get3A_1204 : vector<16xi32> to vector<16xi32>
        %dma_start3A_1206 = arith.constant 128 : i32
        %dma_start3A_1207 = arith.constant 0 : i32
        %dma_start3A_1208 = tpu.memref_slice %arg12[%dma_start3A_1206, %dma_start3A_1207] : memref<160x128xf32, #tpu.memory_space<vmem>> -> memref<16x128xf32, #tpu.memory_space<vmem>>
        %dma_start3A_1209 = arith.constant 0 : i32
        %dma_start3A_1210 = arith.constant 0 : i32
        %dma_start3A_1211 = tpu.memref_slice %arg4[%dma_start3A_1209, %dma_start3A_1210] : memref<100000x128xf32, #tpu.memory_space<hbm>> -> memref<100000x128xf32, #tpu.memory_space<hbm>>
        tpu.enqueue_indirect_dma source(%dma_start3A_1211 : memref<100000x128xf32, #tpu.memory_space<hbm>>) target(%dma_start3A_1208 : memref<16x128xf32, #tpu.memory_space<vmem>>) offsets(%get3A_1205 : vector<16xi32>) semaphore(%arg18 : memref<!tpu.dma_semaphore, #tpu.memory_space<semaphore_mem>>)
        %add3A_1212 = arith.constant 144 : i32
        %add3A_1213 = arith.addi %mul3A_1112, %add3A_1212 : i32
        %get3A_1214 = arith.index_cast %add3A_1213 : i32 to index
        %get3A_1215 = tpu.vector_load %arg8[%get3A_1214] {strides = array<i32>} : memref<6400xi32, #tpu.memory_space<vmem>>, vector<16xi32>,
        %get3A_1216 = vector.shape_cast %get3A_1215 : vector<16xi32> to vector<16xi32>
        %dma_start3A_1217 = arith.constant 144 : i32
        %dma_start3A_1218 = arith.constant 0 : i32
        %dma_start3A_1219 = tpu.memref_slice %arg12[%dma_start3A_1217, %dma_start3A_1218] : memref<160x128xf32, #tpu.memory_space<vmem>> -> memref<16x128xf32, #tpu.memory_space<vmem>>
        %dma_start3A_1220 = arith.constant 0 : i32
        %dma_start3A_1221 = arith.constant 0 : i32
        %dma_start3A_1222 = tpu.memref_slice %arg4[%dma_start3A_1220, %dma_start3A_1221] : memref<100000x128xf32, #tpu.memory_space<hbm>> -> memref<100000x128xf32, #tpu.memory_space<hbm>>
        tpu.enqueue_indirect_dma source(%dma_start3A_1222 : memref<100000x128xf32, #tpu.memory_space<hbm>>) target(%dma_start3A_1219 : memref<16x128xf32, #tpu.memory_space<vmem>>) offsets(%get3A_1216 : vector<16xi32>) semaphore(%arg18 : memref<!tpu.dma_semaphore, #tpu.memory_space<semaphore_mem>>)
      } else {
      }
      %lt3A_1067 = arith.constant 20 : i32
      %lt3A_1068 = arith.cmpi slt, %add3A_1061, %lt3A_1067 : i32
      %convert_element_type3A_1069 = arith.extui %lt3A_1068 : i1 to i32
      %cond3A_1070 = arith.constant 0 : i32
      %cond3A_1071 = arith.cmpi ne, %convert_element_type3A_1069, %cond3A_1070 : i32
      scf.if %cond3A_1071 {
        %dma_wait3A_1104 = arith.constant 0 : i32
        %dma_wait3A_1105 = arith.constant 0 : i32
        %dma_wait3A_1106 = tpu.memref_slice %arg5[%dma_wait3A_1104, %dma_wait3A_1105] : memref<10240x128xf32, #tpu.memory_space<hbm>> -> memref<160x128xf32, #tpu.memory_space<hbm>>
        %dma_wait3A_1107 = arith.constant 0 : i32
        %dma_wait3A_1108 = arith.constant 0 : i32
        %dma_wait3A_1109 = tpu.memref_slice %arg5[%dma_wait3A_1107, %dma_wait3A_1108] : memref<10240x128xf32, #tpu.memory_space<hbm>> -> memref<160x128xf32, #tpu.memory_space<hbm>>
        tpu.wait_dma2 semaphore(%arg16 : memref<!tpu.dma_semaphore, #tpu.memory_space<semaphore_mem>>) src(%dma_wait3A_1109 : memref<160x128xf32, #tpu.memory_space<hbm>>) dst(%arg10 : memref<160x128xf32, #tpu.memory_space<vmem>>)
        %gt3A = arith.constant 0 : i32
        %gt3A_1110 = arith.cmpi sgt, %add3A_1059, %gt3A : i32
        %convert_element_type3A_1111 = arith.extui %gt3A_1110 : i1 to i32
        %cond3A_1112 = arith.constant 0 : i32
        %cond3A_1113 = arith.cmpi ne, %convert_element_type3A_1111, %cond3A_1112 : i32
        scf.if %cond3A_1113 {
          %dma_wait3A_1129 = arith.constant 0 : i32
          %dma_wait3A_1130 = arith.constant 0 : i32
          %dma_wait3A_1131 = tpu.memref_slice %arg6[%dma_wait3A_1129, %dma_wait3A_1130] : memref<10240x128xf32, #tpu.memory_space<hbm>> -> memref<16x128xf32, #tpu.memory_space<hbm>>
          %dma_wait3A_1132 = arith.constant 0 : i32
          %dma_wait3A_1133 = arith.constant 0 : i32
          %dma_wait3A_1134 = tpu.memref_slice %arg6[%dma_wait3A_1132, %dma_wait3A_1133] : memref<10240x128xf32, #tpu.memory_space<hbm>> -> memref<16x128xf32, #tpu.memory_space<hbm>>
          tpu.wait_dma2 semaphore(%arg19 : memref<!tpu.dma_semaphore, #tpu.memory_space<semaphore_mem>>) src(%arg13 : memref<16x128xf32, #tpu.memory_space<vmem>>) dst(%dma_wait3A_1134 : memref<16x128xf32, #tpu.memory_space<hbm>>)
        } else {
        }
        %scan3A_1114 = arith.constant 0 : i32
        %scan3A_1115 = arith.constant 16 : i32
        %scan3A_1116 = arith.addi %scan3A_1114, %scan3A_1115 : i32
        %scan3A_1117 = arith.constant 1 : i32
        scf.for %scan3A_1129 = %scan3A_1114 to %scan3A_1116 step %scan3A_1117  : i32 {
          %mul3A_1130 = arith.constant 1 : i32
          %mul3A_1131 = arith.muli %scan3A_1129, %mul3A_1130 : i32
          %add3A_1132 = arith.constant 0 : i32
          %add3A_1133 = arith.addi %add3A_1132, %mul3A_1131 : i32
          %mul3A_1134 = arith.constant 10 : i32
          %mul3A_1135 = arith.muli %add3A_1133, %mul3A_1134 : i32
          %get3A_1136 = arith.index_cast %mul3A_1135 : i32 to index
          %get3A_1137 = arith.constant 0 : index
          %get3A_1138 = tpu.vector_load %arg10[%get3A_1136, %get3A_1137] {strides = array<i32>} : memref<160x128xf32, #tpu.memory_space<vmem>>, vector<1x16xf32>,
          %get3A_1139 = vector.shape_cast %get3A_1138 : vector<1x16xf32> to vector<16xf32>
          %mul3A_1140 = arith.constant 10 : i32
          %mul3A_1141 = arith.muli %add3A_1133, %mul3A_1140 : i32
          %add3A_1142 = arith.constant 1 : i32
          %add3A_1143 = arith.addi %mul3A_1141, %add3A_1142 : i32
          %get3A_1144 = arith.index_cast %add3A_1143 : i32 to index
          %get3A_1145 = arith.constant 0 : index
          %get3A_1146 = tpu.vector_load %arg10[%get3A_1144, %get3A_1145] {strides = array<i32>} : memref<160x128xf32, #tpu.memory_space<vmem>>, vector<1x16xf32>,
          %get3A_1147 = vector.shape_cast %get3A_1146 : vector<1x16xf32> to vector<16xf32>
          %add3A_1148 = arith.addf %get3A_1139, %get3A_1147 : vector<16xf32>
          %mul3A_1149 = arith.constant 10 : i32
          %mul3A_1150 = arith.muli %add3A_1133, %mul3A_1149 : i32
          %add3A_1151 = arith.constant 2 : i32
          %add3A_1152 = arith.addi %mul3A_1150, %add3A_1151 : i32
          %get3A_1153 = arith.index_cast %add3A_1152 : i32 to index
          %get3A_1154 = arith.constant 0 : index
          %get3A_1155 = tpu.vector_load %arg10[%get3A_1153, %get3A_1154] {strides = array<i32>} : memref<160x128xf32, #tpu.memory_space<vmem>>, vector<1x16xf32>,
          %get3A_1156 = vector.shape_cast %get3A_1155 : vector<1x16xf32> to vector<16xf32>
          %add3A_1157 = arith.addf %add3A_1148, %get3A_1156 : vector<16xf32>
          %mul3A_1158 = arith.constant 10 : i32
          %mul3A_1159 = arith.muli %add3A_1133, %mul3A_1158 : i32
          %add3A_1160 = arith.constant 3 : i32
          %add3A_1161 = arith.addi %mul3A_1159, %add3A_1160 : i32
          %get3A_1162 = arith.index_cast %add3A_1161 : i32 to index
          %get3A_1163 = arith.constant 0 : index
          %get3A_1164 = tpu.vector_load %arg10[%get3A_1162, %get3A_1163] {strides = array<i32>} : memref<160x128xf32, #tpu.memory_space<vmem>>, vector<1x16xf32>,
          %get3A_1165 = vector.shape_cast %get3A_1164 : vector<1x16xf32> to vector<16xf32>
          %add3A_1166 = arith.addf %add3A_1157, %get3A_1165 : vector<16xf32>
          %mul3A_1167 = arith.constant 10 : i32
          %mul3A_1168 = arith.muli %add3A_1133, %mul3A_1167 : i32
          %add3A_1169 = arith.constant 4 : i32
          %add3A_1170 = arith.addi %mul3A_1168, %add3A_1169 : i32
          %get3A_1171 = arith.index_cast %add3A_1170 : i32 to index
          %get3A_1172 = arith.constant 0 : index
          %get3A_1173 = tpu.vector_load %arg10[%get3A_1171, %get3A_1172] {strides = array<i32>} : memref<160x128xf32, #tpu.memory_space<vmem>>, vector<1x16xf32>,
          %get3A_1174 = vector.shape_cast %get3A_1173 : vector<1x16xf32> to vector<16xf32>
          %add3A_1175 = arith.addf %add3A_1166, %get3A_1174 : vector<16xf32>
          %mul3A_1176 = arith.constant 10 : i32
          %mul3A_1177 = arith.muli %add3A_1133, %mul3A_1176 : i32
          %add3A_1178 = arith.constant 5 : i32
          %add3A_1179 = arith.addi %mul3A_1177, %add3A_1178 : i32
          %get3A_1180 = arith.index_cast %add3A_1179 : i32 to index
          %get3A_1181 = arith.constant 0 : index
          %get3A_1182 = tpu.vector_load %arg10[%get3A_1180, %get3A_1181] {strides = array<i32>} : memref<160x128xf32, #tpu.memory_space<vmem>>, vector<1x16xf32>,
          %get3A_1183 = vector.shape_cast %get3A_1182 : vector<1x16xf32> to vector<16xf32>
          %add3A_1184 = arith.addf %add3A_1175, %get3A_1183 : vector<16xf32>
          %mul3A_1185 = arith.constant 10 : i32
          %mul3A_1186 = arith.muli %add3A_1133, %mul3A_1185 : i32
          %add3A_1187 = arith.constant 6 : i32
          %add3A_1188 = arith.addi %mul3A_1186, %add3A_1187 : i32
          %get3A_1189 = arith.index_cast %add3A_1188 : i32 to index
          %get3A_1190 = arith.constant 0 : index
          %get3A_1191 = tpu.vector_load %arg10[%get3A_1189, %get3A_1190] {strides = array<i32>} : memref<160x128xf32, #tpu.memory_space<vmem>>, vector<1x16xf32>,
          %get3A_1192 = vector.shape_cast %get3A_1191 : vector<1x16xf32> to vector<16xf32>
          %add3A_1193 = arith.addf %add3A_1184, %get3A_1192 : vector<16xf32>
          %mul3A_1194 = arith.constant 10 : i32
          %mul3A_1195 = arith.muli %add3A_1133, %mul3A_1194 : i32
          %add3A_1196 = arith.constant 7 : i32
          %add3A_1197 = arith.addi %mul3A_1195, %add3A_1196 : i32
          %get3A_1198 = arith.index_cast %add3A_1197 : i32 to index
          %get3A_1199 = arith.constant 0 : index
          %get3A_1200 = tpu.vector_load %arg10[%get3A_1198, %get3A_1199] {strides = array<i32>} : memref<160x128xf32, #tpu.memory_space<vmem>>, vector<1x16xf32>,
          %get3A_1201 = vector.shape_cast %get3A_1200 : vector<1x16xf32> to vector<16xf32>
          %add3A_1202 = arith.addf %add3A_1193, %get3A_1201 : vector<16xf32>
          %mul3A_1203 = arith.constant 10 : i32
          %mul3A_1204 = arith.muli %add3A_1133, %mul3A_1203 : i32
          %add3A_1205 = arith.constant 8 : i32
          %add3A_1206 = arith.addi %mul3A_1204, %add3A_1205 : i32
          %get3A_1207 = arith.index_cast %add3A_1206 : i32 to index
          %get3A_1208 = arith.constant 0 : index
          %get3A_1209 = tpu.vector_load %arg10[%get3A_1207, %get3A_1208] {strides = array<i32>} : memref<160x128xf32, #tpu.memory_space<vmem>>, vector<1x16xf32>,
          %get3A_1210 = vector.shape_cast %get3A_1209 : vector<1x16xf32> to vector<16xf32>
          %add3A_1211 = arith.addf %add3A_1202, %get3A_1210 : vector<16xf32>
          %mul3A_1212 = arith.constant 10 : i32
          %mul3A_1213 = arith.muli %add3A_1133, %mul3A_1212 : i32
          %add3A_1214 = arith.constant 9 : i32
          %add3A_1215 = arith.addi %mul3A_1213, %add3A_1214 : i32
          %get3A_1216 = arith.index_cast %add3A_1215 : i32 to index
          %get3A_1217 = arith.constant 0 : index
          %get3A_1218 = tpu.vector_load %arg10[%get3A_1216, %get3A_1217] {strides = array<i32>} : memref<160x128xf32, #tpu.memory_space<vmem>>, vector<1x16xf32>,
          %get3A_1219 = vector.shape_cast %get3A_1218 : vector<1x16xf32> to vector<16xf32>
          %add3A_1220 = arith.addf %add3A_1211, %get3A_1219 : vector<16xf32>
          %swap3A = arith.index_cast %add3A_1133 : i32 to index
          %swap3A_1221 = arith.constant 0 : index
          %swap3A_1222 = tpu.vector_load %arg13[%swap3A, %swap3A_1221] {strides = array<i32>} : memref<16x128xf32, #tpu.memory_space<vmem>>, vector<1x16xf32>,
          %swap3A_1223 = vector.shape_cast %swap3A_1222 : vector<1x16xf32> to vector<16xf32>
          %swap3A_1224 = vector.shape_cast %add3A_1220 : vector<16xf32> to vector<1x16xf32>
          tpu.vector_store %arg13[%swap3A, %swap3A_1221], %swap3A_1224 {strides = array<i32>} : memref<16x128xf32, #tpu.memory_space<vmem>>, vector<1x16xf32>,
          %mul3A_1225 = arith.constant 10 : i32
          %mul3A_1226 = arith.muli %add3A_1133, %mul3A_1225 : i32
          %get3A_1227 = arith.index_cast %mul3A_1226 : i32 to index
          %get3A_1228 = arith.constant 16 : index
          %get3A_1229 = tpu.vector_load %arg10[%get3A_1227, %get3A_1228] {strides = array<i32>} : memref<160x128xf32, #tpu.memory_space<vmem>>, vector<1x16xf32>,
          %get3A_1230 = vector.shape_cast %get3A_1229 : vector<1x16xf32> to vector<16xf32>
          %mul3A_1231 = arith.constant 10 : i32
          %mul3A_1232 = arith.muli %add3A_1133, %mul3A_1231 : i32
          %add3A_1233 = arith.constant 1 : i32
          %add3A_1234 = arith.addi %mul3A_1232, %add3A_1233 : i32
          %get3A_1235 = arith.index_cast %add3A_1234 : i32 to index
          %get3A_1236 = arith.constant 16 : index
          %get3A_1237 = tpu.vector_load %arg10[%get3A_1235, %get3A_1236] {strides = array<i32>} : memref<160x128xf32, #tpu.memory_space<vmem>>, vector<1x16xf32>,
          %get3A_1238 = vector.shape_cast %get3A_1237 : vector<1x16xf32> to vector<16xf32>
          %add3A_1239 = arith.addf %get3A_1230, %get3A_1238 : vector<16xf32>
          %mul3A_1240 = arith.constant 10 : i32
          %mul3A_1241 = arith.muli %add3A_1133, %mul3A_1240 : i32
          %add3A_1242 = arith.constant 2 : i32
          %add3A_1243 = arith.addi %mul3A_1241, %add3A_1242 : i32
          %get3A_1244 = arith.index_cast %add3A_1243 : i32 to index
          %get3A_1245 = arith.constant 16 : index
          %get3A_1246 = tpu.vector_load %arg10[%get3A_1244, %get3A_1245] {strides = array<i32>} : memref<160x128xf32, #tpu.memory_space<vmem>>, vector<1x16xf32>,
          %get3A_1247 = vector.shape_cast %get3A_1246 : vector<1x16xf32> to vector<16xf32>
          %add3A_1248 = arith.addf %add3A_1239, %get3A_1247 : vector<16xf32>
          %mul3A_1249 = arith.constant 10 : i32
          %mul3A_1250 = arith.muli %add3A_1133, %mul3A_1249 : i32
          %add3A_1251 = arith.constant 3 : i32
          %add3A_1252 = arith.addi %mul3A_1250, %add3A_1251 : i32
          %get3A_1253 = arith.index_cast %add3A_1252 : i32 to index
          %get3A_1254 = arith.constant 16 : index
          %get3A_1255 = tpu.vector_load %arg10[%get3A_1253, %get3A_1254] {strides = array<i32>} : memref<160x128xf32, #tpu.memory_space<vmem>>, vector<1x16xf32>,
          %get3A_1256 = vector.shape_cast %get3A_1255 : vector<1x16xf32> to vector<16xf32>
          %add3A_1257 = arith.addf %add3A_1248, %get3A_1256 : vector<16xf32>
          %mul3A_1258 = arith.constant 10 : i32
          %mul3A_1259 = arith.muli %add3A_1133, %mul3A_1258 : i32
          %add3A_1260 = arith.constant 4 : i32
          %add3A_1261 = arith.addi %mul3A_1259, %add3A_1260 : i32
          %get3A_1262 = arith.index_cast %add3A_1261 : i32 to index
          %get3A_1263 = arith.constant 16 : index
          %get3A_1264 = tpu.vector_load %arg10[%get3A_1262, %get3A_1263] {strides = array<i32>} : memref<160x128xf32, #tpu.memory_space<vmem>>, vector<1x16xf32>,
          %get3A_1265 = vector.shape_cast %get3A_1264 : vector<1x16xf32> to vector<16xf32>
          %add3A_1266 = arith.addf %add3A_1257, %get3A_1265 : vector<16xf32>
          %mul3A_1267 = arith.constant 10 : i32
          %mul3A_1268 = arith.muli %add3A_1133, %mul3A_1267 : i32
          %add3A_1269 = arith.constant 5 : i32
          %add3A_1270 = arith.addi %mul3A_1268, %add3A_1269 : i32
          %get3A_1271 = arith.index_cast %add3A_1270 : i32 to index
          %get3A_1272 = arith.constant 16 : index
          %get3A_1273 = tpu.vector_load %arg10[%get3A_1271, %get3A_1272] {strides = array<i32>} : memref<160x128xf32, #tpu.memory_space<vmem>>, vector<1x16xf32>,
          %get3A_1274 = vector.shape_cast %get3A_1273 : vector<1x16xf32> to vector<16xf32>
          %add3A_1275 = arith.addf %add3A_1266, %get3A_1274 : vector<16xf32>
          %mul3A_1276 = arith.constant 10 : i32
          %mul3A_1277 = arith.muli %add3A_1133, %mul3A_1276 : i32
          %add3A_1278 = arith.constant 6 : i32
          %add3A_1279 = arith.addi %mul3A_1277, %add3A_1278 : i32
          %get3A_1280 = arith.index_cast %add3A_1279 : i32 to index
          %get3A_1281 = arith.constant 16 : index
          %get3A_1282 = tpu.vector_load %arg10[%get3A_1280, %get3A_1281] {strides = array<i32>} : memref<160x128xf32, #tpu.memory_space<vmem>>, vector<1x16xf32>,
          %get3A_1283 = vector.shape_cast %get3A_1282 : vector<1x16xf32> to vector<16xf32>
          %add3A_1284 = arith.addf %add3A_1275, %get3A_1283 : vector<16xf32>
          %mul3A_1285 = arith.constant 10 : i32
          %mul3A_1286 = arith.muli %add3A_1133, %mul3A_1285 : i32
          %add3A_1287 = arith.constant 7 : i32
          %add3A_1288 = arith.addi %mul3A_1286, %add3A_1287 : i32
          %get3A_1289 = arith.index_cast %add3A_1288 : i32 to index
          %get3A_1290 = arith.constant 16 : index
          %get3A_1291 = tpu.vector_load %arg10[%get3A_1289, %get3A_1290] {strides = array<i32>} : memref<160x128xf32, #tpu.memory_space<vmem>>, vector<1x16xf32>,
          %get3A_1292 = vector.shape_cast %get3A_1291 : vector<1x16xf32> to vector<16xf32>
          %add3A_1293 = arith.addf %add3A_1284, %get3A_1292 : vector<16xf32>
          %mul3A_1294 = arith.constant 10 : i32
          %mul3A_1295 = arith.muli %add3A_1133, %mul3A_1294 : i32
          %add3A_1296 = arith.constant 8 : i32
          %add3A_1297 = arith.addi %mul3A_1295, %add3A_1296 : i32
          %get3A_1298 = arith.index_cast %add3A_1297 : i32 to index
          %get3A_1299 = arith.constant 16 : index
          %get3A_1300 = tpu.vector_load %arg10[%get3A_1298, %get3A_1299] {strides = array<i32>} : memref<160x128xf32, #tpu.memory_space<vmem>>, vector<1x16xf32>,
          %get3A_1301 = vector.shape_cast %get3A_1300 : vector<1x16xf32> to vector<16xf32>
          %add3A_1302 = arith.addf %add3A_1293, %get3A_1301 : vector<16xf32>
          %mul3A_1303 = arith.constant 10 : i32
          %mul3A_1304 = arith.muli %add3A_1133, %mul3A_1303 : i32
          %add3A_1305 = arith.constant 9 : i32
          %add3A_1306 = arith.addi %mul3A_1304, %add3A_1305 : i32
          %get3A_1307 = arith.index_cast %add3A_1306 : i32 to index
          %get3A_1308 = arith.constant 16 : index
          %get3A_1309 = tpu.vector_load %arg10[%get3A_1307, %get3A_1308] {strides = array<i32>} : memref<160x128xf32, #tpu.memory_space<vmem>>, vector<1x16xf32>,
          %get3A_1310 = vector.shape_cast %get3A_1309 : vector<1x16xf32> to vector<16xf32>
          %add3A_1311 = arith.addf %add3A_1302, %get3A_1310 : vector<16xf32>
          %swap3A_1312 = arith.index_cast %add3A_1133 : i32 to index
          %swap3A_1313 = arith.constant 16 : index
          %swap3A_1314 = tpu.vector_load %arg13[%swap3A_1312, %swap3A_1313] {strides = array<i32>} : memref<16x128xf32, #tpu.memory_space<vmem>>, vector<1x16xf32>,
          %swap3A_1315 = vector.shape_cast %swap3A_1314 : vector<1x16xf32> to vector<16xf32>
          %swap3A_1316 = vector.shape_cast %add3A_1311 : vector<16xf32> to vector<1x16xf32>
          tpu.vector_store %arg13[%swap3A_1312, %swap3A_1313], %swap3A_1316 {strides = array<i32>} : memref<16x128xf32, #tpu.memory_space<vmem>>, vector<1x16xf32>,
          %mul3A_1317 = arith.constant 10 : i32
          %mul3A_1318 = arith.muli %add3A_1133, %mul3A_1317 : i32
          %get3A_1319 = arith.index_cast %mul3A_1318 : i32 to index
          %get3A_1320 = arith.constant 32 : index
          %get3A_1321 = tpu.vector_load %arg10[%get3A_1319, %get3A_1320] {strides = array<i32>} : memref<160x128xf32, #tpu.memory_space<vmem>>, vector<1x16xf32>,
          %get3A_1322 = vector.shape_cast %get3A_1321 : vector<1x16xf32> to vector<16xf32>
          %mul3A_1323 = arith.constant 10 : i32
          %mul3A_1324 = arith.muli %add3A_1133, %mul3A_1323 : i32
          %add3A_1325 = arith.constant 1 : i32
          %add3A_1326 = arith.addi %mul3A_1324, %add3A_1325 : i32
          %get3A_1327 = arith.index_cast %add3A_1326 : i32 to index
          %get3A_1328 = arith.constant 32 : index
          %get3A_1329 = tpu.vector_load %arg10[%get3A_1327, %get3A_1328] {strides = array<i32>} : memref<160x128xf32, #tpu.memory_space<vmem>>, vector<1x16xf32>,
          %get3A_1330 = vector.shape_cast %get3A_1329 : vector<1x16xf32> to vector<16xf32>
          %add3A_1331 = arith.addf %get3A_1322, %get3A_1330 : vector<16xf32>
          %mul3A_1332 = arith.constant 10 : i32
          %mul3A_1333 = arith.muli %add3A_1133, %mul3A_1332 : i32
          %add3A_1334 = arith.constant 2 : i32
          %add3A_1335 = arith.addi %mul3A_1333, %add3A_1334 : i32
          %get3A_1336 = arith.index_cast %add3A_1335 : i32 to index
          %get3A_1337 = arith.constant 32 : index
          %get3A_1338 = tpu.vector_load %arg10[%get3A_1336, %get3A_1337] {strides = array<i32>} : memref<160x128xf32, #tpu.memory_space<vmem>>, vector<1x16xf32>,
          %get3A_1339 = vector.shape_cast %get3A_1338 : vector<1x16xf32> to vector<16xf32>
          %add3A_1340 = arith.addf %add3A_1331, %get3A_1339 : vector<16xf32>
          %mul3A_1341 = arith.constant 10 : i32
          %mul3A_1342 = arith.muli %add3A_1133, %mul3A_1341 : i32
          %add3A_1343 = arith.constant 3 : i32
          %add3A_1344 = arith.addi %mul3A_1342, %add3A_1343 : i32
          %get3A_1345 = arith.index_cast %add3A_1344 : i32 to index
          %get3A_1346 = arith.constant 32 : index
          %get3A_1347 = tpu.vector_load %arg10[%get3A_1345, %get3A_1346] {strides = array<i32>} : memref<160x128xf32, #tpu.memory_space<vmem>>, vector<1x16xf32>,
          %get3A_1348 = vector.shape_cast %get3A_1347 : vector<1x16xf32> to vector<16xf32>
          %add3A_1349 = arith.addf %add3A_1340, %get3A_1348 : vector<16xf32>
          %mul3A_1350 = arith.constant 10 : i32
          %mul3A_1351 = arith.muli %add3A_1133, %mul3A_1350 : i32
          %add3A_1352 = arith.constant 4 : i32
          %add3A_1353 = arith.addi %mul3A_1351, %add3A_1352 : i32
          %get3A_1354 = arith.index_cast %add3A_1353 : i32 to index
          %get3A_1355 = arith.constant 32 : index
          %get3A_1356 = tpu.vector_load %arg10[%get3A_1354, %get3A_1355] {strides = array<i32>} : memref<160x128xf32, #tpu.memory_space<vmem>>, vector<1x16xf32>,
          %get3A_1357 = vector.shape_cast %get3A_1356 : vector<1x16xf32> to vector<16xf32>
          %add3A_1358 = arith.addf %add3A_1349, %get3A_1357 : vector<16xf32>
          %mul3A_1359 = arith.constant 10 : i32
          %mul3A_1360 = arith.muli %add3A_1133, %mul3A_1359 : i32
          %add3A_1361 = arith.constant 5 : i32
          %add3A_1362 = arith.addi %mul3A_1360, %add3A_1361 : i32
          %get3A_1363 = arith.index_cast %add3A_1362 : i32 to index
          %get3A_1364 = arith.constant 32 : index
          %get3A_1365 = tpu.vector_load %arg10[%get3A_1363, %get3A_1364] {strides = array<i32>} : memref<160x128xf32, #tpu.memory_space<vmem>>, vector<1x16xf32>,
          %get3A_1366 = vector.shape_cast %get3A_1365 : vector<1x16xf32> to vector<16xf32>
          %add3A_1367 = arith.addf %add3A_1358, %get3A_1366 : vector<16xf32>
          %mul3A_1368 = arith.constant 10 : i32
          %mul3A_1369 = arith.muli %add3A_1133, %mul3A_1368 : i32
          %add3A_1370 = arith.constant 6 : i32
          %add3A_1371 = arith.addi %mul3A_1369, %add3A_1370 : i32
          %get3A_1372 = arith.index_cast %add3A_1371 : i32 to index
          %get3A_1373 = arith.constant 32 : index
          %get3A_1374 = tpu.vector_load %arg10[%get3A_1372, %get3A_1373] {strides = array<i32>} : memref<160x128xf32, #tpu.memory_space<vmem>>, vector<1x16xf32>,
          %get3A_1375 = vector.shape_cast %get3A_1374 : vector<1x16xf32> to vector<16xf32>
          %add3A_1376 = arith.addf %add3A_1367, %get3A_1375 : vector<16xf32>
          %mul3A_1377 = arith.constant 10 : i32
          %mul3A_1378 = arith.muli %add3A_1133, %mul3A_1377 : i32
          %add3A_1379 = arith.constant 7 : i32
          %add3A_1380 = arith.addi %mul3A_1378, %add3A_1379 : i32
          %get3A_1381 = arith.index_cast %add3A_1380 : i32 to index
          %get3A_1382 = arith.constant 32 : index
          %get3A_1383 = tpu.vector_load %arg10[%get3A_1381, %get3A_1382] {strides = array<i32>} : memref<160x128xf32, #tpu.memory_space<vmem>>, vector<1x16xf32>,
          %get3A_1384 = vector.shape_cast %get3A_1383 : vector<1x16xf32> to vector<16xf32>
          %add3A_1385 = arith.addf %add3A_1376, %get3A_1384 : vector<16xf32>
          %mul3A_1386 = arith.constant 10 : i32
          %mul3A_1387 = arith.muli %add3A_1133, %mul3A_1386 : i32
          %add3A_1388 = arith.constant 8 : i32
          %add3A_1389 = arith.addi %mul3A_1387, %add3A_1388 : i32
          %get3A_1390 = arith.index_cast %add3A_1389 : i32 to index
          %get3A_1391 = arith.constant 32 : index
          %get3A_1392 = tpu.vector_load %arg10[%get3A_1390, %get3A_1391] {strides = array<i32>} : memref<160x128xf32, #tpu.memory_space<vmem>>, vector<1x16xf32>,
          %get3A_1393 = vector.shape_cast %get3A_1392 : vector<1x16xf32> to vector<16xf32>
          %add3A_1394 = arith.addf %add3A_1385, %get3A_1393 : vector<16xf32>
          %mul3A_1395 = arith.constant 10 : i32
          %mul3A_1396 = arith.muli %add3A_1133, %mul3A_1395 : i32
          %add3A_1397 = arith.constant 9 : i32
          %add3A_1398 = arith.addi %mul3A_1396, %add3A_1397 : i32
          %get3A_1399 = arith.index_cast %add3A_1398 : i32 to index
          %get3A_1400 = arith.constant 32 : index
          %get3A_1401 = tpu.vector_load %arg10[%get3A_1399, %get3A_1400] {strides = array<i32>} : memref<160x128xf32, #tpu.memory_space<vmem>>, vector<1x16xf32>,
          %get3A_1402 = vector.shape_cast %get3A_1401 : vector<1x16xf32> to vector<16xf32>
          %add3A_1403 = arith.addf %add3A_1394, %get3A_1402 : vector<16xf32>
          %swap3A_1404 = arith.index_cast %add3A_1133 : i32 to index
          %swap3A_1405 = arith.constant 32 : index
          %swap3A_1406 = tpu.vector_load %arg13[%swap3A_1404, %swap3A_1405] {strides = array<i32>} : memref<16x128xf32, #tpu.memory_space<vmem>>, vector<1x16xf32>,
          %swap3A_1407 = vector.shape_cast %swap3A_1406 : vector<1x16xf32> to vector<16xf32>
          %swap3A_1408 = vector.shape_cast %add3A_1403 : vector<16xf32> to vector<1x16xf32>
          tpu.vector_store %arg13[%swap3A_1404, %swap3A_1405], %swap3A_1408 {strides = array<i32>} : memref<16x128xf32, #tpu.memory_space<vmem>>, vector<1x16xf32>,
          %mul3A_1409 = arith.constant 10 : i32
          %mul3A_1410 = arith.muli %add3A_1133, %mul3A_1409 : i32
          %get3A_1411 = arith.index_cast %mul3A_1410 : i32 to index
          %get3A_1412 = arith.constant 48 : index
          %get3A_1413 = tpu.vector_load %arg10[%get3A_1411, %get3A_1412] {strides = array<i32>} : memref<160x128xf32, #tpu.memory_space<vmem>>, vector<1x16xf32>,
          %get3A_1414 = vector.shape_cast %get3A_1413 : vector<1x16xf32> to vector<16xf32>
          %mul3A_1415 = arith.constant 10 : i32
          %mul3A_1416 = arith.muli %add3A_1133, %mul3A_1415 : i32
          %add3A_1417 = arith.constant 1 : i32
          %add3A_1418 = arith.addi %mul3A_1416, %add3A_1417 : i32
          %get3A_1419 = arith.index_cast %add3A_1418 : i32 to index
          %get3A_1420 = arith.constant 48 : index
          %get3A_1421 = tpu.vector_load %arg10[%get3A_1419, %get3A_1420] {strides = array<i32>} : memref<160x128xf32, #tpu.memory_space<vmem>>, vector<1x16xf32>,
          %get3A_1422 = vector.shape_cast %get3A_1421 : vector<1x16xf32> to vector<16xf32>
          %add3A_1423 = arith.addf %get3A_1414, %get3A_1422 : vector<16xf32>
          %mul3A_1424 = arith.constant 10 : i32
          %mul3A_1425 = arith.muli %add3A_1133, %mul3A_1424 : i32
          %add3A_1426 = arith.constant 2 : i32
          %add3A_1427 = arith.addi %mul3A_1425, %add3A_1426 : i32
          %get3A_1428 = arith.index_cast %add3A_1427 : i32 to index
          %get3A_1429 = arith.constant 48 : index
          %get3A_1430 = tpu.vector_load %arg10[%get3A_1428, %get3A_1429] {strides = array<i32>} : memref<160x128xf32, #tpu.memory_space<vmem>>, vector<1x16xf32>,
          %get3A_1431 = vector.shape_cast %get3A_1430 : vector<1x16xf32> to vector<16xf32>
          %add3A_1432 = arith.addf %add3A_1423, %get3A_1431 : vector<16xf32>
          %mul3A_1433 = arith.constant 10 : i32
          %mul3A_1434 = arith.muli %add3A_1133, %mul3A_1433 : i32
          %add3A_1435 = arith.constant 3 : i32
          %add3A_1436 = arith.addi %mul3A_1434, %add3A_1435 : i32
          %get3A_1437 = arith.index_cast %add3A_1436 : i32 to index
          %get3A_1438 = arith.constant 48 : index
          %get3A_1439 = tpu.vector_load %arg10[%get3A_1437, %get3A_1438] {strides = array<i32>} : memref<160x128xf32, #tpu.memory_space<vmem>>, vector<1x16xf32>,
          %get3A_1440 = vector.shape_cast %get3A_1439 : vector<1x16xf32> to vector<16xf32>
          %add3A_1441 = arith.addf %add3A_1432, %get3A_1440 : vector<16xf32>
          %mul3A_1442 = arith.constant 10 : i32
          %mul3A_1443 = arith.muli %add3A_1133, %mul3A_1442 : i32
          %add3A_1444 = arith.constant 4 : i32
          %add3A_1445 = arith.addi %mul3A_1443, %add3A_1444 : i32
          %get3A_1446 = arith.index_cast %add3A_1445 : i32 to index
          %get3A_1447 = arith.constant 48 : index
          %get3A_1448 = tpu.vector_load %arg10[%get3A_1446, %get3A_1447] {strides = array<i32>} : memref<160x128xf32, #tpu.memory_space<vmem>>, vector<1x16xf32>,
          %get3A_1449 = vector.shape_cast %get3A_1448 : vector<1x16xf32> to vector<16xf32>
          %add3A_1450 = arith.addf %add3A_1441, %get3A_1449 : vector<16xf32>
          %mul3A_1451 = arith.constant 10 : i32
          %mul3A_1452 = arith.muli %add3A_1133, %mul3A_1451 : i32
          %add3A_1453 = arith.constant 5 : i32
          %add3A_1454 = arith.addi %mul3A_1452, %add3A_1453 : i32
          %get3A_1455 = arith.index_cast %add3A_1454 : i32 to index
          %get3A_1456 = arith.constant 48 : index
          %get3A_1457 = tpu.vector_load %arg10[%get3A_1455, %get3A_1456] {strides = array<i32>} : memref<160x128xf32, #tpu.memory_space<vmem>>, vector<1x16xf32>,
          %get3A_1458 = vector.shape_cast %get3A_1457 : vector<1x16xf32> to vector<16xf32>
          %add3A_1459 = arith.addf %add3A_1450, %get3A_1458 : vector<16xf32>
          %mul3A_1460 = arith.constant 10 : i32
          %mul3A_1461 = arith.muli %add3A_1133, %mul3A_1460 : i32
          %add3A_1462 = arith.constant 6 : i32
          %add3A_1463 = arith.addi %mul3A_1461, %add3A_1462 : i32
          %get3A_1464 = arith.index_cast %add3A_1463 : i32 to index
          %get3A_1465 = arith.constant 48 : index
          %get3A_1466 = tpu.vector_load %arg10[%get3A_1464, %get3A_1465] {strides = array<i32>} : memref<160x128xf32, #tpu.memory_space<vmem>>, vector<1x16xf32>,
          %get3A_1467 = vector.shape_cast %get3A_1466 : vector<1x16xf32> to vector<16xf32>
          %add3A_1468 = arith.addf %add3A_1459, %get3A_1467 : vector<16xf32>
          %mul3A_1469 = arith.constant 10 : i32
          %mul3A_1470 = arith.muli %add3A_1133, %mul3A_1469 : i32
          %add3A_1471 = arith.constant 7 : i32
          %add3A_1472 = arith.addi %mul3A_1470, %add3A_1471 : i32
          %get3A_1473 = arith.index_cast %add3A_1472 : i32 to index
          %get3A_1474 = arith.constant 48 : index
          %get3A_1475 = tpu.vector_load %arg10[%get3A_1473, %get3A_1474] {strides = array<i32>} : memref<160x128xf32, #tpu.memory_space<vmem>>, vector<1x16xf32>,
          %get3A_1476 = vector.shape_cast %get3A_1475 : vector<1x16xf32> to vector<16xf32>
          %add3A_1477 = arith.addf %add3A_1468, %get3A_1476 : vector<16xf32>
          %mul3A_1478 = arith.constant 10 : i32
          %mul3A_1479 = arith.muli %add3A_1133, %mul3A_1478 : i32
          %add3A_1480 = arith.constant 8 : i32
          %add3A_1481 = arith.addi %mul3A_1479, %add3A_1480 : i32
          %get3A_1482 = arith.index_cast %add3A_1481 : i32 to index
          %get3A_1483 = arith.constant 48 : index
          %get3A_1484 = tpu.vector_load %arg10[%get3A_1482, %get3A_1483] {strides = array<i32>} : memref<160x128xf32, #tpu.memory_space<vmem>>, vector<1x16xf32>,
          %get3A_1485 = vector.shape_cast %get3A_1484 : vector<1x16xf32> to vector<16xf32>
          %add3A_1486 = arith.addf %add3A_1477, %get3A_1485 : vector<16xf32>
          %mul3A_1487 = arith.constant 10 : i32
          %mul3A_1488 = arith.muli %add3A_1133, %mul3A_1487 : i32
          %add3A_1489 = arith.constant 9 : i32
          %add3A_1490 = arith.addi %mul3A_1488, %add3A_1489 : i32
          %get3A_1491 = arith.index_cast %add3A_1490 : i32 to index
          %get3A_1492 = arith.constant 48 : index
          %get3A_1493 = tpu.vector_load %arg10[%get3A_1491, %get3A_1492] {strides = array<i32>} : memref<160x128xf32, #tpu.memory_space<vmem>>, vector<1x16xf32>,
          %get3A_1494 = vector.shape_cast %get3A_1493 : vector<1x16xf32> to vector<16xf32>
          %add3A_1495 = arith.addf %add3A_1486, %get3A_1494 : vector<16xf32>
          %swap3A_1496 = arith.index_cast %add3A_1133 : i32 to index
          %swap3A_1497 = arith.constant 48 : index
          %swap3A_1498 = tpu.vector_load %arg13[%swap3A_1496, %swap3A_1497] {strides = array<i32>} : memref<16x128xf32, #tpu.memory_space<vmem>>, vector<1x16xf32>,
          %swap3A_1499 = vector.shape_cast %swap3A_1498 : vector<1x16xf32> to vector<16xf32>
          %swap3A_1500 = vector.shape_cast %add3A_1495 : vector<16xf32> to vector<1x16xf32>
          tpu.vector_store %arg13[%swap3A_1496, %swap3A_1497], %swap3A_1500 {strides = array<i32>} : memref<16x128xf32, #tpu.memory_space<vmem>>, vector<1x16xf32>,
          %mul3A_1501 = arith.constant 10 : i32
          %mul3A_1502 = arith.muli %add3A_1133, %mul3A_1501 : i32
          %get3A_1503 = arith.index_cast %mul3A_1502 : i32 to index
          %get3A_1504 = arith.constant 64 : index
          %get3A_1505 = tpu.vector_load %arg10[%get3A_1503, %get3A_1504] {strides = array<i32>} : memref<160x128xf32, #tpu.memory_space<vmem>>, vector<1x16xf32>,
          %get3A_1506 = vector.shape_cast %get3A_1505 : vector<1x16xf32> to vector<16xf32>
          %mul3A_1507 = arith.constant 10 : i32
          %mul3A_1508 = arith.muli %add3A_1133, %mul3A_1507 : i32
          %add3A_1509 = arith.constant 1 : i32
          %add3A_1510 = arith.addi %mul3A_1508, %add3A_1509 : i32
          %get3A_1511 = arith.index_cast %add3A_1510 : i32 to index
          %get3A_1512 = arith.constant 64 : index
          %get3A_1513 = tpu.vector_load %arg10[%get3A_1511, %get3A_1512] {strides = array<i32>} : memref<160x128xf32, #tpu.memory_space<vmem>>, vector<1x16xf32>,
          %get3A_1514 = vector.shape_cast %get3A_1513 : vector<1x16xf32> to vector<16xf32>
          %add3A_1515 = arith.addf %get3A_1506, %get3A_1514 : vector<16xf32>
          %mul3A_1516 = arith.constant 10 : i32
          %mul3A_1517 = arith.muli %add3A_1133, %mul3A_1516 : i32
          %add3A_1518 = arith.constant 2 : i32
          %add3A_1519 = arith.addi %mul3A_1517, %add3A_1518 : i32
          %get3A_1520 = arith.index_cast %add3A_1519 : i32 to index
          %get3A_1521 = arith.constant 64 : index
          %get3A_1522 = tpu.vector_load %arg10[%get3A_1520, %get3A_1521] {strides = array<i32>} : memref<160x128xf32, #tpu.memory_space<vmem>>, vector<1x16xf32>,
          %get3A_1523 = vector.shape_cast %get3A_1522 : vector<1x16xf32> to vector<16xf32>
          %add3A_1524 = arith.addf %add3A_1515, %get3A_1523 : vector<16xf32>
          %mul3A_1525 = arith.constant 10 : i32
          %mul3A_1526 = arith.muli %add3A_1133, %mul3A_1525 : i32
          %add3A_1527 = arith.constant 3 : i32
          %add3A_1528 = arith.addi %mul3A_1526, %add3A_1527 : i32
          %get3A_1529 = arith.index_cast %add3A_1528 : i32 to index
          %get3A_1530 = arith.constant 64 : index
          %get3A_1531 = tpu.vector_load %arg10[%get3A_1529, %get3A_1530] {strides = array<i32>} : memref<160x128xf32, #tpu.memory_space<vmem>>, vector<1x16xf32>,
          %get3A_1532 = vector.shape_cast %get3A_1531 : vector<1x16xf32> to vector<16xf32>
          %add3A_1533 = arith.addf %add3A_1524, %get3A_1532 : vector<16xf32>
          %mul3A_1534 = arith.constant 10 : i32
          %mul3A_1535 = arith.muli %add3A_1133, %mul3A_1534 : i32
          %add3A_1536 = arith.constant 4 : i32
          %add3A_1537 = arith.addi %mul3A_1535, %add3A_1536 : i32
          %get3A_1538 = arith.index_cast %add3A_1537 : i32 to index
          %get3A_1539 = arith.constant 64 : index
          %get3A_1540 = tpu.vector_load %arg10[%get3A_1538, %get3A_1539] {strides = array<i32>} : memref<160x128xf32, #tpu.memory_space<vmem>>, vector<1x16xf32>,
          %get3A_1541 = vector.shape_cast %get3A_1540 : vector<1x16xf32> to vector<16xf32>
          %add3A_1542 = arith.addf %add3A_1533, %get3A_1541 : vector<16xf32>
          %mul3A_1543 = arith.constant 10 : i32
          %mul3A_1544 = arith.muli %add3A_1133, %mul3A_1543 : i32
          %add3A_1545 = arith.constant 5 : i32
          %add3A_1546 = arith.addi %mul3A_1544, %add3A_1545 : i32
          %get3A_1547 = arith.index_cast %add3A_1546 : i32 to index
          %get3A_1548 = arith.constant 64 : index
          %get3A_1549 = tpu.vector_load %arg10[%get3A_1547, %get3A_1548] {strides = array<i32>} : memref<160x128xf32, #tpu.memory_space<vmem>>, vector<1x16xf32>,
          %get3A_1550 = vector.shape_cast %get3A_1549 : vector<1x16xf32> to vector<16xf32>
          %add3A_1551 = arith.addf %add3A_1542, %get3A_1550 : vector<16xf32>
          %mul3A_1552 = arith.constant 10 : i32
          %mul3A_1553 = arith.muli %add3A_1133, %mul3A_1552 : i32
          %add3A_1554 = arith.constant 6 : i32
          %add3A_1555 = arith.addi %mul3A_1553, %add3A_1554 : i32
          %get3A_1556 = arith.index_cast %add3A_1555 : i32 to index
          %get3A_1557 = arith.constant 64 : index
          %get3A_1558 = tpu.vector_load %arg10[%get3A_1556, %get3A_1557] {strides = array<i32>} : memref<160x128xf32, #tpu.memory_space<vmem>>, vector<1x16xf32>,
          %get3A_1559 = vector.shape_cast %get3A_1558 : vector<1x16xf32> to vector<16xf32>
          %add3A_1560 = arith.addf %add3A_1551, %get3A_1559 : vector<16xf32>
          %mul3A_1561 = arith.constant 10 : i32
          %mul3A_1562 = arith.muli %add3A_1133, %mul3A_1561 : i32
          %add3A_1563 = arith.constant 7 : i32
          %add3A_1564 = arith.addi %mul3A_1562, %add3A_1563 : i32
          %get3A_1565 = arith.index_cast %add3A_1564 : i32 to index
          %get3A_1566 = arith.constant 64 : index
          %get3A_1567 = tpu.vector_load %arg10[%get3A_1565, %get3A_1566] {strides = array<i32>} : memref<160x128xf32, #tpu.memory_space<vmem>>, vector<1x16xf32>,
          %get3A_1568 = vector.shape_cast %get3A_1567 : vector<1x16xf32> to vector<16xf32>
          %add3A_1569 = arith.addf %add3A_1560, %get3A_1568 : vector<16xf32>
          %mul3A_1570 = arith.constant 10 : i32
          %mul3A_1571 = arith.muli %add3A_1133, %mul3A_1570 : i32
          %add3A_1572 = arith.constant 8 : i32
          %add3A_1573 = arith.addi %mul3A_1571, %add3A_1572 : i32
          %get3A_1574 = arith.index_cast %add3A_1573 : i32 to index
          %get3A_1575 = arith.constant 64 : index
          %get3A_1576 = tpu.vector_load %arg10[%get3A_1574, %get3A_1575] {strides = array<i32>} : memref<160x128xf32, #tpu.memory_space<vmem>>, vector<1x16xf32>,
          %get3A_1577 = vector.shape_cast %get3A_1576 : vector<1x16xf32> to vector<16xf32>
          %add3A_1578 = arith.addf %add3A_1569, %get3A_1577 : vector<16xf32>
          %mul3A_1579 = arith.constant 10 : i32
          %mul3A_1580 = arith.muli %add3A_1133, %mul3A_1579 : i32
          %add3A_1581 = arith.constant 9 : i32
          %add3A_1582 = arith.addi %mul3A_1580, %add3A_1581 : i32
          %get3A_1583 = arith.index_cast %add3A_1582 : i32 to index
          %get3A_1584 = arith.constant 64 : index
          %get3A_1585 = tpu.vector_load %arg10[%get3A_1583, %get3A_1584] {strides = array<i32>} : memref<160x128xf32, #tpu.memory_space<vmem>>, vector<1x16xf32>,
          %get3A_1586 = vector.shape_cast %get3A_1585 : vector<1x16xf32> to vector<16xf32>
          %add3A_1587 = arith.addf %add3A_1578, %get3A_1586 : vector<16xf32>
          %swap3A_1588 = arith.index_cast %add3A_1133 : i32 to index
          %swap3A_1589 = arith.constant 64 : index
          %swap3A_1590 = tpu.vector_load %arg13[%swap3A_1588, %swap3A_1589] {strides = array<i32>} : memref<16x128xf32, #tpu.memory_space<vmem>>, vector<1x16xf32>,
          %swap3A_1591 = vector.shape_cast %swap3A_1590 : vector<1x16xf32> to vector<16xf32>
          %swap3A_1592 = vector.shape_cast %add3A_1587 : vector<16xf32> to vector<1x16xf32>
          tpu.vector_store %arg13[%swap3A_1588, %swap3A_1589], %swap3A_1592 {strides = array<i32>} : memref<16x128xf32, #tpu.memory_space<vmem>>, vector<1x16xf32>,
          %mul3A_1593 = arith.constant 10 : i32
          %mul3A_1594 = arith.muli %add3A_1133, %mul3A_1593 : i32
          %get3A_1595 = arith.index_cast %mul3A_1594 : i32 to index
          %get3A_1596 = arith.constant 80 : index
          %get3A_1597 = tpu.vector_load %arg10[%get3A_1595, %get3A_1596] {strides = array<i32>} : memref<160x128xf32, #tpu.memory_space<vmem>>, vector<1x16xf32>,
          %get3A_1598 = vector.shape_cast %get3A_1597 : vector<1x16xf32> to vector<16xf32>
          %mul3A_1599 = arith.constant 10 : i32
          %mul3A_1600 = arith.muli %add3A_1133, %mul3A_1599 : i32
          %add3A_1601 = arith.constant 1 : i32
          %add3A_1602 = arith.addi %mul3A_1600, %add3A_1601 : i32
          %get3A_1603 = arith.index_cast %add3A_1602 : i32 to index
          %get3A_1604 = arith.constant 80 : index
          %get3A_1605 = tpu.vector_load %arg10[%get3A_1603, %get3A_1604] {strides = array<i32>} : memref<160x128xf32, #tpu.memory_space<vmem>>, vector<1x16xf32>,
          %get3A_1606 = vector.shape_cast %get3A_1605 : vector<1x16xf32> to vector<16xf32>
          %add3A_1607 = arith.addf %get3A_1598, %get3A_1606 : vector<16xf32>
          %mul3A_1608 = arith.constant 10 : i32
          %mul3A_1609 = arith.muli %add3A_1133, %mul3A_1608 : i32
          %add3A_1610 = arith.constant 2 : i32
          %add3A_1611 = arith.addi %mul3A_1609, %add3A_1610 : i32
          %get3A_1612 = arith.index_cast %add3A_1611 : i32 to index
          %get3A_1613 = arith.constant 80 : index
          %get3A_1614 = tpu.vector_load %arg10[%get3A_1612, %get3A_1613] {strides = array<i32>} : memref<160x128xf32, #tpu.memory_space<vmem>>, vector<1x16xf32>,
          %get3A_1615 = vector.shape_cast %get3A_1614 : vector<1x16xf32> to vector<16xf32>
          %add3A_1616 = arith.addf %add3A_1607, %get3A_1615 : vector<16xf32>
          %mul3A_1617 = arith.constant 10 : i32
          %mul3A_1618 = arith.muli %add3A_1133, %mul3A_1617 : i32
          %add3A_1619 = arith.constant 3 : i32
          %add3A_1620 = arith.addi %mul3A_1618, %add3A_1619 : i32
          %get3A_1621 = arith.index_cast %add3A_1620 : i32 to index
          %get3A_1622 = arith.constant 80 : index
          %get3A_1623 = tpu.vector_load %arg10[%get3A_1621, %get3A_1622] {strides = array<i32>} : memref<160x128xf32, #tpu.memory_space<vmem>>, vector<1x16xf32>,
          %get3A_1624 = vector.shape_cast %get3A_1623 : vector<1x16xf32> to vector<16xf32>
          %add3A_1625 = arith.addf %add3A_1616, %get3A_1624 : vector<16xf32>
          %mul3A_1626 = arith.constant 10 : i32
          %mul3A_1627 = arith.muli %add3A_1133, %mul3A_1626 : i32
          %add3A_1628 = arith.constant 4 : i32
          %add3A_1629 = arith.addi %mul3A_1627, %add3A_1628 : i32
          %get3A_1630 = arith.index_cast %add3A_1629 : i32 to index
          %get3A_1631 = arith.constant 80 : index
          %get3A_1632 = tpu.vector_load %arg10[%get3A_1630, %get3A_1631] {strides = array<i32>} : memref<160x128xf32, #tpu.memory_space<vmem>>, vector<1x16xf32>,
          %get3A_1633 = vector.shape_cast %get3A_1632 : vector<1x16xf32> to vector<16xf32>
          %add3A_1634 = arith.addf %add3A_1625, %get3A_1633 : vector<16xf32>
          %mul3A_1635 = arith.constant 10 : i32
          %mul3A_1636 = arith.muli %add3A_1133, %mul3A_1635 : i32
          %add3A_1637 = arith.constant 5 : i32
          %add3A_1638 = arith.addi %mul3A_1636, %add3A_1637 : i32
          %get3A_1639 = arith.index_cast %add3A_1638 : i32 to index
          %get3A_1640 = arith.constant 80 : index
          %get3A_1641 = tpu.vector_load %arg10[%get3A_1639, %get3A_1640] {strides = array<i32>} : memref<160x128xf32, #tpu.memory_space<vmem>>, vector<1x16xf32>,
          %get3A_1642 = vector.shape_cast %get3A_1641 : vector<1x16xf32> to vector<16xf32>
          %add3A_1643 = arith.addf %add3A_1634, %get3A_1642 : vector<16xf32>
          %mul3A_1644 = arith.constant 10 : i32
          %mul3A_1645 = arith.muli %add3A_1133, %mul3A_1644 : i32
          %add3A_1646 = arith.constant 6 : i32
          %add3A_1647 = arith.addi %mul3A_1645, %add3A_1646 : i32
          %get3A_1648 = arith.index_cast %add3A_1647 : i32 to index
          %get3A_1649 = arith.constant 80 : index
          %get3A_1650 = tpu.vector_load %arg10[%get3A_1648, %get3A_1649] {strides = array<i32>} : memref<160x128xf32, #tpu.memory_space<vmem>>, vector<1x16xf32>,
          %get3A_1651 = vector.shape_cast %get3A_1650 : vector<1x16xf32> to vector<16xf32>
          %add3A_1652 = arith.addf %add3A_1643, %get3A_1651 : vector<16xf32>
          %mul3A_1653 = arith.constant 10 : i32
          %mul3A_1654 = arith.muli %add3A_1133, %mul3A_1653 : i32
          %add3A_1655 = arith.constant 7 : i32
          %add3A_1656 = arith.addi %mul3A_1654, %add3A_1655 : i32
          %get3A_1657 = arith.index_cast %add3A_1656 : i32 to index
          %get3A_1658 = arith.constant 80 : index
          %get3A_1659 = tpu.vector_load %arg10[%get3A_1657, %get3A_1658] {strides = array<i32>} : memref<160x128xf32, #tpu.memory_space<vmem>>, vector<1x16xf32>,
          %get3A_1660 = vector.shape_cast %get3A_1659 : vector<1x16xf32> to vector<16xf32>
          %add3A_1661 = arith.addf %add3A_1652, %get3A_1660 : vector<16xf32>
          %mul3A_1662 = arith.constant 10 : i32
          %mul3A_1663 = arith.muli %add3A_1133, %mul3A_1662 : i32
          %add3A_1664 = arith.constant 8 : i32
          %add3A_1665 = arith.addi %mul3A_1663, %add3A_1664 : i32
          %get3A_1666 = arith.index_cast %add3A_1665 : i32 to index
          %get3A_1667 = arith.constant 80 : index
          %get3A_1668 = tpu.vector_load %arg10[%get3A_1666, %get3A_1667] {strides = array<i32>} : memref<160x128xf32, #tpu.memory_space<vmem>>, vector<1x16xf32>,
          %get3A_1669 = vector.shape_cast %get3A_1668 : vector<1x16xf32> to vector<16xf32>
          %add3A_1670 = arith.addf %add3A_1661, %get3A_1669 : vector<16xf32>
          %mul3A_1671 = arith.constant 10 : i32
          %mul3A_1672 = arith.muli %add3A_1133, %mul3A_1671 : i32
          %add3A_1673 = arith.constant 9 : i32
          %add3A_1674 = arith.addi %mul3A_1672, %add3A_1673 : i32
          %get3A_1675 = arith.index_cast %add3A_1674 : i32 to index
          %get3A_1676 = arith.constant 80 : index
          %get3A_1677 = tpu.vector_load %arg10[%get3A_1675, %get3A_1676] {strides = array<i32>} : memref<160x128xf32, #tpu.memory_space<vmem>>, vector<1x16xf32>,
          %get3A_1678 = vector.shape_cast %get3A_1677 : vector<1x16xf32> to vector<16xf32>
          %add3A_1679 = arith.addf %add3A_1670, %get3A_1678 : vector<16xf32>
          %swap3A_1680 = arith.index_cast %add3A_1133 : i32 to index
          %swap3A_1681 = arith.constant 80 : index
          %swap3A_1682 = tpu.vector_load %arg13[%swap3A_1680, %swap3A_1681] {strides = array<i32>} : memref<16x128xf32, #tpu.memory_space<vmem>>, vector<1x16xf32>,
          %swap3A_1683 = vector.shape_cast %swap3A_1682 : vector<1x16xf32> to vector<16xf32>
          %swap3A_1684 = vector.shape_cast %add3A_1679 : vector<16xf32> to vector<1x16xf32>
          tpu.vector_store %arg13[%swap3A_1680, %swap3A_1681], %swap3A_1684 {strides = array<i32>} : memref<16x128xf32, #tpu.memory_space<vmem>>, vector<1x16xf32>,
          %mul3A_1685 = arith.constant 10 : i32
          %mul3A_1686 = arith.muli %add3A_1133, %mul3A_1685 : i32
          %get3A_1687 = arith.index_cast %mul3A_1686 : i32 to index
          %get3A_1688 = arith.constant 96 : index
          %get3A_1689 = tpu.vector_load %arg10[%get3A_1687, %get3A_1688] {strides = array<i32>} : memref<160x128xf32, #tpu.memory_space<vmem>>, vector<1x16xf32>,
          %get3A_1690 = vector.shape_cast %get3A_1689 : vector<1x16xf32> to vector<16xf32>
          %mul3A_1691 = arith.constant 10 : i32
          %mul3A_1692 = arith.muli %add3A_1133, %mul3A_1691 : i32
          %add3A_1693 = arith.constant 1 : i32
          %add3A_1694 = arith.addi %mul3A_1692, %add3A_1693 : i32
          %get3A_1695 = arith.index_cast %add3A_1694 : i32 to index
          %get3A_1696 = arith.constant 96 : index
          %get3A_1697 = tpu.vector_load %arg10[%get3A_1695, %get3A_1696] {strides = array<i32>} : memref<160x128xf32, #tpu.memory_space<vmem>>, vector<1x16xf32>,
          %get3A_1698 = vector.shape_cast %get3A_1697 : vector<1x16xf32> to vector<16xf32>
          %add3A_1699 = arith.addf %get3A_1690, %get3A_1698 : vector<16xf32>
          %mul3A_1700 = arith.constant 10 : i32
          %mul3A_1701 = arith.muli %add3A_1133, %mul3A_1700 : i32
          %add3A_1702 = arith.constant 2 : i32
          %add3A_1703 = arith.addi %mul3A_1701, %add3A_1702 : i32
          %get3A_1704 = arith.index_cast %add3A_1703 : i32 to index
          %get3A_1705 = arith.constant 96 : index
          %get3A_1706 = tpu.vector_load %arg10[%get3A_1704, %get3A_1705] {strides = array<i32>} : memref<160x128xf32, #tpu.memory_space<vmem>>, vector<1x16xf32>,
          %get3A_1707 = vector.shape_cast %get3A_1706 : vector<1x16xf32> to vector<16xf32>
          %add3A_1708 = arith.addf %add3A_1699, %get3A_1707 : vector<16xf32>
          %mul3A_1709 = arith.constant 10 : i32
          %mul3A_1710 = arith.muli %add3A_1133, %mul3A_1709 : i32
          %add3A_1711 = arith.constant 3 : i32
          %add3A_1712 = arith.addi %mul3A_1710, %add3A_1711 : i32
          %get3A_1713 = arith.index_cast %add3A_1712 : i32 to index
          %get3A_1714 = arith.constant 96 : index
          %get3A_1715 = tpu.vector_load %arg10[%get3A_1713, %get3A_1714] {strides = array<i32>} : memref<160x128xf32, #tpu.memory_space<vmem>>, vector<1x16xf32>,
          %get3A_1716 = vector.shape_cast %get3A_1715 : vector<1x16xf32> to vector<16xf32>
          %add3A_1717 = arith.addf %add3A_1708, %get3A_1716 : vector<16xf32>
          %mul3A_1718 = arith.constant 10 : i32
          %mul3A_1719 = arith.muli %add3A_1133, %mul3A_1718 : i32
          %add3A_1720 = arith.constant 4 : i32
          %add3A_1721 = arith.addi %mul3A_1719, %add3A_1720 : i32
          %get3A_1722 = arith.index_cast %add3A_1721 : i32 to index
          %get3A_1723 = arith.constant 96 : index
          %get3A_1724 = tpu.vector_load %arg10[%get3A_1722, %get3A_1723] {strides = array<i32>} : memref<160x128xf32, #tpu.memory_space<vmem>>, vector<1x16xf32>,
          %get3A_1725 = vector.shape_cast %get3A_1724 : vector<1x16xf32> to vector<16xf32>
          %add3A_1726 = arith.addf %add3A_1717, %get3A_1725 : vector<16xf32>
          %mul3A_1727 = arith.constant 10 : i32
          %mul3A_1728 = arith.muli %add3A_1133, %mul3A_1727 : i32
          %add3A_1729 = arith.constant 5 : i32
          %add3A_1730 = arith.addi %mul3A_1728, %add3A_1729 : i32
          %get3A_1731 = arith.index_cast %add3A_1730 : i32 to index
          %get3A_1732 = arith.constant 96 : index
          %get3A_1733 = tpu.vector_load %arg10[%get3A_1731, %get3A_1732] {strides = array<i32>} : memref<160x128xf32, #tpu.memory_space<vmem>>, vector<1x16xf32>,
          %get3A_1734 = vector.shape_cast %get3A_1733 : vector<1x16xf32> to vector<16xf32>
          %add3A_1735 = arith.addf %add3A_1726, %get3A_1734 : vector<16xf32>
          %mul3A_1736 = arith.constant 10 : i32
          %mul3A_1737 = arith.muli %add3A_1133, %mul3A_1736 : i32
          %add3A_1738 = arith.constant 6 : i32
          %add3A_1739 = arith.addi %mul3A_1737, %add3A_1738 : i32
          %get3A_1740 = arith.index_cast %add3A_1739 : i32 to index
          %get3A_1741 = arith.constant 96 : index
          %get3A_1742 = tpu.vector_load %arg10[%get3A_1740, %get3A_1741] {strides = array<i32>} : memref<160x128xf32, #tpu.memory_space<vmem>>, vector<1x16xf32>,
          %get3A_1743 = vector.shape_cast %get3A_1742 : vector<1x16xf32> to vector<16xf32>
          %add3A_1744 = arith.addf %add3A_1735, %get3A_1743 : vector<16xf32>
          %mul3A_1745 = arith.constant 10 : i32
          %mul3A_1746 = arith.muli %add3A_1133, %mul3A_1745 : i32
          %add3A_1747 = arith.constant 7 : i32
          %add3A_1748 = arith.addi %mul3A_1746, %add3A_1747 : i32
          %get3A_1749 = arith.index_cast %add3A_1748 : i32 to index
          %get3A_1750 = arith.constant 96 : index
          %get3A_1751 = tpu.vector_load %arg10[%get3A_1749, %get3A_1750] {strides = array<i32>} : memref<160x128xf32, #tpu.memory_space<vmem>>, vector<1x16xf32>,
          %get3A_1752 = vector.shape_cast %get3A_1751 : vector<1x16xf32> to vector<16xf32>
          %add3A_1753 = arith.addf %add3A_1744, %get3A_1752 : vector<16xf32>
          %mul3A_1754 = arith.constant 10 : i32
          %mul3A_1755 = arith.muli %add3A_1133, %mul3A_1754 : i32
          %add3A_1756 = arith.constant 8 : i32
          %add3A_1757 = arith.addi %mul3A_1755, %add3A_1756 : i32
          %get3A_1758 = arith.index_cast %add3A_1757 : i32 to index
          %get3A_1759 = arith.constant 96 : index
          %get3A_1760 = tpu.vector_load %arg10[%get3A_1758, %get3A_1759] {strides = array<i32>} : memref<160x128xf32, #tpu.memory_space<vmem>>, vector<1x16xf32>,
          %get3A_1761 = vector.shape_cast %get3A_1760 : vector<1x16xf32> to vector<16xf32>
          %add3A_1762 = arith.addf %add3A_1753, %get3A_1761 : vector<16xf32>
          %mul3A_1763 = arith.constant 10 : i32
          %mul3A_1764 = arith.muli %add3A_1133, %mul3A_1763 : i32
          %add3A_1765 = arith.constant 9 : i32
          %add3A_1766 = arith.addi %mul3A_1764, %add3A_1765 : i32
          %get3A_1767 = arith.index_cast %add3A_1766 : i32 to index
          %get3A_1768 = arith.constant 96 : index
          %get3A_1769 = tpu.vector_load %arg10[%get3A_1767, %get3A_1768] {strides = array<i32>} : memref<160x128xf32, #tpu.memory_space<vmem>>, vector<1x16xf32>,
          %get3A_1770 = vector.shape_cast %get3A_1769 : vector<1x16xf32> to vector<16xf32>
          %add3A_1771 = arith.addf %add3A_1762, %get3A_1770 : vector<16xf32>
          %swap3A_1772 = arith.index_cast %add3A_1133 : i32 to index
          %swap3A_1773 = arith.constant 96 : index
          %swap3A_1774 = tpu.vector_load %arg13[%swap3A_1772, %swap3A_1773] {strides = array<i32>} : memref<16x128xf32, #tpu.memory_space<vmem>>, vector<1x16xf32>,
          %swap3A_1775 = vector.shape_cast %swap3A_1774 : vector<1x16xf32> to vector<16xf32>
          %swap3A_1776 = vector.shape_cast %add3A_1771 : vector<16xf32> to vector<1x16xf32>
          tpu.vector_store %arg13[%swap3A_1772, %swap3A_1773], %swap3A_1776 {strides = array<i32>} : memref<16x128xf32, #tpu.memory_space<vmem>>, vector<1x16xf32>,
          %mul3A_1777 = arith.constant 10 : i32
          %mul3A_1778 = arith.muli %add3A_1133, %mul3A_1777 : i32
          %get3A_1779 = arith.index_cast %mul3A_1778 : i32 to index
          %get3A_1780 = arith.constant 112 : index
          %get3A_1781 = tpu.vector_load %arg10[%get3A_1779, %get3A_1780] {strides = array<i32>} : memref<160x128xf32, #tpu.memory_space<vmem>>, vector<1x16xf32>,
          %get3A_1782 = vector.shape_cast %get3A_1781 : vector<1x16xf32> to vector<16xf32>
          %mul3A_1783 = arith.constant 10 : i32
          %mul3A_1784 = arith.muli %add3A_1133, %mul3A_1783 : i32
          %add3A_1785 = arith.constant 1 : i32
          %add3A_1786 = arith.addi %mul3A_1784, %add3A_1785 : i32
          %get3A_1787 = arith.index_cast %add3A_1786 : i32 to index
          %get3A_1788 = arith.constant 112 : index
          %get3A_1789 = tpu.vector_load %arg10[%get3A_1787, %get3A_1788] {strides = array<i32>} : memref<160x128xf32, #tpu.memory_space<vmem>>, vector<1x16xf32>,
          %get3A_1790 = vector.shape_cast %get3A_1789 : vector<1x16xf32> to vector<16xf32>
          %add3A_1791 = arith.addf %get3A_1782, %get3A_1790 : vector<16xf32>
          %mul3A_1792 = arith.constant 10 : i32
          %mul3A_1793 = arith.muli %add3A_1133, %mul3A_1792 : i32
          %add3A_1794 = arith.constant 2 : i32
          %add3A_1795 = arith.addi %mul3A_1793, %add3A_1794 : i32
          %get3A_1796 = arith.index_cast %add3A_1795 : i32 to index
          %get3A_1797 = arith.constant 112 : index
          %get3A_1798 = tpu.vector_load %arg10[%get3A_1796, %get3A_1797] {strides = array<i32>} : memref<160x128xf32, #tpu.memory_space<vmem>>, vector<1x16xf32>,
          %get3A_1799 = vector.shape_cast %get3A_1798 : vector<1x16xf32> to vector<16xf32>
          %add3A_1800 = arith.addf %add3A_1791, %get3A_1799 : vector<16xf32>
          %mul3A_1801 = arith.constant 10 : i32
          %mul3A_1802 = arith.muli %add3A_1133, %mul3A_1801 : i32
          %add3A_1803 = arith.constant 3 : i32
          %add3A_1804 = arith.addi %mul3A_1802, %add3A_1803 : i32
          %get3A_1805 = arith.index_cast %add3A_1804 : i32 to index
          %get3A_1806 = arith.constant 112 : index
          %get3A_1807 = tpu.vector_load %arg10[%get3A_1805, %get3A_1806] {strides = array<i32>} : memref<160x128xf32, #tpu.memory_space<vmem>>, vector<1x16xf32>,
          %get3A_1808 = vector.shape_cast %get3A_1807 : vector<1x16xf32> to vector<16xf32>
          %add3A_1809 = arith.addf %add3A_1800, %get3A_1808 : vector<16xf32>
          %mul3A_1810 = arith.constant 10 : i32
          %mul3A_1811 = arith.muli %add3A_1133, %mul3A_1810 : i32
          %add3A_1812 = arith.constant 4 : i32
          %add3A_1813 = arith.addi %mul3A_1811, %add3A_1812 : i32
          %get3A_1814 = arith.index_cast %add3A_1813 : i32 to index
          %get3A_1815 = arith.constant 112 : index
          %get3A_1816 = tpu.vector_load %arg10[%get3A_1814, %get3A_1815] {strides = array<i32>} : memref<160x128xf32, #tpu.memory_space<vmem>>, vector<1x16xf32>,
          %get3A_1817 = vector.shape_cast %get3A_1816 : vector<1x16xf32> to vector<16xf32>
          %add3A_1818 = arith.addf %add3A_1809, %get3A_1817 : vector<16xf32>
          %mul3A_1819 = arith.constant 10 : i32
          %mul3A_1820 = arith.muli %add3A_1133, %mul3A_1819 : i32
          %add3A_1821 = arith.constant 5 : i32
          %add3A_1822 = arith.addi %mul3A_1820, %add3A_1821 : i32
          %get3A_1823 = arith.index_cast %add3A_1822 : i32 to index
          %get3A_1824 = arith.constant 112 : index
          %get3A_1825 = tpu.vector_load %arg10[%get3A_1823, %get3A_1824] {strides = array<i32>} : memref<160x128xf32, #tpu.memory_space<vmem>>, vector<1x16xf32>,
          %get3A_1826 = vector.shape_cast %get3A_1825 : vector<1x16xf32> to vector<16xf32>
          %add3A_1827 = arith.addf %add3A_1818, %get3A_1826 : vector<16xf32>
          %mul3A_1828 = arith.constant 10 : i32
          %mul3A_1829 = arith.muli %add3A_1133, %mul3A_1828 : i32
          %add3A_1830 = arith.constant 6 : i32
          %add3A_1831 = arith.addi %mul3A_1829, %add3A_1830 : i32
          %get3A_1832 = arith.index_cast %add3A_1831 : i32 to index
          %get3A_1833 = arith.constant 112 : index
          %get3A_1834 = tpu.vector_load %arg10[%get3A_1832, %get3A_1833] {strides = array<i32>} : memref<160x128xf32, #tpu.memory_space<vmem>>, vector<1x16xf32>,
          %get3A_1835 = vector.shape_cast %get3A_1834 : vector<1x16xf32> to vector<16xf32>
          %add3A_1836 = arith.addf %add3A_1827, %get3A_1835 : vector<16xf32>
          %mul3A_1837 = arith.constant 10 : i32
          %mul3A_1838 = arith.muli %add3A_1133, %mul3A_1837 : i32
          %add3A_1839 = arith.constant 7 : i32
          %add3A_1840 = arith.addi %mul3A_1838, %add3A_1839 : i32
          %get3A_1841 = arith.index_cast %add3A_1840 : i32 to index
          %get3A_1842 = arith.constant 112 : index
          %get3A_1843 = tpu.vector_load %arg10[%get3A_1841, %get3A_1842] {strides = array<i32>} : memref<160x128xf32, #tpu.memory_space<vmem>>, vector<1x16xf32>,
          %get3A_1844 = vector.shape_cast %get3A_1843 : vector<1x16xf32> to vector<16xf32>
          %add3A_1845 = arith.addf %add3A_1836, %get3A_1844 : vector<16xf32>
          %mul3A_1846 = arith.constant 10 : i32
          %mul3A_1847 = arith.muli %add3A_1133, %mul3A_1846 : i32
          %add3A_1848 = arith.constant 8 : i32
          %add3A_1849 = arith.addi %mul3A_1847, %add3A_1848 : i32
          %get3A_1850 = arith.index_cast %add3A_1849 : i32 to index
          %get3A_1851 = arith.constant 112 : index
          %get3A_1852 = tpu.vector_load %arg10[%get3A_1850, %get3A_1851] {strides = array<i32>} : memref<160x128xf32, #tpu.memory_space<vmem>>, vector<1x16xf32>,
          %get3A_1853 = vector.shape_cast %get3A_1852 : vector<1x16xf32> to vector<16xf32>
          %add3A_1854 = arith.addf %add3A_1845, %get3A_1853 : vector<16xf32>
          %mul3A_1855 = arith.constant 10 : i32
          %mul3A_1856 = arith.muli %add3A_1133, %mul3A_1855 : i32
          %add3A_1857 = arith.constant 9 : i32
          %add3A_1858 = arith.addi %mul3A_1856, %add3A_1857 : i32
          %get3A_1859 = arith.index_cast %add3A_1858 : i32 to index
          %get3A_1860 = arith.constant 112 : index
          %get3A_1861 = tpu.vector_load %arg10[%get3A_1859, %get3A_1860] {strides = array<i32>} : memref<160x128xf32, #tpu.memory_space<vmem>>, vector<1x16xf32>,
          %get3A_1862 = vector.shape_cast %get3A_1861 : vector<1x16xf32> to vector<16xf32>
          %add3A_1863 = arith.addf %add3A_1854, %get3A_1862 : vector<16xf32>
          %swap3A_1864 = arith.index_cast %add3A_1133 : i32 to index
          %swap3A_1865 = arith.constant 112 : index
          %swap3A_1866 = tpu.vector_load %arg13[%swap3A_1864, %swap3A_1865] {strides = array<i32>} : memref<16x128xf32, #tpu.memory_space<vmem>>, vector<1x16xf32>,
          %swap3A_1867 = vector.shape_cast %swap3A_1866 : vector<1x16xf32> to vector<16xf32>
          %swap3A_1868 = vector.shape_cast %add3A_1863 : vector<16xf32> to vector<1x16xf32>
          tpu.vector_store %arg13[%swap3A_1864, %swap3A_1865], %swap3A_1868 {strides = array<i32>} : memref<16x128xf32, #tpu.memory_space<vmem>>, vector<1x16xf32>,
        }
        %scan3A_1118 = arith.constant 16 : i32
        %mul3A_1119 = arith.constant 2 : i32
        %mul3A_1120 = arith.muli %mul3A_1119, %add3A_1061 : i32
        %add3A_1121 = arith.addi %mul3A_1120, %arg0 : i32
        %mul3A_1122 = arith.constant 16 : i32
        %mul3A_1123 = arith.muli %add3A_1121, %mul3A_1122 : i32
        %add3A_1124 = arith.addi %mul3A_0, %mul3A_1123 : i32
        %dma_start3A_1125 = arith.constant 0 : i32
        %dma_start3A_1126 = tpu.memref_slice %arg6[%add3A_1124, %dma_start3A_1125] : memref<10240x128xf32, #tpu.memory_space<hbm>> -> memref<16x128xf32, #tpu.memory_space<hbm>>
        %dma_start3A_1127 = arith.constant 0 : i32
        %dma_start3A_1128 = tpu.memref_slice %arg6[%add3A_1124, %dma_start3A_1127] : memref<10240x128xf32, #tpu.memory_space<hbm>> -> memref<16x128xf32, #tpu.memory_space<hbm>>
        tpu.enqueue_dma source(%arg13 : memref<16x128xf32, #tpu.memory_space<vmem>>) target(%dma_start3A_1128 : memref<16x128xf32, #tpu.memory_space<hbm>>) target_semaphore(%arg19 : memref<!tpu.dma_semaphore, #tpu.memory_space<semaphore_mem>>)
      } else {
      }
      %add3A_1072 = arith.constant 1 : i32
      %add3A_1073 = arith.addi %add3A_1059, %add3A_1072 : i32
      %add3A_1074 = arith.constant 3 : i32
      %add3A_1075 = arith.addi %add3A_1073, %add3A_1074 : i32
      %sub3A_1076 = arith.constant 1 : i32
      %sub3A_1077 = arith.subi %add3A_1075, %sub3A_1076 : i32
      %lt3A_1078 = arith.constant 20 : i32
      %lt3A_1079 = arith.cmpi slt, %sub3A_1077, %lt3A_1078 : i32
      %convert_element_type3A_1080 = arith.extui %lt3A_1079 : i1 to i32
      %cond3A_1081 = arith.constant 0 : i32
      %cond3A_1082 = arith.cmpi ne, %convert_element_type3A_1080, %cond3A_1081 : i32
      scf.if %cond3A_1082 {
        %add3A_1104 = arith.constant 3 : i32
        %add3A_1105 = arith.addi %add3A_1073, %add3A_1104 : i32
        %sub3A_1106 = arith.constant 1 : i32
        %sub3A_1107 = arith.subi %add3A_1105, %sub3A_1106 : i32
        %mul3A_1108 = arith.constant 2 : i32
        %mul3A_1109 = arith.muli %mul3A_1108, %sub3A_1107 : i32
        %add3A_1110 = arith.addi %mul3A_1109, %arg0 : i32
        %mul3A_1111 = arith.constant 160 : i32
        %mul3A_1112 = arith.muli %add3A_1110, %mul3A_1111 : i32
        %add3A_1113 = arith.constant 0 : i32
        %add3A_1114 = arith.addi %mul3A_1112, %add3A_1113 : i32
        %get3A_1115 = arith.index_cast %add3A_1114 : i32 to index
        %get3A_1116 = tpu.vector_load %arg8[%get3A_1115] {strides = array<i32>} : memref<6400xi32, #tpu.memory_space<vmem>>, vector<16xi32>,
        %get3A_1117 = vector.shape_cast %get3A_1116 : vector<16xi32> to vector<16xi32>
        %dma_start3A_1118 = arith.constant 0 : i32
        %dma_start3A_1119 = arith.constant 0 : i32
        %dma_start3A_1120 = tpu.memref_slice %arg10[%dma_start3A_1118, %dma_start3A_1119] : memref<160x128xf32, #tpu.memory_space<vmem>> -> memref<16x128xf32, #tpu.memory_space<vmem>>
        %dma_start3A_1121 = arith.constant 0 : i32
        %dma_start3A_1122 = arith.constant 0 : i32
        %dma_start3A_1123 = tpu.memref_slice %arg4[%dma_start3A_1121, %dma_start3A_1122] : memref<100000x128xf32, #tpu.memory_space<hbm>> -> memref<100000x128xf32, #tpu.memory_space<hbm>>
        tpu.enqueue_indirect_dma source(%dma_start3A_1123 : memref<100000x128xf32, #tpu.memory_space<hbm>>) target(%dma_start3A_1120 : memref<16x128xf32, #tpu.memory_space<vmem>>) offsets(%get3A_1117 : vector<16xi32>) semaphore(%arg16 : memref<!tpu.dma_semaphore, #tpu.memory_space<semaphore_mem>>)
        %add3A_1124 = arith.constant 16 : i32
        %add3A_1125 = arith.addi %mul3A_1112, %add3A_1124 : i32
        %get3A_1126 = arith.index_cast %add3A_1125 : i32 to index
        %get3A_1127 = tpu.vector_load %arg8[%get3A_1126] {strides = array<i32>} : memref<6400xi32, #tpu.memory_space<vmem>>, vector<16xi32>,
        %get3A_1128 = vector.shape_cast %get3A_1127 : vector<16xi32> to vector<16xi32>
        %dma_start3A_1129 = arith.constant 16 : i32
        %dma_start3A_1130 = arith.constant 0 : i32
        %dma_start3A_1131 = tpu.memref_slice %arg10[%dma_start3A_1129, %dma_start3A_1130] : memref<160x128xf32, #tpu.memory_space<vmem>> -> memref<16x128xf32, #tpu.memory_space<vmem>>
        %dma_start3A_1132 = arith.constant 0 : i32
        %dma_start3A_1133 = arith.constant 0 : i32
        %dma_start3A_1134 = tpu.memref_slice %arg4[%dma_start3A_1132, %dma_start3A_1133] : memref<100000x128xf32, #tpu.memory_space<hbm>> -> memref<100000x128xf32, #tpu.memory_space<hbm>>
        tpu.enqueue_indirect_dma source(%dma_start3A_1134 : memref<100000x128xf32, #tpu.memory_space<hbm>>) target(%dma_start3A_1131 : memref<16x128xf32, #tpu.memory_space<vmem>>) offsets(%get3A_1128 : vector<16xi32>) semaphore(%arg16 : memref<!tpu.dma_semaphore, #tpu.memory_space<semaphore_mem>>)
        %add3A_1135 = arith.constant 32 : i32
        %add3A_1136 = arith.addi %mul3A_1112, %add3A_1135 : i32
        %get3A_1137 = arith.index_cast %add3A_1136 : i32 to index
        %get3A_1138 = tpu.vector_load %arg8[%get3A_1137] {strides = array<i32>} : memref<6400xi32, #tpu.memory_space<vmem>>, vector<16xi32>,
        %get3A_1139 = vector.shape_cast %get3A_1138 : vector<16xi32> to vector<16xi32>
        %dma_start3A_1140 = arith.constant 32 : i32
        %dma_start3A_1141 = arith.constant 0 : i32
        %dma_start3A_1142 = tpu.memref_slice %arg10[%dma_start3A_1140, %dma_start3A_1141] : memref<160x128xf32, #tpu.memory_space<vmem>> -> memref<16x128xf32, #tpu.memory_space<vmem>>
        %dma_start3A_1143 = arith.constant 0 : i32
        %dma_start3A_1144 = arith.constant 0 : i32
        %dma_start3A_1145 = tpu.memref_slice %arg4[%dma_start3A_1143, %dma_start3A_1144] : memref<100000x128xf32, #tpu.memory_space<hbm>> -> memref<100000x128xf32, #tpu.memory_space<hbm>>
        tpu.enqueue_indirect_dma source(%dma_start3A_1145 : memref<100000x128xf32, #tpu.memory_space<hbm>>) target(%dma_start3A_1142 : memref<16x128xf32, #tpu.memory_space<vmem>>) offsets(%get3A_1139 : vector<16xi32>) semaphore(%arg16 : memref<!tpu.dma_semaphore, #tpu.memory_space<semaphore_mem>>)
        %add3A_1146 = arith.constant 48 : i32
        %add3A_1147 = arith.addi %mul3A_1112, %add3A_1146 : i32
        %get3A_1148 = arith.index_cast %add3A_1147 : i32 to index
        %get3A_1149 = tpu.vector_load %arg8[%get3A_1148] {strides = array<i32>} : memref<6400xi32, #tpu.memory_space<vmem>>, vector<16xi32>,
        %get3A_1150 = vector.shape_cast %get3A_1149 : vector<16xi32> to vector<16xi32>
        %dma_start3A_1151 = arith.constant 48 : i32
        %dma_start3A_1152 = arith.constant 0 : i32
        %dma_start3A_1153 = tpu.memref_slice %arg10[%dma_start3A_1151, %dma_start3A_1152] : memref<160x128xf32, #tpu.memory_space<vmem>> -> memref<16x128xf32, #tpu.memory_space<vmem>>
        %dma_start3A_1154 = arith.constant 0 : i32
        %dma_start3A_1155 = arith.constant 0 : i32
        %dma_start3A_1156 = tpu.memref_slice %arg4[%dma_start3A_1154, %dma_start3A_1155] : memref<100000x128xf32, #tpu.memory_space<hbm>> -> memref<100000x128xf32, #tpu.memory_space<hbm>>
        tpu.enqueue_indirect_dma source(%dma_start3A_1156 : memref<100000x128xf32, #tpu.memory_space<hbm>>) target(%dma_start3A_1153 : memref<16x128xf32, #tpu.memory_space<vmem>>) offsets(%get3A_1150 : vector<16xi32>) semaphore(%arg16 : memref<!tpu.dma_semaphore, #tpu.memory_space<semaphore_mem>>)
        %add3A_1157 = arith.constant 64 : i32
        %add3A_1158 = arith.addi %mul3A_1112, %add3A_1157 : i32
        %get3A_1159 = arith.index_cast %add3A_1158 : i32 to index
        %get3A_1160 = tpu.vector_load %arg8[%get3A_1159] {strides = array<i32>} : memref<6400xi32, #tpu.memory_space<vmem>>, vector<16xi32>,
        %get3A_1161 = vector.shape_cast %get3A_1160 : vector<16xi32> to vector<16xi32>
        %dma_start3A_1162 = arith.constant 64 : i32
        %dma_start3A_1163 = arith.constant 0 : i32
        %dma_start3A_1164 = tpu.memref_slice %arg10[%dma_start3A_1162, %dma_start3A_1163] : memref<160x128xf32, #tpu.memory_space<vmem>> -> memref<16x128xf32, #tpu.memory_space<vmem>>
        %dma_start3A_1165 = arith.constant 0 : i32
        %dma_start3A_1166 = arith.constant 0 : i32
        %dma_start3A_1167 = tpu.memref_slice %arg4[%dma_start3A_1165, %dma_start3A_1166] : memref<100000x128xf32, #tpu.memory_space<hbm>> -> memref<100000x128xf32, #tpu.memory_space<hbm>>
        tpu.enqueue_indirect_dma source(%dma_start3A_1167 : memref<100000x128xf32, #tpu.memory_space<hbm>>) target(%dma_start3A_1164 : memref<16x128xf32, #tpu.memory_space<vmem>>) offsets(%get3A_1161 : vector<16xi32>) semaphore(%arg16 : memref<!tpu.dma_semaphore, #tpu.memory_space<semaphore_mem>>)
        %add3A_1168 = arith.constant 80 : i32
        %add3A_1169 = arith.addi %mul3A_1112, %add3A_1168 : i32
        %get3A_1170 = arith.index_cast %add3A_1169 : i32 to index
        %get3A_1171 = tpu.vector_load %arg8[%get3A_1170] {strides = array<i32>} : memref<6400xi32, #tpu.memory_space<vmem>>, vector<16xi32>,
        %get3A_1172 = vector.shape_cast %get3A_1171 : vector<16xi32> to vector<16xi32>
        %dma_start3A_1173 = arith.constant 80 : i32
        %dma_start3A_1174 = arith.constant 0 : i32
        %dma_start3A_1175 = tpu.memref_slice %arg10[%dma_start3A_1173, %dma_start3A_1174] : memref<160x128xf32, #tpu.memory_space<vmem>> -> memref<16x128xf32, #tpu.memory_space<vmem>>
        %dma_start3A_1176 = arith.constant 0 : i32
        %dma_start3A_1177 = arith.constant 0 : i32
        %dma_start3A_1178 = tpu.memref_slice %arg4[%dma_start3A_1176, %dma_start3A_1177] : memref<100000x128xf32, #tpu.memory_space<hbm>> -> memref<100000x128xf32, #tpu.memory_space<hbm>>
        tpu.enqueue_indirect_dma source(%dma_start3A_1178 : memref<100000x128xf32, #tpu.memory_space<hbm>>) target(%dma_start3A_1175 : memref<16x128xf32, #tpu.memory_space<vmem>>) offsets(%get3A_1172 : vector<16xi32>) semaphore(%arg16 : memref<!tpu.dma_semaphore, #tpu.memory_space<semaphore_mem>>)
        %add3A_1179 = arith.constant 96 : i32
        %add3A_1180 = arith.addi %mul3A_1112, %add3A_1179 : i32
        %get3A_1181 = arith.index_cast %add3A_1180 : i32 to index
        %get3A_1182 = tpu.vector_load %arg8[%get3A_1181] {strides = array<i32>} : memref<6400xi32, #tpu.memory_space<vmem>>, vector<16xi32>,
        %get3A_1183 = vector.shape_cast %get3A_1182 : vector<16xi32> to vector<16xi32>
        %dma_start3A_1184 = arith.constant 96 : i32
        %dma_start3A_1185 = arith.constant 0 : i32
        %dma_start3A_1186 = tpu.memref_slice %arg10[%dma_start3A_1184, %dma_start3A_1185] : memref<160x128xf32, #tpu.memory_space<vmem>> -> memref<16x128xf32, #tpu.memory_space<vmem>>
        %dma_start3A_1187 = arith.constant 0 : i32
        %dma_start3A_1188 = arith.constant 0 : i32
        %dma_start3A_1189 = tpu.memref_slice %arg4[%dma_start3A_1187, %dma_start3A_1188] : memref<100000x128xf32, #tpu.memory_space<hbm>> -> memref<100000x128xf32, #tpu.memory_space<hbm>>
        tpu.enqueue_indirect_dma source(%dma_start3A_1189 : memref<100000x128xf32, #tpu.memory_space<hbm>>) target(%dma_start3A_1186 : memref<16x128xf32, #tpu.memory_space<vmem>>) offsets(%get3A_1183 : vector<16xi32>) semaphore(%arg16 : memref<!tpu.dma_semaphore, #tpu.memory_space<semaphore_mem>>)
        %add3A_1190 = arith.constant 112 : i32
        %add3A_1191 = arith.addi %mul3A_1112, %add3A_1190 : i32
        %get3A_1192 = arith.index_cast %add3A_1191 : i32 to index
        %get3A_1193 = tpu.vector_load %arg8[%get3A_1192] {strides = array<i32>} : memref<6400xi32, #tpu.memory_space<vmem>>, vector<16xi32>,
        %get3A_1194 = vector.shape_cast %get3A_1193 : vector<16xi32> to vector<16xi32>
        %dma_start3A_1195 = arith.constant 112 : i32
        %dma_start3A_1196 = arith.constant 0 : i32
        %dma_start3A_1197 = tpu.memref_slice %arg10[%dma_start3A_1195, %dma_start3A_1196] : memref<160x128xf32, #tpu.memory_space<vmem>> -> memref<16x128xf32, #tpu.memory_space<vmem>>
        %dma_start3A_1198 = arith.constant 0 : i32
        %dma_start3A_1199 = arith.constant 0 : i32
        %dma_start3A_1200 = tpu.memref_slice %arg4[%dma_start3A_1198, %dma_start3A_1199] : memref<100000x128xf32, #tpu.memory_space<hbm>> -> memref<100000x128xf32, #tpu.memory_space<hbm>>
        tpu.enqueue_indirect_dma source(%dma_start3A_1200 : memref<100000x128xf32, #tpu.memory_space<hbm>>) target(%dma_start3A_1197 : memref<16x128xf32, #tpu.memory_space<vmem>>) offsets(%get3A_1194 : vector<16xi32>) semaphore(%arg16 : memref<!tpu.dma_semaphore, #tpu.memory_space<semaphore_mem>>)
        %add3A_1201 = arith.constant 128 : i32
        %add3A_1202 = arith.addi %mul3A_1112, %add3A_1201 : i32
        %get3A_1203 = arith.index_cast %add3A_1202 : i32 to index
        %get3A_1204 = tpu.vector_load %arg8[%get3A_1203] {strides = array<i32>} : memref<6400xi32, #tpu.memory_space<vmem>>, vector<16xi32>,
        %get3A_1205 = vector.shape_cast %get3A_1204 : vector<16xi32> to vector<16xi32>
        %dma_start3A_1206 = arith.constant 128 : i32
        %dma_start3A_1207 = arith.constant 0 : i32
        %dma_start3A_1208 = tpu.memref_slice %arg10[%dma_start3A_1206, %dma_start3A_1207] : memref<160x128xf32, #tpu.memory_space<vmem>> -> memref<16x128xf32, #tpu.memory_space<vmem>>
        %dma_start3A_1209 = arith.constant 0 : i32
        %dma_start3A_1210 = arith.constant 0 : i32
        %dma_start3A_1211 = tpu.memref_slice %arg4[%dma_start3A_1209, %dma_start3A_1210] : memref<100000x128xf32, #tpu.memory_space<hbm>> -> memref<100000x128xf32, #tpu.memory_space<hbm>>
        tpu.enqueue_indirect_dma source(%dma_start3A_1211 : memref<100000x128xf32, #tpu.memory_space<hbm>>) target(%dma_start3A_1208 : memref<16x128xf32, #tpu.memory_space<vmem>>) offsets(%get3A_1205 : vector<16xi32>) semaphore(%arg16 : memref<!tpu.dma_semaphore, #tpu.memory_space<semaphore_mem>>)
        %add3A_1212 = arith.constant 144 : i32
        %add3A_1213 = arith.addi %mul3A_1112, %add3A_1212 : i32
        %get3A_1214 = arith.index_cast %add3A_1213 : i32 to index
        %get3A_1215 = tpu.vector_load %arg8[%get3A_1214] {strides = array<i32>} : memref<6400xi32, #tpu.memory_space<vmem>>, vector<16xi32>,
        %get3A_1216 = vector.shape_cast %get3A_1215 : vector<16xi32> to vector<16xi32>
        %dma_start3A_1217 = arith.constant 144 : i32
        %dma_start3A_1218 = arith.constant 0 : i32
        %dma_start3A_1219 = tpu.memref_slice %arg10[%dma_start3A_1217, %dma_start3A_1218] : memref<160x128xf32, #tpu.memory_space<vmem>> -> memref<16x128xf32, #tpu.memory_space<vmem>>
        %dma_start3A_1220 = arith.constant 0 : i32
        %dma_start3A_1221 = arith.constant 0 : i32
        %dma_start3A_1222 = tpu.memref_slice %arg4[%dma_start3A_1220, %dma_start3A_1221] : memref<100000x128xf32, #tpu.memory_space<hbm>> -> memref<100000x128xf32, #tpu.memory_space<hbm>>
        tpu.enqueue_indirect_dma source(%dma_start3A_1222 : memref<100000x128xf32, #tpu.memory_space<hbm>>) target(%dma_start3A_1219 : memref<16x128xf32, #tpu.memory_space<vmem>>) offsets(%get3A_1216 : vector<16xi32>) semaphore(%arg16 : memref<!tpu.dma_semaphore, #tpu.memory_space<semaphore_mem>>)
      } else {
      }
      %lt3A_1083 = arith.constant 20 : i32
      %lt3A_1084 = arith.cmpi slt, %add3A_1073, %lt3A_1083 : i32
      %convert_element_type3A_1085 = arith.extui %lt3A_1084 : i1 to i32
      %cond3A_1086 = arith.constant 0 : i32
      %cond3A_1087 = arith.cmpi ne, %convert_element_type3A_1085, %cond3A_1086 : i32
      scf.if %cond3A_1087 {
        %dma_wait3A_1104 = arith.constant 0 : i32
        %dma_wait3A_1105 = arith.constant 0 : i32
        %dma_wait3A_1106 = tpu.memref_slice %arg5[%dma_wait3A_1104, %dma_wait3A_1105] : memref<10240x128xf32, #tpu.memory_space<hbm>> -> memref<160x128xf32, #tpu.memory_space<hbm>>
        %dma_wait3A_1107 = arith.constant 0 : i32
        %dma_wait3A_1108 = arith.constant 0 : i32
        %dma_wait3A_1109 = tpu.memref_slice %arg5[%dma_wait3A_1107, %dma_wait3A_1108] : memref<10240x128xf32, #tpu.memory_space<hbm>> -> memref<160x128xf32, #tpu.memory_space<hbm>>
        tpu.wait_dma2 semaphore(%arg17 : memref<!tpu.dma_semaphore, #tpu.memory_space<semaphore_mem>>) src(%dma_wait3A_1109 : memref<160x128xf32, #tpu.memory_space<hbm>>) dst(%arg11 : memref<160x128xf32, #tpu.memory_space<vmem>>)
        %gt3A = arith.constant 0 : i32
        %gt3A_1110 = arith.cmpi sgt, %add3A_1059, %gt3A : i32
        %convert_element_type3A_1111 = arith.extui %gt3A_1110 : i1 to i32
        %cond3A_1112 = arith.constant 0 : i32
        %cond3A_1113 = arith.cmpi ne, %convert_element_type3A_1111, %cond3A_1112 : i32
        scf.if %cond3A_1113 {
          %dma_wait3A_1129 = arith.constant 0 : i32
          %dma_wait3A_1130 = arith.constant 0 : i32
          %dma_wait3A_1131 = tpu.memref_slice %arg6[%dma_wait3A_1129, %dma_wait3A_1130] : memref<10240x128xf32, #tpu.memory_space<hbm>> -> memref<16x128xf32, #tpu.memory_space<hbm>>
          %dma_wait3A_1132 = arith.constant 0 : i32
          %dma_wait3A_1133 = arith.constant 0 : i32
          %dma_wait3A_1134 = tpu.memref_slice %arg6[%dma_wait3A_1132, %dma_wait3A_1133] : memref<10240x128xf32, #tpu.memory_space<hbm>> -> memref<16x128xf32, #tpu.memory_space<hbm>>
          tpu.wait_dma2 semaphore(%arg20 : memref<!tpu.dma_semaphore, #tpu.memory_space<semaphore_mem>>) src(%arg14 : memref<16x128xf32, #tpu.memory_space<vmem>>) dst(%dma_wait3A_1134 : memref<16x128xf32, #tpu.memory_space<hbm>>)
        } else {
        }
        %scan3A_1114 = arith.constant 0 : i32
        %scan3A_1115 = arith.constant 16 : i32
        %scan3A_1116 = arith.addi %scan3A_1114, %scan3A_1115 : i32
        %scan3A_1117 = arith.constant 1 : i32
        scf.for %scan3A_1129 = %scan3A_1114 to %scan3A_1116 step %scan3A_1117  : i32 {
          %mul3A_1130 = arith.constant 1 : i32
          %mul3A_1131 = arith.muli %scan3A_1129, %mul3A_1130 : i32
          %add3A_1132 = arith.constant 0 : i32
          %add3A_1133 = arith.addi %add3A_1132, %mul3A_1131 : i32
          %mul3A_1134 = arith.constant 10 : i32
          %mul3A_1135 = arith.muli %add3A_1133, %mul3A_1134 : i32
          %get3A_1136 = arith.index_cast %mul3A_1135 : i32 to index
          %get3A_1137 = arith.constant 0 : index
          %get3A_1138 = tpu.vector_load %arg11[%get3A_1136, %get3A_1137] {strides = array<i32>} : memref<160x128xf32, #tpu.memory_space<vmem>>, vector<1x16xf32>,
          %get3A_1139 = vector.shape_cast %get3A_1138 : vector<1x16xf32> to vector<16xf32>
          %mul3A_1140 = arith.constant 10 : i32
          %mul3A_1141 = arith.muli %add3A_1133, %mul3A_1140 : i32
          %add3A_1142 = arith.constant 1 : i32
          %add3A_1143 = arith.addi %mul3A_1141, %add3A_1142 : i32
          %get3A_1144 = arith.index_cast %add3A_1143 : i32 to index
          %get3A_1145 = arith.constant 0 : index
          %get3A_1146 = tpu.vector_load %arg11[%get3A_1144, %get3A_1145] {strides = array<i32>} : memref<160x128xf32, #tpu.memory_space<vmem>>, vector<1x16xf32>,
          %get3A_1147 = vector.shape_cast %get3A_1146 : vector<1x16xf32> to vector<16xf32>
          %add3A_1148 = arith.addf %get3A_1139, %get3A_1147 : vector<16xf32>
          %mul3A_1149 = arith.constant 10 : i32
          %mul3A_1150 = arith.muli %add3A_1133, %mul3A_1149 : i32
          %add3A_1151 = arith.constant 2 : i32
          %add3A_1152 = arith.addi %mul3A_1150, %add3A_1151 : i32
          %get3A_1153 = arith.index_cast %add3A_1152 : i32 to index
          %get3A_1154 = arith.constant 0 : index
          %get3A_1155 = tpu.vector_load %arg11[%get3A_1153, %get3A_1154] {strides = array<i32>} : memref<160x128xf32, #tpu.memory_space<vmem>>, vector<1x16xf32>,
          %get3A_1156 = vector.shape_cast %get3A_1155 : vector<1x16xf32> to vector<16xf32>
          %add3A_1157 = arith.addf %add3A_1148, %get3A_1156 : vector<16xf32>
          %mul3A_1158 = arith.constant 10 : i32
          %mul3A_1159 = arith.muli %add3A_1133, %mul3A_1158 : i32
          %add3A_1160 = arith.constant 3 : i32
          %add3A_1161 = arith.addi %mul3A_1159, %add3A_1160 : i32
          %get3A_1162 = arith.index_cast %add3A_1161 : i32 to index
          %get3A_1163 = arith.constant 0 : index
          %get3A_1164 = tpu.vector_load %arg11[%get3A_1162, %get3A_1163] {strides = array<i32>} : memref<160x128xf32, #tpu.memory_space<vmem>>, vector<1x16xf32>,
          %get3A_1165 = vector.shape_cast %get3A_1164 : vector<1x16xf32> to vector<16xf32>
          %add3A_1166 = arith.addf %add3A_1157, %get3A_1165 : vector<16xf32>
          %mul3A_1167 = arith.constant 10 : i32
          %mul3A_1168 = arith.muli %add3A_1133, %mul3A_1167 : i32
          %add3A_1169 = arith.constant 4 : i32
          %add3A_1170 = arith.addi %mul3A_1168, %add3A_1169 : i32
          %get3A_1171 = arith.index_cast %add3A_1170 : i32 to index
          %get3A_1172 = arith.constant 0 : index
          %get3A_1173 = tpu.vector_load %arg11[%get3A_1171, %get3A_1172] {strides = array<i32>} : memref<160x128xf32, #tpu.memory_space<vmem>>, vector<1x16xf32>,
          %get3A_1174 = vector.shape_cast %get3A_1173 : vector<1x16xf32> to vector<16xf32>
          %add3A_1175 = arith.addf %add3A_1166, %get3A_1174 : vector<16xf32>
          %mul3A_1176 = arith.constant 10 : i32
          %mul3A_1177 = arith.muli %add3A_1133, %mul3A_1176 : i32
          %add3A_1178 = arith.constant 5 : i32
          %add3A_1179 = arith.addi %mul3A_1177, %add3A_1178 : i32
          %get3A_1180 = arith.index_cast %add3A_1179 : i32 to index
          %get3A_1181 = arith.constant 0 : index
          %get3A_1182 = tpu.vector_load %arg11[%get3A_1180, %get3A_1181] {strides = array<i32>} : memref<160x128xf32, #tpu.memory_space<vmem>>, vector<1x16xf32>,
          %get3A_1183 = vector.shape_cast %get3A_1182 : vector<1x16xf32> to vector<16xf32>
          %add3A_1184 = arith.addf %add3A_1175, %get3A_1183 : vector<16xf32>
          %mul3A_1185 = arith.constant 10 : i32
          %mul3A_1186 = arith.muli %add3A_1133, %mul3A_1185 : i32
          %add3A_1187 = arith.constant 6 : i32
          %add3A_1188 = arith.addi %mul3A_1186, %add3A_1187 : i32
          %get3A_1189 = arith.index_cast %add3A_1188 : i32 to index
          %get3A_1190 = arith.constant 0 : index
          %get3A_1191 = tpu.vector_load %arg11[%get3A_1189, %get3A_1190] {strides = array<i32>} : memref<160x128xf32, #tpu.memory_space<vmem>>, vector<1x16xf32>,
          %get3A_1192 = vector.shape_cast %get3A_1191 : vector<1x16xf32> to vector<16xf32>
          %add3A_1193 = arith.addf %add3A_1184, %get3A_1192 : vector<16xf32>
          %mul3A_1194 = arith.constant 10 : i32
          %mul3A_1195 = arith.muli %add3A_1133, %mul3A_1194 : i32
          %add3A_1196 = arith.constant 7 : i32
          %add3A_1197 = arith.addi %mul3A_1195, %add3A_1196 : i32
          %get3A_1198 = arith.index_cast %add3A_1197 : i32 to index
          %get3A_1199 = arith.constant 0 : index
          %get3A_1200 = tpu.vector_load %arg11[%get3A_1198, %get3A_1199] {strides = array<i32>} : memref<160x128xf32, #tpu.memory_space<vmem>>, vector<1x16xf32>,
          %get3A_1201 = vector.shape_cast %get3A_1200 : vector<1x16xf32> to vector<16xf32>
          %add3A_1202 = arith.addf %add3A_1193, %get3A_1201 : vector<16xf32>
          %mul3A_1203 = arith.constant 10 : i32
          %mul3A_1204 = arith.muli %add3A_1133, %mul3A_1203 : i32
          %add3A_1205 = arith.constant 8 : i32
          %add3A_1206 = arith.addi %mul3A_1204, %add3A_1205 : i32
          %get3A_1207 = arith.index_cast %add3A_1206 : i32 to index
          %get3A_1208 = arith.constant 0 : index
          %get3A_1209 = tpu.vector_load %arg11[%get3A_1207, %get3A_1208] {strides = array<i32>} : memref<160x128xf32, #tpu.memory_space<vmem>>, vector<1x16xf32>,
          %get3A_1210 = vector.shape_cast %get3A_1209 : vector<1x16xf32> to vector<16xf32>
          %add3A_1211 = arith.addf %add3A_1202, %get3A_1210 : vector<16xf32>
          %mul3A_1212 = arith.constant 10 : i32
          %mul3A_1213 = arith.muli %add3A_1133, %mul3A_1212 : i32
          %add3A_1214 = arith.constant 9 : i32
          %add3A_1215 = arith.addi %mul3A_1213, %add3A_1214 : i32
          %get3A_1216 = arith.index_cast %add3A_1215 : i32 to index
          %get3A_1217 = arith.constant 0 : index
          %get3A_1218 = tpu.vector_load %arg11[%get3A_1216, %get3A_1217] {strides = array<i32>} : memref<160x128xf32, #tpu.memory_space<vmem>>, vector<1x16xf32>,
          %get3A_1219 = vector.shape_cast %get3A_1218 : vector<1x16xf32> to vector<16xf32>
          %add3A_1220 = arith.addf %add3A_1211, %get3A_1219 : vector<16xf32>
          %swap3A = arith.index_cast %add3A_1133 : i32 to index
          %swap3A_1221 = arith.constant 0 : index
          %swap3A_1222 = tpu.vector_load %arg14[%swap3A, %swap3A_1221] {strides = array<i32>} : memref<16x128xf32, #tpu.memory_space<vmem>>, vector<1x16xf32>,
          %swap3A_1223 = vector.shape_cast %swap3A_1222 : vector<1x16xf32> to vector<16xf32>
          %swap3A_1224 = vector.shape_cast %add3A_1220 : vector<16xf32> to vector<1x16xf32>
          tpu.vector_store %arg14[%swap3A, %swap3A_1221], %swap3A_1224 {strides = array<i32>} : memref<16x128xf32, #tpu.memory_space<vmem>>, vector<1x16xf32>,
          %mul3A_1225 = arith.constant 10 : i32
          %mul3A_1226 = arith.muli %add3A_1133, %mul3A_1225 : i32
          %get3A_1227 = arith.index_cast %mul3A_1226 : i32 to index
          %get3A_1228 = arith.constant 16 : index
          %get3A_1229 = tpu.vector_load %arg11[%get3A_1227, %get3A_1228] {strides = array<i32>} : memref<160x128xf32, #tpu.memory_space<vmem>>, vector<1x16xf32>,
          %get3A_1230 = vector.shape_cast %get3A_1229 : vector<1x16xf32> to vector<16xf32>
          %mul3A_1231 = arith.constant 10 : i32
          %mul3A_1232 = arith.muli %add3A_1133, %mul3A_1231 : i32
          %add3A_1233 = arith.constant 1 : i32
          %add3A_1234 = arith.addi %mul3A_1232, %add3A_1233 : i32
          %get3A_1235 = arith.index_cast %add3A_1234 : i32 to index
          %get3A_1236 = arith.constant 16 : index
          %get3A_1237 = tpu.vector_load %arg11[%get3A_1235, %get3A_1236] {strides = array<i32>} : memref<160x128xf32, #tpu.memory_space<vmem>>, vector<1x16xf32>,
          %get3A_1238 = vector.shape_cast %get3A_1237 : vector<1x16xf32> to vector<16xf32>
          %add3A_1239 = arith.addf %get3A_1230, %get3A_1238 : vector<16xf32>
          %mul3A_1240 = arith.constant 10 : i32
          %mul3A_1241 = arith.muli %add3A_1133, %mul3A_1240 : i32
          %add3A_1242 = arith.constant 2 : i32
          %add3A_1243 = arith.addi %mul3A_1241, %add3A_1242 : i32
          %get3A_1244 = arith.index_cast %add3A_1243 : i32 to index
          %get3A_1245 = arith.constant 16 : index
          %get3A_1246 = tpu.vector_load %arg11[%get3A_1244, %get3A_1245] {strides = array<i32>} : memref<160x128xf32, #tpu.memory_space<vmem>>, vector<1x16xf32>,
          %get3A_1247 = vector.shape_cast %get3A_1246 : vector<1x16xf32> to vector<16xf32>
          %add3A_1248 = arith.addf %add3A_1239, %get3A_1247 : vector<16xf32>
          %mul3A_1249 = arith.constant 10 : i32
          %mul3A_1250 = arith.muli %add3A_1133, %mul3A_1249 : i32
          %add3A_1251 = arith.constant 3 : i32
          %add3A_1252 = arith.addi %mul3A_1250, %add3A_1251 : i32
          %get3A_1253 = arith.index_cast %add3A_1252 : i32 to index
          %get3A_1254 = arith.constant 16 : index
          %get3A_1255 = tpu.vector_load %arg11[%get3A_1253, %get3A_1254] {strides = array<i32>} : memref<160x128xf32, #tpu.memory_space<vmem>>, vector<1x16xf32>,
          %get3A_1256 = vector.shape_cast %get3A_1255 : vector<1x16xf32> to vector<16xf32>
          %add3A_1257 = arith.addf %add3A_1248, %get3A_1256 : vector<16xf32>
          %mul3A_1258 = arith.constant 10 : i32
          %mul3A_1259 = arith.muli %add3A_1133, %mul3A_1258 : i32
          %add3A_1260 = arith.constant 4 : i32
          %add3A_1261 = arith.addi %mul3A_1259, %add3A_1260 : i32
          %get3A_1262 = arith.index_cast %add3A_1261 : i32 to index
          %get3A_1263 = arith.constant 16 : index
          %get3A_1264 = tpu.vector_load %arg11[%get3A_1262, %get3A_1263] {strides = array<i32>} : memref<160x128xf32, #tpu.memory_space<vmem>>, vector<1x16xf32>,
          %get3A_1265 = vector.shape_cast %get3A_1264 : vector<1x16xf32> to vector<16xf32>
          %add3A_1266 = arith.addf %add3A_1257, %get3A_1265 : vector<16xf32>
          %mul3A_1267 = arith.constant 10 : i32
          %mul3A_1268 = arith.muli %add3A_1133, %mul3A_1267 : i32
          %add3A_1269 = arith.constant 5 : i32
          %add3A_1270 = arith.addi %mul3A_1268, %add3A_1269 : i32
          %get3A_1271 = arith.index_cast %add3A_1270 : i32 to index
          %get3A_1272 = arith.constant 16 : index
          %get3A_1273 = tpu.vector_load %arg11[%get3A_1271, %get3A_1272] {strides = array<i32>} : memref<160x128xf32, #tpu.memory_space<vmem>>, vector<1x16xf32>,
          %get3A_1274 = vector.shape_cast %get3A_1273 : vector<1x16xf32> to vector<16xf32>
          %add3A_1275 = arith.addf %add3A_1266, %get3A_1274 : vector<16xf32>
          %mul3A_1276 = arith.constant 10 : i32
          %mul3A_1277 = arith.muli %add3A_1133, %mul3A_1276 : i32
          %add3A_1278 = arith.constant 6 : i32
          %add3A_1279 = arith.addi %mul3A_1277, %add3A_1278 : i32
          %get3A_1280 = arith.index_cast %add3A_1279 : i32 to index
          %get3A_1281 = arith.constant 16 : index
          %get3A_1282 = tpu.vector_load %arg11[%get3A_1280, %get3A_1281] {strides = array<i32>} : memref<160x128xf32, #tpu.memory_space<vmem>>, vector<1x16xf32>,
          %get3A_1283 = vector.shape_cast %get3A_1282 : vector<1x16xf32> to vector<16xf32>
          %add3A_1284 = arith.addf %add3A_1275, %get3A_1283 : vector<16xf32>
          %mul3A_1285 = arith.constant 10 : i32
          %mul3A_1286 = arith.muli %add3A_1133, %mul3A_1285 : i32
          %add3A_1287 = arith.constant 7 : i32
          %add3A_1288 = arith.addi %mul3A_1286, %add3A_1287 : i32
          %get3A_1289 = arith.index_cast %add3A_1288 : i32 to index
          %get3A_1290 = arith.constant 16 : index
          %get3A_1291 = tpu.vector_load %arg11[%get3A_1289, %get3A_1290] {strides = array<i32>} : memref<160x128xf32, #tpu.memory_space<vmem>>, vector<1x16xf32>,
          %get3A_1292 = vector.shape_cast %get3A_1291 : vector<1x16xf32> to vector<16xf32>
          %add3A_1293 = arith.addf %add3A_1284, %get3A_1292 : vector<16xf32>
          %mul3A_1294 = arith.constant 10 : i32
          %mul3A_1295 = arith.muli %add3A_1133, %mul3A_1294 : i32
          %add3A_1296 = arith.constant 8 : i32
          %add3A_1297 = arith.addi %mul3A_1295, %add3A_1296 : i32
          %get3A_1298 = arith.index_cast %add3A_1297 : i32 to index
          %get3A_1299 = arith.constant 16 : index
          %get3A_1300 = tpu.vector_load %arg11[%get3A_1298, %get3A_1299] {strides = array<i32>} : memref<160x128xf32, #tpu.memory_space<vmem>>, vector<1x16xf32>,
          %get3A_1301 = vector.shape_cast %get3A_1300 : vector<1x16xf32> to vector<16xf32>
          %add3A_1302 = arith.addf %add3A_1293, %get3A_1301 : vector<16xf32>
          %mul3A_1303 = arith.constant 10 : i32
          %mul3A_1304 = arith.muli %add3A_1133, %mul3A_1303 : i32
          %add3A_1305 = arith.constant 9 : i32
          %add3A_1306 = arith.addi %mul3A_1304, %add3A_1305 : i32
          %get3A_1307 = arith.index_cast %add3A_1306 : i32 to index
          %get3A_1308 = arith.constant 16 : index
          %get3A_1309 = tpu.vector_load %arg11[%get3A_1307, %get3A_1308] {strides = array<i32>} : memref<160x128xf32, #tpu.memory_space<vmem>>, vector<1x16xf32>,
          %get3A_1310 = vector.shape_cast %get3A_1309 : vector<1x16xf32> to vector<16xf32>
          %add3A_1311 = arith.addf %add3A_1302, %get3A_1310 : vector<16xf32>
          %swap3A_1312 = arith.index_cast %add3A_1133 : i32 to index
          %swap3A_1313 = arith.constant 16 : index
          %swap3A_1314 = tpu.vector_load %arg14[%swap3A_1312, %swap3A_1313] {strides = array<i32>} : memref<16x128xf32, #tpu.memory_space<vmem>>, vector<1x16xf32>,
          %swap3A_1315 = vector.shape_cast %swap3A_1314 : vector<1x16xf32> to vector<16xf32>
          %swap3A_1316 = vector.shape_cast %add3A_1311 : vector<16xf32> to vector<1x16xf32>
          tpu.vector_store %arg14[%swap3A_1312, %swap3A_1313], %swap3A_1316 {strides = array<i32>} : memref<16x128xf32, #tpu.memory_space<vmem>>, vector<1x16xf32>,
          %mul3A_1317 = arith.constant 10 : i32
          %mul3A_1318 = arith.muli %add3A_1133, %mul3A_1317 : i32
          %get3A_1319 = arith.index_cast %mul3A_1318 : i32 to index
          %get3A_1320 = arith.constant 32 : index
          %get3A_1321 = tpu.vector_load %arg11[%get3A_1319, %get3A_1320] {strides = array<i32>} : memref<160x128xf32, #tpu.memory_space<vmem>>, vector<1x16xf32>,
          %get3A_1322 = vector.shape_cast %get3A_1321 : vector<1x16xf32> to vector<16xf32>
          %mul3A_1323 = arith.constant 10 : i32
          %mul3A_1324 = arith.muli %add3A_1133, %mul3A_1323 : i32
          %add3A_1325 = arith.constant 1 : i32
          %add3A_1326 = arith.addi %mul3A_1324, %add3A_1325 : i32
          %get3A_1327 = arith.index_cast %add3A_1326 : i32 to index
          %get3A_1328 = arith.constant 32 : index
          %get3A_1329 = tpu.vector_load %arg11[%get3A_1327, %get3A_1328] {strides = array<i32>} : memref<160x128xf32, #tpu.memory_space<vmem>>, vector<1x16xf32>,
          %get3A_1330 = vector.shape_cast %get3A_1329 : vector<1x16xf32> to vector<16xf32>
          %add3A_1331 = arith.addf %get3A_1322, %get3A_1330 : vector<16xf32>
          %mul3A_1332 = arith.constant 10 : i32
          %mul3A_1333 = arith.muli %add3A_1133, %mul3A_1332 : i32
          %add3A_1334 = arith.constant 2 : i32
          %add3A_1335 = arith.addi %mul3A_1333, %add3A_1334 : i32
          %get3A_1336 = arith.index_cast %add3A_1335 : i32 to index
          %get3A_1337 = arith.constant 32 : index
          %get3A_1338 = tpu.vector_load %arg11[%get3A_1336, %get3A_1337] {strides = array<i32>} : memref<160x128xf32, #tpu.memory_space<vmem>>, vector<1x16xf32>,
          %get3A_1339 = vector.shape_cast %get3A_1338 : vector<1x16xf32> to vector<16xf32>
          %add3A_1340 = arith.addf %add3A_1331, %get3A_1339 : vector<16xf32>
          %mul3A_1341 = arith.constant 10 : i32
          %mul3A_1342 = arith.muli %add3A_1133, %mul3A_1341 : i32
          %add3A_1343 = arith.constant 3 : i32
          %add3A_1344 = arith.addi %mul3A_1342, %add3A_1343 : i32
          %get3A_1345 = arith.index_cast %add3A_1344 : i32 to index
          %get3A_1346 = arith.constant 32 : index
          %get3A_1347 = tpu.vector_load %arg11[%get3A_1345, %get3A_1346] {strides = array<i32>} : memref<160x128xf32, #tpu.memory_space<vmem>>, vector<1x16xf32>,
          %get3A_1348 = vector.shape_cast %get3A_1347 : vector<1x16xf32> to vector<16xf32>
          %add3A_1349 = arith.addf %add3A_1340, %get3A_1348 : vector<16xf32>
          %mul3A_1350 = arith.constant 10 : i32
          %mul3A_1351 = arith.muli %add3A_1133, %mul3A_1350 : i32
          %add3A_1352 = arith.constant 4 : i32
          %add3A_1353 = arith.addi %mul3A_1351, %add3A_1352 : i32
          %get3A_1354 = arith.index_cast %add3A_1353 : i32 to index
          %get3A_1355 = arith.constant 32 : index
          %get3A_1356 = tpu.vector_load %arg11[%get3A_1354, %get3A_1355] {strides = array<i32>} : memref<160x128xf32, #tpu.memory_space<vmem>>, vector<1x16xf32>,
          %get3A_1357 = vector.shape_cast %get3A_1356 : vector<1x16xf32> to vector<16xf32>
          %add3A_1358 = arith.addf %add3A_1349, %get3A_1357 : vector<16xf32>
          %mul3A_1359 = arith.constant 10 : i32
          %mul3A_1360 = arith.muli %add3A_1133, %mul3A_1359 : i32
          %add3A_1361 = arith.constant 5 : i32
          %add3A_1362 = arith.addi %mul3A_1360, %add3A_1361 : i32
          %get3A_1363 = arith.index_cast %add3A_1362 : i32 to index
          %get3A_1364 = arith.constant 32 : index
          %get3A_1365 = tpu.vector_load %arg11[%get3A_1363, %get3A_1364] {strides = array<i32>} : memref<160x128xf32, #tpu.memory_space<vmem>>, vector<1x16xf32>,
          %get3A_1366 = vector.shape_cast %get3A_1365 : vector<1x16xf32> to vector<16xf32>
          %add3A_1367 = arith.addf %add3A_1358, %get3A_1366 : vector<16xf32>
          %mul3A_1368 = arith.constant 10 : i32
          %mul3A_1369 = arith.muli %add3A_1133, %mul3A_1368 : i32
          %add3A_1370 = arith.constant 6 : i32
          %add3A_1371 = arith.addi %mul3A_1369, %add3A_1370 : i32
          %get3A_1372 = arith.index_cast %add3A_1371 : i32 to index
          %get3A_1373 = arith.constant 32 : index
          %get3A_1374 = tpu.vector_load %arg11[%get3A_1372, %get3A_1373] {strides = array<i32>} : memref<160x128xf32, #tpu.memory_space<vmem>>, vector<1x16xf32>,
          %get3A_1375 = vector.shape_cast %get3A_1374 : vector<1x16xf32> to vector<16xf32>
          %add3A_1376 = arith.addf %add3A_1367, %get3A_1375 : vector<16xf32>
          %mul3A_1377 = arith.constant 10 : i32
          %mul3A_1378 = arith.muli %add3A_1133, %mul3A_1377 : i32
          %add3A_1379 = arith.constant 7 : i32
          %add3A_1380 = arith.addi %mul3A_1378, %add3A_1379 : i32
          %get3A_1381 = arith.index_cast %add3A_1380 : i32 to index
          %get3A_1382 = arith.constant 32 : index
          %get3A_1383 = tpu.vector_load %arg11[%get3A_1381, %get3A_1382] {strides = array<i32>} : memref<160x128xf32, #tpu.memory_space<vmem>>, vector<1x16xf32>,
          %get3A_1384 = vector.shape_cast %get3A_1383 : vector<1x16xf32> to vector<16xf32>
          %add3A_1385 = arith.addf %add3A_1376, %get3A_1384 : vector<16xf32>
          %mul3A_1386 = arith.constant 10 : i32
          %mul3A_1387 = arith.muli %add3A_1133, %mul3A_1386 : i32
          %add3A_1388 = arith.constant 8 : i32
          %add3A_1389 = arith.addi %mul3A_1387, %add3A_1388 : i32
          %get3A_1390 = arith.index_cast %add3A_1389 : i32 to index
          %get3A_1391 = arith.constant 32 : index
          %get3A_1392 = tpu.vector_load %arg11[%get3A_1390, %get3A_1391] {strides = array<i32>} : memref<160x128xf32, #tpu.memory_space<vmem>>, vector<1x16xf32>,
          %get3A_1393 = vector.shape_cast %get3A_1392 : vector<1x16xf32> to vector<16xf32>
          %add3A_1394 = arith.addf %add3A_1385, %get3A_1393 : vector<16xf32>
          %mul3A_1395 = arith.constant 10 : i32
          %mul3A_1396 = arith.muli %add3A_1133, %mul3A_1395 : i32
          %add3A_1397 = arith.constant 9 : i32
          %add3A_1398 = arith.addi %mul3A_1396, %add3A_1397 : i32
          %get3A_1399 = arith.index_cast %add3A_1398 : i32 to index
          %get3A_1400 = arith.constant 32 : index
          %get3A_1401 = tpu.vector_load %arg11[%get3A_1399, %get3A_1400] {strides = array<i32>} : memref<160x128xf32, #tpu.memory_space<vmem>>, vector<1x16xf32>,
          %get3A_1402 = vector.shape_cast %get3A_1401 : vector<1x16xf32> to vector<16xf32>
          %add3A_1403 = arith.addf %add3A_1394, %get3A_1402 : vector<16xf32>
          %swap3A_1404 = arith.index_cast %add3A_1133 : i32 to index
          %swap3A_1405 = arith.constant 32 : index
          %swap3A_1406 = tpu.vector_load %arg14[%swap3A_1404, %swap3A_1405] {strides = array<i32>} : memref<16x128xf32, #tpu.memory_space<vmem>>, vector<1x16xf32>,
          %swap3A_1407 = vector.shape_cast %swap3A_1406 : vector<1x16xf32> to vector<16xf32>
          %swap3A_1408 = vector.shape_cast %add3A_1403 : vector<16xf32> to vector<1x16xf32>
          tpu.vector_store %arg14[%swap3A_1404, %swap3A_1405], %swap3A_1408 {strides = array<i32>} : memref<16x128xf32, #tpu.memory_space<vmem>>, vector<1x16xf32>,
          %mul3A_1409 = arith.constant 10 : i32
          %mul3A_1410 = arith.muli %add3A_1133, %mul3A_1409 : i32
          %get3A_1411 = arith.index_cast %mul3A_1410 : i32 to index
          %get3A_1412 = arith.constant 48 : index
          %get3A_1413 = tpu.vector_load %arg11[%get3A_1411, %get3A_1412] {strides = array<i32>} : memref<160x128xf32, #tpu.memory_space<vmem>>, vector<1x16xf32>,
          %get3A_1414 = vector.shape_cast %get3A_1413 : vector<1x16xf32> to vector<16xf32>
          %mul3A_1415 = arith.constant 10 : i32
          %mul3A_1416 = arith.muli %add3A_1133, %mul3A_1415 : i32
          %add3A_1417 = arith.constant 1 : i32
          %add3A_1418 = arith.addi %mul3A_1416, %add3A_1417 : i32
          %get3A_1419 = arith.index_cast %add3A_1418 : i32 to index
          %get3A_1420 = arith.constant 48 : index
          %get3A_1421 = tpu.vector_load %arg11[%get3A_1419, %get3A_1420] {strides = array<i32>} : memref<160x128xf32, #tpu.memory_space<vmem>>, vector<1x16xf32>,
          %get3A_1422 = vector.shape_cast %get3A_1421 : vector<1x16xf32> to vector<16xf32>
          %add3A_1423 = arith.addf %get3A_1414, %get3A_1422 : vector<16xf32>
          %mul3A_1424 = arith.constant 10 : i32
          %mul3A_1425 = arith.muli %add3A_1133, %mul3A_1424 : i32
          %add3A_1426 = arith.constant 2 : i32
          %add3A_1427 = arith.addi %mul3A_1425, %add3A_1426 : i32
          %get3A_1428 = arith.index_cast %add3A_1427 : i32 to index
          %get3A_1429 = arith.constant 48 : index
          %get3A_1430 = tpu.vector_load %arg11[%get3A_1428, %get3A_1429] {strides = array<i32>} : memref<160x128xf32, #tpu.memory_space<vmem>>, vector<1x16xf32>,
          %get3A_1431 = vector.shape_cast %get3A_1430 : vector<1x16xf32> to vector<16xf32>
          %add3A_1432 = arith.addf %add3A_1423, %get3A_1431 : vector<16xf32>
          %mul3A_1433 = arith.constant 10 : i32
          %mul3A_1434 = arith.muli %add3A_1133, %mul3A_1433 : i32
          %add3A_1435 = arith.constant 3 : i32
          %add3A_1436 = arith.addi %mul3A_1434, %add3A_1435 : i32
          %get3A_1437 = arith.index_cast %add3A_1436 : i32 to index
          %get3A_1438 = arith.constant 48 : index
          %get3A_1439 = tpu.vector_load %arg11[%get3A_1437, %get3A_1438] {strides = array<i32>} : memref<160x128xf32, #tpu.memory_space<vmem>>, vector<1x16xf32>,
          %get3A_1440 = vector.shape_cast %get3A_1439 : vector<1x16xf32> to vector<16xf32>
          %add3A_1441 = arith.addf %add3A_1432, %get3A_1440 : vector<16xf32>
          %mul3A_1442 = arith.constant 10 : i32
          %mul3A_1443 = arith.muli %add3A_1133, %mul3A_1442 : i32
          %add3A_1444 = arith.constant 4 : i32
          %add3A_1445 = arith.addi %mul3A_1443, %add3A_1444 : i32
          %get3A_1446 = arith.index_cast %add3A_1445 : i32 to index
          %get3A_1447 = arith.constant 48 : index
          %get3A_1448 = tpu.vector_load %arg11[%get3A_1446, %get3A_1447] {strides = array<i32>} : memref<160x128xf32, #tpu.memory_space<vmem>>, vector<1x16xf32>,
          %get3A_1449 = vector.shape_cast %get3A_1448 : vector<1x16xf32> to vector<16xf32>
          %add3A_1450 = arith.addf %add3A_1441, %get3A_1449 : vector<16xf32>
          %mul3A_1451 = arith.constant 10 : i32
          %mul3A_1452 = arith.muli %add3A_1133, %mul3A_1451 : i32
          %add3A_1453 = arith.constant 5 : i32
          %add3A_1454 = arith.addi %mul3A_1452, %add3A_1453 : i32
          %get3A_1455 = arith.index_cast %add3A_1454 : i32 to index
          %get3A_1456 = arith.constant 48 : index
          %get3A_1457 = tpu.vector_load %arg11[%get3A_1455, %get3A_1456] {strides = array<i32>} : memref<160x128xf32, #tpu.memory_space<vmem>>, vector<1x16xf32>,
          %get3A_1458 = vector.shape_cast %get3A_1457 : vector<1x16xf32> to vector<16xf32>
          %add3A_1459 = arith.addf %add3A_1450, %get3A_1458 : vector<16xf32>
          %mul3A_1460 = arith.constant 10 : i32
          %mul3A_1461 = arith.muli %add3A_1133, %mul3A_1460 : i32
          %add3A_1462 = arith.constant 6 : i32
          %add3A_1463 = arith.addi %mul3A_1461, %add3A_1462 : i32
          %get3A_1464 = arith.index_cast %add3A_1463 : i32 to index
          %get3A_1465 = arith.constant 48 : index
          %get3A_1466 = tpu.vector_load %arg11[%get3A_1464, %get3A_1465] {strides = array<i32>} : memref<160x128xf32, #tpu.memory_space<vmem>>, vector<1x16xf32>,
          %get3A_1467 = vector.shape_cast %get3A_1466 : vector<1x16xf32> to vector<16xf32>
          %add3A_1468 = arith.addf %add3A_1459, %get3A_1467 : vector<16xf32>
          %mul3A_1469 = arith.constant 10 : i32
          %mul3A_1470 = arith.muli %add3A_1133, %mul3A_1469 : i32
          %add3A_1471 = arith.constant 7 : i32
          %add3A_1472 = arith.addi %mul3A_1470, %add3A_1471 : i32
          %get3A_1473 = arith.index_cast %add3A_1472 : i32 to index
          %get3A_1474 = arith.constant 48 : index
          %get3A_1475 = tpu.vector_load %arg11[%get3A_1473, %get3A_1474] {strides = array<i32>} : memref<160x128xf32, #tpu.memory_space<vmem>>, vector<1x16xf32>,
          %get3A_1476 = vector.shape_cast %get3A_1475 : vector<1x16xf32> to vector<16xf32>
          %add3A_1477 = arith.addf %add3A_1468, %get3A_1476 : vector<16xf32>
          %mul3A_1478 = arith.constant 10 : i32
          %mul3A_1479 = arith.muli %add3A_1133, %mul3A_1478 : i32
          %add3A_1480 = arith.constant 8 : i32
          %add3A_1481 = arith.addi %mul3A_1479, %add3A_1480 : i32
          %get3A_1482 = arith.index_cast %add3A_1481 : i32 to index
          %get3A_1483 = arith.constant 48 : index
          %get3A_1484 = tpu.vector_load %arg11[%get3A_1482, %get3A_1483] {strides = array<i32>} : memref<160x128xf32, #tpu.memory_space<vmem>>, vector<1x16xf32>,
          %get3A_1485 = vector.shape_cast %get3A_1484 : vector<1x16xf32> to vector<16xf32>
          %add3A_1486 = arith.addf %add3A_1477, %get3A_1485 : vector<16xf32>
          %mul3A_1487 = arith.constant 10 : i32
          %mul3A_1488 = arith.muli %add3A_1133, %mul3A_1487 : i32
          %add3A_1489 = arith.constant 9 : i32
          %add3A_1490 = arith.addi %mul3A_1488, %add3A_1489 : i32
          %get3A_1491 = arith.index_cast %add3A_1490 : i32 to index
          %get3A_1492 = arith.constant 48 : index
          %get3A_1493 = tpu.vector_load %arg11[%get3A_1491, %get3A_1492] {strides = array<i32>} : memref<160x128xf32, #tpu.memory_space<vmem>>, vector<1x16xf32>,
          %get3A_1494 = vector.shape_cast %get3A_1493 : vector<1x16xf32> to vector<16xf32>
          %add3A_1495 = arith.addf %add3A_1486, %get3A_1494 : vector<16xf32>
          %swap3A_1496 = arith.index_cast %add3A_1133 : i32 to index
          %swap3A_1497 = arith.constant 48 : index
          %swap3A_1498 = tpu.vector_load %arg14[%swap3A_1496, %swap3A_1497] {strides = array<i32>} : memref<16x128xf32, #tpu.memory_space<vmem>>, vector<1x16xf32>,
          %swap3A_1499 = vector.shape_cast %swap3A_1498 : vector<1x16xf32> to vector<16xf32>
          %swap3A_1500 = vector.shape_cast %add3A_1495 : vector<16xf32> to vector<1x16xf32>
          tpu.vector_store %arg14[%swap3A_1496, %swap3A_1497], %swap3A_1500 {strides = array<i32>} : memref<16x128xf32, #tpu.memory_space<vmem>>, vector<1x16xf32>,
          %mul3A_1501 = arith.constant 10 : i32
          %mul3A_1502 = arith.muli %add3A_1133, %mul3A_1501 : i32
          %get3A_1503 = arith.index_cast %mul3A_1502 : i32 to index
          %get3A_1504 = arith.constant 64 : index
          %get3A_1505 = tpu.vector_load %arg11[%get3A_1503, %get3A_1504] {strides = array<i32>} : memref<160x128xf32, #tpu.memory_space<vmem>>, vector<1x16xf32>,
          %get3A_1506 = vector.shape_cast %get3A_1505 : vector<1x16xf32> to vector<16xf32>
          %mul3A_1507 = arith.constant 10 : i32
          %mul3A_1508 = arith.muli %add3A_1133, %mul3A_1507 : i32
          %add3A_1509 = arith.constant 1 : i32
          %add3A_1510 = arith.addi %mul3A_1508, %add3A_1509 : i32
          %get3A_1511 = arith.index_cast %add3A_1510 : i32 to index
          %get3A_1512 = arith.constant 64 : index
          %get3A_1513 = tpu.vector_load %arg11[%get3A_1511, %get3A_1512] {strides = array<i32>} : memref<160x128xf32, #tpu.memory_space<vmem>>, vector<1x16xf32>,
          %get3A_1514 = vector.shape_cast %get3A_1513 : vector<1x16xf32> to vector<16xf32>
          %add3A_1515 = arith.addf %get3A_1506, %get3A_1514 : vector<16xf32>
          %mul3A_1516 = arith.constant 10 : i32
          %mul3A_1517 = arith.muli %add3A_1133, %mul3A_1516 : i32
          %add3A_1518 = arith.constant 2 : i32
          %add3A_1519 = arith.addi %mul3A_1517, %add3A_1518 : i32
          %get3A_1520 = arith.index_cast %add3A_1519 : i32 to index
          %get3A_1521 = arith.constant 64 : index
          %get3A_1522 = tpu.vector_load %arg11[%get3A_1520, %get3A_1521] {strides = array<i32>} : memref<160x128xf32, #tpu.memory_space<vmem>>, vector<1x16xf32>,
          %get3A_1523 = vector.shape_cast %get3A_1522 : vector<1x16xf32> to vector<16xf32>
          %add3A_1524 = arith.addf %add3A_1515, %get3A_1523 : vector<16xf32>
          %mul3A_1525 = arith.constant 10 : i32
          %mul3A_1526 = arith.muli %add3A_1133, %mul3A_1525 : i32
          %add3A_1527 = arith.constant 3 : i32
          %add3A_1528 = arith.addi %mul3A_1526, %add3A_1527 : i32
          %get3A_1529 = arith.index_cast %add3A_1528 : i32 to index
          %get3A_1530 = arith.constant 64 : index
          %get3A_1531 = tpu.vector_load %arg11[%get3A_1529, %get3A_1530] {strides = array<i32>} : memref<160x128xf32, #tpu.memory_space<vmem>>, vector<1x16xf32>,
          %get3A_1532 = vector.shape_cast %get3A_1531 : vector<1x16xf32> to vector<16xf32>
          %add3A_1533 = arith.addf %add3A_1524, %get3A_1532 : vector<16xf32>
          %mul3A_1534 = arith.constant 10 : i32
          %mul3A_1535 = arith.muli %add3A_1133, %mul3A_1534 : i32
          %add3A_1536 = arith.constant 4 : i32
          %add3A_1537 = arith.addi %mul3A_1535, %add3A_1536 : i32
          %get3A_1538 = arith.index_cast %add3A_1537 : i32 to index
          %get3A_1539 = arith.constant 64 : index
          %get3A_1540 = tpu.vector_load %arg11[%get3A_1538, %get3A_1539] {strides = array<i32>} : memref<160x128xf32, #tpu.memory_space<vmem>>, vector<1x16xf32>,
          %get3A_1541 = vector.shape_cast %get3A_1540 : vector<1x16xf32> to vector<16xf32>
          %add3A_1542 = arith.addf %add3A_1533, %get3A_1541 : vector<16xf32>
          %mul3A_1543 = arith.constant 10 : i32
          %mul3A_1544 = arith.muli %add3A_1133, %mul3A_1543 : i32
          %add3A_1545 = arith.constant 5 : i32
          %add3A_1546 = arith.addi %mul3A_1544, %add3A_1545 : i32
          %get3A_1547 = arith.index_cast %add3A_1546 : i32 to index
          %get3A_1548 = arith.constant 64 : index
          %get3A_1549 = tpu.vector_load %arg11[%get3A_1547, %get3A_1548] {strides = array<i32>} : memref<160x128xf32, #tpu.memory_space<vmem>>, vector<1x16xf32>,
          %get3A_1550 = vector.shape_cast %get3A_1549 : vector<1x16xf32> to vector<16xf32>
          %add3A_1551 = arith.addf %add3A_1542, %get3A_1550 : vector<16xf32>
          %mul3A_1552 = arith.constant 10 : i32
          %mul3A_1553 = arith.muli %add3A_1133, %mul3A_1552 : i32
          %add3A_1554 = arith.constant 6 : i32
          %add3A_1555 = arith.addi %mul3A_1553, %add3A_1554 : i32
          %get3A_1556 = arith.index_cast %add3A_1555 : i32 to index
          %get3A_1557 = arith.constant 64 : index
          %get3A_1558 = tpu.vector_load %arg11[%get3A_1556, %get3A_1557] {strides = array<i32>} : memref<160x128xf32, #tpu.memory_space<vmem>>, vector<1x16xf32>,
          %get3A_1559 = vector.shape_cast %get3A_1558 : vector<1x16xf32> to vector<16xf32>
          %add3A_1560 = arith.addf %add3A_1551, %get3A_1559 : vector<16xf32>
          %mul3A_1561 = arith.constant 10 : i32
          %mul3A_1562 = arith.muli %add3A_1133, %mul3A_1561 : i32
          %add3A_1563 = arith.constant 7 : i32
          %add3A_1564 = arith.addi %mul3A_1562, %add3A_1563 : i32
          %get3A_1565 = arith.index_cast %add3A_1564 : i32 to index
          %get3A_1566 = arith.constant 64 : index
          %get3A_1567 = tpu.vector_load %arg11[%get3A_1565, %get3A_1566] {strides = array<i32>} : memref<160x128xf32, #tpu.memory_space<vmem>>, vector<1x16xf32>,
          %get3A_1568 = vector.shape_cast %get3A_1567 : vector<1x16xf32> to vector<16xf32>
          %add3A_1569 = arith.addf %add3A_1560, %get3A_1568 : vector<16xf32>
          %mul3A_1570 = arith.constant 10 : i32
          %mul3A_1571 = arith.muli %add3A_1133, %mul3A_1570 : i32
          %add3A_1572 = arith.constant 8 : i32
          %add3A_1573 = arith.addi %mul3A_1571, %add3A_1572 : i32
          %get3A_1574 = arith.index_cast %add3A_1573 : i32 to index
          %get3A_1575 = arith.constant 64 : index
          %get3A_1576 = tpu.vector_load %arg11[%get3A_1574, %get3A_1575] {strides = array<i32>} : memref<160x128xf32, #tpu.memory_space<vmem>>, vector<1x16xf32>,
          %get3A_1577 = vector.shape_cast %get3A_1576 : vector<1x16xf32> to vector<16xf32>
          %add3A_1578 = arith.addf %add3A_1569, %get3A_1577 : vector<16xf32>
          %mul3A_1579 = arith.constant 10 : i32
          %mul3A_1580 = arith.muli %add3A_1133, %mul3A_1579 : i32
          %add3A_1581 = arith.constant 9 : i32
          %add3A_1582 = arith.addi %mul3A_1580, %add3A_1581 : i32
          %get3A_1583 = arith.index_cast %add3A_1582 : i32 to index
          %get3A_1584 = arith.constant 64 : index
          %get3A_1585 = tpu.vector_load %arg11[%get3A_1583, %get3A_1584] {strides = array<i32>} : memref<160x128xf32, #tpu.memory_space<vmem>>, vector<1x16xf32>,
          %get3A_1586 = vector.shape_cast %get3A_1585 : vector<1x16xf32> to vector<16xf32>
          %add3A_1587 = arith.addf %add3A_1578, %get3A_1586 : vector<16xf32>
          %swap3A_1588 = arith.index_cast %add3A_1133 : i32 to index
          %swap3A_1589 = arith.constant 64 : index
          %swap3A_1590 = tpu.vector_load %arg14[%swap3A_1588, %swap3A_1589] {strides = array<i32>} : memref<16x128xf32, #tpu.memory_space<vmem>>, vector<1x16xf32>,
          %swap3A_1591 = vector.shape_cast %swap3A_1590 : vector<1x16xf32> to vector<16xf32>
          %swap3A_1592 = vector.shape_cast %add3A_1587 : vector<16xf32> to vector<1x16xf32>
          tpu.vector_store %arg14[%swap3A_1588, %swap3A_1589], %swap3A_1592 {strides = array<i32>} : memref<16x128xf32, #tpu.memory_space<vmem>>, vector<1x16xf32>,
          %mul3A_1593 = arith.constant 10 : i32
          %mul3A_1594 = arith.muli %add3A_1133, %mul3A_1593 : i32
          %get3A_1595 = arith.index_cast %mul3A_1594 : i32 to index
          %get3A_1596 = arith.constant 80 : index
          %get3A_1597 = tpu.vector_load %arg11[%get3A_1595, %get3A_1596] {strides = array<i32>} : memref<160x128xf32, #tpu.memory_space<vmem>>, vector<1x16xf32>,
          %get3A_1598 = vector.shape_cast %get3A_1597 : vector<1x16xf32> to vector<16xf32>
          %mul3A_1599 = arith.constant 10 : i32
          %mul3A_1600 = arith.muli %add3A_1133, %mul3A_1599 : i32
          %add3A_1601 = arith.constant 1 : i32
          %add3A_1602 = arith.addi %mul3A_1600, %add3A_1601 : i32
          %get3A_1603 = arith.index_cast %add3A_1602 : i32 to index
          %get3A_1604 = arith.constant 80 : index
          %get3A_1605 = tpu.vector_load %arg11[%get3A_1603, %get3A_1604] {strides = array<i32>} : memref<160x128xf32, #tpu.memory_space<vmem>>, vector<1x16xf32>,
          %get3A_1606 = vector.shape_cast %get3A_1605 : vector<1x16xf32> to vector<16xf32>
          %add3A_1607 = arith.addf %get3A_1598, %get3A_1606 : vector<16xf32>
          %mul3A_1608 = arith.constant 10 : i32
          %mul3A_1609 = arith.muli %add3A_1133, %mul3A_1608 : i32
          %add3A_1610 = arith.constant 2 : i32
          %add3A_1611 = arith.addi %mul3A_1609, %add3A_1610 : i32
          %get3A_1612 = arith.index_cast %add3A_1611 : i32 to index
          %get3A_1613 = arith.constant 80 : index
          %get3A_1614 = tpu.vector_load %arg11[%get3A_1612, %get3A_1613] {strides = array<i32>} : memref<160x128xf32, #tpu.memory_space<vmem>>, vector<1x16xf32>,
          %get3A_1615 = vector.shape_cast %get3A_1614 : vector<1x16xf32> to vector<16xf32>
          %add3A_1616 = arith.addf %add3A_1607, %get3A_1615 : vector<16xf32>
          %mul3A_1617 = arith.constant 10 : i32
          %mul3A_1618 = arith.muli %add3A_1133, %mul3A_1617 : i32
          %add3A_1619 = arith.constant 3 : i32
          %add3A_1620 = arith.addi %mul3A_1618, %add3A_1619 : i32
          %get3A_1621 = arith.index_cast %add3A_1620 : i32 to index
          %get3A_1622 = arith.constant 80 : index
          %get3A_1623 = tpu.vector_load %arg11[%get3A_1621, %get3A_1622] {strides = array<i32>} : memref<160x128xf32, #tpu.memory_space<vmem>>, vector<1x16xf32>,
          %get3A_1624 = vector.shape_cast %get3A_1623 : vector<1x16xf32> to vector<16xf32>
          %add3A_1625 = arith.addf %add3A_1616, %get3A_1624 : vector<16xf32>
          %mul3A_1626 = arith.constant 10 : i32
          %mul3A_1627 = arith.muli %add3A_1133, %mul3A_1626 : i32
          %add3A_1628 = arith.constant 4 : i32
          %add3A_1629 = arith.addi %mul3A_1627, %add3A_1628 : i32
          %get3A_1630 = arith.index_cast %add3A_1629 : i32 to index
          %get3A_1631 = arith.constant 80 : index
          %get3A_1632 = tpu.vector_load %arg11[%get3A_1630, %get3A_1631] {strides = array<i32>} : memref<160x128xf32, #tpu.memory_space<vmem>>, vector<1x16xf32>,
          %get3A_1633 = vector.shape_cast %get3A_1632 : vector<1x16xf32> to vector<16xf32>
          %add3A_1634 = arith.addf %add3A_1625, %get3A_1633 : vector<16xf32>
          %mul3A_1635 = arith.constant 10 : i32
          %mul3A_1636 = arith.muli %add3A_1133, %mul3A_1635 : i32
          %add3A_1637 = arith.constant 5 : i32
          %add3A_1638 = arith.addi %mul3A_1636, %add3A_1637 : i32
          %get3A_1639 = arith.index_cast %add3A_1638 : i32 to index
          %get3A_1640 = arith.constant 80 : index
          %get3A_1641 = tpu.vector_load %arg11[%get3A_1639, %get3A_1640] {strides = array<i32>} : memref<160x128xf32, #tpu.memory_space<vmem>>, vector<1x16xf32>,
          %get3A_1642 = vector.shape_cast %get3A_1641 : vector<1x16xf32> to vector<16xf32>
          %add3A_1643 = arith.addf %add3A_1634, %get3A_1642 : vector<16xf32>
          %mul3A_1644 = arith.constant 10 : i32
          %mul3A_1645 = arith.muli %add3A_1133, %mul3A_1644 : i32
          %add3A_1646 = arith.constant 6 : i32
          %add3A_1647 = arith.addi %mul3A_1645, %add3A_1646 : i32
          %get3A_1648 = arith.index_cast %add3A_1647 : i32 to index
          %get3A_1649 = arith.constant 80 : index
          %get3A_1650 = tpu.vector_load %arg11[%get3A_1648, %get3A_1649] {strides = array<i32>} : memref<160x128xf32, #tpu.memory_space<vmem>>, vector<1x16xf32>,
          %get3A_1651 = vector.shape_cast %get3A_1650 : vector<1x16xf32> to vector<16xf32>
          %add3A_1652 = arith.addf %add3A_1643, %get3A_1651 : vector<16xf32>
          %mul3A_1653 = arith.constant 10 : i32
          %mul3A_1654 = arith.muli %add3A_1133, %mul3A_1653 : i32
          %add3A_1655 = arith.constant 7 : i32
          %add3A_1656 = arith.addi %mul3A_1654, %add3A_1655 : i32
          %get3A_1657 = arith.index_cast %add3A_1656 : i32 to index
          %get3A_1658 = arith.constant 80 : index
          %get3A_1659 = tpu.vector_load %arg11[%get3A_1657, %get3A_1658] {strides = array<i32>} : memref<160x128xf32, #tpu.memory_space<vmem>>, vector<1x16xf32>,
          %get3A_1660 = vector.shape_cast %get3A_1659 : vector<1x16xf32> to vector<16xf32>
          %add3A_1661 = arith.addf %add3A_1652, %get3A_1660 : vector<16xf32>
          %mul3A_1662 = arith.constant 10 : i32
          %mul3A_1663 = arith.muli %add3A_1133, %mul3A_1662 : i32
          %add3A_1664 = arith.constant 8 : i32
          %add3A_1665 = arith.addi %mul3A_1663, %add3A_1664 : i32
          %get3A_1666 = arith.index_cast %add3A_1665 : i32 to index
          %get3A_1667 = arith.constant 80 : index
          %get3A_1668 = tpu.vector_load %arg11[%get3A_1666, %get3A_1667] {strides = array<i32>} : memref<160x128xf32, #tpu.memory_space<vmem>>, vector<1x16xf32>,
          %get3A_1669 = vector.shape_cast %get3A_1668 : vector<1x16xf32> to vector<16xf32>
          %add3A_1670 = arith.addf %add3A_1661, %get3A_1669 : vector<16xf32>
          %mul3A_1671 = arith.constant 10 : i32
          %mul3A_1672 = arith.muli %add3A_1133, %mul3A_1671 : i32
          %add3A_1673 = arith.constant 9 : i32
          %add3A_1674 = arith.addi %mul3A_1672, %add3A_1673 : i32
          %get3A_1675 = arith.index_cast %add3A_1674 : i32 to index
          %get3A_1676 = arith.constant 80 : index
          %get3A_1677 = tpu.vector_load %arg11[%get3A_1675, %get3A_1676] {strides = array<i32>} : memref<160x128xf32, #tpu.memory_space<vmem>>, vector<1x16xf32>,
          %get3A_1678 = vector.shape_cast %get3A_1677 : vector<1x16xf32> to vector<16xf32>
          %add3A_1679 = arith.addf %add3A_1670, %get3A_1678 : vector<16xf32>
          %swap3A_1680 = arith.index_cast %add3A_1133 : i32 to index
          %swap3A_1681 = arith.constant 80 : index
          %swap3A_1682 = tpu.vector_load %arg14[%swap3A_1680, %swap3A_1681] {strides = array<i32>} : memref<16x128xf32, #tpu.memory_space<vmem>>, vector<1x16xf32>,
          %swap3A_1683 = vector.shape_cast %swap3A_1682 : vector<1x16xf32> to vector<16xf32>
          %swap3A_1684 = vector.shape_cast %add3A_1679 : vector<16xf32> to vector<1x16xf32>
          tpu.vector_store %arg14[%swap3A_1680, %swap3A_1681], %swap3A_1684 {strides = array<i32>} : memref<16x128xf32, #tpu.memory_space<vmem>>, vector<1x16xf32>,
          %mul3A_1685 = arith.constant 10 : i32
          %mul3A_1686 = arith.muli %add3A_1133, %mul3A_1685 : i32
          %get3A_1687 = arith.index_cast %mul3A_1686 : i32 to index
          %get3A_1688 = arith.constant 96 : index
          %get3A_1689 = tpu.vector_load %arg11[%get3A_1687, %get3A_1688] {strides = array<i32>} : memref<160x128xf32, #tpu.memory_space<vmem>>, vector<1x16xf32>,
          %get3A_1690 = vector.shape_cast %get3A_1689 : vector<1x16xf32> to vector<16xf32>
          %mul3A_1691 = arith.constant 10 : i32
          %mul3A_1692 = arith.muli %add3A_1133, %mul3A_1691 : i32
          %add3A_1693 = arith.constant 1 : i32
          %add3A_1694 = arith.addi %mul3A_1692, %add3A_1693 : i32
          %get3A_1695 = arith.index_cast %add3A_1694 : i32 to index
          %get3A_1696 = arith.constant 96 : index
          %get3A_1697 = tpu.vector_load %arg11[%get3A_1695, %get3A_1696] {strides = array<i32>} : memref<160x128xf32, #tpu.memory_space<vmem>>, vector<1x16xf32>,
          %get3A_1698 = vector.shape_cast %get3A_1697 : vector<1x16xf32> to vector<16xf32>
          %add3A_1699 = arith.addf %get3A_1690, %get3A_1698 : vector<16xf32>
          %mul3A_1700 = arith.constant 10 : i32
          %mul3A_1701 = arith.muli %add3A_1133, %mul3A_1700 : i32
          %add3A_1702 = arith.constant 2 : i32
          %add3A_1703 = arith.addi %mul3A_1701, %add3A_1702 : i32
          %get3A_1704 = arith.index_cast %add3A_1703 : i32 to index
          %get3A_1705 = arith.constant 96 : index
          %get3A_1706 = tpu.vector_load %arg11[%get3A_1704, %get3A_1705] {strides = array<i32>} : memref<160x128xf32, #tpu.memory_space<vmem>>, vector<1x16xf32>,
          %get3A_1707 = vector.shape_cast %get3A_1706 : vector<1x16xf32> to vector<16xf32>
          %add3A_1708 = arith.addf %add3A_1699, %get3A_1707 : vector<16xf32>
          %mul3A_1709 = arith.constant 10 : i32
          %mul3A_1710 = arith.muli %add3A_1133, %mul3A_1709 : i32
          %add3A_1711 = arith.constant 3 : i32
          %add3A_1712 = arith.addi %mul3A_1710, %add3A_1711 : i32
          %get3A_1713 = arith.index_cast %add3A_1712 : i32 to index
          %get3A_1714 = arith.constant 96 : index
          %get3A_1715 = tpu.vector_load %arg11[%get3A_1713, %get3A_1714] {strides = array<i32>} : memref<160x128xf32, #tpu.memory_space<vmem>>, vector<1x16xf32>,
          %get3A_1716 = vector.shape_cast %get3A_1715 : vector<1x16xf32> to vector<16xf32>
          %add3A_1717 = arith.addf %add3A_1708, %get3A_1716 : vector<16xf32>
          %mul3A_1718 = arith.constant 10 : i32
          %mul3A_1719 = arith.muli %add3A_1133, %mul3A_1718 : i32
          %add3A_1720 = arith.constant 4 : i32
          %add3A_1721 = arith.addi %mul3A_1719, %add3A_1720 : i32
          %get3A_1722 = arith.index_cast %add3A_1721 : i32 to index
          %get3A_1723 = arith.constant 96 : index
          %get3A_1724 = tpu.vector_load %arg11[%get3A_1722, %get3A_1723] {strides = array<i32>} : memref<160x128xf32, #tpu.memory_space<vmem>>, vector<1x16xf32>,
          %get3A_1725 = vector.shape_cast %get3A_1724 : vector<1x16xf32> to vector<16xf32>
          %add3A_1726 = arith.addf %add3A_1717, %get3A_1725 : vector<16xf32>
          %mul3A_1727 = arith.constant 10 : i32
          %mul3A_1728 = arith.muli %add3A_1133, %mul3A_1727 : i32
          %add3A_1729 = arith.constant 5 : i32
          %add3A_1730 = arith.addi %mul3A_1728, %add3A_1729 : i32
          %get3A_1731 = arith.index_cast %add3A_1730 : i32 to index
          %get3A_1732 = arith.constant 96 : index
          %get3A_1733 = tpu.vector_load %arg11[%get3A_1731, %get3A_1732] {strides = array<i32>} : memref<160x128xf32, #tpu.memory_space<vmem>>, vector<1x16xf32>,
          %get3A_1734 = vector.shape_cast %get3A_1733 : vector<1x16xf32> to vector<16xf32>
          %add3A_1735 = arith.addf %add3A_1726, %get3A_1734 : vector<16xf32>
          %mul3A_1736 = arith.constant 10 : i32
          %mul3A_1737 = arith.muli %add3A_1133, %mul3A_1736 : i32
          %add3A_1738 = arith.constant 6 : i32
          %add3A_1739 = arith.addi %mul3A_1737, %add3A_1738 : i32
          %get3A_1740 = arith.index_cast %add3A_1739 : i32 to index
          %get3A_1741 = arith.constant 96 : index
          %get3A_1742 = tpu.vector_load %arg11[%get3A_1740, %get3A_1741] {strides = array<i32>} : memref<160x128xf32, #tpu.memory_space<vmem>>, vector<1x16xf32>,
          %get3A_1743 = vector.shape_cast %get3A_1742 : vector<1x16xf32> to vector<16xf32>
          %add3A_1744 = arith.addf %add3A_1735, %get3A_1743 : vector<16xf32>
          %mul3A_1745 = arith.constant 10 : i32
          %mul3A_1746 = arith.muli %add3A_1133, %mul3A_1745 : i32
          %add3A_1747 = arith.constant 7 : i32
          %add3A_1748 = arith.addi %mul3A_1746, %add3A_1747 : i32
          %get3A_1749 = arith.index_cast %add3A_1748 : i32 to index
          %get3A_1750 = arith.constant 96 : index
          %get3A_1751 = tpu.vector_load %arg11[%get3A_1749, %get3A_1750] {strides = array<i32>} : memref<160x128xf32, #tpu.memory_space<vmem>>, vector<1x16xf32>,
          %get3A_1752 = vector.shape_cast %get3A_1751 : vector<1x16xf32> to vector<16xf32>
          %add3A_1753 = arith.addf %add3A_1744, %get3A_1752 : vector<16xf32>
          %mul3A_1754 = arith.constant 10 : i32
          %mul3A_1755 = arith.muli %add3A_1133, %mul3A_1754 : i32
          %add3A_1756 = arith.constant 8 : i32
          %add3A_1757 = arith.addi %mul3A_1755, %add3A_1756 : i32
          %get3A_1758 = arith.index_cast %add3A_1757 : i32 to index
          %get3A_1759 = arith.constant 96 : index
          %get3A_1760 = tpu.vector_load %arg11[%get3A_1758, %get3A_1759] {strides = array<i32>} : memref<160x128xf32, #tpu.memory_space<vmem>>, vector<1x16xf32>,
          %get3A_1761 = vector.shape_cast %get3A_1760 : vector<1x16xf32> to vector<16xf32>
          %add3A_1762 = arith.addf %add3A_1753, %get3A_1761 : vector<16xf32>
          %mul3A_1763 = arith.constant 10 : i32
          %mul3A_1764 = arith.muli %add3A_1133, %mul3A_1763 : i32
          %add3A_1765 = arith.constant 9 : i32
          %add3A_1766 = arith.addi %mul3A_1764, %add3A_1765 : i32
          %get3A_1767 = arith.index_cast %add3A_1766 : i32 to index
          %get3A_1768 = arith.constant 96 : index
          %get3A_1769 = tpu.vector_load %arg11[%get3A_1767, %get3A_1768] {strides = array<i32>} : memref<160x128xf32, #tpu.memory_space<vmem>>, vector<1x16xf32>,
          %get3A_1770 = vector.shape_cast %get3A_1769 : vector<1x16xf32> to vector<16xf32>
          %add3A_1771 = arith.addf %add3A_1762, %get3A_1770 : vector<16xf32>
          %swap3A_1772 = arith.index_cast %add3A_1133 : i32 to index
          %swap3A_1773 = arith.constant 96 : index
          %swap3A_1774 = tpu.vector_load %arg14[%swap3A_1772, %swap3A_1773] {strides = array<i32>} : memref<16x128xf32, #tpu.memory_space<vmem>>, vector<1x16xf32>,
          %swap3A_1775 = vector.shape_cast %swap3A_1774 : vector<1x16xf32> to vector<16xf32>
          %swap3A_1776 = vector.shape_cast %add3A_1771 : vector<16xf32> to vector<1x16xf32>
          tpu.vector_store %arg14[%swap3A_1772, %swap3A_1773], %swap3A_1776 {strides = array<i32>} : memref<16x128xf32, #tpu.memory_space<vmem>>, vector<1x16xf32>,
          %mul3A_1777 = arith.constant 10 : i32
          %mul3A_1778 = arith.muli %add3A_1133, %mul3A_1777 : i32
          %get3A_1779 = arith.index_cast %mul3A_1778 : i32 to index
          %get3A_1780 = arith.constant 112 : index
          %get3A_1781 = tpu.vector_load %arg11[%get3A_1779, %get3A_1780] {strides = array<i32>} : memref<160x128xf32, #tpu.memory_space<vmem>>, vector<1x16xf32>,
          %get3A_1782 = vector.shape_cast %get3A_1781 : vector<1x16xf32> to vector<16xf32>
          %mul3A_1783 = arith.constant 10 : i32
          %mul3A_1784 = arith.muli %add3A_1133, %mul3A_1783 : i32
          %add3A_1785 = arith.constant 1 : i32
          %add3A_1786 = arith.addi %mul3A_1784, %add3A_1785 : i32
          %get3A_1787 = arith.index_cast %add3A_1786 : i32 to index
          %get3A_1788 = arith.constant 112 : index
          %get3A_1789 = tpu.vector_load %arg11[%get3A_1787, %get3A_1788] {strides = array<i32>} : memref<160x128xf32, #tpu.memory_space<vmem>>, vector<1x16xf32>,
          %get3A_1790 = vector.shape_cast %get3A_1789 : vector<1x16xf32> to vector<16xf32>
          %add3A_1791 = arith.addf %get3A_1782, %get3A_1790 : vector<16xf32>
          %mul3A_1792 = arith.constant 10 : i32
          %mul3A_1793 = arith.muli %add3A_1133, %mul3A_1792 : i32
          %add3A_1794 = arith.constant 2 : i32
          %add3A_1795 = arith.addi %mul3A_1793, %add3A_1794 : i32
          %get3A_1796 = arith.index_cast %add3A_1795 : i32 to index
          %get3A_1797 = arith.constant 112 : index
          %get3A_1798 = tpu.vector_load %arg11[%get3A_1796, %get3A_1797] {strides = array<i32>} : memref<160x128xf32, #tpu.memory_space<vmem>>, vector<1x16xf32>,
          %get3A_1799 = vector.shape_cast %get3A_1798 : vector<1x16xf32> to vector<16xf32>
          %add3A_1800 = arith.addf %add3A_1791, %get3A_1799 : vector<16xf32>
          %mul3A_1801 = arith.constant 10 : i32
          %mul3A_1802 = arith.muli %add3A_1133, %mul3A_1801 : i32
          %add3A_1803 = arith.constant 3 : i32
          %add3A_1804 = arith.addi %mul3A_1802, %add3A_1803 : i32
          %get3A_1805 = arith.index_cast %add3A_1804 : i32 to index
          %get3A_1806 = arith.constant 112 : index
          %get3A_1807 = tpu.vector_load %arg11[%get3A_1805, %get3A_1806] {strides = array<i32>} : memref<160x128xf32, #tpu.memory_space<vmem>>, vector<1x16xf32>,
          %get3A_1808 = vector.shape_cast %get3A_1807 : vector<1x16xf32> to vector<16xf32>
          %add3A_1809 = arith.addf %add3A_1800, %get3A_1808 : vector<16xf32>
          %mul3A_1810 = arith.constant 10 : i32
          %mul3A_1811 = arith.muli %add3A_1133, %mul3A_1810 : i32
          %add3A_1812 = arith.constant 4 : i32
          %add3A_1813 = arith.addi %mul3A_1811, %add3A_1812 : i32
          %get3A_1814 = arith.index_cast %add3A_1813 : i32 to index
          %get3A_1815 = arith.constant 112 : index
          %get3A_1816 = tpu.vector_load %arg11[%get3A_1814, %get3A_1815] {strides = array<i32>} : memref<160x128xf32, #tpu.memory_space<vmem>>, vector<1x16xf32>,
          %get3A_1817 = vector.shape_cast %get3A_1816 : vector<1x16xf32> to vector<16xf32>
          %add3A_1818 = arith.addf %add3A_1809, %get3A_1817 : vector<16xf32>
          %mul3A_1819 = arith.constant 10 : i32
          %mul3A_1820 = arith.muli %add3A_1133, %mul3A_1819 : i32
          %add3A_1821 = arith.constant 5 : i32
          %add3A_1822 = arith.addi %mul3A_1820, %add3A_1821 : i32
          %get3A_1823 = arith.index_cast %add3A_1822 : i32 to index
          %get3A_1824 = arith.constant 112 : index
          %get3A_1825 = tpu.vector_load %arg11[%get3A_1823, %get3A_1824] {strides = array<i32>} : memref<160x128xf32, #tpu.memory_space<vmem>>, vector<1x16xf32>,
          %get3A_1826 = vector.shape_cast %get3A_1825 : vector<1x16xf32> to vector<16xf32>
          %add3A_1827 = arith.addf %add3A_1818, %get3A_1826 : vector<16xf32>
          %mul3A_1828 = arith.constant 10 : i32
          %mul3A_1829 = arith.muli %add3A_1133, %mul3A_1828 : i32
          %add3A_1830 = arith.constant 6 : i32
          %add3A_1831 = arith.addi %mul3A_1829, %add3A_1830 : i32
          %get3A_1832 = arith.index_cast %add3A_1831 : i32 to index
          %get3A_1833 = arith.constant 112 : index
          %get3A_1834 = tpu.vector_load %arg11[%get3A_1832, %get3A_1833] {strides = array<i32>} : memref<160x128xf32, #tpu.memory_space<vmem>>, vector<1x16xf32>,
          %get3A_1835 = vector.shape_cast %get3A_1834 : vector<1x16xf32> to vector<16xf32>
          %add3A_1836 = arith.addf %add3A_1827, %get3A_1835 : vector<16xf32>
          %mul3A_1837 = arith.constant 10 : i32
          %mul3A_1838 = arith.muli %add3A_1133, %mul3A_1837 : i32
          %add3A_1839 = arith.constant 7 : i32
          %add3A_1840 = arith.addi %mul3A_1838, %add3A_1839 : i32
          %get3A_1841 = arith.index_cast %add3A_1840 : i32 to index
          %get3A_1842 = arith.constant 112 : index
          %get3A_1843 = tpu.vector_load %arg11[%get3A_1841, %get3A_1842] {strides = array<i32>} : memref<160x128xf32, #tpu.memory_space<vmem>>, vector<1x16xf32>,
          %get3A_1844 = vector.shape_cast %get3A_1843 : vector<1x16xf32> to vector<16xf32>
          %add3A_1845 = arith.addf %add3A_1836, %get3A_1844 : vector<16xf32>
          %mul3A_1846 = arith.constant 10 : i32
          %mul3A_1847 = arith.muli %add3A_1133, %mul3A_1846 : i32
          %add3A_1848 = arith.constant 8 : i32
          %add3A_1849 = arith.addi %mul3A_1847, %add3A_1848 : i32
          %get3A_1850 = arith.index_cast %add3A_1849 : i32 to index
          %get3A_1851 = arith.constant 112 : index
          %get3A_1852 = tpu.vector_load %arg11[%get3A_1850, %get3A_1851] {strides = array<i32>} : memref<160x128xf32, #tpu.memory_space<vmem>>, vector<1x16xf32>,
          %get3A_1853 = vector.shape_cast %get3A_1852 : vector<1x16xf32> to vector<16xf32>
          %add3A_1854 = arith.addf %add3A_1845, %get3A_1853 : vector<16xf32>
          %mul3A_1855 = arith.constant 10 : i32
          %mul3A_1856 = arith.muli %add3A_1133, %mul3A_1855 : i32
          %add3A_1857 = arith.constant 9 : i32
          %add3A_1858 = arith.addi %mul3A_1856, %add3A_1857 : i32
          %get3A_1859 = arith.index_cast %add3A_1858 : i32 to index
          %get3A_1860 = arith.constant 112 : index
          %get3A_1861 = tpu.vector_load %arg11[%get3A_1859, %get3A_1860] {strides = array<i32>} : memref<160x128xf32, #tpu.memory_space<vmem>>, vector<1x16xf32>,
          %get3A_1862 = vector.shape_cast %get3A_1861 : vector<1x16xf32> to vector<16xf32>
          %add3A_1863 = arith.addf %add3A_1854, %get3A_1862 : vector<16xf32>
          %swap3A_1864 = arith.index_cast %add3A_1133 : i32 to index
          %swap3A_1865 = arith.constant 112 : index
          %swap3A_1866 = tpu.vector_load %arg14[%swap3A_1864, %swap3A_1865] {strides = array<i32>} : memref<16x128xf32, #tpu.memory_space<vmem>>, vector<1x16xf32>,
          %swap3A_1867 = vector.shape_cast %swap3A_1866 : vector<1x16xf32> to vector<16xf32>
          %swap3A_1868 = vector.shape_cast %add3A_1863 : vector<16xf32> to vector<1x16xf32>
          tpu.vector_store %arg14[%swap3A_1864, %swap3A_1865], %swap3A_1868 {strides = array<i32>} : memref<16x128xf32, #tpu.memory_space<vmem>>, vector<1x16xf32>,
        }
        %scan3A_1118 = arith.constant 16 : i32
        %mul3A_1119 = arith.constant 2 : i32
        %mul3A_1120 = arith.muli %mul3A_1119, %add3A_1073 : i32
        %add3A_1121 = arith.addi %mul3A_1120, %arg0 : i32
        %mul3A_1122 = arith.constant 16 : i32
        %mul3A_1123 = arith.muli %add3A_1121, %mul3A_1122 : i32
        %add3A_1124 = arith.addi %mul3A_0, %mul3A_1123 : i32
        %dma_start3A_1125 = arith.constant 0 : i32
        %dma_start3A_1126 = tpu.memref_slice %arg6[%add3A_1124, %dma_start3A_1125] : memref<10240x128xf32, #tpu.memory_space<hbm>> -> memref<16x128xf32, #tpu.memory_space<hbm>>
        %dma_start3A_1127 = arith.constant 0 : i32
        %dma_start3A_1128 = tpu.memref_slice %arg6[%add3A_1124, %dma_start3A_1127] : memref<10240x128xf32, #tpu.memory_space<hbm>> -> memref<16x128xf32, #tpu.memory_space<hbm>>
        tpu.enqueue_dma source(%arg14 : memref<16x128xf32, #tpu.memory_space<vmem>>) target(%dma_start3A_1128 : memref<16x128xf32, #tpu.memory_space<hbm>>) target_semaphore(%arg20 : memref<!tpu.dma_semaphore, #tpu.memory_space<semaphore_mem>>)
      } else {
      }
      %add3A_1088 = arith.constant 2 : i32
      %add3A_1089 = arith.addi %add3A_1059, %add3A_1088 : i32
      %add3A_1090 = arith.constant 3 : i32
      %add3A_1091 = arith.addi %add3A_1089, %add3A_1090 : i32
      %sub3A_1092 = arith.constant 1 : i32
      %sub3A_1093 = arith.subi %add3A_1091, %sub3A_1092 : i32
      %lt3A_1094 = arith.constant 20 : i32
      %lt3A_1095 = arith.cmpi slt, %sub3A_1093, %lt3A_1094 : i32
      %convert_element_type3A_1096 = arith.extui %lt3A_1095 : i1 to i32
      %cond3A_1097 = arith.constant 0 : i32
      %cond3A_1098 = arith.cmpi ne, %convert_element_type3A_1096, %cond3A_1097 : i32
      scf.if %cond3A_1098 {
        %add3A_1104 = arith.constant 3 : i32
        %add3A_1105 = arith.addi %add3A_1089, %add3A_1104 : i32
        %sub3A_1106 = arith.constant 1 : i32
        %sub3A_1107 = arith.subi %add3A_1105, %sub3A_1106 : i32
        %mul3A_1108 = arith.constant 2 : i32
        %mul3A_1109 = arith.muli %mul3A_1108, %sub3A_1107 : i32
        %add3A_1110 = arith.addi %mul3A_1109, %arg0 : i32
        %mul3A_1111 = arith.constant 160 : i32
        %mul3A_1112 = arith.muli %add3A_1110, %mul3A_1111 : i32
        %add3A_1113 = arith.constant 0 : i32
        %add3A_1114 = arith.addi %mul3A_1112, %add3A_1113 : i32
        %get3A_1115 = arith.index_cast %add3A_1114 : i32 to index
        %get3A_1116 = tpu.vector_load %arg8[%get3A_1115] {strides = array<i32>} : memref<6400xi32, #tpu.memory_space<vmem>>, vector<16xi32>,
        %get3A_1117 = vector.shape_cast %get3A_1116 : vector<16xi32> to vector<16xi32>
        %dma_start3A_1118 = arith.constant 0 : i32
        %dma_start3A_1119 = arith.constant 0 : i32
        %dma_start3A_1120 = tpu.memref_slice %arg11[%dma_start3A_1118, %dma_start3A_1119] : memref<160x128xf32, #tpu.memory_space<vmem>> -> memref<16x128xf32, #tpu.memory_space<vmem>>
        %dma_start3A_1121 = arith.constant 0 : i32
        %dma_start3A_1122 = arith.constant 0 : i32
        %dma_start3A_1123 = tpu.memref_slice %arg4[%dma_start3A_1121, %dma_start3A_1122] : memref<100000x128xf32, #tpu.memory_space<hbm>> -> memref<100000x128xf32, #tpu.memory_space<hbm>>
        tpu.enqueue_indirect_dma source(%dma_start3A_1123 : memref<100000x128xf32, #tpu.memory_space<hbm>>) target(%dma_start3A_1120 : memref<16x128xf32, #tpu.memory_space<vmem>>) offsets(%get3A_1117 : vector<16xi32>) semaphore(%arg17 : memref<!tpu.dma_semaphore, #tpu.memory_space<semaphore_mem>>)
        %add3A_1124 = arith.constant 16 : i32
        %add3A_1125 = arith.addi %mul3A_1112, %add3A_1124 : i32
        %get3A_1126 = arith.index_cast %add3A_1125 : i32 to index
        %get3A_1127 = tpu.vector_load %arg8[%get3A_1126] {strides = array<i32>} : memref<6400xi32, #tpu.memory_space<vmem>>, vector<16xi32>,
        %get3A_1128 = vector.shape_cast %get3A_1127 : vector<16xi32> to vector<16xi32>
        %dma_start3A_1129 = arith.constant 16 : i32
        %dma_start3A_1130 = arith.constant 0 : i32
        %dma_start3A_1131 = tpu.memref_slice %arg11[%dma_start3A_1129, %dma_start3A_1130] : memref<160x128xf32, #tpu.memory_space<vmem>> -> memref<16x128xf32, #tpu.memory_space<vmem>>
        %dma_start3A_1132 = arith.constant 0 : i32
        %dma_start3A_1133 = arith.constant 0 : i32
        %dma_start3A_1134 = tpu.memref_slice %arg4[%dma_start3A_1132, %dma_start3A_1133] : memref<100000x128xf32, #tpu.memory_space<hbm>> -> memref<100000x128xf32, #tpu.memory_space<hbm>>
        tpu.enqueue_indirect_dma source(%dma_start3A_1134 : memref<100000x128xf32, #tpu.memory_space<hbm>>) target(%dma_start3A_1131 : memref<16x128xf32, #tpu.memory_space<vmem>>) offsets(%get3A_1128 : vector<16xi32>) semaphore(%arg17 : memref<!tpu.dma_semaphore, #tpu.memory_space<semaphore_mem>>)
        %add3A_1135 = arith.constant 32 : i32
        %add3A_1136 = arith.addi %mul3A_1112, %add3A_1135 : i32
        %get3A_1137 = arith.index_cast %add3A_1136 : i32 to index
        %get3A_1138 = tpu.vector_load %arg8[%get3A_1137] {strides = array<i32>} : memref<6400xi32, #tpu.memory_space<vmem>>, vector<16xi32>,
        %get3A_1139 = vector.shape_cast %get3A_1138 : vector<16xi32> to vector<16xi32>
        %dma_start3A_1140 = arith.constant 32 : i32
        %dma_start3A_1141 = arith.constant 0 : i32
        %dma_start3A_1142 = tpu.memref_slice %arg11[%dma_start3A_1140, %dma_start3A_1141] : memref<160x128xf32, #tpu.memory_space<vmem>> -> memref<16x128xf32, #tpu.memory_space<vmem>>
        %dma_start3A_1143 = arith.constant 0 : i32
        %dma_start3A_1144 = arith.constant 0 : i32
        %dma_start3A_1145 = tpu.memref_slice %arg4[%dma_start3A_1143, %dma_start3A_1144] : memref<100000x128xf32, #tpu.memory_space<hbm>> -> memref<100000x128xf32, #tpu.memory_space<hbm>>
        tpu.enqueue_indirect_dma source(%dma_start3A_1145 : memref<100000x128xf32, #tpu.memory_space<hbm>>) target(%dma_start3A_1142 : memref<16x128xf32, #tpu.memory_space<vmem>>) offsets(%get3A_1139 : vector<16xi32>) semaphore(%arg17 : memref<!tpu.dma_semaphore, #tpu.memory_space<semaphore_mem>>)
        %add3A_1146 = arith.constant 48 : i32
        %add3A_1147 = arith.addi %mul3A_1112, %add3A_1146 : i32
        %get3A_1148 = arith.index_cast %add3A_1147 : i32 to index
        %get3A_1149 = tpu.vector_load %arg8[%get3A_1148] {strides = array<i32>} : memref<6400xi32, #tpu.memory_space<vmem>>, vector<16xi32>,
        %get3A_1150 = vector.shape_cast %get3A_1149 : vector<16xi32> to vector<16xi32>
        %dma_start3A_1151 = arith.constant 48 : i32
        %dma_start3A_1152 = arith.constant 0 : i32
        %dma_start3A_1153 = tpu.memref_slice %arg11[%dma_start3A_1151, %dma_start3A_1152] : memref<160x128xf32, #tpu.memory_space<vmem>> -> memref<16x128xf32, #tpu.memory_space<vmem>>
        %dma_start3A_1154 = arith.constant 0 : i32
        %dma_start3A_1155 = arith.constant 0 : i32
        %dma_start3A_1156 = tpu.memref_slice %arg4[%dma_start3A_1154, %dma_start3A_1155] : memref<100000x128xf32, #tpu.memory_space<hbm>> -> memref<100000x128xf32, #tpu.memory_space<hbm>>
        tpu.enqueue_indirect_dma source(%dma_start3A_1156 : memref<100000x128xf32, #tpu.memory_space<hbm>>) target(%dma_start3A_1153 : memref<16x128xf32, #tpu.memory_space<vmem>>) offsets(%get3A_1150 : vector<16xi32>) semaphore(%arg17 : memref<!tpu.dma_semaphore, #tpu.memory_space<semaphore_mem>>)
        %add3A_1157 = arith.constant 64 : i32
        %add3A_1158 = arith.addi %mul3A_1112, %add3A_1157 : i32
        %get3A_1159 = arith.index_cast %add3A_1158 : i32 to index
        %get3A_1160 = tpu.vector_load %arg8[%get3A_1159] {strides = array<i32>} : memref<6400xi32, #tpu.memory_space<vmem>>, vector<16xi32>,
        %get3A_1161 = vector.shape_cast %get3A_1160 : vector<16xi32> to vector<16xi32>
        %dma_start3A_1162 = arith.constant 64 : i32
        %dma_start3A_1163 = arith.constant 0 : i32
        %dma_start3A_1164 = tpu.memref_slice %arg11[%dma_start3A_1162, %dma_start3A_1163] : memref<160x128xf32, #tpu.memory_space<vmem>> -> memref<16x128xf32, #tpu.memory_space<vmem>>
        %dma_start3A_1165 = arith.constant 0 : i32
        %dma_start3A_1166 = arith.constant 0 : i32
        %dma_start3A_1167 = tpu.memref_slice %arg4[%dma_start3A_1165, %dma_start3A_1166] : memref<100000x128xf32, #tpu.memory_space<hbm>> -> memref<100000x128xf32, #tpu.memory_space<hbm>>
        tpu.enqueue_indirect_dma source(%dma_start3A_1167 : memref<100000x128xf32, #tpu.memory_space<hbm>>) target(%dma_start3A_1164 : memref<16x128xf32, #tpu.memory_space<vmem>>) offsets(%get3A_1161 : vector<16xi32>) semaphore(%arg17 : memref<!tpu.dma_semaphore, #tpu.memory_space<semaphore_mem>>)
        %add3A_1168 = arith.constant 80 : i32
        %add3A_1169 = arith.addi %mul3A_1112, %add3A_1168 : i32
        %get3A_1170 = arith.index_cast %add3A_1169 : i32 to index
        %get3A_1171 = tpu.vector_load %arg8[%get3A_1170] {strides = array<i32>} : memref<6400xi32, #tpu.memory_space<vmem>>, vector<16xi32>,
        %get3A_1172 = vector.shape_cast %get3A_1171 : vector<16xi32> to vector<16xi32>
        %dma_start3A_1173 = arith.constant 80 : i32
        %dma_start3A_1174 = arith.constant 0 : i32
        %dma_start3A_1175 = tpu.memref_slice %arg11[%dma_start3A_1173, %dma_start3A_1174] : memref<160x128xf32, #tpu.memory_space<vmem>> -> memref<16x128xf32, #tpu.memory_space<vmem>>
        %dma_start3A_1176 = arith.constant 0 : i32
        %dma_start3A_1177 = arith.constant 0 : i32
        %dma_start3A_1178 = tpu.memref_slice %arg4[%dma_start3A_1176, %dma_start3A_1177] : memref<100000x128xf32, #tpu.memory_space<hbm>> -> memref<100000x128xf32, #tpu.memory_space<hbm>>
        tpu.enqueue_indirect_dma source(%dma_start3A_1178 : memref<100000x128xf32, #tpu.memory_space<hbm>>) target(%dma_start3A_1175 : memref<16x128xf32, #tpu.memory_space<vmem>>) offsets(%get3A_1172 : vector<16xi32>) semaphore(%arg17 : memref<!tpu.dma_semaphore, #tpu.memory_space<semaphore_mem>>)
        %add3A_1179 = arith.constant 96 : i32
        %add3A_1180 = arith.addi %mul3A_1112, %add3A_1179 : i32
        %get3A_1181 = arith.index_cast %add3A_1180 : i32 to index
        %get3A_1182 = tpu.vector_load %arg8[%get3A_1181] {strides = array<i32>} : memref<6400xi32, #tpu.memory_space<vmem>>, vector<16xi32>,
        %get3A_1183 = vector.shape_cast %get3A_1182 : vector<16xi32> to vector<16xi32>
        %dma_start3A_1184 = arith.constant 96 : i32
        %dma_start3A_1185 = arith.constant 0 : i32
        %dma_start3A_1186 = tpu.memref_slice %arg11[%dma_start3A_1184, %dma_start3A_1185] : memref<160x128xf32, #tpu.memory_space<vmem>> -> memref<16x128xf32, #tpu.memory_space<vmem>>
        %dma_start3A_1187 = arith.constant 0 : i32
        %dma_start3A_1188 = arith.constant 0 : i32
        %dma_start3A_1189 = tpu.memref_slice %arg4[%dma_start3A_1187, %dma_start3A_1188] : memref<100000x128xf32, #tpu.memory_space<hbm>> -> memref<100000x128xf32, #tpu.memory_space<hbm>>
        tpu.enqueue_indirect_dma source(%dma_start3A_1189 : memref<100000x128xf32, #tpu.memory_space<hbm>>) target(%dma_start3A_1186 : memref<16x128xf32, #tpu.memory_space<vmem>>) offsets(%get3A_1183 : vector<16xi32>) semaphore(%arg17 : memref<!tpu.dma_semaphore, #tpu.memory_space<semaphore_mem>>)
        %add3A_1190 = arith.constant 112 : i32
        %add3A_1191 = arith.addi %mul3A_1112, %add3A_1190 : i32
        %get3A_1192 = arith.index_cast %add3A_1191 : i32 to index
        %get3A_1193 = tpu.vector_load %arg8[%get3A_1192] {strides = array<i32>} : memref<6400xi32, #tpu.memory_space<vmem>>, vector<16xi32>,
        %get3A_1194 = vector.shape_cast %get3A_1193 : vector<16xi32> to vector<16xi32>
        %dma_start3A_1195 = arith.constant 112 : i32
        %dma_start3A_1196 = arith.constant 0 : i32
        %dma_start3A_1197 = tpu.memref_slice %arg11[%dma_start3A_1195, %dma_start3A_1196] : memref<160x128xf32, #tpu.memory_space<vmem>> -> memref<16x128xf32, #tpu.memory_space<vmem>>
        %dma_start3A_1198 = arith.constant 0 : i32
        %dma_start3A_1199 = arith.constant 0 : i32
        %dma_start3A_1200 = tpu.memref_slice %arg4[%dma_start3A_1198, %dma_start3A_1199] : memref<100000x128xf32, #tpu.memory_space<hbm>> -> memref<100000x128xf32, #tpu.memory_space<hbm>>
        tpu.enqueue_indirect_dma source(%dma_start3A_1200 : memref<100000x128xf32, #tpu.memory_space<hbm>>) target(%dma_start3A_1197 : memref<16x128xf32, #tpu.memory_space<vmem>>) offsets(%get3A_1194 : vector<16xi32>) semaphore(%arg17 : memref<!tpu.dma_semaphore, #tpu.memory_space<semaphore_mem>>)
        %add3A_1201 = arith.constant 128 : i32
        %add3A_1202 = arith.addi %mul3A_1112, %add3A_1201 : i32
        %get3A_1203 = arith.index_cast %add3A_1202 : i32 to index
        %get3A_1204 = tpu.vector_load %arg8[%get3A_1203] {strides = array<i32>} : memref<6400xi32, #tpu.memory_space<vmem>>, vector<16xi32>,
        %get3A_1205 = vector.shape_cast %get3A_1204 : vector<16xi32> to vector<16xi32>
        %dma_start3A_1206 = arith.constant 128 : i32
        %dma_start3A_1207 = arith.constant 0 : i32
        %dma_start3A_1208 = tpu.memref_slice %arg11[%dma_start3A_1206, %dma_start3A_1207] : memref<160x128xf32, #tpu.memory_space<vmem>> -> memref<16x128xf32, #tpu.memory_space<vmem>>
        %dma_start3A_1209 = arith.constant 0 : i32
        %dma_start3A_1210 = arith.constant 0 : i32
        %dma_start3A_1211 = tpu.memref_slice %arg4[%dma_start3A_1209, %dma_start3A_1210] : memref<100000x128xf32, #tpu.memory_space<hbm>> -> memref<100000x128xf32, #tpu.memory_space<hbm>>
        tpu.enqueue_indirect_dma source(%dma_start3A_1211 : memref<100000x128xf32, #tpu.memory_space<hbm>>) target(%dma_start3A_1208 : memref<16x128xf32, #tpu.memory_space<vmem>>) offsets(%get3A_1205 : vector<16xi32>) semaphore(%arg17 : memref<!tpu.dma_semaphore, #tpu.memory_space<semaphore_mem>>)
        %add3A_1212 = arith.constant 144 : i32
        %add3A_1213 = arith.addi %mul3A_1112, %add3A_1212 : i32
        %get3A_1214 = arith.index_cast %add3A_1213 : i32 to index
        %get3A_1215 = tpu.vector_load %arg8[%get3A_1214] {strides = array<i32>} : memref<6400xi32, #tpu.memory_space<vmem>>, vector<16xi32>,
        %get3A_1216 = vector.shape_cast %get3A_1215 : vector<16xi32> to vector<16xi32>
        %dma_start3A_1217 = arith.constant 144 : i32
        %dma_start3A_1218 = arith.constant 0 : i32
        %dma_start3A_1219 = tpu.memref_slice %arg11[%dma_start3A_1217, %dma_start3A_1218] : memref<160x128xf32, #tpu.memory_space<vmem>> -> memref<16x128xf32, #tpu.memory_space<vmem>>
        %dma_start3A_1220 = arith.constant 0 : i32
        %dma_start3A_1221 = arith.constant 0 : i32
        %dma_start3A_1222 = tpu.memref_slice %arg4[%dma_start3A_1220, %dma_start3A_1221] : memref<100000x128xf32, #tpu.memory_space<hbm>> -> memref<100000x128xf32, #tpu.memory_space<hbm>>
        tpu.enqueue_indirect_dma source(%dma_start3A_1222 : memref<100000x128xf32, #tpu.memory_space<hbm>>) target(%dma_start3A_1219 : memref<16x128xf32, #tpu.memory_space<vmem>>) offsets(%get3A_1216 : vector<16xi32>) semaphore(%arg17 : memref<!tpu.dma_semaphore, #tpu.memory_space<semaphore_mem>>)
      } else {
      }
      %lt3A_1099 = arith.constant 20 : i32
      %lt3A_1100 = arith.cmpi slt, %add3A_1089, %lt3A_1099 : i32
      %convert_element_type3A_1101 = arith.extui %lt3A_1100 : i1 to i32
      %cond3A_1102 = arith.constant 0 : i32
      %cond3A_1103 = arith.cmpi ne, %convert_element_type3A_1101, %cond3A_1102 : i32
      scf.if %cond3A_1103 {
        %dma_wait3A_1104 = arith.constant 0 : i32
        %dma_wait3A_1105 = arith.constant 0 : i32
        %dma_wait3A_1106 = tpu.memref_slice %arg5[%dma_wait3A_1104, %dma_wait3A_1105] : memref<10240x128xf32, #tpu.memory_space<hbm>> -> memref<160x128xf32, #tpu.memory_space<hbm>>
        %dma_wait3A_1107 = arith.constant 0 : i32
        %dma_wait3A_1108 = arith.constant 0 : i32
        %dma_wait3A_1109 = tpu.memref_slice %arg5[%dma_wait3A_1107, %dma_wait3A_1108] : memref<10240x128xf32, #tpu.memory_space<hbm>> -> memref<160x128xf32, #tpu.memory_space<hbm>>
        tpu.wait_dma2 semaphore(%arg18 : memref<!tpu.dma_semaphore, #tpu.memory_space<semaphore_mem>>) src(%dma_wait3A_1109 : memref<160x128xf32, #tpu.memory_space<hbm>>) dst(%arg12 : memref<160x128xf32, #tpu.memory_space<vmem>>)
        %gt3A = arith.constant 0 : i32
        %gt3A_1110 = arith.cmpi sgt, %add3A_1059, %gt3A : i32
        %convert_element_type3A_1111 = arith.extui %gt3A_1110 : i1 to i32
        %cond3A_1112 = arith.constant 0 : i32
        %cond3A_1113 = arith.cmpi ne, %convert_element_type3A_1111, %cond3A_1112 : i32
        scf.if %cond3A_1113 {
          %dma_wait3A_1129 = arith.constant 0 : i32
          %dma_wait3A_1130 = arith.constant 0 : i32
          %dma_wait3A_1131 = tpu.memref_slice %arg6[%dma_wait3A_1129, %dma_wait3A_1130] : memref<10240x128xf32, #tpu.memory_space<hbm>> -> memref<16x128xf32, #tpu.memory_space<hbm>>
          %dma_wait3A_1132 = arith.constant 0 : i32
          %dma_wait3A_1133 = arith.constant 0 : i32
          %dma_wait3A_1134 = tpu.memref_slice %arg6[%dma_wait3A_1132, %dma_wait3A_1133] : memref<10240x128xf32, #tpu.memory_space<hbm>> -> memref<16x128xf32, #tpu.memory_space<hbm>>
          tpu.wait_dma2 semaphore(%arg21 : memref<!tpu.dma_semaphore, #tpu.memory_space<semaphore_mem>>) src(%arg15 : memref<16x128xf32, #tpu.memory_space<vmem>>) dst(%dma_wait3A_1134 : memref<16x128xf32, #tpu.memory_space<hbm>>)
        } else {
        }
        %scan3A_1114 = arith.constant 0 : i32
        %scan3A_1115 = arith.constant 16 : i32
        %scan3A_1116 = arith.addi %scan3A_1114, %scan3A_1115 : i32
        %scan3A_1117 = arith.constant 1 : i32
        scf.for %scan3A_1129 = %scan3A_1114 to %scan3A_1116 step %scan3A_1117  : i32 {
          %mul3A_1130 = arith.constant 1 : i32
          %mul3A_1131 = arith.muli %scan3A_1129, %mul3A_1130 : i32
          %add3A_1132 = arith.constant 0 : i32
          %add3A_1133 = arith.addi %add3A_1132, %mul3A_1131 : i32
          %mul3A_1134 = arith.constant 10 : i32
          %mul3A_1135 = arith.muli %add3A_1133, %mul3A_1134 : i32
          %get3A_1136 = arith.index_cast %mul3A_1135 : i32 to index
          %get3A_1137 = arith.constant 0 : index
          %get3A_1138 = tpu.vector_load %arg12[%get3A_1136, %get3A_1137] {strides = array<i32>} : memref<160x128xf32, #tpu.memory_space<vmem>>, vector<1x16xf32>,
          %get3A_1139 = vector.shape_cast %get3A_1138 : vector<1x16xf32> to vector<16xf32>
          %mul3A_1140 = arith.constant 10 : i32
          %mul3A_1141 = arith.muli %add3A_1133, %mul3A_1140 : i32
          %add3A_1142 = arith.constant 1 : i32
          %add3A_1143 = arith.addi %mul3A_1141, %add3A_1142 : i32
          %get3A_1144 = arith.index_cast %add3A_1143 : i32 to index
          %get3A_1145 = arith.constant 0 : index
          %get3A_1146 = tpu.vector_load %arg12[%get3A_1144, %get3A_1145] {strides = array<i32>} : memref<160x128xf32, #tpu.memory_space<vmem>>, vector<1x16xf32>,
          %get3A_1147 = vector.shape_cast %get3A_1146 : vector<1x16xf32> to vector<16xf32>
          %add3A_1148 = arith.addf %get3A_1139, %get3A_1147 : vector<16xf32>
          %mul3A_1149 = arith.constant 10 : i32
          %mul3A_1150 = arith.muli %add3A_1133, %mul3A_1149 : i32
          %add3A_1151 = arith.constant 2 : i32
          %add3A_1152 = arith.addi %mul3A_1150, %add3A_1151 : i32
          %get3A_1153 = arith.index_cast %add3A_1152 : i32 to index
          %get3A_1154 = arith.constant 0 : index
          %get3A_1155 = tpu.vector_load %arg12[%get3A_1153, %get3A_1154] {strides = array<i32>} : memref<160x128xf32, #tpu.memory_space<vmem>>, vector<1x16xf32>,
          %get3A_1156 = vector.shape_cast %get3A_1155 : vector<1x16xf32> to vector<16xf32>
          %add3A_1157 = arith.addf %add3A_1148, %get3A_1156 : vector<16xf32>
          %mul3A_1158 = arith.constant 10 : i32
          %mul3A_1159 = arith.muli %add3A_1133, %mul3A_1158 : i32
          %add3A_1160 = arith.constant 3 : i32
          %add3A_1161 = arith.addi %mul3A_1159, %add3A_1160 : i32
          %get3A_1162 = arith.index_cast %add3A_1161 : i32 to index
          %get3A_1163 = arith.constant 0 : index
          %get3A_1164 = tpu.vector_load %arg12[%get3A_1162, %get3A_1163] {strides = array<i32>} : memref<160x128xf32, #tpu.memory_space<vmem>>, vector<1x16xf32>,
          %get3A_1165 = vector.shape_cast %get3A_1164 : vector<1x16xf32> to vector<16xf32>
          %add3A_1166 = arith.addf %add3A_1157, %get3A_1165 : vector<16xf32>
          %mul3A_1167 = arith.constant 10 : i32
          %mul3A_1168 = arith.muli %add3A_1133, %mul3A_1167 : i32
          %add3A_1169 = arith.constant 4 : i32
          %add3A_1170 = arith.addi %mul3A_1168, %add3A_1169 : i32
          %get3A_1171 = arith.index_cast %add3A_1170 : i32 to index
          %get3A_1172 = arith.constant 0 : index
          %get3A_1173 = tpu.vector_load %arg12[%get3A_1171, %get3A_1172] {strides = array<i32>} : memref<160x128xf32, #tpu.memory_space<vmem>>, vector<1x16xf32>,
          %get3A_1174 = vector.shape_cast %get3A_1173 : vector<1x16xf32> to vector<16xf32>
          %add3A_1175 = arith.addf %add3A_1166, %get3A_1174 : vector<16xf32>
          %mul3A_1176 = arith.constant 10 : i32
          %mul3A_1177 = arith.muli %add3A_1133, %mul3A_1176 : i32
          %add3A_1178 = arith.constant 5 : i32
          %add3A_1179 = arith.addi %mul3A_1177, %add3A_1178 : i32
          %get3A_1180 = arith.index_cast %add3A_1179 : i32 to index
          %get3A_1181 = arith.constant 0 : index
          %get3A_1182 = tpu.vector_load %arg12[%get3A_1180, %get3A_1181] {strides = array<i32>} : memref<160x128xf32, #tpu.memory_space<vmem>>, vector<1x16xf32>,
          %get3A_1183 = vector.shape_cast %get3A_1182 : vector<1x16xf32> to vector<16xf32>
          %add3A_1184 = arith.addf %add3A_1175, %get3A_1183 : vector<16xf32>
          %mul3A_1185 = arith.constant 10 : i32
          %mul3A_1186 = arith.muli %add3A_1133, %mul3A_1185 : i32
          %add3A_1187 = arith.constant 6 : i32
          %add3A_1188 = arith.addi %mul3A_1186, %add3A_1187 : i32
          %get3A_1189 = arith.index_cast %add3A_1188 : i32 to index
          %get3A_1190 = arith.constant 0 : index
          %get3A_1191 = tpu.vector_load %arg12[%get3A_1189, %get3A_1190] {strides = array<i32>} : memref<160x128xf32, #tpu.memory_space<vmem>>, vector<1x16xf32>,
          %get3A_1192 = vector.shape_cast %get3A_1191 : vector<1x16xf32> to vector<16xf32>
          %add3A_1193 = arith.addf %add3A_1184, %get3A_1192 : vector<16xf32>
          %mul3A_1194 = arith.constant 10 : i32
          %mul3A_1195 = arith.muli %add3A_1133, %mul3A_1194 : i32
          %add3A_1196 = arith.constant 7 : i32
          %add3A_1197 = arith.addi %mul3A_1195, %add3A_1196 : i32
          %get3A_1198 = arith.index_cast %add3A_1197 : i32 to index
          %get3A_1199 = arith.constant 0 : index
          %get3A_1200 = tpu.vector_load %arg12[%get3A_1198, %get3A_1199] {strides = array<i32>} : memref<160x128xf32, #tpu.memory_space<vmem>>, vector<1x16xf32>,
          %get3A_1201 = vector.shape_cast %get3A_1200 : vector<1x16xf32> to vector<16xf32>
          %add3A_1202 = arith.addf %add3A_1193, %get3A_1201 : vector<16xf32>
          %mul3A_1203 = arith.constant 10 : i32
          %mul3A_1204 = arith.muli %add3A_1133, %mul3A_1203 : i32
          %add3A_1205 = arith.constant 8 : i32
          %add3A_1206 = arith.addi %mul3A_1204, %add3A_1205 : i32
          %get3A_1207 = arith.index_cast %add3A_1206 : i32 to index
          %get3A_1208 = arith.constant 0 : index
          %get3A_1209 = tpu.vector_load %arg12[%get3A_1207, %get3A_1208] {strides = array<i32>} : memref<160x128xf32, #tpu.memory_space<vmem>>, vector<1x16xf32>,
          %get3A_1210 = vector.shape_cast %get3A_1209 : vector<1x16xf32> to vector<16xf32>
          %add3A_1211 = arith.addf %add3A_1202, %get3A_1210 : vector<16xf32>
          %mul3A_1212 = arith.constant 10 : i32
          %mul3A_1213 = arith.muli %add3A_1133, %mul3A_1212 : i32
          %add3A_1214 = arith.constant 9 : i32
          %add3A_1215 = arith.addi %mul3A_1213, %add3A_1214 : i32
          %get3A_1216 = arith.index_cast %add3A_1215 : i32 to index
          %get3A_1217 = arith.constant 0 : index
          %get3A_1218 = tpu.vector_load %arg12[%get3A_1216, %get3A_1217] {strides = array<i32>} : memref<160x128xf32, #tpu.memory_space<vmem>>, vector<1x16xf32>,
          %get3A_1219 = vector.shape_cast %get3A_1218 : vector<1x16xf32> to vector<16xf32>
          %add3A_1220 = arith.addf %add3A_1211, %get3A_1219 : vector<16xf32>
          %swap3A = arith.index_cast %add3A_1133 : i32 to index
          %swap3A_1221 = arith.constant 0 : index
          %swap3A_1222 = tpu.vector_load %arg15[%swap3A, %swap3A_1221] {strides = array<i32>} : memref<16x128xf32, #tpu.memory_space<vmem>>, vector<1x16xf32>,
          %swap3A_1223 = vector.shape_cast %swap3A_1222 : vector<1x16xf32> to vector<16xf32>
          %swap3A_1224 = vector.shape_cast %add3A_1220 : vector<16xf32> to vector<1x16xf32>
          tpu.vector_store %arg15[%swap3A, %swap3A_1221], %swap3A_1224 {strides = array<i32>} : memref<16x128xf32, #tpu.memory_space<vmem>>, vector<1x16xf32>,
          %mul3A_1225 = arith.constant 10 : i32
          %mul3A_1226 = arith.muli %add3A_1133, %mul3A_1225 : i32
          %get3A_1227 = arith.index_cast %mul3A_1226 : i32 to index
          %get3A_1228 = arith.constant 16 : index
          %get3A_1229 = tpu.vector_load %arg12[%get3A_1227, %get3A_1228] {strides = array<i32>} : memref<160x128xf32, #tpu.memory_space<vmem>>, vector<1x16xf32>,
          %get3A_1230 = vector.shape_cast %get3A_1229 : vector<1x16xf32> to vector<16xf32>
          %mul3A_1231 = arith.constant 10 : i32
          %mul3A_1232 = arith.muli %add3A_1133, %mul3A_1231 : i32
          %add3A_1233 = arith.constant 1 : i32
          %add3A_1234 = arith.addi %mul3A_1232, %add3A_1233 : i32
          %get3A_1235 = arith.index_cast %add3A_1234 : i32 to index
          %get3A_1236 = arith.constant 16 : index
          %get3A_1237 = tpu.vector_load %arg12[%get3A_1235, %get3A_1236] {strides = array<i32>} : memref<160x128xf32, #tpu.memory_space<vmem>>, vector<1x16xf32>,
          %get3A_1238 = vector.shape_cast %get3A_1237 : vector<1x16xf32> to vector<16xf32>
          %add3A_1239 = arith.addf %get3A_1230, %get3A_1238 : vector<16xf32>
          %mul3A_1240 = arith.constant 10 : i32
          %mul3A_1241 = arith.muli %add3A_1133, %mul3A_1240 : i32
          %add3A_1242 = arith.constant 2 : i32
          %add3A_1243 = arith.addi %mul3A_1241, %add3A_1242 : i32
          %get3A_1244 = arith.index_cast %add3A_1243 : i32 to index
          %get3A_1245 = arith.constant 16 : index
          %get3A_1246 = tpu.vector_load %arg12[%get3A_1244, %get3A_1245] {strides = array<i32>} : memref<160x128xf32, #tpu.memory_space<vmem>>, vector<1x16xf32>,
          %get3A_1247 = vector.shape_cast %get3A_1246 : vector<1x16xf32> to vector<16xf32>
          %add3A_1248 = arith.addf %add3A_1239, %get3A_1247 : vector<16xf32>
          %mul3A_1249 = arith.constant 10 : i32
          %mul3A_1250 = arith.muli %add3A_1133, %mul3A_1249 : i32
          %add3A_1251 = arith.constant 3 : i32
          %add3A_1252 = arith.addi %mul3A_1250, %add3A_1251 : i32
          %get3A_1253 = arith.index_cast %add3A_1252 : i32 to index
          %get3A_1254 = arith.constant 16 : index
          %get3A_1255 = tpu.vector_load %arg12[%get3A_1253, %get3A_1254] {strides = array<i32>} : memref<160x128xf32, #tpu.memory_space<vmem>>, vector<1x16xf32>,
          %get3A_1256 = vector.shape_cast %get3A_1255 : vector<1x16xf32> to vector<16xf32>
          %add3A_1257 = arith.addf %add3A_1248, %get3A_1256 : vector<16xf32>
          %mul3A_1258 = arith.constant 10 : i32
          %mul3A_1259 = arith.muli %add3A_1133, %mul3A_1258 : i32
          %add3A_1260 = arith.constant 4 : i32
          %add3A_1261 = arith.addi %mul3A_1259, %add3A_1260 : i32
          %get3A_1262 = arith.index_cast %add3A_1261 : i32 to index
          %get3A_1263 = arith.constant 16 : index
          %get3A_1264 = tpu.vector_load %arg12[%get3A_1262, %get3A_1263] {strides = array<i32>} : memref<160x128xf32, #tpu.memory_space<vmem>>, vector<1x16xf32>,
          %get3A_1265 = vector.shape_cast %get3A_1264 : vector<1x16xf32> to vector<16xf32>
          %add3A_1266 = arith.addf %add3A_1257, %get3A_1265 : vector<16xf32>
          %mul3A_1267 = arith.constant 10 : i32
          %mul3A_1268 = arith.muli %add3A_1133, %mul3A_1267 : i32
          %add3A_1269 = arith.constant 5 : i32
          %add3A_1270 = arith.addi %mul3A_1268, %add3A_1269 : i32
          %get3A_1271 = arith.index_cast %add3A_1270 : i32 to index
          %get3A_1272 = arith.constant 16 : index
          %get3A_1273 = tpu.vector_load %arg12[%get3A_1271, %get3A_1272] {strides = array<i32>} : memref<160x128xf32, #tpu.memory_space<vmem>>, vector<1x16xf32>,
          %get3A_1274 = vector.shape_cast %get3A_1273 : vector<1x16xf32> to vector<16xf32>
          %add3A_1275 = arith.addf %add3A_1266, %get3A_1274 : vector<16xf32>
          %mul3A_1276 = arith.constant 10 : i32
          %mul3A_1277 = arith.muli %add3A_1133, %mul3A_1276 : i32
          %add3A_1278 = arith.constant 6 : i32
          %add3A_1279 = arith.addi %mul3A_1277, %add3A_1278 : i32
          %get3A_1280 = arith.index_cast %add3A_1279 : i32 to index
          %get3A_1281 = arith.constant 16 : index
          %get3A_1282 = tpu.vector_load %arg12[%get3A_1280, %get3A_1281] {strides = array<i32>} : memref<160x128xf32, #tpu.memory_space<vmem>>, vector<1x16xf32>,
          %get3A_1283 = vector.shape_cast %get3A_1282 : vector<1x16xf32> to vector<16xf32>
          %add3A_1284 = arith.addf %add3A_1275, %get3A_1283 : vector<16xf32>
          %mul3A_1285 = arith.constant 10 : i32
          %mul3A_1286 = arith.muli %add3A_1133, %mul3A_1285 : i32
          %add3A_1287 = arith.constant 7 : i32
          %add3A_1288 = arith.addi %mul3A_1286, %add3A_1287 : i32
          %get3A_1289 = arith.index_cast %add3A_1288 : i32 to index
          %get3A_1290 = arith.constant 16 : index
          %get3A_1291 = tpu.vector_load %arg12[%get3A_1289, %get3A_1290] {strides = array<i32>} : memref<160x128xf32, #tpu.memory_space<vmem>>, vector<1x16xf32>,
          %get3A_1292 = vector.shape_cast %get3A_1291 : vector<1x16xf32> to vector<16xf32>
          %add3A_1293 = arith.addf %add3A_1284, %get3A_1292 : vector<16xf32>
          %mul3A_1294 = arith.constant 10 : i32
          %mul3A_1295 = arith.muli %add3A_1133, %mul3A_1294 : i32
          %add3A_1296 = arith.constant 8 : i32
          %add3A_1297 = arith.addi %mul3A_1295, %add3A_1296 : i32
          %get3A_1298 = arith.index_cast %add3A_1297 : i32 to index
          %get3A_1299 = arith.constant 16 : index
          %get3A_1300 = tpu.vector_load %arg12[%get3A_1298, %get3A_1299] {strides = array<i32>} : memref<160x128xf32, #tpu.memory_space<vmem>>, vector<1x16xf32>,
          %get3A_1301 = vector.shape_cast %get3A_1300 : vector<1x16xf32> to vector<16xf32>
          %add3A_1302 = arith.addf %add3A_1293, %get3A_1301 : vector<16xf32>
          %mul3A_1303 = arith.constant 10 : i32
          %mul3A_1304 = arith.muli %add3A_1133, %mul3A_1303 : i32
          %add3A_1305 = arith.constant 9 : i32
          %add3A_1306 = arith.addi %mul3A_1304, %add3A_1305 : i32
          %get3A_1307 = arith.index_cast %add3A_1306 : i32 to index
          %get3A_1308 = arith.constant 16 : index
          %get3A_1309 = tpu.vector_load %arg12[%get3A_1307, %get3A_1308] {strides = array<i32>} : memref<160x128xf32, #tpu.memory_space<vmem>>, vector<1x16xf32>,
          %get3A_1310 = vector.shape_cast %get3A_1309 : vector<1x16xf32> to vector<16xf32>
          %add3A_1311 = arith.addf %add3A_1302, %get3A_1310 : vector<16xf32>
          %swap3A_1312 = arith.index_cast %add3A_1133 : i32 to index
          %swap3A_1313 = arith.constant 16 : index
          %swap3A_1314 = tpu.vector_load %arg15[%swap3A_1312, %swap3A_1313] {strides = array<i32>} : memref<16x128xf32, #tpu.memory_space<vmem>>, vector<1x16xf32>,
          %swap3A_1315 = vector.shape_cast %swap3A_1314 : vector<1x16xf32> to vector<16xf32>
          %swap3A_1316 = vector.shape_cast %add3A_1311 : vector<16xf32> to vector<1x16xf32>
          tpu.vector_store %arg15[%swap3A_1312, %swap3A_1313], %swap3A_1316 {strides = array<i32>} : memref<16x128xf32, #tpu.memory_space<vmem>>, vector<1x16xf32>,
          %mul3A_1317 = arith.constant 10 : i32
          %mul3A_1318 = arith.muli %add3A_1133, %mul3A_1317 : i32
          %get3A_1319 = arith.index_cast %mul3A_1318 : i32 to index
          %get3A_1320 = arith.constant 32 : index
          %get3A_1321 = tpu.vector_load %arg12[%get3A_1319, %get3A_1320] {strides = array<i32>} : memref<160x128xf32, #tpu.memory_space<vmem>>, vector<1x16xf32>,
          %get3A_1322 = vector.shape_cast %get3A_1321 : vector<1x16xf32> to vector<16xf32>
          %mul3A_1323 = arith.constant 10 : i32
          %mul3A_1324 = arith.muli %add3A_1133, %mul3A_1323 : i32
          %add3A_1325 = arith.constant 1 : i32
          %add3A_1326 = arith.addi %mul3A_1324, %add3A_1325 : i32
          %get3A_1327 = arith.index_cast %add3A_1326 : i32 to index
          %get3A_1328 = arith.constant 32 : index
          %get3A_1329 = tpu.vector_load %arg12[%get3A_1327, %get3A_1328] {strides = array<i32>} : memref<160x128xf32, #tpu.memory_space<vmem>>, vector<1x16xf32>,
          %get3A_1330 = vector.shape_cast %get3A_1329 : vector<1x16xf32> to vector<16xf32>
          %add3A_1331 = arith.addf %get3A_1322, %get3A_1330 : vector<16xf32>
          %mul3A_1332 = arith.constant 10 : i32
          %mul3A_1333 = arith.muli %add3A_1133, %mul3A_1332 : i32
          %add3A_1334 = arith.constant 2 : i32
          %add3A_1335 = arith.addi %mul3A_1333, %add3A_1334 : i32
          %get3A_1336 = arith.index_cast %add3A_1335 : i32 to index
          %get3A_1337 = arith.constant 32 : index
          %get3A_1338 = tpu.vector_load %arg12[%get3A_1336, %get3A_1337] {strides = array<i32>} : memref<160x128xf32, #tpu.memory_space<vmem>>, vector<1x16xf32>,
          %get3A_1339 = vector.shape_cast %get3A_1338 : vector<1x16xf32> to vector<16xf32>
          %add3A_1340 = arith.addf %add3A_1331, %get3A_1339 : vector<16xf32>
          %mul3A_1341 = arith.constant 10 : i32
          %mul3A_1342 = arith.muli %add3A_1133, %mul3A_1341 : i32
          %add3A_1343 = arith.constant 3 : i32
          %add3A_1344 = arith.addi %mul3A_1342, %add3A_1343 : i32
          %get3A_1345 = arith.index_cast %add3A_1344 : i32 to index
          %get3A_1346 = arith.constant 32 : index
          %get3A_1347 = tpu.vector_load %arg12[%get3A_1345, %get3A_1346] {strides = array<i32>} : memref<160x128xf32, #tpu.memory_space<vmem>>, vector<1x16xf32>,
          %get3A_1348 = vector.shape_cast %get3A_1347 : vector<1x16xf32> to vector<16xf32>
          %add3A_1349 = arith.addf %add3A_1340, %get3A_1348 : vector<16xf32>
          %mul3A_1350 = arith.constant 10 : i32
          %mul3A_1351 = arith.muli %add3A_1133, %mul3A_1350 : i32
          %add3A_1352 = arith.constant 4 : i32
          %add3A_1353 = arith.addi %mul3A_1351, %add3A_1352 : i32
          %get3A_1354 = arith.index_cast %add3A_1353 : i32 to index
          %get3A_1355 = arith.constant 32 : index
          %get3A_1356 = tpu.vector_load %arg12[%get3A_1354, %get3A_1355] {strides = array<i32>} : memref<160x128xf32, #tpu.memory_space<vmem>>, vector<1x16xf32>,
          %get3A_1357 = vector.shape_cast %get3A_1356 : vector<1x16xf32> to vector<16xf32>
          %add3A_1358 = arith.addf %add3A_1349, %get3A_1357 : vector<16xf32>
          %mul3A_1359 = arith.constant 10 : i32
          %mul3A_1360 = arith.muli %add3A_1133, %mul3A_1359 : i32
          %add3A_1361 = arith.constant 5 : i32
          %add3A_1362 = arith.addi %mul3A_1360, %add3A_1361 : i32
          %get3A_1363 = arith.index_cast %add3A_1362 : i32 to index
          %get3A_1364 = arith.constant 32 : index
          %get3A_1365 = tpu.vector_load %arg12[%get3A_1363, %get3A_1364] {strides = array<i32>} : memref<160x128xf32, #tpu.memory_space<vmem>>, vector<1x16xf32>,
          %get3A_1366 = vector.shape_cast %get3A_1365 : vector<1x16xf32> to vector<16xf32>
          %add3A_1367 = arith.addf %add3A_1358, %get3A_1366 : vector<16xf32>
          %mul3A_1368 = arith.constant 10 : i32
          %mul3A_1369 = arith.muli %add3A_1133, %mul3A_1368 : i32
          %add3A_1370 = arith.constant 6 : i32
          %add3A_1371 = arith.addi %mul3A_1369, %add3A_1370 : i32
          %get3A_1372 = arith.index_cast %add3A_1371 : i32 to index
          %get3A_1373 = arith.constant 32 : index
          %get3A_1374 = tpu.vector_load %arg12[%get3A_1372, %get3A_1373] {strides = array<i32>} : memref<160x128xf32, #tpu.memory_space<vmem>>, vector<1x16xf32>,
          %get3A_1375 = vector.shape_cast %get3A_1374 : vector<1x16xf32> to vector<16xf32>
          %add3A_1376 = arith.addf %add3A_1367, %get3A_1375 : vector<16xf32>
          %mul3A_1377 = arith.constant 10 : i32
          %mul3A_1378 = arith.muli %add3A_1133, %mul3A_1377 : i32
          %add3A_1379 = arith.constant 7 : i32
          %add3A_1380 = arith.addi %mul3A_1378, %add3A_1379 : i32
          %get3A_1381 = arith.index_cast %add3A_1380 : i32 to index
          %get3A_1382 = arith.constant 32 : index
          %get3A_1383 = tpu.vector_load %arg12[%get3A_1381, %get3A_1382] {strides = array<i32>} : memref<160x128xf32, #tpu.memory_space<vmem>>, vector<1x16xf32>,
          %get3A_1384 = vector.shape_cast %get3A_1383 : vector<1x16xf32> to vector<16xf32>
          %add3A_1385 = arith.addf %add3A_1376, %get3A_1384 : vector<16xf32>
          %mul3A_1386 = arith.constant 10 : i32
          %mul3A_1387 = arith.muli %add3A_1133, %mul3A_1386 : i32
          %add3A_1388 = arith.constant 8 : i32
          %add3A_1389 = arith.addi %mul3A_1387, %add3A_1388 : i32
          %get3A_1390 = arith.index_cast %add3A_1389 : i32 to index
          %get3A_1391 = arith.constant 32 : index
          %get3A_1392 = tpu.vector_load %arg12[%get3A_1390, %get3A_1391] {strides = array<i32>} : memref<160x128xf32, #tpu.memory_space<vmem>>, vector<1x16xf32>,
          %get3A_1393 = vector.shape_cast %get3A_1392 : vector<1x16xf32> to vector<16xf32>
          %add3A_1394 = arith.addf %add3A_1385, %get3A_1393 : vector<16xf32>
          %mul3A_1395 = arith.constant 10 : i32
          %mul3A_1396 = arith.muli %add3A_1133, %mul3A_1395 : i32
          %add3A_1397 = arith.constant 9 : i32
          %add3A_1398 = arith.addi %mul3A_1396, %add3A_1397 : i32
          %get3A_1399 = arith.index_cast %add3A_1398 : i32 to index
          %get3A_1400 = arith.constant 32 : index
          %get3A_1401 = tpu.vector_load %arg12[%get3A_1399, %get3A_1400] {strides = array<i32>} : memref<160x128xf32, #tpu.memory_space<vmem>>, vector<1x16xf32>,
          %get3A_1402 = vector.shape_cast %get3A_1401 : vector<1x16xf32> to vector<16xf32>
          %add3A_1403 = arith.addf %add3A_1394, %get3A_1402 : vector<16xf32>
          %swap3A_1404 = arith.index_cast %add3A_1133 : i32 to index
          %swap3A_1405 = arith.constant 32 : index
          %swap3A_1406 = tpu.vector_load %arg15[%swap3A_1404, %swap3A_1405] {strides = array<i32>} : memref<16x128xf32, #tpu.memory_space<vmem>>, vector<1x16xf32>,
          %swap3A_1407 = vector.shape_cast %swap3A_1406 : vector<1x16xf32> to vector<16xf32>
          %swap3A_1408 = vector.shape_cast %add3A_1403 : vector<16xf32> to vector<1x16xf32>
          tpu.vector_store %arg15[%swap3A_1404, %swap3A_1405], %swap3A_1408 {strides = array<i32>} : memref<16x128xf32, #tpu.memory_space<vmem>>, vector<1x16xf32>,
          %mul3A_1409 = arith.constant 10 : i32
          %mul3A_1410 = arith.muli %add3A_1133, %mul3A_1409 : i32
          %get3A_1411 = arith.index_cast %mul3A_1410 : i32 to index
          %get3A_1412 = arith.constant 48 : index
          %get3A_1413 = tpu.vector_load %arg12[%get3A_1411, %get3A_1412] {strides = array<i32>} : memref<160x128xf32, #tpu.memory_space<vmem>>, vector<1x16xf32>,
          %get3A_1414 = vector.shape_cast %get3A_1413 : vector<1x16xf32> to vector<16xf32>
          %mul3A_1415 = arith.constant 10 : i32
          %mul3A_1416 = arith.muli %add3A_1133, %mul3A_1415 : i32
          %add3A_1417 = arith.constant 1 : i32
          %add3A_1418 = arith.addi %mul3A_1416, %add3A_1417 : i32
          %get3A_1419 = arith.index_cast %add3A_1418 : i32 to index
          %get3A_1420 = arith.constant 48 : index
          %get3A_1421 = tpu.vector_load %arg12[%get3A_1419, %get3A_1420] {strides = array<i32>} : memref<160x128xf32, #tpu.memory_space<vmem>>, vector<1x16xf32>,
          %get3A_1422 = vector.shape_cast %get3A_1421 : vector<1x16xf32> to vector<16xf32>
          %add3A_1423 = arith.addf %get3A_1414, %get3A_1422 : vector<16xf32>
          %mul3A_1424 = arith.constant 10 : i32
          %mul3A_1425 = arith.muli %add3A_1133, %mul3A_1424 : i32
          %add3A_1426 = arith.constant 2 : i32
          %add3A_1427 = arith.addi %mul3A_1425, %add3A_1426 : i32
          %get3A_1428 = arith.index_cast %add3A_1427 : i32 to index
          %get3A_1429 = arith.constant 48 : index
          %get3A_1430 = tpu.vector_load %arg12[%get3A_1428, %get3A_1429] {strides = array<i32>} : memref<160x128xf32, #tpu.memory_space<vmem>>, vector<1x16xf32>,
          %get3A_1431 = vector.shape_cast %get3A_1430 : vector<1x16xf32> to vector<16xf32>
          %add3A_1432 = arith.addf %add3A_1423, %get3A_1431 : vector<16xf32>
          %mul3A_1433 = arith.constant 10 : i32
          %mul3A_1434 = arith.muli %add3A_1133, %mul3A_1433 : i32
          %add3A_1435 = arith.constant 3 : i32
          %add3A_1436 = arith.addi %mul3A_1434, %add3A_1435 : i32
          %get3A_1437 = arith.index_cast %add3A_1436 : i32 to index
          %get3A_1438 = arith.constant 48 : index
          %get3A_1439 = tpu.vector_load %arg12[%get3A_1437, %get3A_1438] {strides = array<i32>} : memref<160x128xf32, #tpu.memory_space<vmem>>, vector<1x16xf32>,
          %get3A_1440 = vector.shape_cast %get3A_1439 : vector<1x16xf32> to vector<16xf32>
          %add3A_1441 = arith.addf %add3A_1432, %get3A_1440 : vector<16xf32>
          %mul3A_1442 = arith.constant 10 : i32
          %mul3A_1443 = arith.muli %add3A_1133, %mul3A_1442 : i32
          %add3A_1444 = arith.constant 4 : i32
          %add3A_1445 = arith.addi %mul3A_1443, %add3A_1444 : i32
          %get3A_1446 = arith.index_cast %add3A_1445 : i32 to index
          %get3A_1447 = arith.constant 48 : index
          %get3A_1448 = tpu.vector_load %arg12[%get3A_1446, %get3A_1447] {strides = array<i32>} : memref<160x128xf32, #tpu.memory_space<vmem>>, vector<1x16xf32>,
          %get3A_1449 = vector.shape_cast %get3A_1448 : vector<1x16xf32> to vector<16xf32>
          %add3A_1450 = arith.addf %add3A_1441, %get3A_1449 : vector<16xf32>
          %mul3A_1451 = arith.constant 10 : i32
          %mul3A_1452 = arith.muli %add3A_1133, %mul3A_1451 : i32
          %add3A_1453 = arith.constant 5 : i32
          %add3A_1454 = arith.addi %mul3A_1452, %add3A_1453 : i32
          %get3A_1455 = arith.index_cast %add3A_1454 : i32 to index
          %get3A_1456 = arith.constant 48 : index
          %get3A_1457 = tpu.vector_load %arg12[%get3A_1455, %get3A_1456] {strides = array<i32>} : memref<160x128xf32, #tpu.memory_space<vmem>>, vector<1x16xf32>,
          %get3A_1458 = vector.shape_cast %get3A_1457 : vector<1x16xf32> to vector<16xf32>
          %add3A_1459 = arith.addf %add3A_1450, %get3A_1458 : vector<16xf32>
          %mul3A_1460 = arith.constant 10 : i32
          %mul3A_1461 = arith.muli %add3A_1133, %mul3A_1460 : i32
          %add3A_1462 = arith.constant 6 : i32
          %add3A_1463 = arith.addi %mul3A_1461, %add3A_1462 : i32
          %get3A_1464 = arith.index_cast %add3A_1463 : i32 to index
          %get3A_1465 = arith.constant 48 : index
          %get3A_1466 = tpu.vector_load %arg12[%get3A_1464, %get3A_1465] {strides = array<i32>} : memref<160x128xf32, #tpu.memory_space<vmem>>, vector<1x16xf32>,
          %get3A_1467 = vector.shape_cast %get3A_1466 : vector<1x16xf32> to vector<16xf32>
          %add3A_1468 = arith.addf %add3A_1459, %get3A_1467 : vector<16xf32>
          %mul3A_1469 = arith.constant 10 : i32
          %mul3A_1470 = arith.muli %add3A_1133, %mul3A_1469 : i32
          %add3A_1471 = arith.constant 7 : i32
          %add3A_1472 = arith.addi %mul3A_1470, %add3A_1471 : i32
          %get3A_1473 = arith.index_cast %add3A_1472 : i32 to index
          %get3A_1474 = arith.constant 48 : index
          %get3A_1475 = tpu.vector_load %arg12[%get3A_1473, %get3A_1474] {strides = array<i32>} : memref<160x128xf32, #tpu.memory_space<vmem>>, vector<1x16xf32>,
          %get3A_1476 = vector.shape_cast %get3A_1475 : vector<1x16xf32> to vector<16xf32>
          %add3A_1477 = arith.addf %add3A_1468, %get3A_1476 : vector<16xf32>
          %mul3A_1478 = arith.constant 10 : i32
          %mul3A_1479 = arith.muli %add3A_1133, %mul3A_1478 : i32
          %add3A_1480 = arith.constant 8 : i32
          %add3A_1481 = arith.addi %mul3A_1479, %add3A_1480 : i32
          %get3A_1482 = arith.index_cast %add3A_1481 : i32 to index
          %get3A_1483 = arith.constant 48 : index
          %get3A_1484 = tpu.vector_load %arg12[%get3A_1482, %get3A_1483] {strides = array<i32>} : memref<160x128xf32, #tpu.memory_space<vmem>>, vector<1x16xf32>,
          %get3A_1485 = vector.shape_cast %get3A_1484 : vector<1x16xf32> to vector<16xf32>
          %add3A_1486 = arith.addf %add3A_1477, %get3A_1485 : vector<16xf32>
          %mul3A_1487 = arith.constant 10 : i32
          %mul3A_1488 = arith.muli %add3A_1133, %mul3A_1487 : i32
          %add3A_1489 = arith.constant 9 : i32
          %add3A_1490 = arith.addi %mul3A_1488, %add3A_1489 : i32
          %get3A_1491 = arith.index_cast %add3A_1490 : i32 to index
          %get3A_1492 = arith.constant 48 : index
          %get3A_1493 = tpu.vector_load %arg12[%get3A_1491, %get3A_1492] {strides = array<i32>} : memref<160x128xf32, #tpu.memory_space<vmem>>, vector<1x16xf32>,
          %get3A_1494 = vector.shape_cast %get3A_1493 : vector<1x16xf32> to vector<16xf32>
          %add3A_1495 = arith.addf %add3A_1486, %get3A_1494 : vector<16xf32>
          %swap3A_1496 = arith.index_cast %add3A_1133 : i32 to index
          %swap3A_1497 = arith.constant 48 : index
          %swap3A_1498 = tpu.vector_load %arg15[%swap3A_1496, %swap3A_1497] {strides = array<i32>} : memref<16x128xf32, #tpu.memory_space<vmem>>, vector<1x16xf32>,
          %swap3A_1499 = vector.shape_cast %swap3A_1498 : vector<1x16xf32> to vector<16xf32>
          %swap3A_1500 = vector.shape_cast %add3A_1495 : vector<16xf32> to vector<1x16xf32>
          tpu.vector_store %arg15[%swap3A_1496, %swap3A_1497], %swap3A_1500 {strides = array<i32>} : memref<16x128xf32, #tpu.memory_space<vmem>>, vector<1x16xf32>,
          %mul3A_1501 = arith.constant 10 : i32
          %mul3A_1502 = arith.muli %add3A_1133, %mul3A_1501 : i32
          %get3A_1503 = arith.index_cast %mul3A_1502 : i32 to index
          %get3A_1504 = arith.constant 64 : index
          %get3A_1505 = tpu.vector_load %arg12[%get3A_1503, %get3A_1504] {strides = array<i32>} : memref<160x128xf32, #tpu.memory_space<vmem>>, vector<1x16xf32>,
          %get3A_1506 = vector.shape_cast %get3A_1505 : vector<1x16xf32> to vector<16xf32>
          %mul3A_1507 = arith.constant 10 : i32
          %mul3A_1508 = arith.muli %add3A_1133, %mul3A_1507 : i32
          %add3A_1509 = arith.constant 1 : i32
          %add3A_1510 = arith.addi %mul3A_1508, %add3A_1509 : i32
          %get3A_1511 = arith.index_cast %add3A_1510 : i32 to index
          %get3A_1512 = arith.constant 64 : index
          %get3A_1513 = tpu.vector_load %arg12[%get3A_1511, %get3A_1512] {strides = array<i32>} : memref<160x128xf32, #tpu.memory_space<vmem>>, vector<1x16xf32>,
          %get3A_1514 = vector.shape_cast %get3A_1513 : vector<1x16xf32> to vector<16xf32>
          %add3A_1515 = arith.addf %get3A_1506, %get3A_1514 : vector<16xf32>
          %mul3A_1516 = arith.constant 10 : i32
          %mul3A_1517 = arith.muli %add3A_1133, %mul3A_1516 : i32
          %add3A_1518 = arith.constant 2 : i32
          %add3A_1519 = arith.addi %mul3A_1517, %add3A_1518 : i32
          %get3A_1520 = arith.index_cast %add3A_1519 : i32 to index
          %get3A_1521 = arith.constant 64 : index
          %get3A_1522 = tpu.vector_load %arg12[%get3A_1520, %get3A_1521] {strides = array<i32>} : memref<160x128xf32, #tpu.memory_space<vmem>>, vector<1x16xf32>,
          %get3A_1523 = vector.shape_cast %get3A_1522 : vector<1x16xf32> to vector<16xf32>
          %add3A_1524 = arith.addf %add3A_1515, %get3A_1523 : vector<16xf32>
          %mul3A_1525 = arith.constant 10 : i32
          %mul3A_1526 = arith.muli %add3A_1133, %mul3A_1525 : i32
          %add3A_1527 = arith.constant 3 : i32
          %add3A_1528 = arith.addi %mul3A_1526, %add3A_1527 : i32
          %get3A_1529 = arith.index_cast %add3A_1528 : i32 to index
          %get3A_1530 = arith.constant 64 : index
          %get3A_1531 = tpu.vector_load %arg12[%get3A_1529, %get3A_1530] {strides = array<i32>} : memref<160x128xf32, #tpu.memory_space<vmem>>, vector<1x16xf32>,
          %get3A_1532 = vector.shape_cast %get3A_1531 : vector<1x16xf32> to vector<16xf32>
          %add3A_1533 = arith.addf %add3A_1524, %get3A_1532 : vector<16xf32>
          %mul3A_1534 = arith.constant 10 : i32
          %mul3A_1535 = arith.muli %add3A_1133, %mul3A_1534 : i32
          %add3A_1536 = arith.constant 4 : i32
          %add3A_1537 = arith.addi %mul3A_1535, %add3A_1536 : i32
          %get3A_1538 = arith.index_cast %add3A_1537 : i32 to index
          %get3A_1539 = arith.constant 64 : index
          %get3A_1540 = tpu.vector_load %arg12[%get3A_1538, %get3A_1539] {strides = array<i32>} : memref<160x128xf32, #tpu.memory_space<vmem>>, vector<1x16xf32>,
          %get3A_1541 = vector.shape_cast %get3A_1540 : vector<1x16xf32> to vector<16xf32>
          %add3A_1542 = arith.addf %add3A_1533, %get3A_1541 : vector<16xf32>
          %mul3A_1543 = arith.constant 10 : i32
          %mul3A_1544 = arith.muli %add3A_1133, %mul3A_1543 : i32
          %add3A_1545 = arith.constant 5 : i32
          %add3A_1546 = arith.addi %mul3A_1544, %add3A_1545 : i32
          %get3A_1547 = arith.index_cast %add3A_1546 : i32 to index
          %get3A_1548 = arith.constant 64 : index
          %get3A_1549 = tpu.vector_load %arg12[%get3A_1547, %get3A_1548] {strides = array<i32>} : memref<160x128xf32, #tpu.memory_space<vmem>>, vector<1x16xf32>,
          %get3A_1550 = vector.shape_cast %get3A_1549 : vector<1x16xf32> to vector<16xf32>
          %add3A_1551 = arith.addf %add3A_1542, %get3A_1550 : vector<16xf32>
          %mul3A_1552 = arith.constant 10 : i32
          %mul3A_1553 = arith.muli %add3A_1133, %mul3A_1552 : i32
          %add3A_1554 = arith.constant 6 : i32
          %add3A_1555 = arith.addi %mul3A_1553, %add3A_1554 : i32
          %get3A_1556 = arith.index_cast %add3A_1555 : i32 to index
          %get3A_1557 = arith.constant 64 : index
          %get3A_1558 = tpu.vector_load %arg12[%get3A_1556, %get3A_1557] {strides = array<i32>} : memref<160x128xf32, #tpu.memory_space<vmem>>, vector<1x16xf32>,
          %get3A_1559 = vector.shape_cast %get3A_1558 : vector<1x16xf32> to vector<16xf32>
          %add3A_1560 = arith.addf %add3A_1551, %get3A_1559 : vector<16xf32>
          %mul3A_1561 = arith.constant 10 : i32
          %mul3A_1562 = arith.muli %add3A_1133, %mul3A_1561 : i32
          %add3A_1563 = arith.constant 7 : i32
          %add3A_1564 = arith.addi %mul3A_1562, %add3A_1563 : i32
          %get3A_1565 = arith.index_cast %add3A_1564 : i32 to index
          %get3A_1566 = arith.constant 64 : index
          %get3A_1567 = tpu.vector_load %arg12[%get3A_1565, %get3A_1566] {strides = array<i32>} : memref<160x128xf32, #tpu.memory_space<vmem>>, vector<1x16xf32>,
          %get3A_1568 = vector.shape_cast %get3A_1567 : vector<1x16xf32> to vector<16xf32>
          %add3A_1569 = arith.addf %add3A_1560, %get3A_1568 : vector<16xf32>
          %mul3A_1570 = arith.constant 10 : i32
          %mul3A_1571 = arith.muli %add3A_1133, %mul3A_1570 : i32
          %add3A_1572 = arith.constant 8 : i32
          %add3A_1573 = arith.addi %mul3A_1571, %add3A_1572 : i32
          %get3A_1574 = arith.index_cast %add3A_1573 : i32 to index
          %get3A_1575 = arith.constant 64 : index
          %get3A_1576 = tpu.vector_load %arg12[%get3A_1574, %get3A_1575] {strides = array<i32>} : memref<160x128xf32, #tpu.memory_space<vmem>>, vector<1x16xf32>,
          %get3A_1577 = vector.shape_cast %get3A_1576 : vector<1x16xf32> to vector<16xf32>
          %add3A_1578 = arith.addf %add3A_1569, %get3A_1577 : vector<16xf32>
          %mul3A_1579 = arith.constant 10 : i32
          %mul3A_1580 = arith.muli %add3A_1133, %mul3A_1579 : i32
          %add3A_1581 = arith.constant 9 : i32
          %add3A_1582 = arith.addi %mul3A_1580, %add3A_1581 : i32
          %get3A_1583 = arith.index_cast %add3A_1582 : i32 to index
          %get3A_1584 = arith.constant 64 : index
          %get3A_1585 = tpu.vector_load %arg12[%get3A_1583, %get3A_1584] {strides = array<i32>} : memref<160x128xf32, #tpu.memory_space<vmem>>, vector<1x16xf32>,
          %get3A_1586 = vector.shape_cast %get3A_1585 : vector<1x16xf32> to vector<16xf32>
          %add3A_1587 = arith.addf %add3A_1578, %get3A_1586 : vector<16xf32>
          %swap3A_1588 = arith.index_cast %add3A_1133 : i32 to index
          %swap3A_1589 = arith.constant 64 : index
          %swap3A_1590 = tpu.vector_load %arg15[%swap3A_1588, %swap3A_1589] {strides = array<i32>} : memref<16x128xf32, #tpu.memory_space<vmem>>, vector<1x16xf32>,
          %swap3A_1591 = vector.shape_cast %swap3A_1590 : vector<1x16xf32> to vector<16xf32>
          %swap3A_1592 = vector.shape_cast %add3A_1587 : vector<16xf32> to vector<1x16xf32>
          tpu.vector_store %arg15[%swap3A_1588, %swap3A_1589], %swap3A_1592 {strides = array<i32>} : memref<16x128xf32, #tpu.memory_space<vmem>>, vector<1x16xf32>,
          %mul3A_1593 = arith.constant 10 : i32
          %mul3A_1594 = arith.muli %add3A_1133, %mul3A_1593 : i32
          %get3A_1595 = arith.index_cast %mul3A_1594 : i32 to index
          %get3A_1596 = arith.constant 80 : index
          %get3A_1597 = tpu.vector_load %arg12[%get3A_1595, %get3A_1596] {strides = array<i32>} : memref<160x128xf32, #tpu.memory_space<vmem>>, vector<1x16xf32>,
          %get3A_1598 = vector.shape_cast %get3A_1597 : vector<1x16xf32> to vector<16xf32>
          %mul3A_1599 = arith.constant 10 : i32
          %mul3A_1600 = arith.muli %add3A_1133, %mul3A_1599 : i32
          %add3A_1601 = arith.constant 1 : i32
          %add3A_1602 = arith.addi %mul3A_1600, %add3A_1601 : i32
          %get3A_1603 = arith.index_cast %add3A_1602 : i32 to index
          %get3A_1604 = arith.constant 80 : index
          %get3A_1605 = tpu.vector_load %arg12[%get3A_1603, %get3A_1604] {strides = array<i32>} : memref<160x128xf32, #tpu.memory_space<vmem>>, vector<1x16xf32>,
          %get3A_1606 = vector.shape_cast %get3A_1605 : vector<1x16xf32> to vector<16xf32>
          %add3A_1607 = arith.addf %get3A_1598, %get3A_1606 : vector<16xf32>
          %mul3A_1608 = arith.constant 10 : i32
          %mul3A_1609 = arith.muli %add3A_1133, %mul3A_1608 : i32
          %add3A_1610 = arith.constant 2 : i32
          %add3A_1611 = arith.addi %mul3A_1609, %add3A_1610 : i32
          %get3A_1612 = arith.index_cast %add3A_1611 : i32 to index
          %get3A_1613 = arith.constant 80 : index
          %get3A_1614 = tpu.vector_load %arg12[%get3A_1612, %get3A_1613] {strides = array<i32>} : memref<160x128xf32, #tpu.memory_space<vmem>>, vector<1x16xf32>,
          %get3A_1615 = vector.shape_cast %get3A_1614 : vector<1x16xf32> to vector<16xf32>
          %add3A_1616 = arith.addf %add3A_1607, %get3A_1615 : vector<16xf32>
          %mul3A_1617 = arith.constant 10 : i32
          %mul3A_1618 = arith.muli %add3A_1133, %mul3A_1617 : i32
          %add3A_1619 = arith.constant 3 : i32
          %add3A_1620 = arith.addi %mul3A_1618, %add3A_1619 : i32
          %get3A_1621 = arith.index_cast %add3A_1620 : i32 to index
          %get3A_1622 = arith.constant 80 : index
          %get3A_1623 = tpu.vector_load %arg12[%get3A_1621, %get3A_1622] {strides = array<i32>} : memref<160x128xf32, #tpu.memory_space<vmem>>, vector<1x16xf32>,
          %get3A_1624 = vector.shape_cast %get3A_1623 : vector<1x16xf32> to vector<16xf32>
          %add3A_1625 = arith.addf %add3A_1616, %get3A_1624 : vector<16xf32>
          %mul3A_1626 = arith.constant 10 : i32
          %mul3A_1627 = arith.muli %add3A_1133, %mul3A_1626 : i32
          %add3A_1628 = arith.constant 4 : i32
          %add3A_1629 = arith.addi %mul3A_1627, %add3A_1628 : i32
          %get3A_1630 = arith.index_cast %add3A_1629 : i32 to index
          %get3A_1631 = arith.constant 80 : index
          %get3A_1632 = tpu.vector_load %arg12[%get3A_1630, %get3A_1631] {strides = array<i32>} : memref<160x128xf32, #tpu.memory_space<vmem>>, vector<1x16xf32>,
          %get3A_1633 = vector.shape_cast %get3A_1632 : vector<1x16xf32> to vector<16xf32>
          %add3A_1634 = arith.addf %add3A_1625, %get3A_1633 : vector<16xf32>
          %mul3A_1635 = arith.constant 10 : i32
          %mul3A_1636 = arith.muli %add3A_1133, %mul3A_1635 : i32
          %add3A_1637 = arith.constant 5 : i32
          %add3A_1638 = arith.addi %mul3A_1636, %add3A_1637 : i32
          %get3A_1639 = arith.index_cast %add3A_1638 : i32 to index
          %get3A_1640 = arith.constant 80 : index
          %get3A_1641 = tpu.vector_load %arg12[%get3A_1639, %get3A_1640] {strides = array<i32>} : memref<160x128xf32, #tpu.memory_space<vmem>>, vector<1x16xf32>,
          %get3A_1642 = vector.shape_cast %get3A_1641 : vector<1x16xf32> to vector<16xf32>
          %add3A_1643 = arith.addf %add3A_1634, %get3A_1642 : vector<16xf32>
          %mul3A_1644 = arith.constant 10 : i32
          %mul3A_1645 = arith.muli %add3A_1133, %mul3A_1644 : i32
          %add3A_1646 = arith.constant 6 : i32
          %add3A_1647 = arith.addi %mul3A_1645, %add3A_1646 : i32
          %get3A_1648 = arith.index_cast %add3A_1647 : i32 to index
          %get3A_1649 = arith.constant 80 : index
          %get3A_1650 = tpu.vector_load %arg12[%get3A_1648, %get3A_1649] {strides = array<i32>} : memref<160x128xf32, #tpu.memory_space<vmem>>, vector<1x16xf32>,
          %get3A_1651 = vector.shape_cast %get3A_1650 : vector<1x16xf32> to vector<16xf32>
          %add3A_1652 = arith.addf %add3A_1643, %get3A_1651 : vector<16xf32>
          %mul3A_1653 = arith.constant 10 : i32
          %mul3A_1654 = arith.muli %add3A_1133, %mul3A_1653 : i32
          %add3A_1655 = arith.constant 7 : i32
          %add3A_1656 = arith.addi %mul3A_1654, %add3A_1655 : i32
          %get3A_1657 = arith.index_cast %add3A_1656 : i32 to index
          %get3A_1658 = arith.constant 80 : index
          %get3A_1659 = tpu.vector_load %arg12[%get3A_1657, %get3A_1658] {strides = array<i32>} : memref<160x128xf32, #tpu.memory_space<vmem>>, vector<1x16xf32>,
          %get3A_1660 = vector.shape_cast %get3A_1659 : vector<1x16xf32> to vector<16xf32>
          %add3A_1661 = arith.addf %add3A_1652, %get3A_1660 : vector<16xf32>
          %mul3A_1662 = arith.constant 10 : i32
          %mul3A_1663 = arith.muli %add3A_1133, %mul3A_1662 : i32
          %add3A_1664 = arith.constant 8 : i32
          %add3A_1665 = arith.addi %mul3A_1663, %add3A_1664 : i32
          %get3A_1666 = arith.index_cast %add3A_1665 : i32 to index
          %get3A_1667 = arith.constant 80 : index
          %get3A_1668 = tpu.vector_load %arg12[%get3A_1666, %get3A_1667] {strides = array<i32>} : memref<160x128xf32, #tpu.memory_space<vmem>>, vector<1x16xf32>,
          %get3A_1669 = vector.shape_cast %get3A_1668 : vector<1x16xf32> to vector<16xf32>
          %add3A_1670 = arith.addf %add3A_1661, %get3A_1669 : vector<16xf32>
          %mul3A_1671 = arith.constant 10 : i32
          %mul3A_1672 = arith.muli %add3A_1133, %mul3A_1671 : i32
          %add3A_1673 = arith.constant 9 : i32
          %add3A_1674 = arith.addi %mul3A_1672, %add3A_1673 : i32
          %get3A_1675 = arith.index_cast %add3A_1674 : i32 to index
          %get3A_1676 = arith.constant 80 : index
          %get3A_1677 = tpu.vector_load %arg12[%get3A_1675, %get3A_1676] {strides = array<i32>} : memref<160x128xf32, #tpu.memory_space<vmem>>, vector<1x16xf32>,
          %get3A_1678 = vector.shape_cast %get3A_1677 : vector<1x16xf32> to vector<16xf32>
          %add3A_1679 = arith.addf %add3A_1670, %get3A_1678 : vector<16xf32>
          %swap3A_1680 = arith.index_cast %add3A_1133 : i32 to index
          %swap3A_1681 = arith.constant 80 : index
          %swap3A_1682 = tpu.vector_load %arg15[%swap3A_1680, %swap3A_1681] {strides = array<i32>} : memref<16x128xf32, #tpu.memory_space<vmem>>, vector<1x16xf32>,
          %swap3A_1683 = vector.shape_cast %swap3A_1682 : vector<1x16xf32> to vector<16xf32>
          %swap3A_1684 = vector.shape_cast %add3A_1679 : vector<16xf32> to vector<1x16xf32>
          tpu.vector_store %arg15[%swap3A_1680, %swap3A_1681], %swap3A_1684 {strides = array<i32>} : memref<16x128xf32, #tpu.memory_space<vmem>>, vector<1x16xf32>,
          %mul3A_1685 = arith.constant 10 : i32
          %mul3A_1686 = arith.muli %add3A_1133, %mul3A_1685 : i32
          %get3A_1687 = arith.index_cast %mul3A_1686 : i32 to index
          %get3A_1688 = arith.constant 96 : index
          %get3A_1689 = tpu.vector_load %arg12[%get3A_1687, %get3A_1688] {strides = array<i32>} : memref<160x128xf32, #tpu.memory_space<vmem>>, vector<1x16xf32>,
          %get3A_1690 = vector.shape_cast %get3A_1689 : vector<1x16xf32> to vector<16xf32>
          %mul3A_1691 = arith.constant 10 : i32
          %mul3A_1692 = arith.muli %add3A_1133, %mul3A_1691 : i32
          %add3A_1693 = arith.constant 1 : i32
          %add3A_1694 = arith.addi %mul3A_1692, %add3A_1693 : i32
          %get3A_1695 = arith.index_cast %add3A_1694 : i32 to index
          %get3A_1696 = arith.constant 96 : index
          %get3A_1697 = tpu.vector_load %arg12[%get3A_1695, %get3A_1696] {strides = array<i32>} : memref<160x128xf32, #tpu.memory_space<vmem>>, vector<1x16xf32>,
          %get3A_1698 = vector.shape_cast %get3A_1697 : vector<1x16xf32> to vector<16xf32>
          %add3A_1699 = arith.addf %get3A_1690, %get3A_1698 : vector<16xf32>
          %mul3A_1700 = arith.constant 10 : i32
          %mul3A_1701 = arith.muli %add3A_1133, %mul3A_1700 : i32
          %add3A_1702 = arith.constant 2 : i32
          %add3A_1703 = arith.addi %mul3A_1701, %add3A_1702 : i32
          %get3A_1704 = arith.index_cast %add3A_1703 : i32 to index
          %get3A_1705 = arith.constant 96 : index
          %get3A_1706 = tpu.vector_load %arg12[%get3A_1704, %get3A_1705] {strides = array<i32>} : memref<160x128xf32, #tpu.memory_space<vmem>>, vector<1x16xf32>,
          %get3A_1707 = vector.shape_cast %get3A_1706 : vector<1x16xf32> to vector<16xf32>
          %add3A_1708 = arith.addf %add3A_1699, %get3A_1707 : vector<16xf32>
          %mul3A_1709 = arith.constant 10 : i32
          %mul3A_1710 = arith.muli %add3A_1133, %mul3A_1709 : i32
          %add3A_1711 = arith.constant 3 : i32
          %add3A_1712 = arith.addi %mul3A_1710, %add3A_1711 : i32
          %get3A_1713 = arith.index_cast %add3A_1712 : i32 to index
          %get3A_1714 = arith.constant 96 : index
          %get3A_1715 = tpu.vector_load %arg12[%get3A_1713, %get3A_1714] {strides = array<i32>} : memref<160x128xf32, #tpu.memory_space<vmem>>, vector<1x16xf32>,
          %get3A_1716 = vector.shape_cast %get3A_1715 : vector<1x16xf32> to vector<16xf32>
          %add3A_1717 = arith.addf %add3A_1708, %get3A_1716 : vector<16xf32>
          %mul3A_1718 = arith.constant 10 : i32
          %mul3A_1719 = arith.muli %add3A_1133, %mul3A_1718 : i32
          %add3A_1720 = arith.constant 4 : i32
          %add3A_1721 = arith.addi %mul3A_1719, %add3A_1720 : i32
          %get3A_1722 = arith.index_cast %add3A_1721 : i32 to index
          %get3A_1723 = arith.constant 96 : index
          %get3A_1724 = tpu.vector_load %arg12[%get3A_1722, %get3A_1723] {strides = array<i32>} : memref<160x128xf32, #tpu.memory_space<vmem>>, vector<1x16xf32>,
          %get3A_1725 = vector.shape_cast %get3A_1724 : vector<1x16xf32> to vector<16xf32>
          %add3A_1726 = arith.addf %add3A_1717, %get3A_1725 : vector<16xf32>
          %mul3A_1727 = arith.constant 10 : i32
          %mul3A_1728 = arith.muli %add3A_1133, %mul3A_1727 : i32
          %add3A_1729 = arith.constant 5 : i32
          %add3A_1730 = arith.addi %mul3A_1728, %add3A_1729 : i32
          %get3A_1731 = arith.index_cast %add3A_1730 : i32 to index
          %get3A_1732 = arith.constant 96 : index
          %get3A_1733 = tpu.vector_load %arg12[%get3A_1731, %get3A_1732] {strides = array<i32>} : memref<160x128xf32, #tpu.memory_space<vmem>>, vector<1x16xf32>,
          %get3A_1734 = vector.shape_cast %get3A_1733 : vector<1x16xf32> to vector<16xf32>
          %add3A_1735 = arith.addf %add3A_1726, %get3A_1734 : vector<16xf32>
          %mul3A_1736 = arith.constant 10 : i32
          %mul3A_1737 = arith.muli %add3A_1133, %mul3A_1736 : i32
          %add3A_1738 = arith.constant 6 : i32
          %add3A_1739 = arith.addi %mul3A_1737, %add3A_1738 : i32
          %get3A_1740 = arith.index_cast %add3A_1739 : i32 to index
          %get3A_1741 = arith.constant 96 : index
          %get3A_1742 = tpu.vector_load %arg12[%get3A_1740, %get3A_1741] {strides = array<i32>} : memref<160x128xf32, #tpu.memory_space<vmem>>, vector<1x16xf32>,
          %get3A_1743 = vector.shape_cast %get3A_1742 : vector<1x16xf32> to vector<16xf32>
          %add3A_1744 = arith.addf %add3A_1735, %get3A_1743 : vector<16xf32>
          %mul3A_1745 = arith.constant 10 : i32
          %mul3A_1746 = arith.muli %add3A_1133, %mul3A_1745 : i32
          %add3A_1747 = arith.constant 7 : i32
          %add3A_1748 = arith.addi %mul3A_1746, %add3A_1747 : i32
          %get3A_1749 = arith.index_cast %add3A_1748 : i32 to index
          %get3A_1750 = arith.constant 96 : index
          %get3A_1751 = tpu.vector_load %arg12[%get3A_1749, %get3A_1750] {strides = array<i32>} : memref<160x128xf32, #tpu.memory_space<vmem>>, vector<1x16xf32>,
          %get3A_1752 = vector.shape_cast %get3A_1751 : vector<1x16xf32> to vector<16xf32>
          %add3A_1753 = arith.addf %add3A_1744, %get3A_1752 : vector<16xf32>
          %mul3A_1754 = arith.constant 10 : i32
          %mul3A_1755 = arith.muli %add3A_1133, %mul3A_1754 : i32
          %add3A_1756 = arith.constant 8 : i32
          %add3A_1757 = arith.addi %mul3A_1755, %add3A_1756 : i32
          %get3A_1758 = arith.index_cast %add3A_1757 : i32 to index
          %get3A_1759 = arith.constant 96 : index
          %get3A_1760 = tpu.vector_load %arg12[%get3A_1758, %get3A_1759] {strides = array<i32>} : memref<160x128xf32, #tpu.memory_space<vmem>>, vector<1x16xf32>,
          %get3A_1761 = vector.shape_cast %get3A_1760 : vector<1x16xf32> to vector<16xf32>
          %add3A_1762 = arith.addf %add3A_1753, %get3A_1761 : vector<16xf32>
          %mul3A_1763 = arith.constant 10 : i32
          %mul3A_1764 = arith.muli %add3A_1133, %mul3A_1763 : i32
          %add3A_1765 = arith.constant 9 : i32
          %add3A_1766 = arith.addi %mul3A_1764, %add3A_1765 : i32
          %get3A_1767 = arith.index_cast %add3A_1766 : i32 to index
          %get3A_1768 = arith.constant 96 : index
          %get3A_1769 = tpu.vector_load %arg12[%get3A_1767, %get3A_1768] {strides = array<i32>} : memref<160x128xf32, #tpu.memory_space<vmem>>, vector<1x16xf32>,
          %get3A_1770 = vector.shape_cast %get3A_1769 : vector<1x16xf32> to vector<16xf32>
          %add3A_1771 = arith.addf %add3A_1762, %get3A_1770 : vector<16xf32>
          %swap3A_1772 = arith.index_cast %add3A_1133 : i32 to index
          %swap3A_1773 = arith.constant 96 : index
          %swap3A_1774 = tpu.vector_load %arg15[%swap3A_1772, %swap3A_1773] {strides = array<i32>} : memref<16x128xf32, #tpu.memory_space<vmem>>, vector<1x16xf32>,
          %swap3A_1775 = vector.shape_cast %swap3A_1774 : vector<1x16xf32> to vector<16xf32>
          %swap3A_1776 = vector.shape_cast %add3A_1771 : vector<16xf32> to vector<1x16xf32>
          tpu.vector_store %arg15[%swap3A_1772, %swap3A_1773], %swap3A_1776 {strides = array<i32>} : memref<16x128xf32, #tpu.memory_space<vmem>>, vector<1x16xf32>,
          %mul3A_1777 = arith.constant 10 : i32
          %mul3A_1778 = arith.muli %add3A_1133, %mul3A_1777 : i32
          %get3A_1779 = arith.index_cast %mul3A_1778 : i32 to index
          %get3A_1780 = arith.constant 112 : index
          %get3A_1781 = tpu.vector_load %arg12[%get3A_1779, %get3A_1780] {strides = array<i32>} : memref<160x128xf32, #tpu.memory_space<vmem>>, vector<1x16xf32>,
          %get3A_1782 = vector.shape_cast %get3A_1781 : vector<1x16xf32> to vector<16xf32>
          %mul3A_1783 = arith.constant 10 : i32
          %mul3A_1784 = arith.muli %add3A_1133, %mul3A_1783 : i32
          %add3A_1785 = arith.constant 1 : i32
          %add3A_1786 = arith.addi %mul3A_1784, %add3A_1785 : i32
          %get3A_1787 = arith.index_cast %add3A_1786 : i32 to index
          %get3A_1788 = arith.constant 112 : index
          %get3A_1789 = tpu.vector_load %arg12[%get3A_1787, %get3A_1788] {strides = array<i32>} : memref<160x128xf32, #tpu.memory_space<vmem>>, vector<1x16xf32>,
          %get3A_1790 = vector.shape_cast %get3A_1789 : vector<1x16xf32> to vector<16xf32>
          %add3A_1791 = arith.addf %get3A_1782, %get3A_1790 : vector<16xf32>
          %mul3A_1792 = arith.constant 10 : i32
          %mul3A_1793 = arith.muli %add3A_1133, %mul3A_1792 : i32
          %add3A_1794 = arith.constant 2 : i32
          %add3A_1795 = arith.addi %mul3A_1793, %add3A_1794 : i32
          %get3A_1796 = arith.index_cast %add3A_1795 : i32 to index
          %get3A_1797 = arith.constant 112 : index
          %get3A_1798 = tpu.vector_load %arg12[%get3A_1796, %get3A_1797] {strides = array<i32>} : memref<160x128xf32, #tpu.memory_space<vmem>>, vector<1x16xf32>,
          %get3A_1799 = vector.shape_cast %get3A_1798 : vector<1x16xf32> to vector<16xf32>
          %add3A_1800 = arith.addf %add3A_1791, %get3A_1799 : vector<16xf32>
          %mul3A_1801 = arith.constant 10 : i32
          %mul3A_1802 = arith.muli %add3A_1133, %mul3A_1801 : i32
          %add3A_1803 = arith.constant 3 : i32
          %add3A_1804 = arith.addi %mul3A_1802, %add3A_1803 : i32
          %get3A_1805 = arith.index_cast %add3A_1804 : i32 to index
          %get3A_1806 = arith.constant 112 : index
          %get3A_1807 = tpu.vector_load %arg12[%get3A_1805, %get3A_1806] {strides = array<i32>} : memref<160x128xf32, #tpu.memory_space<vmem>>, vector<1x16xf32>,
          %get3A_1808 = vector.shape_cast %get3A_1807 : vector<1x16xf32> to vector<16xf32>
          %add3A_1809 = arith.addf %add3A_1800, %get3A_1808 : vector<16xf32>
          %mul3A_1810 = arith.constant 10 : i32
          %mul3A_1811 = arith.muli %add3A_1133, %mul3A_1810 : i32
          %add3A_1812 = arith.constant 4 : i32
          %add3A_1813 = arith.addi %mul3A_1811, %add3A_1812 : i32
          %get3A_1814 = arith.index_cast %add3A_1813 : i32 to index
          %get3A_1815 = arith.constant 112 : index
          %get3A_1816 = tpu.vector_load %arg12[%get3A_1814, %get3A_1815] {strides = array<i32>} : memref<160x128xf32, #tpu.memory_space<vmem>>, vector<1x16xf32>,
          %get3A_1817 = vector.shape_cast %get3A_1816 : vector<1x16xf32> to vector<16xf32>
          %add3A_1818 = arith.addf %add3A_1809, %get3A_1817 : vector<16xf32>
          %mul3A_1819 = arith.constant 10 : i32
          %mul3A_1820 = arith.muli %add3A_1133, %mul3A_1819 : i32
          %add3A_1821 = arith.constant 5 : i32
          %add3A_1822 = arith.addi %mul3A_1820, %add3A_1821 : i32
          %get3A_1823 = arith.index_cast %add3A_1822 : i32 to index
          %get3A_1824 = arith.constant 112 : index
          %get3A_1825 = tpu.vector_load %arg12[%get3A_1823, %get3A_1824] {strides = array<i32>} : memref<160x128xf32, #tpu.memory_space<vmem>>, vector<1x16xf32>,
          %get3A_1826 = vector.shape_cast %get3A_1825 : vector<1x16xf32> to vector<16xf32>
          %add3A_1827 = arith.addf %add3A_1818, %get3A_1826 : vector<16xf32>
          %mul3A_1828 = arith.constant 10 : i32
          %mul3A_1829 = arith.muli %add3A_1133, %mul3A_1828 : i32
          %add3A_1830 = arith.constant 6 : i32
          %add3A_1831 = arith.addi %mul3A_1829, %add3A_1830 : i32
          %get3A_1832 = arith.index_cast %add3A_1831 : i32 to index
          %get3A_1833 = arith.constant 112 : index
          %get3A_1834 = tpu.vector_load %arg12[%get3A_1832, %get3A_1833] {strides = array<i32>} : memref<160x128xf32, #tpu.memory_space<vmem>>, vector<1x16xf32>,
          %get3A_1835 = vector.shape_cast %get3A_1834 : vector<1x16xf32> to vector<16xf32>
          %add3A_1836 = arith.addf %add3A_1827, %get3A_1835 : vector<16xf32>
          %mul3A_1837 = arith.constant 10 : i32
          %mul3A_1838 = arith.muli %add3A_1133, %mul3A_1837 : i32
          %add3A_1839 = arith.constant 7 : i32
          %add3A_1840 = arith.addi %mul3A_1838, %add3A_1839 : i32
          %get3A_1841 = arith.index_cast %add3A_1840 : i32 to index
          %get3A_1842 = arith.constant 112 : index
          %get3A_1843 = tpu.vector_load %arg12[%get3A_1841, %get3A_1842] {strides = array<i32>} : memref<160x128xf32, #tpu.memory_space<vmem>>, vector<1x16xf32>,
          %get3A_1844 = vector.shape_cast %get3A_1843 : vector<1x16xf32> to vector<16xf32>
          %add3A_1845 = arith.addf %add3A_1836, %get3A_1844 : vector<16xf32>
          %mul3A_1846 = arith.constant 10 : i32
          %mul3A_1847 = arith.muli %add3A_1133, %mul3A_1846 : i32
          %add3A_1848 = arith.constant 8 : i32
          %add3A_1849 = arith.addi %mul3A_1847, %add3A_1848 : i32
          %get3A_1850 = arith.index_cast %add3A_1849 : i32 to index
          %get3A_1851 = arith.constant 112 : index
          %get3A_1852 = tpu.vector_load %arg12[%get3A_1850, %get3A_1851] {strides = array<i32>} : memref<160x128xf32, #tpu.memory_space<vmem>>, vector<1x16xf32>,
          %get3A_1853 = vector.shape_cast %get3A_1852 : vector<1x16xf32> to vector<16xf32>
          %add3A_1854 = arith.addf %add3A_1845, %get3A_1853 : vector<16xf32>
          %mul3A_1855 = arith.constant 10 : i32
          %mul3A_1856 = arith.muli %add3A_1133, %mul3A_1855 : i32
          %add3A_1857 = arith.constant 9 : i32
          %add3A_1858 = arith.addi %mul3A_1856, %add3A_1857 : i32
          %get3A_1859 = arith.index_cast %add3A_1858 : i32 to index
          %get3A_1860 = arith.constant 112 : index
          %get3A_1861 = tpu.vector_load %arg12[%get3A_1859, %get3A_1860] {strides = array<i32>} : memref<160x128xf32, #tpu.memory_space<vmem>>, vector<1x16xf32>,
          %get3A_1862 = vector.shape_cast %get3A_1861 : vector<1x16xf32> to vector<16xf32>
          %add3A_1863 = arith.addf %add3A_1854, %get3A_1862 : vector<16xf32>
          %swap3A_1864 = arith.index_cast %add3A_1133 : i32 to index
          %swap3A_1865 = arith.constant 112 : index
          %swap3A_1866 = tpu.vector_load %arg15[%swap3A_1864, %swap3A_1865] {strides = array<i32>} : memref<16x128xf32, #tpu.memory_space<vmem>>, vector<1x16xf32>,
          %swap3A_1867 = vector.shape_cast %swap3A_1866 : vector<1x16xf32> to vector<16xf32>
          %swap3A_1868 = vector.shape_cast %add3A_1863 : vector<16xf32> to vector<1x16xf32>
          tpu.vector_store %arg15[%swap3A_1864, %swap3A_1865], %swap3A_1868 {strides = array<i32>} : memref<16x128xf32, #tpu.memory_space<vmem>>, vector<1x16xf32>,
        }
        %scan3A_1118 = arith.constant 16 : i32
        %mul3A_1119 = arith.constant 2 : i32
        %mul3A_1120 = arith.muli %mul3A_1119, %add3A_1089 : i32
        %add3A_1121 = arith.addi %mul3A_1120, %arg0 : i32
        %mul3A_1122 = arith.constant 16 : i32
        %mul3A_1123 = arith.muli %add3A_1121, %mul3A_1122 : i32
        %add3A_1124 = arith.addi %mul3A_0, %mul3A_1123 : i32
        %dma_start3A_1125 = arith.constant 0 : i32
        %dma_start3A_1126 = tpu.memref_slice %arg6[%add3A_1124, %dma_start3A_1125] : memref<10240x128xf32, #tpu.memory_space<hbm>> -> memref<16x128xf32, #tpu.memory_space<hbm>>
        %dma_start3A_1127 = arith.constant 0 : i32
        %dma_start3A_1128 = tpu.memref_slice %arg6[%add3A_1124, %dma_start3A_1127] : memref<10240x128xf32, #tpu.memory_space<hbm>> -> memref<16x128xf32, #tpu.memory_space<hbm>>
        tpu.enqueue_dma source(%arg15 : memref<16x128xf32, #tpu.memory_space<vmem>>) target(%dma_start3A_1128 : memref<16x128xf32, #tpu.memory_space<hbm>>) target_semaphore(%arg21 : memref<!tpu.dma_semaphore, #tpu.memory_space<semaphore_mem>>)
      } else {
      }
    }
    %scan3A_491 = arith.constant 7 : i32
    %dma_wait3A = arith.constant 0 : i32
    %dma_wait3A_492 = arith.constant 0 : i32
    %dma_wait3A_493 = tpu.memref_slice %arg6[%dma_wait3A, %dma_wait3A_492] : memref<10240x128xf32, #tpu.memory_space<hbm>> -> memref<16x128xf32, #tpu.memory_space<hbm>>
    %dma_wait3A_494 = arith.constant 0 : i32
    %dma_wait3A_495 = arith.constant 0 : i32
    %dma_wait3A_496 = tpu.memref_slice %arg6[%dma_wait3A_494, %dma_wait3A_495] : memref<10240x128xf32, #tpu.memory_space<hbm>> -> memref<16x128xf32, #tpu.memory_space<hbm>>
    tpu.wait_dma2 semaphore(%arg19 : memref<!tpu.dma_semaphore, #tpu.memory_space<semaphore_mem>>) src(%arg13 : memref<16x128xf32, #tpu.memory_space<vmem>>) dst(%dma_wait3A_496 : memref<16x128xf32, #tpu.memory_space<hbm>>)
    %dma_wait3A_497 = arith.constant 0 : i32
    %dma_wait3A_498 = arith.constant 0 : i32
    %dma_wait3A_499 = tpu.memref_slice %arg6[%dma_wait3A_497, %dma_wait3A_498] : memref<10240x128xf32, #tpu.memory_space<hbm>> -> memref<16x128xf32, #tpu.memory_space<hbm>>
    %dma_wait3A_500 = arith.constant 0 : i32
    %dma_wait3A_501 = arith.constant 0 : i32
    %dma_wait3A_502 = tpu.memref_slice %arg6[%dma_wait3A_500, %dma_wait3A_501] : memref<10240x128xf32, #tpu.memory_space<hbm>> -> memref<16x128xf32, #tpu.memory_space<hbm>>
    tpu.wait_dma2 semaphore(%arg20 : memref<!tpu.dma_semaphore, #tpu.memory_space<semaphore_mem>>) src(%arg14 : memref<16x128xf32, #tpu.memory_space<vmem>>) dst(%dma_wait3A_502 : memref<16x128xf32, #tpu.memory_space<hbm>>)
    %dma_wait3A_503 = arith.constant 0 : i32
    %dma_wait3A_504 = arith.constant 0 : i32
    %dma_wait3A_505 = tpu.memref_slice %arg6[%dma_wait3A_503, %dma_wait3A_504] : memref<10240x128xf32, #tpu.memory_space<hbm>> -> memref<16x128xf32, #tpu.memory_space<hbm>>
    %dma_wait3A_506 = arith.constant 0 : i32
    %dma_wait3A_507 = arith.constant 0 : i32
    %dma_wait3A_508 = tpu.memref_slice %arg6[%dma_wait3A_506, %dma_wait3A_507] : memref<10240x128xf32, #tpu.memory_space<hbm>> -> memref<16x128xf32, #tpu.memory_space<hbm>>
    tpu.wait_dma2 semaphore(%arg21 : memref<!tpu.dma_semaphore, #tpu.memory_space<semaphore_mem>>) src(%arg15 : memref<16x128xf32, #tpu.memory_space<vmem>>) dst(%dma_wait3A_508 : memref<16x128xf32, #tpu.memory_space<hbm>>)
    %dma_wait3A_509 = arith.constant 0 : i32
    %dma_wait3A_510 = arith.constant 0 : i32
    %dma_wait3A_511 = tpu.memref_slice %arg5[%dma_wait3A_509, %dma_wait3A_510] : memref<10240x128xf32, #tpu.memory_space<hbm>> -> memref<320x128xf32, #tpu.memory_space<hbm>>
    %dma_wait3A_512 = arith.constant 0 : i32
    %dma_wait3A_513 = arith.constant 0 : i32
    %dma_wait3A_514 = tpu.memref_slice %arg5[%dma_wait3A_512, %dma_wait3A_513] : memref<10240x128xf32, #tpu.memory_space<hbm>> -> memref<320x128xf32, #tpu.memory_space<hbm>>
    tpu.wait_dma2 semaphore(%arg22 : memref<!tpu.dma_semaphore, #tpu.memory_space<semaphore_mem>>) src(%dma_wait3A_514 : memref<320x128xf32, #tpu.memory_space<hbm>>) dst(%arg9 : memref<320x128xf32, #tpu.memory_space<vmem>>)
    %add3A_515 = arith.constant 0 : i32
    %add3A_516 = arith.addi %add3A_515, %arg0 : i32
    %mul3A_517 = arith.constant 16 : i32
    %mul3A_518 = arith.muli %add3A_516, %mul3A_517 : i32
    %add3A_519 = arith.addi %mul3A_0, %mul3A_518 : i32
    %dma_start3A_520 = arith.constant 0 : i32
    %dma_start3A_521 = arith.constant 0 : i32
    %dma_start3A_522 = tpu.memref_slice %arg9[%dma_start3A_520, %dma_start3A_521] : memref<320x128xf32, #tpu.memory_space<vmem>> -> memref<16x128xf32, #tpu.memory_space<vmem>>
    %dma_start3A_523 = arith.constant 0 : i32
    %dma_start3A_524 = tpu.memref_slice %arg5[%add3A_519, %dma_start3A_523] : memref<10240x128xf32, #tpu.memory_space<hbm>> -> memref<16x128xf32, #tpu.memory_space<hbm>>
    %dma_start3A_525 = arith.constant 0 : i32
    %dma_start3A_526 = tpu.memref_slice %arg5[%add3A_519, %dma_start3A_525] : memref<10240x128xf32, #tpu.memory_space<hbm>> -> memref<16x128xf32, #tpu.memory_space<hbm>>
    %dma_start3A_527 = arith.constant 0 : i32
    %dma_start3A_528 = arith.constant 0 : i32
    %dma_start3A_529 = tpu.memref_slice %arg9[%dma_start3A_527, %dma_start3A_528] : memref<320x128xf32, #tpu.memory_space<vmem>> -> memref<16x128xf32, #tpu.memory_space<vmem>>
    tpu.enqueue_dma source(%dma_start3A_529 : memref<16x128xf32, #tpu.memory_space<vmem>>) target(%dma_start3A_526 : memref<16x128xf32, #tpu.memory_space<hbm>>) target_semaphore(%arg22 : memref<!tpu.dma_semaphore, #tpu.memory_space<semaphore_mem>>)
    %add3A_530 = arith.constant 2 : i32
    %add3A_531 = arith.addi %add3A_530, %arg0 : i32
    %mul3A_532 = arith.constant 16 : i32
    %mul3A_533 = arith.muli %add3A_531, %mul3A_532 : i32
    %add3A_534 = arith.addi %mul3A_0, %mul3A_533 : i32
    %dma_start3A_535 = arith.constant 16 : i32
    %dma_start3A_536 = arith.constant 0 : i32
    %dma_start3A_537 = tpu.memref_slice %arg9[%dma_start3A_535, %dma_start3A_536] : memref<320x128xf32, #tpu.memory_space<vmem>> -> memref<16x128xf32, #tpu.memory_space<vmem>>
    %dma_start3A_538 = arith.constant 0 : i32
    %dma_start3A_539 = tpu.memref_slice %arg5[%add3A_534, %dma_start3A_538] : memref<10240x128xf32, #tpu.memory_space<hbm>> -> memref<16x128xf32, #tpu.memory_space<hbm>>
    %dma_start3A_540 = arith.constant 0 : i32
    %dma_start3A_541 = tpu.memref_slice %arg5[%add3A_534, %dma_start3A_540] : memref<10240x128xf32, #tpu.memory_space<hbm>> -> memref<16x128xf32, #tpu.memory_space<hbm>>
    %dma_start3A_542 = arith.constant 16 : i32
    %dma_start3A_543 = arith.constant 0 : i32
    %dma_start3A_544 = tpu.memref_slice %arg9[%dma_start3A_542, %dma_start3A_543] : memref<320x128xf32, #tpu.memory_space<vmem>> -> memref<16x128xf32, #tpu.memory_space<vmem>>
    tpu.enqueue_dma source(%dma_start3A_544 : memref<16x128xf32, #tpu.memory_space<vmem>>) target(%dma_start3A_541 : memref<16x128xf32, #tpu.memory_space<hbm>>) target_semaphore(%arg22 : memref<!tpu.dma_semaphore, #tpu.memory_space<semaphore_mem>>)
    %add3A_545 = arith.constant 4 : i32
    %add3A_546 = arith.addi %add3A_545, %arg0 : i32
    %mul3A_547 = arith.constant 16 : i32
    %mul3A_548 = arith.muli %add3A_546, %mul3A_547 : i32
    %add3A_549 = arith.addi %mul3A_0, %mul3A_548 : i32
    %dma_start3A_550 = arith.constant 32 : i32
    %dma_start3A_551 = arith.constant 0 : i32
    %dma_start3A_552 = tpu.memref_slice %arg9[%dma_start3A_550, %dma_start3A_551] : memref<320x128xf32, #tpu.memory_space<vmem>> -> memref<16x128xf32, #tpu.memory_space<vmem>>
    %dma_start3A_553 = arith.constant 0 : i32
    %dma_start3A_554 = tpu.memref_slice %arg5[%add3A_549, %dma_start3A_553] : memref<10240x128xf32, #tpu.memory_space<hbm>> -> memref<16x128xf32, #tpu.memory_space<hbm>>
    %dma_start3A_555 = arith.constant 0 : i32
    %dma_start3A_556 = tpu.memref_slice %arg5[%add3A_549, %dma_start3A_555] : memref<10240x128xf32, #tpu.memory_space<hbm>> -> memref<16x128xf32, #tpu.memory_space<hbm>>
    %dma_start3A_557 = arith.constant 32 : i32
    %dma_start3A_558 = arith.constant 0 : i32
    %dma_start3A_559 = tpu.memref_slice %arg9[%dma_start3A_557, %dma_start3A_558] : memref<320x128xf32, #tpu.memory_space<vmem>> -> memref<16x128xf32, #tpu.memory_space<vmem>>
    tpu.enqueue_dma source(%dma_start3A_559 : memref<16x128xf32, #tpu.memory_space<vmem>>) target(%dma_start3A_556 : memref<16x128xf32, #tpu.memory_space<hbm>>) target_semaphore(%arg22 : memref<!tpu.dma_semaphore, #tpu.memory_space<semaphore_mem>>)
    %add3A_560 = arith.constant 6 : i32
    %add3A_561 = arith.addi %add3A_560, %arg0 : i32
    %mul3A_562 = arith.constant 16 : i32
    %mul3A_563 = arith.muli %add3A_561, %mul3A_562 : i32
    %add3A_564 = arith.addi %mul3A_0, %mul3A_563 : i32
    %dma_start3A_565 = arith.constant 48 : i32
    %dma_start3A_566 = arith.constant 0 : i32
    %dma_start3A_567 = tpu.memref_slice %arg9[%dma_start3A_565, %dma_start3A_566] : memref<320x128xf32, #tpu.memory_space<vmem>> -> memref<16x128xf32, #tpu.memory_space<vmem>>
    %dma_start3A_568 = arith.constant 0 : i32
    %dma_start3A_569 = tpu.memref_slice %arg5[%add3A_564, %dma_start3A_568] : memref<10240x128xf32, #tpu.memory_space<hbm>> -> memref<16x128xf32, #tpu.memory_space<hbm>>
    %dma_start3A_570 = arith.constant 0 : i32
    %dma_start3A_571 = tpu.memref_slice %arg5[%add3A_564, %dma_start3A_570] : memref<10240x128xf32, #tpu.memory_space<hbm>> -> memref<16x128xf32, #tpu.memory_space<hbm>>
    %dma_start3A_572 = arith.constant 48 : i32
    %dma_start3A_573 = arith.constant 0 : i32
    %dma_start3A_574 = tpu.memref_slice %arg9[%dma_start3A_572, %dma_start3A_573] : memref<320x128xf32, #tpu.memory_space<vmem>> -> memref<16x128xf32, #tpu.memory_space<vmem>>
    tpu.enqueue_dma source(%dma_start3A_574 : memref<16x128xf32, #tpu.memory_space<vmem>>) target(%dma_start3A_571 : memref<16x128xf32, #tpu.memory_space<hbm>>) target_semaphore(%arg22 : memref<!tpu.dma_semaphore, #tpu.memory_space<semaphore_mem>>)
    %add3A_575 = arith.constant 8 : i32
    %add3A_576 = arith.addi %add3A_575, %arg0 : i32
    %mul3A_577 = arith.constant 16 : i32
    %mul3A_578 = arith.muli %add3A_576, %mul3A_577 : i32
    %add3A_579 = arith.addi %mul3A_0, %mul3A_578 : i32
    %dma_start3A_580 = arith.constant 64 : i32
    %dma_start3A_581 = arith.constant 0 : i32
    %dma_start3A_582 = tpu.memref_slice %arg9[%dma_start3A_580, %dma_start3A_581] : memref<320x128xf32, #tpu.memory_space<vmem>> -> memref<16x128xf32, #tpu.memory_space<vmem>>
    %dma_start3A_583 = arith.constant 0 : i32
    %dma_start3A_584 = tpu.memref_slice %arg5[%add3A_579, %dma_start3A_583] : memref<10240x128xf32, #tpu.memory_space<hbm>> -> memref<16x128xf32, #tpu.memory_space<hbm>>
    %dma_start3A_585 = arith.constant 0 : i32
    %dma_start3A_586 = tpu.memref_slice %arg5[%add3A_579, %dma_start3A_585] : memref<10240x128xf32, #tpu.memory_space<hbm>> -> memref<16x128xf32, #tpu.memory_space<hbm>>
    %dma_start3A_587 = arith.constant 64 : i32
    %dma_start3A_588 = arith.constant 0 : i32
    %dma_start3A_589 = tpu.memref_slice %arg9[%dma_start3A_587, %dma_start3A_588] : memref<320x128xf32, #tpu.memory_space<vmem>> -> memref<16x128xf32, #tpu.memory_space<vmem>>
    tpu.enqueue_dma source(%dma_start3A_589 : memref<16x128xf32, #tpu.memory_space<vmem>>) target(%dma_start3A_586 : memref<16x128xf32, #tpu.memory_space<hbm>>) target_semaphore(%arg22 : memref<!tpu.dma_semaphore, #tpu.memory_space<semaphore_mem>>)
    %add3A_590 = arith.constant 10 : i32
    %add3A_591 = arith.addi %add3A_590, %arg0 : i32
    %mul3A_592 = arith.constant 16 : i32
    %mul3A_593 = arith.muli %add3A_591, %mul3A_592 : i32
    %add3A_594 = arith.addi %mul3A_0, %mul3A_593 : i32
    %dma_start3A_595 = arith.constant 80 : i32
    %dma_start3A_596 = arith.constant 0 : i32
    %dma_start3A_597 = tpu.memref_slice %arg9[%dma_start3A_595, %dma_start3A_596] : memref<320x128xf32, #tpu.memory_space<vmem>> -> memref<16x128xf32, #tpu.memory_space<vmem>>
    %dma_start3A_598 = arith.constant 0 : i32
    %dma_start3A_599 = tpu.memref_slice %arg5[%add3A_594, %dma_start3A_598] : memref<10240x128xf32, #tpu.memory_space<hbm>> -> memref<16x128xf32, #tpu.memory_space<hbm>>
    %dma_start3A_600 = arith.constant 0 : i32
    %dma_start3A_601 = tpu.memref_slice %arg5[%add3A_594, %dma_start3A_600] : memref<10240x128xf32, #tpu.memory_space<hbm>> -> memref<16x128xf32, #tpu.memory_space<hbm>>
    %dma_start3A_602 = arith.constant 80 : i32
    %dma_start3A_603 = arith.constant 0 : i32
    %dma_start3A_604 = tpu.memref_slice %arg9[%dma_start3A_602, %dma_start3A_603] : memref<320x128xf32, #tpu.memory_space<vmem>> -> memref<16x128xf32, #tpu.memory_space<vmem>>
    tpu.enqueue_dma source(%dma_start3A_604 : memref<16x128xf32, #tpu.memory_space<vmem>>) target(%dma_start3A_601 : memref<16x128xf32, #tpu.memory_space<hbm>>) target_semaphore(%arg22 : memref<!tpu.dma_semaphore, #tpu.memory_space<semaphore_mem>>)
    %add3A_605 = arith.constant 12 : i32
    %add3A_606 = arith.addi %add3A_605, %arg0 : i32
    %mul3A_607 = arith.constant 16 : i32
    %mul3A_608 = arith.muli %add3A_606, %mul3A_607 : i32
    %add3A_609 = arith.addi %mul3A_0, %mul3A_608 : i32
    %dma_start3A_610 = arith.constant 96 : i32
    %dma_start3A_611 = arith.constant 0 : i32
    %dma_start3A_612 = tpu.memref_slice %arg9[%dma_start3A_610, %dma_start3A_611] : memref<320x128xf32, #tpu.memory_space<vmem>> -> memref<16x128xf32, #tpu.memory_space<vmem>>
    %dma_start3A_613 = arith.constant 0 : i32
    %dma_start3A_614 = tpu.memref_slice %arg5[%add3A_609, %dma_start3A_613] : memref<10240x128xf32, #tpu.memory_space<hbm>> -> memref<16x128xf32, #tpu.memory_space<hbm>>
    %dma_start3A_615 = arith.constant 0 : i32
    %dma_start3A_616 = tpu.memref_slice %arg5[%add3A_609, %dma_start3A_615] : memref<10240x128xf32, #tpu.memory_space<hbm>> -> memref<16x128xf32, #tpu.memory_space<hbm>>
    %dma_start3A_617 = arith.constant 96 : i32
    %dma_start3A_618 = arith.constant 0 : i32
    %dma_start3A_619 = tpu.memref_slice %arg9[%dma_start3A_617, %dma_start3A_618] : memref<320x128xf32, #tpu.memory_space<vmem>> -> memref<16x128xf32, #tpu.memory_space<vmem>>
    tpu.enqueue_dma source(%dma_start3A_619 : memref<16x128xf32, #tpu.memory_space<vmem>>) target(%dma_start3A_616 : memref<16x128xf32, #tpu.memory_space<hbm>>) target_semaphore(%arg22 : memref<!tpu.dma_semaphore, #tpu.memory_space<semaphore_mem>>)
    %add3A_620 = arith.constant 14 : i32
    %add3A_621 = arith.addi %add3A_620, %arg0 : i32
    %mul3A_622 = arith.constant 16 : i32
    %mul3A_623 = arith.muli %add3A_621, %mul3A_622 : i32
    %add3A_624 = arith.addi %mul3A_0, %mul3A_623 : i32
    %dma_start3A_625 = arith.constant 112 : i32
    %dma_start3A_626 = arith.constant 0 : i32
    %dma_start3A_627 = tpu.memref_slice %arg9[%dma_start3A_625, %dma_start3A_626] : memref<320x128xf32, #tpu.memory_space<vmem>> -> memref<16x128xf32, #tpu.memory_space<vmem>>
    %dma_start3A_628 = arith.constant 0 : i32
    %dma_start3A_629 = tpu.memref_slice %arg5[%add3A_624, %dma_start3A_628] : memref<10240x128xf32, #tpu.memory_space<hbm>> -> memref<16x128xf32, #tpu.memory_space<hbm>>
    %dma_start3A_630 = arith.constant 0 : i32
    %dma_start3A_631 = tpu.memref_slice %arg5[%add3A_624, %dma_start3A_630] : memref<10240x128xf32, #tpu.memory_space<hbm>> -> memref<16x128xf32, #tpu.memory_space<hbm>>
    %dma_start3A_632 = arith.constant 112 : i32
    %dma_start3A_633 = arith.constant 0 : i32
    %dma_start3A_634 = tpu.memref_slice %arg9[%dma_start3A_632, %dma_start3A_633] : memref<320x128xf32, #tpu.memory_space<vmem>> -> memref<16x128xf32, #tpu.memory_space<vmem>>
    tpu.enqueue_dma source(%dma_start3A_634 : memref<16x128xf32, #tpu.memory_space<vmem>>) target(%dma_start3A_631 : memref<16x128xf32, #tpu.memory_space<hbm>>) target_semaphore(%arg22 : memref<!tpu.dma_semaphore, #tpu.memory_space<semaphore_mem>>)
    %add3A_635 = arith.constant 16 : i32
    %add3A_636 = arith.addi %add3A_635, %arg0 : i32
    %mul3A_637 = arith.constant 16 : i32
    %mul3A_638 = arith.muli %add3A_636, %mul3A_637 : i32
    %add3A_639 = arith.addi %mul3A_0, %mul3A_638 : i32
    %dma_start3A_640 = arith.constant 128 : i32
    %dma_start3A_641 = arith.constant 0 : i32
    %dma_start3A_642 = tpu.memref_slice %arg9[%dma_start3A_640, %dma_start3A_641] : memref<320x128xf32, #tpu.memory_space<vmem>> -> memref<16x128xf32, #tpu.memory_space<vmem>>
    %dma_start3A_643 = arith.constant 0 : i32
    %dma_start3A_644 = tpu.memref_slice %arg5[%add3A_639, %dma_start3A_643] : memref<10240x128xf32, #tpu.memory_space<hbm>> -> memref<16x128xf32, #tpu.memory_space<hbm>>
    %dma_start3A_645 = arith.constant 0 : i32
    %dma_start3A_646 = tpu.memref_slice %arg5[%add3A_639, %dma_start3A_645] : memref<10240x128xf32, #tpu.memory_space<hbm>> -> memref<16x128xf32, #tpu.memory_space<hbm>>
    %dma_start3A_647 = arith.constant 128 : i32
    %dma_start3A_648 = arith.constant 0 : i32
    %dma_start3A_649 = tpu.memref_slice %arg9[%dma_start3A_647, %dma_start3A_648] : memref<320x128xf32, #tpu.memory_space<vmem>> -> memref<16x128xf32, #tpu.memory_space<vmem>>
    tpu.enqueue_dma source(%dma_start3A_649 : memref<16x128xf32, #tpu.memory_space<vmem>>) target(%dma_start3A_646 : memref<16x128xf32, #tpu.memory_space<hbm>>) target_semaphore(%arg22 : memref<!tpu.dma_semaphore, #tpu.memory_space<semaphore_mem>>)
    %add3A_650 = arith.constant 18 : i32
    %add3A_651 = arith.addi %add3A_650, %arg0 : i32
    %mul3A_652 = arith.constant 16 : i32
    %mul3A_653 = arith.muli %add3A_651, %mul3A_652 : i32
    %add3A_654 = arith.addi %mul3A_0, %mul3A_653 : i32
    %dma_start3A_655 = arith.constant 144 : i32
    %dma_start3A_656 = arith.constant 0 : i32
    %dma_start3A_657 = tpu.memref_slice %arg9[%dma_start3A_655, %dma_start3A_656] : memref<320x128xf32, #tpu.memory_space<vmem>> -> memref<16x128xf32, #tpu.memory_space<vmem>>
    %dma_start3A_658 = arith.constant 0 : i32
    %dma_start3A_659 = tpu.memref_slice %arg5[%add3A_654, %dma_start3A_658] : memref<10240x128xf32, #tpu.memory_space<hbm>> -> memref<16x128xf32, #tpu.memory_space<hbm>>
    %dma_start3A_660 = arith.constant 0 : i32
    %dma_start3A_661 = tpu.memref_slice %arg5[%add3A_654, %dma_start3A_660] : memref<10240x128xf32, #tpu.memory_space<hbm>> -> memref<16x128xf32, #tpu.memory_space<hbm>>
    %dma_start3A_662 = arith.constant 144 : i32
    %dma_start3A_663 = arith.constant 0 : i32
    %dma_start3A_664 = tpu.memref_slice %arg9[%dma_start3A_662, %dma_start3A_663] : memref<320x128xf32, #tpu.memory_space<vmem>> -> memref<16x128xf32, #tpu.memory_space<vmem>>
    tpu.enqueue_dma source(%dma_start3A_664 : memref<16x128xf32, #tpu.memory_space<vmem>>) target(%dma_start3A_661 : memref<16x128xf32, #tpu.memory_space<hbm>>) target_semaphore(%arg22 : memref<!tpu.dma_semaphore, #tpu.memory_space<semaphore_mem>>)
    %add3A_665 = arith.constant 20 : i32
    %add3A_666 = arith.addi %add3A_665, %arg0 : i32
    %mul3A_667 = arith.constant 16 : i32
    %mul3A_668 = arith.muli %add3A_666, %mul3A_667 : i32
    %add3A_669 = arith.addi %mul3A_0, %mul3A_668 : i32
    %dma_start3A_670 = arith.constant 160 : i32
    %dma_start3A_671 = arith.constant 0 : i32
    %dma_start3A_672 = tpu.memref_slice %arg9[%dma_start3A_670, %dma_start3A_671] : memref<320x128xf32, #tpu.memory_space<vmem>> -> memref<16x128xf32, #tpu.memory_space<vmem>>
    %dma_start3A_673 = arith.constant 0 : i32
    %dma_start3A_674 = tpu.memref_slice %arg5[%add3A_669, %dma_start3A_673] : memref<10240x128xf32, #tpu.memory_space<hbm>> -> memref<16x128xf32, #tpu.memory_space<hbm>>
    %dma_start3A_675 = arith.constant 0 : i32
    %dma_start3A_676 = tpu.memref_slice %arg5[%add3A_669, %dma_start3A_675] : memref<10240x128xf32, #tpu.memory_space<hbm>> -> memref<16x128xf32, #tpu.memory_space<hbm>>
    %dma_start3A_677 = arith.constant 160 : i32
    %dma_start3A_678 = arith.constant 0 : i32
    %dma_start3A_679 = tpu.memref_slice %arg9[%dma_start3A_677, %dma_start3A_678] : memref<320x128xf32, #tpu.memory_space<vmem>> -> memref<16x128xf32, #tpu.memory_space<vmem>>
    tpu.enqueue_dma source(%dma_start3A_679 : memref<16x128xf32, #tpu.memory_space<vmem>>) target(%dma_start3A_676 : memref<16x128xf32, #tpu.memory_space<hbm>>) target_semaphore(%arg22 : memref<!tpu.dma_semaphore, #tpu.memory_space<semaphore_mem>>)
    %add3A_680 = arith.constant 22 : i32
    %add3A_681 = arith.addi %add3A_680, %arg0 : i32
    %mul3A_682 = arith.constant 16 : i32
    %mul3A_683 = arith.muli %add3A_681, %mul3A_682 : i32
    %add3A_684 = arith.addi %mul3A_0, %mul3A_683 : i32
    %dma_start3A_685 = arith.constant 176 : i32
    %dma_start3A_686 = arith.constant 0 : i32
    %dma_start3A_687 = tpu.memref_slice %arg9[%dma_start3A_685, %dma_start3A_686] : memref<320x128xf32, #tpu.memory_space<vmem>> -> memref<16x128xf32, #tpu.memory_space<vmem>>
    %dma_start3A_688 = arith.constant 0 : i32
    %dma_start3A_689 = tpu.memref_slice %arg5[%add3A_684, %dma_start3A_688] : memref<10240x128xf32, #tpu.memory_space<hbm>> -> memref<16x128xf32, #tpu.memory_space<hbm>>
    %dma_start3A_690 = arith.constant 0 : i32
    %dma_start3A_691 = tpu.memref_slice %arg5[%add3A_684, %dma_start3A_690] : memref<10240x128xf32, #tpu.memory_space<hbm>> -> memref<16x128xf32, #tpu.memory_space<hbm>>
    %dma_start3A_692 = arith.constant 176 : i32
    %dma_start3A_693 = arith.constant 0 : i32
    %dma_start3A_694 = tpu.memref_slice %arg9[%dma_start3A_692, %dma_start3A_693] : memref<320x128xf32, #tpu.memory_space<vmem>> -> memref<16x128xf32, #tpu.memory_space<vmem>>
    tpu.enqueue_dma source(%dma_start3A_694 : memref<16x128xf32, #tpu.memory_space<vmem>>) target(%dma_start3A_691 : memref<16x128xf32, #tpu.memory_space<hbm>>) target_semaphore(%arg22 : memref<!tpu.dma_semaphore, #tpu.memory_space<semaphore_mem>>)
    %add3A_695 = arith.constant 24 : i32
    %add3A_696 = arith.addi %add3A_695, %arg0 : i32
    %mul3A_697 = arith.constant 16 : i32
    %mul3A_698 = arith.muli %add3A_696, %mul3A_697 : i32
    %add3A_699 = arith.addi %mul3A_0, %mul3A_698 : i32
    %dma_start3A_700 = arith.constant 192 : i32
    %dma_start3A_701 = arith.constant 0 : i32
    %dma_start3A_702 = tpu.memref_slice %arg9[%dma_start3A_700, %dma_start3A_701] : memref<320x128xf32, #tpu.memory_space<vmem>> -> memref<16x128xf32, #tpu.memory_space<vmem>>
    %dma_start3A_703 = arith.constant 0 : i32
    %dma_start3A_704 = tpu.memref_slice %arg5[%add3A_699, %dma_start3A_703] : memref<10240x128xf32, #tpu.memory_space<hbm>> -> memref<16x128xf32, #tpu.memory_space<hbm>>
    %dma_start3A_705 = arith.constant 0 : i32
    %dma_start3A_706 = tpu.memref_slice %arg5[%add3A_699, %dma_start3A_705] : memref<10240x128xf32, #tpu.memory_space<hbm>> -> memref<16x128xf32, #tpu.memory_space<hbm>>
    %dma_start3A_707 = arith.constant 192 : i32
    %dma_start3A_708 = arith.constant 0 : i32
    %dma_start3A_709 = tpu.memref_slice %arg9[%dma_start3A_707, %dma_start3A_708] : memref<320x128xf32, #tpu.memory_space<vmem>> -> memref<16x128xf32, #tpu.memory_space<vmem>>
    tpu.enqueue_dma source(%dma_start3A_709 : memref<16x128xf32, #tpu.memory_space<vmem>>) target(%dma_start3A_706 : memref<16x128xf32, #tpu.memory_space<hbm>>) target_semaphore(%arg22 : memref<!tpu.dma_semaphore, #tpu.memory_space<semaphore_mem>>)
    %add3A_710 = arith.constant 26 : i32
    %add3A_711 = arith.addi %add3A_710, %arg0 : i32
    %mul3A_712 = arith.constant 16 : i32
    %mul3A_713 = arith.muli %add3A_711, %mul3A_712 : i32
    %add3A_714 = arith.addi %mul3A_0, %mul3A_713 : i32
    %dma_start3A_715 = arith.constant 208 : i32
    %dma_start3A_716 = arith.constant 0 : i32
    %dma_start3A_717 = tpu.memref_slice %arg9[%dma_start3A_715, %dma_start3A_716] : memref<320x128xf32, #tpu.memory_space<vmem>> -> memref<16x128xf32, #tpu.memory_space<vmem>>
    %dma_start3A_718 = arith.constant 0 : i32
    %dma_start3A_719 = tpu.memref_slice %arg5[%add3A_714, %dma_start3A_718] : memref<10240x128xf32, #tpu.memory_space<hbm>> -> memref<16x128xf32, #tpu.memory_space<hbm>>
    %dma_start3A_720 = arith.constant 0 : i32
    %dma_start3A_721 = tpu.memref_slice %arg5[%add3A_714, %dma_start3A_720] : memref<10240x128xf32, #tpu.memory_space<hbm>> -> memref<16x128xf32, #tpu.memory_space<hbm>>
    %dma_start3A_722 = arith.constant 208 : i32
    %dma_start3A_723 = arith.constant 0 : i32
    %dma_start3A_724 = tpu.memref_slice %arg9[%dma_start3A_722, %dma_start3A_723] : memref<320x128xf32, #tpu.memory_space<vmem>> -> memref<16x128xf32, #tpu.memory_space<vmem>>
    tpu.enqueue_dma source(%dma_start3A_724 : memref<16x128xf32, #tpu.memory_space<vmem>>) target(%dma_start3A_721 : memref<16x128xf32, #tpu.memory_space<hbm>>) target_semaphore(%arg22 : memref<!tpu.dma_semaphore, #tpu.memory_space<semaphore_mem>>)
    %add3A_725 = arith.constant 28 : i32
    %add3A_726 = arith.addi %add3A_725, %arg0 : i32
    %mul3A_727 = arith.constant 16 : i32
    %mul3A_728 = arith.muli %add3A_726, %mul3A_727 : i32
    %add3A_729 = arith.addi %mul3A_0, %mul3A_728 : i32
    %dma_start3A_730 = arith.constant 224 : i32
    %dma_start3A_731 = arith.constant 0 : i32
    %dma_start3A_732 = tpu.memref_slice %arg9[%dma_start3A_730, %dma_start3A_731] : memref<320x128xf32, #tpu.memory_space<vmem>> -> memref<16x128xf32, #tpu.memory_space<vmem>>
    %dma_start3A_733 = arith.constant 0 : i32
    %dma_start3A_734 = tpu.memref_slice %arg5[%add3A_729, %dma_start3A_733] : memref<10240x128xf32, #tpu.memory_space<hbm>> -> memref<16x128xf32, #tpu.memory_space<hbm>>
    %dma_start3A_735 = arith.constant 0 : i32
    %dma_start3A_736 = tpu.memref_slice %arg5[%add3A_729, %dma_start3A_735] : memref<10240x128xf32, #tpu.memory_space<hbm>> -> memref<16x128xf32, #tpu.memory_space<hbm>>
    %dma_start3A_737 = arith.constant 224 : i32
    %dma_start3A_738 = arith.constant 0 : i32
    %dma_start3A_739 = tpu.memref_slice %arg9[%dma_start3A_737, %dma_start3A_738] : memref<320x128xf32, #tpu.memory_space<vmem>> -> memref<16x128xf32, #tpu.memory_space<vmem>>
    tpu.enqueue_dma source(%dma_start3A_739 : memref<16x128xf32, #tpu.memory_space<vmem>>) target(%dma_start3A_736 : memref<16x128xf32, #tpu.memory_space<hbm>>) target_semaphore(%arg22 : memref<!tpu.dma_semaphore, #tpu.memory_space<semaphore_mem>>)
    %add3A_740 = arith.constant 30 : i32
    %add3A_741 = arith.addi %add3A_740, %arg0 : i32
    %mul3A_742 = arith.constant 16 : i32
    %mul3A_743 = arith.muli %add3A_741, %mul3A_742 : i32
    %add3A_744 = arith.addi %mul3A_0, %mul3A_743 : i32
    %dma_start3A_745 = arith.constant 240 : i32
    %dma_start3A_746 = arith.constant 0 : i32
    %dma_start3A_747 = tpu.memref_slice %arg9[%dma_start3A_745, %dma_start3A_746] : memref<320x128xf32, #tpu.memory_space<vmem>> -> memref<16x128xf32, #tpu.memory_space<vmem>>
    %dma_start3A_748 = arith.constant 0 : i32
    %dma_start3A_749 = tpu.memref_slice %arg5[%add3A_744, %dma_start3A_748] : memref<10240x128xf32, #tpu.memory_space<hbm>> -> memref<16x128xf32, #tpu.memory_space<hbm>>
    %dma_start3A_750 = arith.constant 0 : i32
    %dma_start3A_751 = tpu.memref_slice %arg5[%add3A_744, %dma_start3A_750] : memref<10240x128xf32, #tpu.memory_space<hbm>> -> memref<16x128xf32, #tpu.memory_space<hbm>>
    %dma_start3A_752 = arith.constant 240 : i32
    %dma_start3A_753 = arith.constant 0 : i32
    %dma_start3A_754 = tpu.memref_slice %arg9[%dma_start3A_752, %dma_start3A_753] : memref<320x128xf32, #tpu.memory_space<vmem>> -> memref<16x128xf32, #tpu.memory_space<vmem>>
    tpu.enqueue_dma source(%dma_start3A_754 : memref<16x128xf32, #tpu.memory_space<vmem>>) target(%dma_start3A_751 : memref<16x128xf32, #tpu.memory_space<hbm>>) target_semaphore(%arg22 : memref<!tpu.dma_semaphore, #tpu.memory_space<semaphore_mem>>)
    %add3A_755 = arith.constant 32 : i32
    %add3A_756 = arith.addi %add3A_755, %arg0 : i32
    %mul3A_757 = arith.constant 16 : i32
    %mul3A_758 = arith.muli %add3A_756, %mul3A_757 : i32
    %add3A_759 = arith.addi %mul3A_0, %mul3A_758 : i32
    %dma_start3A_760 = arith.constant 256 : i32
    %dma_start3A_761 = arith.constant 0 : i32
    %dma_start3A_762 = tpu.memref_slice %arg9[%dma_start3A_760, %dma_start3A_761] : memref<320x128xf32, #tpu.memory_space<vmem>> -> memref<16x128xf32, #tpu.memory_space<vmem>>
    %dma_start3A_763 = arith.constant 0 : i32
    %dma_start3A_764 = tpu.memref_slice %arg5[%add3A_759, %dma_start3A_763] : memref<10240x128xf32, #tpu.memory_space<hbm>> -> memref<16x128xf32, #tpu.memory_space<hbm>>
    %dma_start3A_765 = arith.constant 0 : i32
    %dma_start3A_766 = tpu.memref_slice %arg5[%add3A_759, %dma_start3A_765] : memref<10240x128xf32, #tpu.memory_space<hbm>> -> memref<16x128xf32, #tpu.memory_space<hbm>>
    %dma_start3A_767 = arith.constant 256 : i32
    %dma_start3A_768 = arith.constant 0 : i32
    %dma_start3A_769 = tpu.memref_slice %arg9[%dma_start3A_767, %dma_start3A_768] : memref<320x128xf32, #tpu.memory_space<vmem>> -> memref<16x128xf32, #tpu.memory_space<vmem>>
    tpu.enqueue_dma source(%dma_start3A_769 : memref<16x128xf32, #tpu.memory_space<vmem>>) target(%dma_start3A_766 : memref<16x128xf32, #tpu.memory_space<hbm>>) target_semaphore(%arg22 : memref<!tpu.dma_semaphore, #tpu.memory_space<semaphore_mem>>)
    %add3A_770 = arith.constant 34 : i32
    %add3A_771 = arith.addi %add3A_770, %arg0 : i32
    %mul3A_772 = arith.constant 16 : i32
    %mul3A_773 = arith.muli %add3A_771, %mul3A_772 : i32
    %add3A_774 = arith.addi %mul3A_0, %mul3A_773 : i32
    %dma_start3A_775 = arith.constant 272 : i32
    %dma_start3A_776 = arith.constant 0 : i32
    %dma_start3A_777 = tpu.memref_slice %arg9[%dma_start3A_775, %dma_start3A_776] : memref<320x128xf32, #tpu.memory_space<vmem>> -> memref<16x128xf32, #tpu.memory_space<vmem>>
    %dma_start3A_778 = arith.constant 0 : i32
    %dma_start3A_779 = tpu.memref_slice %arg5[%add3A_774, %dma_start3A_778] : memref<10240x128xf32, #tpu.memory_space<hbm>> -> memref<16x128xf32, #tpu.memory_space<hbm>>
    %dma_start3A_780 = arith.constant 0 : i32
    %dma_start3A_781 = tpu.memref_slice %arg5[%add3A_774, %dma_start3A_780] : memref<10240x128xf32, #tpu.memory_space<hbm>> -> memref<16x128xf32, #tpu.memory_space<hbm>>
    %dma_start3A_782 = arith.constant 272 : i32
    %dma_start3A_783 = arith.constant 0 : i32
    %dma_start3A_784 = tpu.memref_slice %arg9[%dma_start3A_782, %dma_start3A_783] : memref<320x128xf32, #tpu.memory_space<vmem>> -> memref<16x128xf32, #tpu.memory_space<vmem>>
    tpu.enqueue_dma source(%dma_start3A_784 : memref<16x128xf32, #tpu.memory_space<vmem>>) target(%dma_start3A_781 : memref<16x128xf32, #tpu.memory_space<hbm>>) target_semaphore(%arg22 : memref<!tpu.dma_semaphore, #tpu.memory_space<semaphore_mem>>)
    %add3A_785 = arith.constant 36 : i32
    %add3A_786 = arith.addi %add3A_785, %arg0 : i32
    %mul3A_787 = arith.constant 16 : i32
    %mul3A_788 = arith.muli %add3A_786, %mul3A_787 : i32
    %add3A_789 = arith.addi %mul3A_0, %mul3A_788 : i32
    %dma_start3A_790 = arith.constant 288 : i32
    %dma_start3A_791 = arith.constant 0 : i32
    %dma_start3A_792 = tpu.memref_slice %arg9[%dma_start3A_790, %dma_start3A_791] : memref<320x128xf32, #tpu.memory_space<vmem>> -> memref<16x128xf32, #tpu.memory_space<vmem>>
    %dma_start3A_793 = arith.constant 0 : i32
    %dma_start3A_794 = tpu.memref_slice %arg5[%add3A_789, %dma_start3A_793] : memref<10240x128xf32, #tpu.memory_space<hbm>> -> memref<16x128xf32, #tpu.memory_space<hbm>>
    %dma_start3A_795 = arith.constant 0 : i32
    %dma_start3A_796 = tpu.memref_slice %arg5[%add3A_789, %dma_start3A_795] : memref<10240x128xf32, #tpu.memory_space<hbm>> -> memref<16x128xf32, #tpu.memory_space<hbm>>
    %dma_start3A_797 = arith.constant 288 : i32
    %dma_start3A_798 = arith.constant 0 : i32
    %dma_start3A_799 = tpu.memref_slice %arg9[%dma_start3A_797, %dma_start3A_798] : memref<320x128xf32, #tpu.memory_space<vmem>> -> memref<16x128xf32, #tpu.memory_space<vmem>>
    tpu.enqueue_dma source(%dma_start3A_799 : memref<16x128xf32, #tpu.memory_space<vmem>>) target(%dma_start3A_796 : memref<16x128xf32, #tpu.memory_space<hbm>>) target_semaphore(%arg22 : memref<!tpu.dma_semaphore, #tpu.memory_space<semaphore_mem>>)
    %add3A_800 = arith.constant 38 : i32
    %add3A_801 = arith.addi %add3A_800, %arg0 : i32
    %mul3A_802 = arith.constant 16 : i32
    %mul3A_803 = arith.muli %add3A_801, %mul3A_802 : i32
    %add3A_804 = arith.addi %mul3A_0, %mul3A_803 : i32
    %dma_start3A_805 = arith.constant 304 : i32
    %dma_start3A_806 = arith.constant 0 : i32
    %dma_start3A_807 = tpu.memref_slice %arg9[%dma_start3A_805, %dma_start3A_806] : memref<320x128xf32, #tpu.memory_space<vmem>> -> memref<16x128xf32, #tpu.memory_space<vmem>>
    %dma_start3A_808 = arith.constant 0 : i32
    %dma_start3A_809 = tpu.memref_slice %arg5[%add3A_804, %dma_start3A_808] : memref<10240x128xf32, #tpu.memory_space<hbm>> -> memref<16x128xf32, #tpu.memory_space<hbm>>
    %dma_start3A_810 = arith.constant 0 : i32
    %dma_start3A_811 = tpu.memref_slice %arg5[%add3A_804, %dma_start3A_810] : memref<10240x128xf32, #tpu.memory_space<hbm>> -> memref<16x128xf32, #tpu.memory_space<hbm>>
    %dma_start3A_812 = arith.constant 304 : i32
    %dma_start3A_813 = arith.constant 0 : i32
    %dma_start3A_814 = tpu.memref_slice %arg9[%dma_start3A_812, %dma_start3A_813] : memref<320x128xf32, #tpu.memory_space<vmem>> -> memref<16x128xf32, #tpu.memory_space<vmem>>
    tpu.enqueue_dma source(%dma_start3A_814 : memref<16x128xf32, #tpu.memory_space<vmem>>) target(%dma_start3A_811 : memref<16x128xf32, #tpu.memory_space<hbm>>) target_semaphore(%arg22 : memref<!tpu.dma_semaphore, #tpu.memory_space<semaphore_mem>>)
    %dma_wait3A_815 = arith.constant 0 : i32
    %dma_wait3A_816 = arith.constant 0 : i32
    %dma_wait3A_817 = tpu.memref_slice %arg9[%dma_wait3A_815, %dma_wait3A_816] : memref<320x128xf32, #tpu.memory_space<vmem>> -> memref<16x128xf32, #tpu.memory_space<vmem>>
    %dma_wait3A_818 = arith.constant 0 : i32
    %dma_wait3A_819 = arith.constant 0 : i32
    %dma_wait3A_820 = tpu.memref_slice %arg5[%dma_wait3A_818, %dma_wait3A_819] : memref<10240x128xf32, #tpu.memory_space<hbm>> -> memref<16x128xf32, #tpu.memory_space<hbm>>
    %dma_wait3A_821 = arith.constant 0 : i32
    %dma_wait3A_822 = arith.constant 0 : i32
    %dma_wait3A_823 = tpu.memref_slice %arg5[%dma_wait3A_821, %dma_wait3A_822] : memref<10240x128xf32, #tpu.memory_space<hbm>> -> memref<16x128xf32, #tpu.memory_space<hbm>>
    %dma_wait3A_824 = arith.constant 0 : i32
    %dma_wait3A_825 = arith.constant 0 : i32
    %dma_wait3A_826 = tpu.memref_slice %arg9[%dma_wait3A_824, %dma_wait3A_825] : memref<320x128xf32, #tpu.memory_space<vmem>> -> memref<16x128xf32, #tpu.memory_space<vmem>>
    tpu.wait_dma2 semaphore(%arg22 : memref<!tpu.dma_semaphore, #tpu.memory_space<semaphore_mem>>) src(%dma_wait3A_826 : memref<16x128xf32, #tpu.memory_space<vmem>>) dst(%dma_wait3A_823 : memref<16x128xf32, #tpu.memory_space<hbm>>)
    %dma_wait3A_827 = arith.constant 0 : i32
    %dma_wait3A_828 = arith.constant 0 : i32
    %dma_wait3A_829 = tpu.memref_slice %arg9[%dma_wait3A_827, %dma_wait3A_828] : memref<320x128xf32, #tpu.memory_space<vmem>> -> memref<16x128xf32, #tpu.memory_space<vmem>>
    %dma_wait3A_830 = arith.constant 0 : i32
    %dma_wait3A_831 = arith.constant 0 : i32
    %dma_wait3A_832 = tpu.memref_slice %arg5[%dma_wait3A_830, %dma_wait3A_831] : memref<10240x128xf32, #tpu.memory_space<hbm>> -> memref<16x128xf32, #tpu.memory_space<hbm>>
    %dma_wait3A_833 = arith.constant 0 : i32
    %dma_wait3A_834 = arith.constant 0 : i32
    %dma_wait3A_835 = tpu.memref_slice %arg5[%dma_wait3A_833, %dma_wait3A_834] : memref<10240x128xf32, #tpu.memory_space<hbm>> -> memref<16x128xf32, #tpu.memory_space<hbm>>
    %dma_wait3A_836 = arith.constant 0 : i32
    %dma_wait3A_837 = arith.constant 0 : i32
    %dma_wait3A_838 = tpu.memref_slice %arg9[%dma_wait3A_836, %dma_wait3A_837] : memref<320x128xf32, #tpu.memory_space<vmem>> -> memref<16x128xf32, #tpu.memory_space<vmem>>
    tpu.wait_dma2 semaphore(%arg22 : memref<!tpu.dma_semaphore, #tpu.memory_space<semaphore_mem>>) src(%dma_wait3A_838 : memref<16x128xf32, #tpu.memory_space<vmem>>) dst(%dma_wait3A_835 : memref<16x128xf32, #tpu.memory_space<hbm>>)
    %dma_wait3A_839 = arith.constant 0 : i32
    %dma_wait3A_840 = arith.constant 0 : i32
    %dma_wait3A_841 = tpu.memref_slice %arg9[%dma_wait3A_839, %dma_wait3A_840] : memref<320x128xf32, #tpu.memory_space<vmem>> -> memref<16x128xf32, #tpu.memory_space<vmem>>
    %dma_wait3A_842 = arith.constant 0 : i32
    %dma_wait3A_843 = arith.constant 0 : i32
    %dma_wait3A_844 = tpu.memref_slice %arg5[%dma_wait3A_842, %dma_wait3A_843] : memref<10240x128xf32, #tpu.memory_space<hbm>> -> memref<16x128xf32, #tpu.memory_space<hbm>>
    %dma_wait3A_845 = arith.constant 0 : i32
    %dma_wait3A_846 = arith.constant 0 : i32
    %dma_wait3A_847 = tpu.memref_slice %arg5[%dma_wait3A_845, %dma_wait3A_846] : memref<10240x128xf32, #tpu.memory_space<hbm>> -> memref<16x128xf32, #tpu.memory_space<hbm>>
    %dma_wait3A_848 = arith.constant 0 : i32
    %dma_wait3A_849 = arith.constant 0 : i32
    %dma_wait3A_850 = tpu.memref_slice %arg9[%dma_wait3A_848, %dma_wait3A_849] : memref<320x128xf32, #tpu.memory_space<vmem>> -> memref<16x128xf32, #tpu.memory_space<vmem>>
    tpu.wait_dma2 semaphore(%arg22 : memref<!tpu.dma_semaphore, #tpu.memory_space<semaphore_mem>>) src(%dma_wait3A_850 : memref<16x128xf32, #tpu.memory_space<vmem>>) dst(%dma_wait3A_847 : memref<16x128xf32, #tpu.memory_space<hbm>>)
    %dma_wait3A_851 = arith.constant 0 : i32
    %dma_wait3A_852 = arith.constant 0 : i32
    %dma_wait3A_853 = tpu.memref_slice %arg9[%dma_wait3A_851, %dma_wait3A_852] : memref<320x128xf32, #tpu.memory_space<vmem>> -> memref<16x128xf32, #tpu.memory_space<vmem>>
    %dma_wait3A_854 = arith.constant 0 : i32
    %dma_wait3A_855 = arith.constant 0 : i32
    %dma_wait3A_856 = tpu.memref_slice %arg5[%dma_wait3A_854, %dma_wait3A_855] : memref<10240x128xf32, #tpu.memory_space<hbm>> -> memref<16x128xf32, #tpu.memory_space<hbm>>
    %dma_wait3A_857 = arith.constant 0 : i32
    %dma_wait3A_858 = arith.constant 0 : i32
    %dma_wait3A_859 = tpu.memref_slice %arg5[%dma_wait3A_857, %dma_wait3A_858] : memref<10240x128xf32, #tpu.memory_space<hbm>> -> memref<16x128xf32, #tpu.memory_space<hbm>>
    %dma_wait3A_860 = arith.constant 0 : i32
    %dma_wait3A_861 = arith.constant 0 : i32
    %dma_wait3A_862 = tpu.memref_slice %arg9[%dma_wait3A_860, %dma_wait3A_861] : memref<320x128xf32, #tpu.memory_space<vmem>> -> memref<16x128xf32, #tpu.memory_space<vmem>>
    tpu.wait_dma2 semaphore(%arg22 : memref<!tpu.dma_semaphore, #tpu.memory_space<semaphore_mem>>) src(%dma_wait3A_862 : memref<16x128xf32, #tpu.memory_space<vmem>>) dst(%dma_wait3A_859 : memref<16x128xf32, #tpu.memory_space<hbm>>)
    %dma_wait3A_863 = arith.constant 0 : i32
    %dma_wait3A_864 = arith.constant 0 : i32
    %dma_wait3A_865 = tpu.memref_slice %arg9[%dma_wait3A_863, %dma_wait3A_864] : memref<320x128xf32, #tpu.memory_space<vmem>> -> memref<16x128xf32, #tpu.memory_space<vmem>>
    %dma_wait3A_866 = arith.constant 0 : i32
    %dma_wait3A_867 = arith.constant 0 : i32
    %dma_wait3A_868 = tpu.memref_slice %arg5[%dma_wait3A_866, %dma_wait3A_867] : memref<10240x128xf32, #tpu.memory_space<hbm>> -> memref<16x128xf32, #tpu.memory_space<hbm>>
    %dma_wait3A_869 = arith.constant 0 : i32
    %dma_wait3A_870 = arith.constant 0 : i32
    %dma_wait3A_871 = tpu.memref_slice %arg5[%dma_wait3A_869, %dma_wait3A_870] : memref<10240x128xf32, #tpu.memory_space<hbm>> -> memref<16x128xf32, #tpu.memory_space<hbm>>
    %dma_wait3A_872 = arith.constant 0 : i32
    %dma_wait3A_873 = arith.constant 0 : i32
    %dma_wait3A_874 = tpu.memref_slice %arg9[%dma_wait3A_872, %dma_wait3A_873] : memref<320x128xf32, #tpu.memory_space<vmem>> -> memref<16x128xf32, #tpu.memory_space<vmem>>
    tpu.wait_dma2 semaphore(%arg22 : memref<!tpu.dma_semaphore, #tpu.memory_space<semaphore_mem>>) src(%dma_wait3A_874 : memref<16x128xf32, #tpu.memory_space<vmem>>) dst(%dma_wait3A_871 : memref<16x128xf32, #tpu.memory_space<hbm>>)
    %dma_wait3A_875 = arith.constant 0 : i32
    %dma_wait3A_876 = arith.constant 0 : i32
    %dma_wait3A_877 = tpu.memref_slice %arg9[%dma_wait3A_875, %dma_wait3A_876] : memref<320x128xf32, #tpu.memory_space<vmem>> -> memref<16x128xf32, #tpu.memory_space<vmem>>
    %dma_wait3A_878 = arith.constant 0 : i32
    %dma_wait3A_879 = arith.constant 0 : i32
    %dma_wait3A_880 = tpu.memref_slice %arg5[%dma_wait3A_878, %dma_wait3A_879] : memref<10240x128xf32, #tpu.memory_space<hbm>> -> memref<16x128xf32, #tpu.memory_space<hbm>>
    %dma_wait3A_881 = arith.constant 0 : i32
    %dma_wait3A_882 = arith.constant 0 : i32
    %dma_wait3A_883 = tpu.memref_slice %arg5[%dma_wait3A_881, %dma_wait3A_882] : memref<10240x128xf32, #tpu.memory_space<hbm>> -> memref<16x128xf32, #tpu.memory_space<hbm>>
    %dma_wait3A_884 = arith.constant 0 : i32
    %dma_wait3A_885 = arith.constant 0 : i32
    %dma_wait3A_886 = tpu.memref_slice %arg9[%dma_wait3A_884, %dma_wait3A_885] : memref<320x128xf32, #tpu.memory_space<vmem>> -> memref<16x128xf32, #tpu.memory_space<vmem>>
    tpu.wait_dma2 semaphore(%arg22 : memref<!tpu.dma_semaphore, #tpu.memory_space<semaphore_mem>>) src(%dma_wait3A_886 : memref<16x128xf32, #tpu.memory_space<vmem>>) dst(%dma_wait3A_883 : memref<16x128xf32, #tpu.memory_space<hbm>>)
    %dma_wait3A_887 = arith.constant 0 : i32
    %dma_wait3A_888 = arith.constant 0 : i32
    %dma_wait3A_889 = tpu.memref_slice %arg9[%dma_wait3A_887, %dma_wait3A_888] : memref<320x128xf32, #tpu.memory_space<vmem>> -> memref<16x128xf32, #tpu.memory_space<vmem>>
    %dma_wait3A_890 = arith.constant 0 : i32
    %dma_wait3A_891 = arith.constant 0 : i32
    %dma_wait3A_892 = tpu.memref_slice %arg5[%dma_wait3A_890, %dma_wait3A_891] : memref<10240x128xf32, #tpu.memory_space<hbm>> -> memref<16x128xf32, #tpu.memory_space<hbm>>
    %dma_wait3A_893 = arith.constant 0 : i32
    %dma_wait3A_894 = arith.constant 0 : i32
    %dma_wait3A_895 = tpu.memref_slice %arg5[%dma_wait3A_893, %dma_wait3A_894] : memref<10240x128xf32, #tpu.memory_space<hbm>> -> memref<16x128xf32, #tpu.memory_space<hbm>>
    %dma_wait3A_896 = arith.constant 0 : i32
    %dma_wait3A_897 = arith.constant 0 : i32
    %dma_wait3A_898 = tpu.memref_slice %arg9[%dma_wait3A_896, %dma_wait3A_897] : memref<320x128xf32, #tpu.memory_space<vmem>> -> memref<16x128xf32, #tpu.memory_space<vmem>>
    tpu.wait_dma2 semaphore(%arg22 : memref<!tpu.dma_semaphore, #tpu.memory_space<semaphore_mem>>) src(%dma_wait3A_898 : memref<16x128xf32, #tpu.memory_space<vmem>>) dst(%dma_wait3A_895 : memref<16x128xf32, #tpu.memory_space<hbm>>)
    %dma_wait3A_899 = arith.constant 0 : i32
    %dma_wait3A_900 = arith.constant 0 : i32
    %dma_wait3A_901 = tpu.memref_slice %arg9[%dma_wait3A_899, %dma_wait3A_900] : memref<320x128xf32, #tpu.memory_space<vmem>> -> memref<16x128xf32, #tpu.memory_space<vmem>>
    %dma_wait3A_902 = arith.constant 0 : i32
    %dma_wait3A_903 = arith.constant 0 : i32
    %dma_wait3A_904 = tpu.memref_slice %arg5[%dma_wait3A_902, %dma_wait3A_903] : memref<10240x128xf32, #tpu.memory_space<hbm>> -> memref<16x128xf32, #tpu.memory_space<hbm>>
    %dma_wait3A_905 = arith.constant 0 : i32
    %dma_wait3A_906 = arith.constant 0 : i32
    %dma_wait3A_907 = tpu.memref_slice %arg5[%dma_wait3A_905, %dma_wait3A_906] : memref<10240x128xf32, #tpu.memory_space<hbm>> -> memref<16x128xf32, #tpu.memory_space<hbm>>
    %dma_wait3A_908 = arith.constant 0 : i32
    %dma_wait3A_909 = arith.constant 0 : i32
    %dma_wait3A_910 = tpu.memref_slice %arg9[%dma_wait3A_908, %dma_wait3A_909] : memref<320x128xf32, #tpu.memory_space<vmem>> -> memref<16x128xf32, #tpu.memory_space<vmem>>
    tpu.wait_dma2 semaphore(%arg22 : memref<!tpu.dma_semaphore, #tpu.memory_space<semaphore_mem>>) src(%dma_wait3A_910 : memref<16x128xf32, #tpu.memory_space<vmem>>) dst(%dma_wait3A_907 : memref<16x128xf32, #tpu.memory_space<hbm>>)
    %dma_wait3A_911 = arith.constant 0 : i32
    %dma_wait3A_912 = arith.constant 0 : i32
    %dma_wait3A_913 = tpu.memref_slice %arg9[%dma_wait3A_911, %dma_wait3A_912] : memref<320x128xf32, #tpu.memory_space<vmem>> -> memref<16x128xf32, #tpu.memory_space<vmem>>
    %dma_wait3A_914 = arith.constant 0 : i32
    %dma_wait3A_915 = arith.constant 0 : i32
    %dma_wait3A_916 = tpu.memref_slice %arg5[%dma_wait3A_914, %dma_wait3A_915] : memref<10240x128xf32, #tpu.memory_space<hbm>> -> memref<16x128xf32, #tpu.memory_space<hbm>>
    %dma_wait3A_917 = arith.constant 0 : i32
    %dma_wait3A_918 = arith.constant 0 : i32
    %dma_wait3A_919 = tpu.memref_slice %arg5[%dma_wait3A_917, %dma_wait3A_918] : memref<10240x128xf32, #tpu.memory_space<hbm>> -> memref<16x128xf32, #tpu.memory_space<hbm>>
    %dma_wait3A_920 = arith.constant 0 : i32
    %dma_wait3A_921 = arith.constant 0 : i32
    %dma_wait3A_922 = tpu.memref_slice %arg9[%dma_wait3A_920, %dma_wait3A_921] : memref<320x128xf32, #tpu.memory_space<vmem>> -> memref<16x128xf32, #tpu.memory_space<vmem>>
    tpu.wait_dma2 semaphore(%arg22 : memref<!tpu.dma_semaphore, #tpu.memory_space<semaphore_mem>>) src(%dma_wait3A_922 : memref<16x128xf32, #tpu.memory_space<vmem>>) dst(%dma_wait3A_919 : memref<16x128xf32, #tpu.memory_space<hbm>>)
    %dma_wait3A_923 = arith.constant 0 : i32
    %dma_wait3A_924 = arith.constant 0 : i32
    %dma_wait3A_925 = tpu.memref_slice %arg9[%dma_wait3A_923, %dma_wait3A_924] : memref<320x128xf32, #tpu.memory_space<vmem>> -> memref<16x128xf32, #tpu.memory_space<vmem>>
    %dma_wait3A_926 = arith.constant 0 : i32
    %dma_wait3A_927 = arith.constant 0 : i32
    %dma_wait3A_928 = tpu.memref_slice %arg5[%dma_wait3A_926, %dma_wait3A_927] : memref<10240x128xf32, #tpu.memory_space<hbm>> -> memref<16x128xf32, #tpu.memory_space<hbm>>
    %dma_wait3A_929 = arith.constant 0 : i32
    %dma_wait3A_930 = arith.constant 0 : i32
    %dma_wait3A_931 = tpu.memref_slice %arg5[%dma_wait3A_929, %dma_wait3A_930] : memref<10240x128xf32, #tpu.memory_space<hbm>> -> memref<16x128xf32, #tpu.memory_space<hbm>>
    %dma_wait3A_932 = arith.constant 0 : i32
    %dma_wait3A_933 = arith.constant 0 : i32
    %dma_wait3A_934 = tpu.memref_slice %arg9[%dma_wait3A_932, %dma_wait3A_933] : memref<320x128xf32, #tpu.memory_space<vmem>> -> memref<16x128xf32, #tpu.memory_space<vmem>>
    tpu.wait_dma2 semaphore(%arg22 : memref<!tpu.dma_semaphore, #tpu.memory_space<semaphore_mem>>) src(%dma_wait3A_934 : memref<16x128xf32, #tpu.memory_space<vmem>>) dst(%dma_wait3A_931 : memref<16x128xf32, #tpu.memory_space<hbm>>)
    %dma_wait3A_935 = arith.constant 0 : i32
    %dma_wait3A_936 = arith.constant 0 : i32
    %dma_wait3A_937 = tpu.memref_slice %arg9[%dma_wait3A_935, %dma_wait3A_936] : memref<320x128xf32, #tpu.memory_space<vmem>> -> memref<16x128xf32, #tpu.memory_space<vmem>>
    %dma_wait3A_938 = arith.constant 0 : i32
    %dma_wait3A_939 = arith.constant 0 : i32
    %dma_wait3A_940 = tpu.memref_slice %arg5[%dma_wait3A_938, %dma_wait3A_939] : memref<10240x128xf32, #tpu.memory_space<hbm>> -> memref<16x128xf32, #tpu.memory_space<hbm>>
    %dma_wait3A_941 = arith.constant 0 : i32
    %dma_wait3A_942 = arith.constant 0 : i32
    %dma_wait3A_943 = tpu.memref_slice %arg5[%dma_wait3A_941, %dma_wait3A_942] : memref<10240x128xf32, #tpu.memory_space<hbm>> -> memref<16x128xf32, #tpu.memory_space<hbm>>
    %dma_wait3A_944 = arith.constant 0 : i32
    %dma_wait3A_945 = arith.constant 0 : i32
    %dma_wait3A_946 = tpu.memref_slice %arg9[%dma_wait3A_944, %dma_wait3A_945] : memref<320x128xf32, #tpu.memory_space<vmem>> -> memref<16x128xf32, #tpu.memory_space<vmem>>
    tpu.wait_dma2 semaphore(%arg22 : memref<!tpu.dma_semaphore, #tpu.memory_space<semaphore_mem>>) src(%dma_wait3A_946 : memref<16x128xf32, #tpu.memory_space<vmem>>) dst(%dma_wait3A_943 : memref<16x128xf32, #tpu.memory_space<hbm>>)
    %dma_wait3A_947 = arith.constant 0 : i32
    %dma_wait3A_948 = arith.constant 0 : i32
    %dma_wait3A_949 = tpu.memref_slice %arg9[%dma_wait3A_947, %dma_wait3A_948] : memref<320x128xf32, #tpu.memory_space<vmem>> -> memref<16x128xf32, #tpu.memory_space<vmem>>
    %dma_wait3A_950 = arith.constant 0 : i32
    %dma_wait3A_951 = arith.constant 0 : i32
    %dma_wait3A_952 = tpu.memref_slice %arg5[%dma_wait3A_950, %dma_wait3A_951] : memref<10240x128xf32, #tpu.memory_space<hbm>> -> memref<16x128xf32, #tpu.memory_space<hbm>>
    %dma_wait3A_953 = arith.constant 0 : i32
    %dma_wait3A_954 = arith.constant 0 : i32
    %dma_wait3A_955 = tpu.memref_slice %arg5[%dma_wait3A_953, %dma_wait3A_954] : memref<10240x128xf32, #tpu.memory_space<hbm>> -> memref<16x128xf32, #tpu.memory_space<hbm>>
    %dma_wait3A_956 = arith.constant 0 : i32
    %dma_wait3A_957 = arith.constant 0 : i32
    %dma_wait3A_958 = tpu.memref_slice %arg9[%dma_wait3A_956, %dma_wait3A_957] : memref<320x128xf32, #tpu.memory_space<vmem>> -> memref<16x128xf32, #tpu.memory_space<vmem>>
    tpu.wait_dma2 semaphore(%arg22 : memref<!tpu.dma_semaphore, #tpu.memory_space<semaphore_mem>>) src(%dma_wait3A_958 : memref<16x128xf32, #tpu.memory_space<vmem>>) dst(%dma_wait3A_955 : memref<16x128xf32, #tpu.memory_space<hbm>>)
    %dma_wait3A_959 = arith.constant 0 : i32
    %dma_wait3A_960 = arith.constant 0 : i32
    %dma_wait3A_961 = tpu.memref_slice %arg9[%dma_wait3A_959, %dma_wait3A_960] : memref<320x128xf32, #tpu.memory_space<vmem>> -> memref<16x128xf32, #tpu.memory_space<vmem>>
    %dma_wait3A_962 = arith.constant 0 : i32
    %dma_wait3A_963 = arith.constant 0 : i32
    %dma_wait3A_964 = tpu.memref_slice %arg5[%dma_wait3A_962, %dma_wait3A_963] : memref<10240x128xf32, #tpu.memory_space<hbm>> -> memref<16x128xf32, #tpu.memory_space<hbm>>
    %dma_wait3A_965 = arith.constant 0 : i32
    %dma_wait3A_966 = arith.constant 0 : i32
    %dma_wait3A_967 = tpu.memref_slice %arg5[%dma_wait3A_965, %dma_wait3A_966] : memref<10240x128xf32, #tpu.memory_space<hbm>> -> memref<16x128xf32, #tpu.memory_space<hbm>>
    %dma_wait3A_968 = arith.constant 0 : i32
    %dma_wait3A_969 = arith.constant 0 : i32
    %dma_wait3A_970 = tpu.memref_slice %arg9[%dma_wait3A_968, %dma_wait3A_969] : memref<320x128xf32, #tpu.memory_space<vmem>> -> memref<16x128xf32, #tpu.memory_space<vmem>>
    tpu.wait_dma2 semaphore(%arg22 : memref<!tpu.dma_semaphore, #tpu.memory_space<semaphore_mem>>) src(%dma_wait3A_970 : memref<16x128xf32, #tpu.memory_space<vmem>>) dst(%dma_wait3A_967 : memref<16x128xf32, #tpu.memory_space<hbm>>)
    %dma_wait3A_971 = arith.constant 0 : i32
    %dma_wait3A_972 = arith.constant 0 : i32
    %dma_wait3A_973 = tpu.memref_slice %arg9[%dma_wait3A_971, %dma_wait3A_972] : memref<320x128xf32, #tpu.memory_space<vmem>> -> memref<16x128xf32, #tpu.memory_space<vmem>>
    %dma_wait3A_974 = arith.constant 0 : i32
    %dma_wait3A_975 = arith.constant 0 : i32
    %dma_wait3A_976 = tpu.memref_slice %arg5[%dma_wait3A_974, %dma_wait3A_975] : memref<10240x128xf32, #tpu.memory_space<hbm>> -> memref<16x128xf32, #tpu.memory_space<hbm>>
    %dma_wait3A_977 = arith.constant 0 : i32
    %dma_wait3A_978 = arith.constant 0 : i32
    %dma_wait3A_979 = tpu.memref_slice %arg5[%dma_wait3A_977, %dma_wait3A_978] : memref<10240x128xf32, #tpu.memory_space<hbm>> -> memref<16x128xf32, #tpu.memory_space<hbm>>
    %dma_wait3A_980 = arith.constant 0 : i32
    %dma_wait3A_981 = arith.constant 0 : i32
    %dma_wait3A_982 = tpu.memref_slice %arg9[%dma_wait3A_980, %dma_wait3A_981] : memref<320x128xf32, #tpu.memory_space<vmem>> -> memref<16x128xf32, #tpu.memory_space<vmem>>
    tpu.wait_dma2 semaphore(%arg22 : memref<!tpu.dma_semaphore, #tpu.memory_space<semaphore_mem>>) src(%dma_wait3A_982 : memref<16x128xf32, #tpu.memory_space<vmem>>) dst(%dma_wait3A_979 : memref<16x128xf32, #tpu.memory_space<hbm>>)
    %dma_wait3A_983 = arith.constant 0 : i32
    %dma_wait3A_984 = arith.constant 0 : i32
    %dma_wait3A_985 = tpu.memref_slice %arg9[%dma_wait3A_983, %dma_wait3A_984] : memref<320x128xf32, #tpu.memory_space<vmem>> -> memref<16x128xf32, #tpu.memory_space<vmem>>
    %dma_wait3A_986 = arith.constant 0 : i32
    %dma_wait3A_987 = arith.constant 0 : i32
    %dma_wait3A_988 = tpu.memref_slice %arg5[%dma_wait3A_986, %dma_wait3A_987] : memref<10240x128xf32, #tpu.memory_space<hbm>> -> memref<16x128xf32, #tpu.memory_space<hbm>>
    %dma_wait3A_989 = arith.constant 0 : i32
    %dma_wait3A_990 = arith.constant 0 : i32
    %dma_wait3A_991 = tpu.memref_slice %arg5[%dma_wait3A_989, %dma_wait3A_990] : memref<10240x128xf32, #tpu.memory_space<hbm>> -> memref<16x128xf32, #tpu.memory_space<hbm>>
    %dma_wait3A_992 = arith.constant 0 : i32
    %dma_wait3A_993 = arith.constant 0 : i32
    %dma_wait3A_994 = tpu.memref_slice %arg9[%dma_wait3A_992, %dma_wait3A_993] : memref<320x128xf32, #tpu.memory_space<vmem>> -> memref<16x128xf32, #tpu.memory_space<vmem>>
    tpu.wait_dma2 semaphore(%arg22 : memref<!tpu.dma_semaphore, #tpu.memory_space<semaphore_mem>>) src(%dma_wait3A_994 : memref<16x128xf32, #tpu.memory_space<vmem>>) dst(%dma_wait3A_991 : memref<16x128xf32, #tpu.memory_space<hbm>>)
    %dma_wait3A_995 = arith.constant 0 : i32
    %dma_wait3A_996 = arith.constant 0 : i32
    %dma_wait3A_997 = tpu.memref_slice %arg9[%dma_wait3A_995, %dma_wait3A_996] : memref<320x128xf32, #tpu.memory_space<vmem>> -> memref<16x128xf32, #tpu.memory_space<vmem>>
    %dma_wait3A_998 = arith.constant 0 : i32
    %dma_wait3A_999 = arith.constant 0 : i32
    %dma_wait3A_1000 = tpu.memref_slice %arg5[%dma_wait3A_998, %dma_wait3A_999] : memref<10240x128xf32, #tpu.memory_space<hbm>> -> memref<16x128xf32, #tpu.memory_space<hbm>>
    %dma_wait3A_1001 = arith.constant 0 : i32
    %dma_wait3A_1002 = arith.constant 0 : i32
    %dma_wait3A_1003 = tpu.memref_slice %arg5[%dma_wait3A_1001, %dma_wait3A_1002] : memref<10240x128xf32, #tpu.memory_space<hbm>> -> memref<16x128xf32, #tpu.memory_space<hbm>>
    %dma_wait3A_1004 = arith.constant 0 : i32
    %dma_wait3A_1005 = arith.constant 0 : i32
    %dma_wait3A_1006 = tpu.memref_slice %arg9[%dma_wait3A_1004, %dma_wait3A_1005] : memref<320x128xf32, #tpu.memory_space<vmem>> -> memref<16x128xf32, #tpu.memory_space<vmem>>
    tpu.wait_dma2 semaphore(%arg22 : memref<!tpu.dma_semaphore, #tpu.memory_space<semaphore_mem>>) src(%dma_wait3A_1006 : memref<16x128xf32, #tpu.memory_space<vmem>>) dst(%dma_wait3A_1003 : memref<16x128xf32, #tpu.memory_space<hbm>>)
    %dma_wait3A_1007 = arith.constant 0 : i32
    %dma_wait3A_1008 = arith.constant 0 : i32
    %dma_wait3A_1009 = tpu.memref_slice %arg9[%dma_wait3A_1007, %dma_wait3A_1008] : memref<320x128xf32, #tpu.memory_space<vmem>> -> memref<16x128xf32, #tpu.memory_space<vmem>>
    %dma_wait3A_1010 = arith.constant 0 : i32
    %dma_wait3A_1011 = arith.constant 0 : i32
    %dma_wait3A_1012 = tpu.memref_slice %arg5[%dma_wait3A_1010, %dma_wait3A_1011] : memref<10240x128xf32, #tpu.memory_space<hbm>> -> memref<16x128xf32, #tpu.memory_space<hbm>>
    %dma_wait3A_1013 = arith.constant 0 : i32
    %dma_wait3A_1014 = arith.constant 0 : i32
    %dma_wait3A_1015 = tpu.memref_slice %arg5[%dma_wait3A_1013, %dma_wait3A_1014] : memref<10240x128xf32, #tpu.memory_space<hbm>> -> memref<16x128xf32, #tpu.memory_space<hbm>>
    %dma_wait3A_1016 = arith.constant 0 : i32
    %dma_wait3A_1017 = arith.constant 0 : i32
    %dma_wait3A_1018 = tpu.memref_slice %arg9[%dma_wait3A_1016, %dma_wait3A_1017] : memref<320x128xf32, #tpu.memory_space<vmem>> -> memref<16x128xf32, #tpu.memory_space<vmem>>
    tpu.wait_dma2 semaphore(%arg22 : memref<!tpu.dma_semaphore, #tpu.memory_space<semaphore_mem>>) src(%dma_wait3A_1018 : memref<16x128xf32, #tpu.memory_space<vmem>>) dst(%dma_wait3A_1015 : memref<16x128xf32, #tpu.memory_space<hbm>>)
    %dma_wait3A_1019 = arith.constant 0 : i32
    %dma_wait3A_1020 = arith.constant 0 : i32
    %dma_wait3A_1021 = tpu.memref_slice %arg9[%dma_wait3A_1019, %dma_wait3A_1020] : memref<320x128xf32, #tpu.memory_space<vmem>> -> memref<16x128xf32, #tpu.memory_space<vmem>>
    %dma_wait3A_1022 = arith.constant 0 : i32
    %dma_wait3A_1023 = arith.constant 0 : i32
    %dma_wait3A_1024 = tpu.memref_slice %arg5[%dma_wait3A_1022, %dma_wait3A_1023] : memref<10240x128xf32, #tpu.memory_space<hbm>> -> memref<16x128xf32, #tpu.memory_space<hbm>>
    %dma_wait3A_1025 = arith.constant 0 : i32
    %dma_wait3A_1026 = arith.constant 0 : i32
    %dma_wait3A_1027 = tpu.memref_slice %arg5[%dma_wait3A_1025, %dma_wait3A_1026] : memref<10240x128xf32, #tpu.memory_space<hbm>> -> memref<16x128xf32, #tpu.memory_space<hbm>>
    %dma_wait3A_1028 = arith.constant 0 : i32
    %dma_wait3A_1029 = arith.constant 0 : i32
    %dma_wait3A_1030 = tpu.memref_slice %arg9[%dma_wait3A_1028, %dma_wait3A_1029] : memref<320x128xf32, #tpu.memory_space<vmem>> -> memref<16x128xf32, #tpu.memory_space<vmem>>
    tpu.wait_dma2 semaphore(%arg22 : memref<!tpu.dma_semaphore, #tpu.memory_space<semaphore_mem>>) src(%dma_wait3A_1030 : memref<16x128xf32, #tpu.memory_space<vmem>>) dst(%dma_wait3A_1027 : memref<16x128xf32, #tpu.memory_space<hbm>>)
    %dma_wait3A_1031 = arith.constant 0 : i32
    %dma_wait3A_1032 = arith.constant 0 : i32
    %dma_wait3A_1033 = tpu.memref_slice %arg9[%dma_wait3A_1031, %dma_wait3A_1032] : memref<320x128xf32, #tpu.memory_space<vmem>> -> memref<16x128xf32, #tpu.memory_space<vmem>>
    %dma_wait3A_1034 = arith.constant 0 : i32
    %dma_wait3A_1035 = arith.constant 0 : i32
    %dma_wait3A_1036 = tpu.memref_slice %arg5[%dma_wait3A_1034, %dma_wait3A_1035] : memref<10240x128xf32, #tpu.memory_space<hbm>> -> memref<16x128xf32, #tpu.memory_space<hbm>>
    %dma_wait3A_1037 = arith.constant 0 : i32
    %dma_wait3A_1038 = arith.constant 0 : i32
    %dma_wait3A_1039 = tpu.memref_slice %arg5[%dma_wait3A_1037, %dma_wait3A_1038] : memref<10240x128xf32, #tpu.memory_space<hbm>> -> memref<16x128xf32, #tpu.memory_space<hbm>>
    %dma_wait3A_1040 = arith.constant 0 : i32
    %dma_wait3A_1041 = arith.constant 0 : i32
    %dma_wait3A_1042 = tpu.memref_slice %arg9[%dma_wait3A_1040, %dma_wait3A_1041] : memref<320x128xf32, #tpu.memory_space<vmem>> -> memref<16x128xf32, #tpu.memory_space<vmem>>
    tpu.wait_dma2 semaphore(%arg22 : memref<!tpu.dma_semaphore, #tpu.memory_space<semaphore_mem>>) src(%dma_wait3A_1042 : memref<16x128xf32, #tpu.memory_space<vmem>>) dst(%dma_wait3A_1039 : memref<16x128xf32, #tpu.memory_space<hbm>>)
    %dma_wait3A_1043 = arith.constant 0 : i32
    %dma_wait3A_1044 = arith.constant 0 : i32
    %dma_wait3A_1045 = tpu.memref_slice %arg9[%dma_wait3A_1043, %dma_wait3A_1044] : memref<320x128xf32, #tpu.memory_space<vmem>> -> memref<16x128xf32, #tpu.memory_space<vmem>>
    %dma_wait3A_1046 = arith.constant 0 : i32
    %dma_wait3A_1047 = arith.constant 0 : i32
    %dma_wait3A_1048 = tpu.memref_slice %arg5[%dma_wait3A_1046, %dma_wait3A_1047] : memref<10240x128xf32, #tpu.memory_space<hbm>> -> memref<16x128xf32, #tpu.memory_space<hbm>>
    %dma_wait3A_1049 = arith.constant 0 : i32
    %dma_wait3A_1050 = arith.constant 0 : i32
    %dma_wait3A_1051 = tpu.memref_slice %arg5[%dma_wait3A_1049, %dma_wait3A_1050] : memref<10240x128xf32, #tpu.memory_space<hbm>> -> memref<16x128xf32, #tpu.memory_space<hbm>>
    %dma_wait3A_1052 = arith.constant 0 : i32
    %dma_wait3A_1053 = arith.constant 0 : i32
    %dma_wait3A_1054 = tpu.memref_slice %arg9[%dma_wait3A_1052, %dma_wait3A_1053] : memref<320x128xf32, #tpu.memory_space<vmem>> -> memref<16x128xf32, #tpu.memory_space<vmem>>
    tpu.wait_dma2 semaphore(%arg22 : memref<!tpu.dma_semaphore, #tpu.memory_space<semaphore_mem>>) src(%dma_wait3A_1054 : memref<16x128xf32, #tpu.memory_space<vmem>>) dst(%dma_wait3A_1051 : memref<16x128xf32, #tpu.memory_space<hbm>>)
    return
  }
}

module attributes {stable_mosaic.version = 14 : i64} {
  func.func @_mm_body(%arg0: i32, %arg1: memref<1000x128xf32, #tpu.memory_space<vmem>>, %arg2: memref<1000x128xf32, #tpu.memory_space<vmem>>, %arg3: memref<128x128xf32, #tpu.memory_space<vmem>>, %arg4: memref<128x128xf32, #tpu.memory_space<vmem>>, %arg5: memref<1000x128xf32, #tpu.memory_space<vmem>>) attributes {dimension_semantics = [#tpu.dimension_semantics<arbitrary>], iteration_bounds = array<i64: 10>, scalar_prefetch = 0 : i64, scratch_operands = 0 : i64, tpu.core_type = #tpu.core_type<tc>, window_params = [{transform_indices = @transform_0, window_bounds = array<i64: 1000, 128>}, {transform_indices = @transform_1, window_bounds = array<i64: 1000, 128>}, {pipeline_mode = #tpu.pipeline_mode<synchronous>, transform_indices = @transform_2, window_bounds = array<i64: 128, 128>}, {pipeline_mode = #tpu.pipeline_mode<synchronous>, transform_indices = @transform_3, window_bounds = array<i64: 128, 128>}, {transform_indices = @transform_4, window_bounds = array<i64: 1000, 128>}]} {
    %get3A = arith.constant 0 : index
    %get3A_0 = arith.constant 0 : index
    %get3A_1 = vector.load %arg1[%get3A, %get3A_0] : memref<1000x128xf32, #tpu.memory_space<vmem>>, vector<1000x128xf32>
    %get3A_2 = arith.constant 0 : index
    %get3A_3 = arith.constant 0 : index
    %get3A_4 = vector.load %arg3[%get3A_2, %get3A_3] : memref<128x128xf32, #tpu.memory_space<vmem>>, vector<128x128xf32>
    %dot_general3A = arith.constant dense<0.000000e+00> : vector<1000x128xf32>
    %dot_general3A_5 = tpu.matmul %get3A_1, %get3A_4, %dot_general3A {dimension_numbers = #tpu.dot_dimension_numbers<[1], [0], [0], [1], [0, 0, 1, 1], [], []>, transpose_lhs_hint = false} : vector<1000x128xf32>, vector<128x128xf32>, vector<1000x128xf32> -> vector<1000x128xf32>
    %get3A_6 = arith.constant 0 : index
    %get3A_7 = arith.constant 0 : index
    %get3A_8 = vector.load %arg2[%get3A_6, %get3A_7] : memref<1000x128xf32, #tpu.memory_space<vmem>>, vector<1000x128xf32>
    %get3A_9 = arith.constant 0 : index
    %get3A_10 = arith.constant 0 : index
    %get3A_11 = vector.load %arg4[%get3A_9, %get3A_10] : memref<128x128xf32, #tpu.memory_space<vmem>>, vector<128x128xf32>
    %dot_general3A_12 = arith.constant dense<0.000000e+00> : vector<1000x128xf32>
    %dot_general3A_13 = tpu.matmul %get3A_8, %get3A_11, %dot_general3A_12 {dimension_numbers = #tpu.dot_dimension_numbers<[1], [0], [0], [1], [0, 0, 1, 1], [], []>, transpose_lhs_hint = false} : vector<1000x128xf32>, vector<128x128xf32>, vector<1000x128xf32> -> vector<1000x128xf32>
    %add3A = arith.addf %dot_general3A_5, %dot_general3A_13 : vector<1000x128xf32>
    %max3A = arith.constant 0.000000e+00 : f32
    %max3A_14 = vector.broadcast %max3A : f32 to vector<1000x128xf32>
    %max3A_15 = arith.maximumf %add3A, %max3A_14 : vector<1000x128xf32>
    %swap3A = arith.constant 0 : index
    %swap3A_16 = arith.constant 0 : index
    %swap3A_17 = vector.load %arg5[%swap3A, %swap3A_16] : memref<1000x128xf32, #tpu.memory_space<vmem>>, vector<1000x128xf32>
    tpu.vector_store %arg5[%swap3A, %swap3A_16], %max3A_15 {strides = array<i32>} : memref<1000x128xf32, #tpu.memory_space<vmem>>, vector<1000x128xf32>,
    return
  }
  func.func @transform_0(%arg0: i32) -> (i32, i32) {
    %c0_i32 = arith.constant 0 : i32
    %c0_i32_0 = arith.constant 0 : i32
    return %arg0, %c0_i32 : i32, i32
  }
  func.func @transform_1(%arg0: i32) -> (i32, i32) {
    %c0_i32 = arith.constant 0 : i32
    %c0_i32_0 = arith.constant 0 : i32
    return %arg0, %c0_i32 : i32, i32
  }
  func.func @transform_2(%arg0: i32) -> (i32, i32) {
    %c0_i32 = arith.constant 0 : i32
    %c0_i32_0 = arith.constant 0 : i32
    %c0_i32_1 = arith.constant 0 : i32
    return %c0_i32, %c0_i32_0 : i32, i32
  }
  func.func @transform_3(%arg0: i32) -> (i32, i32) {
    %c0_i32 = arith.constant 0 : i32
    %c0_i32_0 = arith.constant 0 : i32
    %c0_i32_1 = arith.constant 0 : i32
    return %c0_i32, %c0_i32_0 : i32, i32
  }
  func.func @transform_4(%arg0: i32) -> (i32, i32) {
    %c0_i32 = arith.constant 0 : i32
    %c0_i32_0 = arith.constant 0 : i32
    return %arg0, %c0_i32 : i32, i32
  }
}

</mosaic_0001>

<sc_bundles>
// kernel: kernel.4.cloned.1.call-start
scs
__scs_entry_jumppad:
0x0: {  	(pc) =	sbr.rel $0x88, $3  }
0x1: {  	(tag) =	ssettag $0x0;
	lr =	simm.s32 $0x1  }
0x2: {  	[smem:$0x3F9D] =	sst lr;
	_ =	strace $0xD0000000  }
0x3: {  	_ = 	snop  }
0x4: {  	_ = 	snop  }
0x5: {  	_ = 	snop  }
0x6: {  	_ = 	snop  }
0x7: {  	_ = 	snop  }
__scs_overlays_trampoline_lowered:
0x8: {  	[smem:$0x3FAC] =	sst s0  }
0x9: {  	[smem:$0x3FAD] =	sst s1  }
0xa: {  	[smem:$0x3FAE] =	sst s2  }
0xb: {  	[smem:$0x3FAF] =	sst s3  }
0xc: {  	[smem:$0x3FB0] =	sst s4  }
0xd: {  	[smem:$0x3FB1] =	sst s5  }
0xe: {  	[smem:$0x3FB2] =	sst s6  }
0xf: {  	[smem:$0x3FB3] =	sst s7  }
0x10: {  	[smem:$0x3FB4] =	sst s8  }
0x11: {  	[smem:$0x3FB5] =	sst s9;
	s0 =	simm.s32 @!p0 $0x0  }
0x12: {  	s1 =	sld [smem:$0x3F9B];
	s0 =	simm.s32 @p0 $0x1  }
0x13: {  	[smem:$0x3FB6] =	sst s0;
	s0 =	simm.s32 @!p1 $0x0  }
0x14: {  	s2 =	sld [smem:$0x3F9A];
	s0 =	simm.s32 @p1 $0x1  }
0x15: {  	[smem:$0x3FB7] =	sst s0;
	s0 =	simm.s32 @!p2 $0x0  }
0x16: {  	s3 =	sld [smem:$0x3FDB];
	s0 =	simm.s32 @p2 $0x1  }
0x17: {  	s4 =	simm.s32 $0x1BF5;
	[smem:$0x3FB9] =	sst s0  }
0x18: {  	s0 =	sld [smem:$0x3F9C];
	_ =	swait.ge [sflag:s4], $0x0  }
0x19: {  	s7 =	sld [smem:$0x3F9D]  }
0x1a: {  	s8 =	sadd.s32 $0xFFFFE003, lr  }
0x1b: {  	s9 =	sadd.s32 $0xFFFFFEF7, lr;
	s5 =	simm.s32 $0xFFFFFFFF;
	p2 =	slt.u32 s8, $0xFFFFF086  }
0x1c: {  	p1 =	slt.u32 s9, $0xF7A;
	s5 =	simm.s32 @!p2 $0x0  }
0x1d: {  	s5 =	simm.s32 @p1 $0x1;
	p0 =	seq.s32 s7, s2  }
0x1e: {  	s7 =	smul.u32 @!p0 $0xF7A, s2;
	p2 =	seq.s32 @!p0 s5, $0x0  }
0x1f: {  	s9 =	smul.u32 $0xF7A, s1;
	s8 =	simm.s32 @!p0 $0x1BF5;
	p2 =	por !p2, p0  }
0x20: {  	[sflag:s8] =	ssyncset.s32 @!p0 $0xFFFFF086;
	s6 =	sadd.s32 @!p0 s3, s7;
	s7 =	simm.s32 @!p0 $0x108  }
0x21: {  	s3 =	sadd.s32 s3, s9;
	s6 =	sadd.s32 @!p0 $0x88, s6;
	s7 =	simm.s32 @p2 $0x1082  }
0x22: {  	[simem:s7], [sflag:s8] =	dma.local @!p0 [hbm:s6], $0xF7A  }
0x23: {  	s9 =	sor.u32 $0xD0000000, s2;
	s6 =	simm.s32 $0x108;
	_ =	swait.ge @!p0 [sflag:s8], $0x0  }
0x24: {  	s3 =	sadd.s32 $0x88, s3;
	s6 =	simm.s32 @!p1 $0x1082;
	[sflag:s4] =	ssyncset.s32 $0xFFFFF086  }
0x25: {  	[simem:s6], [sflag:s4] =	dma.local [hbm:s3], $0xF7A  }
0x26: {  	[smem:$0x3F9D] =	sst s1;
	(tag) =	ssettag s2;
	_ =	strace s9  }
0x27: {  	s1 =	sld [smem:$0x3FAD]  }
0x28: {  	s2 =	sld [smem:$0x3FAE]  }
0x29: {  	s4 =	sld [smem:$0x3FB0]  }
0x2a: {  	p0 =	seq.s32 s5, $0x0;
	s5 =	sld [smem:$0x3FB1]  }
0x2b: {  	s6 =	sld [smem:$0x3FB2]  }
0x2c: {  	s7 =	sld [smem:$0x3FB3]  }
0x2d: {  	s3 =	simm.s32 $0x108;
	s8 =	sld [smem:$0x3FB4]  }
0x2e: {  	s3 =	simm.s32 @!p0 $0x1082;
	s9 =	sld [smem:$0x3FB5]  }
0x2f: {  	lr =	sadd.s32 s0, s3;
	s0 =	sld [smem:$0x3FAC]  }
0x30: {  	s3 =	sld [smem:$0x3FAF]  }
0x31: {  	[smem:$0x3FB8] =	sst s10  }
0x32: {  	s10 =	sld [smem:$0x3FB6];
	_ =	sdelay $0x3  }
0x33: {  	p0 =	seq.s32 s10, $0x1;
	s10 =	sld [smem:$0x3FB8];
	_ =	sdelay $0x3  }
0x34: {  	[smem:$0x3FB8] =	sst s10  }
0x35: {  	s10 =	sld [smem:$0x3FB7];
	_ =	sdelay $0x3  }
0x36: {  	p1 =	seq.s32 s10, $0x1;
	s10 =	sld [smem:$0x3FB8];
	_ =	sdelay $0x3  }
0x37: {  	[smem:$0x3FB8] =	sst s10  }
0x38: {  	s10 =	sld [smem:$0x3FB9]  }
0x39: {  	_ = 	snop;
	(pc) =	sbr.ind lr, $3  }
0x3a: {  	_ = 	snop  }
0x3b: {  	_ = 	snop  }
0x3c: {  	p2 =	seq.s32 s10, $0x1;
	s10 =	sld [smem:$0x3FB8]  }
0x3d: {  	_ =	shalt  }
0x3e: {  	_ =	shalt  }
0x3f: {  	_ =	shalt  }
0x40: {  	_ =	shalt  }
0x41: {  	_ =	shalt  }
0x42: {  	_ =	shalt  }
0x43: {  	_ =	shalt  }
0x44: {  	_ =	shalt  }
0x45: {  	_ =	shalt  }
0x46: {  	_ =	shalt  }
0x47: {  	_ =	shalt  }
0x48: {  	_ =	shalt  }
0x49: {  	_ =	shalt  }
0x4a: {  	_ =	shalt  }
0x4b: {  	_ =	shalt  }
0x4c: {  	_ =	shalt  }
0x4d: {  	_ =	shalt  }
0x4e: {  	_ =	shalt  }
0x4f: {  	_ =	shalt  }
0x50: {  	_ =	shalt  }
0x51: {  	_ =	shalt  }
0x52: {  	_ =	shalt  }
0x53: {  	_ =	shalt  }
0x54: {  	_ =	shalt  }
0x55: {  	_ =	shalt  }
0x56: {  	_ =	shalt  }
0x57: {  	_ =	shalt  }
0x58: {  	_ =	shalt  }
0x59: {  	_ =	shalt  }
0x5a: {  	_ =	shalt  }
0x5b: {  	_ =	shalt  }
0x5c: {  	_ =	shalt  }
0x5d: {  	_ =	shalt  }
0x5e: {  	_ =	shalt  }
0x5f: {  	_ =	shalt  }
0x60: {  	_ =	shalt  }
0x61: {  	_ =	shalt  }
0x62: {  	_ =	shalt  }
0x63: {  	_ =	shalt  }
0x64: {  	_ =	shalt  }
0x65: {  	_ =	shalt  }
0x66: {  	_ =	shalt  }
0x67: {  	_ =	shalt  }
0x68: {  	_ =	shalt  }
0x69: {  	_ =	shalt  }
0x6a: {  	_ =	shalt  }
0x6b: {  	_ =	shalt  }
0x6c: {  	_ =	shalt  }
0x6d: {  	_ =	shalt  }
0x6e: {  	_ =	shalt  }
0x6f: {  	_ =	shalt  }
0x70: {  	_ =	shalt  }
0x71: {  	_ =	shalt  }
0x72: {  	_ =	shalt  }
0x73: {  	_ =	shalt  }
0x74: {  	_ =	shalt  }
0x75: {  	_ =	shalt  }
0x76: {  	_ =	shalt  }
0x77: {  	_ =	shalt  }
0x78: {  	_ =	shalt  }
0x79: {  	_ =	shalt  }
0x7a: {  	_ =	shalt  }
0x7b: {  	_ =	shalt  }
0x7c: {  	_ =	shalt  }
0x7d: {  	_ =	shalt  }
0x7e: {  	_ =	shalt  }
0x7f: {  	_ =	shalt  }
0x80: {  	_ =	shalt  }
0x81: {  	_ =	shalt  }
0x82: {  	_ =	shalt  }
0x83: {  	_ =	shalt  }
0x84: {  	_ =	shalt  }
0x85: {  	_ =	shalt  }
0x86: {  	_ =	shalt  }
0x87: {  	_ =	shalt  }
.Lfunc_end0:
.L_simem_size_0:
called_computation_lowered:
.L_overlay_start_0:
0x88: {  	s2 =	sld [smem:$0x3FD9]  }
0x89: {  	s3 =	sld [smem:$0x3FFE];
	_ =	sdelay $0x1  }
0x8a: {  	s1 =	srdreg.scid  }
0x8b: {  	s0 =	sand.u32 $0x1, s1  }
0x8c: {  	s17 =	sshll.u32 s0, $0xA;
	s2 =	sadd.s32 s3, s2  }
0x8d: {  	s2 =	sadd.s32 s2, s17  }
0x8e: {  	[smem:$0x3FC4] =	sst s2  }
0x8f: {  	_ = 	snop  }
0x90: {  	s2 =	sld [smem:$0x3FC8]  }
0x91: {  	s18 =	sld [smem:$0x3FD0];
	(tm) =	ssettm $0x1  }
0x92: {  	s4 =	sld [smem:$0x3FFB];
	_ =	sdelay $0x3  }
0x93: {  	_ =	strace s4  }
0x94: {  	s4 =	sld [smem:$0x3FFC];
	_ =	sdelay $0x3  }
0x95: {  	_ =	strace s4  }
0x96: {  	s4 =	sld [smem:$0x3FFD];
	_ =	sdelay $0x3  }
0x97: {  	_ =	strace s4  }
0x98: {  	_ =	strace $0x8FFFFFFF  }
0x99: {  	s19 =	sld [smem:$0x3FDB];
	_ =	sdelay $0x1  }
0x9a: {  	s5 =	simm.s32 $_scs_section_size  }
0x9b: {  	s6 =	simm.s32 $_size__tile_overlayer_lowered;
	s7 =	simm.s32 $_tile_overlayer_lowered  }
0x9c: {  	s22 =	simm.s32 $0x1BFF;
	s21 =	sshll.u32 s7, $0x1;
	s4 =	sadd.s32 s5, s19  }
0x9d: {  	s8 =	simm.s32 $0x0;
	s20 =	sshll.u32 s6, $0x1;
	s6 =	sadd.s32 s21, s4  }
0x9e: {  	[timem:s8], [sflag:s22] =	dma.local [hbm:s6], s20  }
0x9f: {  	_ =	swait.ge [sflag:s22], s20  }
0xa0: {  	s5 =	ssub.s32 $0x0, s20;
	[sflag:s22] =	ssyncset.done $0x0  }
0xa1: {  	[sflag:s22] =	ssyncadd.s32 s5;
	_ =	sdelay $0x1  }
0xa2: {  	s23 =	simm.s32 $0x1B8B  }
0xa3: {  	_ =	swait.ge [sflag:s23], $0x1  }
0xa4: {  	[sflag:s23] =	ssyncset.done $0x0  }
0xa5: {  	s25 =	simm.s32 $0x1B8E;
	s24 =	sld [smem:$0x3FFE];
	[sflag:s23] =	ssyncadd.s32 $0xFFFFFFFF  }
0xa6: {  	s26 =	simm.s32 $execute0_lowered;
	[smem:$0x3FD2] =	sst s25  }
0xa7: {  	s6 =	sshll.u32 s26, $0x1;
	_ =	strace $0x80000046;
	[dreg:$0x1] =	wrdreg $0xFFFFFFFF  }
0xa8: {  	s28 =	simm.s32 $_size_execute0_lowered;
	s4 =	sadd.s32 s4, s6;
	[dreg:$0x0] =	wrdreg $0x0  }
0xa9: {  	s6 =	sshll.u32 s28, $0x1;
	[dreg:$0x2] =	wrdreg s4  }
0xaa: {  	[dreg:$0x3] =	wrdreg s6  }
0xab: {  	[dreg:$0x4] =	wrdreg $0xC0  }
0xac: {  	_ =	task [dreg:s8], $0x5FFFF  }
0xad: {  	[dreg:$0x1] =	wrdreg $0xFFFFFFFF  }
0xae: {  	[dreg:$0x0] =	wrdreg $0x60  }
0xaf: {  	[dreg:$0x2] =	wrdreg s24  }
0xb0: {  	[dreg:$0x3] =	wrdreg s18  }
0xb1: {  	[dreg:$0x4] =	wrdreg s2  }
0xb2: {  	[dreg:$0x5] =	wrdreg $0x9  }
0xb3: {  	_ =	task.clear_ibuf [dreg:s8], $0x6FFFF;
	_ =	strace $0x90000046  }
0xb4: {  	s29 =	simm.s32 $0x9;
	_ =	strace $0x80000048  }
0xb5: {  	_ =	swait.ge [sflag:s29], $0x1  }
0xb6: {  	[sflag:s29] =	ssyncadd.s32 $0xFFFFFFFF  }
0xb7: {  	_ =	strace $0x90000048  }
0xb8: {  	_ =	sfence  }
0xb9: {  	s30 =	sld [smem:$0x0];
	_ =	sdelay $0x2  }
0xba: {  	s31 =	sshll.u32 s1, $0xD;
	s1 =	sshrl.u32 s1, $0x2  }
0xbb: {  	s3 =	sand.u32 $0x4000, s31;
	s1 =	sadd.s32 s1, s30  }
0xbc: {  	s0 =	sor.u32 s3, s0;
	s1 =	sshll.u32 s1, $0x11  }
0xbd: {  	s0 =	sor.u32 s1, s0  }
0xbe: {  	s0 =	sadd.s32 $0x8F2B, s0  }
0xbf: {  	[sflag:s0] =	ssyncadd.remote.s32 $0x1  }
0xc0: {  	_ =	sfence.sel $0xFFFF  }
0xc1: {  	[dreg:$0x0] =	wrdreg $0xFFFFFFFF;
	(pc) =	sbr.abs _section_cstart, $3  }
0xc2: {  	[dreg:$0x1] =	wrdreg $0xFFFFFFFF  }
0xc3: {  	_ =	task.clear_ibuf [dreg:s8], $0x2FFFF;
	_ =	strace $0x9FFFFFFF  }
0xc4: {  	(tm) =	ssettm $0x7FFFFFFF  }
0xc5: {  	_ =	shalt  }
tec
execute0_lowered:
.L_overlay_start_1:
0x0: {  	(tag) =	ssettag $0x1  }
0x1: {  	s5 =	rddreg [dreg:$0x0]  }
0x2: {  	s7 =	rddreg [dreg:$0x1];
	s11 =	stileid.u32  }
0x3: {  	s2 =	rddreg [dreg:$0x2];
	s3 =	simm.s32 $0x0;
	s1 =	srdreg.scid  }
0x4: {  	s29 =	simm.s32 $0x14380;
	s30 =	simm.s32 $0x1AB80;
	s0 =	smul.u32 $0x280, s11  }
0x5: {  	[smem:$0x7FF] =	sst s3;
	s4 =	sand.u32 $0x1, s1;
	s1 =	sadd.s32 $0x1800, s5  }
0x6: {  	s10 =	smul.u32 $0x320, s11;
	_ =	strace $0x80000047;
	s20 =	ssub.s32 $0x2, s4  }
0x7: {  	s12 =	sshll.u32 s4, $0x4;
	s21 =	sor.u32 $0x2, s4;
	s6 =	sshrl.u32 s0, $0x3  }
0x8: {  	s9 =	sshrl.u32 s20, $0x1;
	s7 =	sadd.s32 s7, s10;
	s22 =	sshll.u32 s21, $0x4  }
0x9: {  	s23 =	sor.u32 $0x40, s12;
	s24 =	sor.u32 $0x60, s12;
	[dreg:$0x6] =	wrdreg s12  }
0xa: {  	s13 =	sor.u32 $0xA0, s12;
	s14 =	sor.u32 $0xC0, s12;
	[dreg:$0x5] =	wrdreg s7  }
0xb: {  	s15 =	sor.u32 $0xE0, s12;
	s25 =	sor.u32 s0, s12;
	[dreg:$0x7] =	wrdreg s22  }
0xc: {  	s17 =	sor.u32 $0x120, s12;
	s10 =	simm.s32 $0x1B380;
	[dreg:$0x8] =	wrdreg s23  }
0xd: {  	s8 =	sadd.s32 s6, s5;
	s5 =	sadd.s32 $0x29800, s5;
	[dreg:$0x9] =	wrdreg s24  }
0xe: {  	s6 =	ssub.s32 s20, s9;
	s7 =	smul.u32 $0xA0, s21;
	[dreg:$0xa] =	wrdreg s13  }
0xf: {  	s16 =	sor.u32 $0x20, s25;
	s26 =	sor.u32 s0, s23;
	[dreg:$0xb] =	wrdreg s14  }
0x10: {  	s28 =	sor.u32 s0, s24;
	s31 =	sadd.s32 s0, s13;
	[dreg:$0xc] =	wrdreg s15  }
0x11: {  	s14 =	sadd.s32 s0, s14;
	[dreg:$0x12] =	wrdreg s17;
	s20 =	sor.u32 $0x140, s12  }
0x12: {  	s15 =	sadd.s32 s0, s15;
	s21 =	sor.u32 $0x160, s12;
	[dreg:$0x15] =	wrdreg s20  }
0x13: {  	s19 =	sadd.s32 s0, s17;
	s24 =	sor.u32 $0x1A0, s12;
	[dreg:$0x16] =	wrdreg s21  }
0x14: {  	s8 =	sadd.s32 $0x1200, s8;
	s9 =	sshll.u32 s28, $0x4;
	[dreg:$0x18] =	wrdreg s24  }
0x15: {  	s13 =	sshll.u32 s31, $0x4;
	s23 =	sadd.s32 s0, s21;
	[dreg:$0x4] =	wrdreg s8  }
0x16: {  	s28 =	sor.u32 $0x1C0, s12;
	s31 =	sor.u32 $0x1E0, s12;
	[dreg:$0xd] =	wrdreg s7  }
0x17: {  	s8 =	sor.u32 s0, s22;
	s7 =	sshll.u32 s25, $0x4;
	[dreg:$0x1b] =	wrdreg s28  }
0x18: {  	s9 =	sadd.s32 s1, s9;
	s22 =	sadd.s32 s0, s20;
	[dreg:$0x1c] =	wrdreg s31  }
0x19: {  	s20 =	sor.u32 $0x260, s12;
	s8 =	sshll.u32 s8, $0x4;
	[dreg:$0x10] =	wrdreg s9  }
0x1a: {  	s9 =	sshll.u32 s15, $0x4;
	s15 =	sor.u32 $0x220, s12;
	[smem:$0x7F2] =	sst s20  }
0x1b: {  	s8 =	sadd.s32 s1, s8;
	s18 =	sadd.s32 s1, s9;
	[dreg:$0x1e] =	wrdreg s15  }
0x1c: {  	s9 =	sshll.u32 s23, $0x4;
	s23 =	smax.u32 s6, $0x1;
	[dreg:$0xe] =	wrdreg s8  }
0x1d: {  	s6 =	simm.s32 $0x12B80;
	s8 =	sshll.u32 s26, $0x4;
	[dreg:$0x14] =	wrdreg s18  }
0x1e: {  	s25 =	sadd.s32 s1, s9;
	s26 =	sadd.s32 s0, s24;
	[smem:$0x7F5] =	sst s23  }
0x1f: {  	s18 =	sadd.s32 s0, s15;
	s8 =	sadd.s32 s1, s8;
	[dreg:$0x1a] =	wrdreg s25  }
0x20: {  	s23 =	simm.s32 $0x3;
	s25 =	sor.u32 $0x6, s4;
	[dreg:$0xf] =	wrdreg s8  }
0x21: {  	s8 =	sadd.s32 s1, s13;
	s13 =	sadd.s32 s0, s28;
	[smem:$0x7F8] =	sst s25  }
0x22: {  	[dreg:$0x11] =	wrdreg s8;
	s8 =	sshll.u32 s14, $0x4;
	s14 =	sadd.s32 s0, s31  }
0x23: {  	s8 =	sadd.s32 s1, s8;
	s9 =	sshll.u32 s14, $0x4;
	s14 =	simm.s32 $0x1  }
0x24: {  	[dreg:$0x13] =	wrdreg s8;
	s8 =	sshll.u32 s19, $0x4;
	s17 =	sadd.s32 s1, s9  }
0x25: {  	s19 =	sor.u32 $0x240, s12;
	s9 =	smul.u32 $0x14000, s11;
	s11 =	simm.s32 $0x7  }
0x26: {  	s8 =	sadd.s32 s1, s8;
	[smem:$0x7EF] =	sst s17;
	s21 =	sadd.s32 s0, s19  }
0x27: {  	s0 =	sadd.s32 s0, s20;
	[dreg:$0x17] =	wrdreg s8;
	s8 =	sshll.u32 s22, $0x4  }
0x28: {  	[smem:$0x7F1] =	sst s19;
	s0 =	sshll.u32 s0, $0x4;
	s8 =	sadd.s32 s1, s8  }
0x29: {  	s0 =	sadd.s32 s1, s0;
	[dreg:$0x19] =	wrdreg s8;
	s8 =	sshll.u32 s26, $0x4  }
0x2a: {  	s22 =	smul.u32 $0xA0, s4;
	[smem:$0x7F4] =	sst s0;
	s8 =	sadd.s32 s1, s8  }
0x2b: {  	s20 =	sor.u32 $0x8, s4;
	[dreg:$0x1d] =	wrdreg s8;
	s8 =	sshll.u32 s13, $0x4  }
0x2c: {  	s19 =	simm.s32 $0x13B80;
	[smem:$0x7F6] =	sst s22;
	s8 =	sadd.s32 s1, s8  }
0x2d: {  	s24 =	sor.u32 $0x300, s22;
	[dreg:$0x1f] =	wrdreg s8;
	s8 =	sshll.u32 s18, $0x4  }
0x2e: {  	s0 =	sadd.s32 s5, s7;
	[smem:$0x7F7] =	sst s24;
	s8 =	sadd.s32 s1, s8  }
0x2f: {  	s22 =	simm.s32 $0x2380;
	[smem:$0x7F0] =	sst s8;
	s8 =	sshll.u32 s21, $0x4  }
0x30: {  	s24 =	simm.s32 $0x2B80;
	s13 =	simm.s32 $0x2;
	s8 =	sadd.s32 s1, s8  }
0x31: {  	s18 =	simm.s32 $0x13380;
	s1 =	sadd.s32 s1, s7;
	[smem:$0x7F3] =	sst s8  }
.Ltmp0:
0x32: {  	s26 =	sadd.s32 $0x800, s1;
	[smem:$0x7FC] =	sst s1;
	(pc) =	sbr.rel .LBB2_1-.Ltmp0, $4  }
0x33: {  	s21 =	simm.s32 $0x1B80;
	s28 =	sadd.s32 $0x1000, s1;
	[smem:$0x7F9] =	sst s26  }
0x34: {  	s7 =	simm.s32 $0x5;
	s31 =	sadd.s32 $0x1800, s1;
	[smem:$0x7FA] =	sst s28  }
0x35: {  	s1 =	sadd.s32 $0x2000, s1;
	s8 =	simm.s32 $0x15380;
	[smem:$0x7FB] =	sst s31  }
0x36: {  	vm0 =	vmmov $0xffff;
	[smem:$0x7FD] =	sst s1;
	s26 =	simm.s32 $0x14B80;
	s1 =	simm.s32 $0x0  }
.LBB2_14:
0x37: {  	s1 =	simm.s32 $0x4  }
0x38: {  	_ =	swait.ge [sflag:s1], $0x800  }
0x39: {  	[sflag:s1] =	ssyncset.done $0x0  }
0x3a: {  	[sflag:s1] =	ssyncadd.s32 $0xFFFFF800  }
0x3b: {  	_ =	swait.ge [sflag:s7], $0x800  }
0x3c: {  	[sflag:s7] =	ssyncset.done $0x0  }
0x3d: {  	s22 =	simm.s32 $0x6;
	[sflag:s7] =	ssyncadd.s32 $0xFFFFF800  }
0x3e: {  	_ =	swait.ge [sflag:s22], $0x800  }
0x3f: {  	[sflag:s22] =	ssyncset.done $0x0  }
0x40: {  	[sflag:s22] =	ssyncadd.s32 $0xFFFFF800  }
0x41: {  	_ =	swait.ge [sflag:s11], $0xA000  }
0x42: {  	s12 =	sld [smem:$0x7FC]  }
0x43: {  	[sflag:s11] =	ssyncset.done $0x0  }
0x44: {  	s21 =	simm.s32 $0x1B80;
	s24 =	rddreg [dreg:$0xe];
	[sflag:s11] =	ssyncadd.s32 $0xFFFF6000  }
0x45: {  	[hbm4b:s12+s3] =	stream.linear.scatter [tilespmem:s21], [sflag:$0x7], $0x800, $0x38;
	[tilespmem:$0x1C380] =	vst v63  }
0x46: {  	s22 =	simm.s32 $0x2380;
	s25 =	rddreg [dreg:$0xf]  }
0x47: {  	[hbm4b:s24+s3] =	stream.linear.scatter [tilespmem:s22], [sflag:$0x7], $0x800, $0x38;
	[tilespmem:$0x1C380] =	vst v63  }
0x48: {  	s1 =	rddreg [dreg:$0x10];
	s24 =	simm.s32 $0x2B80  }
0x49: {  	[hbm4b:s25+s3] =	stream.linear.scatter [tilespmem:s24], [sflag:$0x7], $0x800, $0x38;
	[tilespmem:$0x1C380] =	vst v63  }
0x4a: {  	s15 =	simm.s32 $0x3380;
	s17 =	sld [smem:$0x7F9]  }
0x4b: {  	[hbm4b:s1+s3] =	stream.linear.scatter [tilespmem:s15], [sflag:$0x7], $0x800, $0x38;
	[tilespmem:$0x1C380] =	vst v63  }
0x4c: {  	s25 =	simm.s32 $0x3B80;
	s1 =	rddreg [dreg:$0x11]  }
0x4d: {  	[hbm4b:s17+s3] =	stream.linear.scatter [tilespmem:s25], [sflag:$0x7], $0x800, $0x38;
	[tilespmem:$0x1C380] =	vst v63  }
0x4e: {  	s15 =	rddreg [dreg:$0x13]  }
0x4f: {  	[hbm4b:s1+s3] =	stream.linear.scatter [tilespmem:s28], [sflag:$0x7], $0x800, $0x38;
	[tilespmem:$0x1C380] =	vst v63  }
0x50: {  	s17 =	simm.s32 $0x4B80;
	s25 =	rddreg [dreg:$0x14]  }
0x51: {  	[hbm4b:s15+s3] =	stream.linear.scatter [tilespmem:s17], [sflag:$0x7], $0x800, $0x38;
	[tilespmem:$0x1C380] =	vst v63  }
0x52: {  	s28 =	sld [smem:$0x7FA]  }
0x53: {  	[hbm4b:s25+s3] =	stream.linear.scatter [tilespmem:s31], [sflag:$0x7], $0x800, $0x38;
	[tilespmem:$0x1C380] =	vst v63  }
0x54: {  	s15 =	rddreg [dreg:$0x17];
	s31 =	simm.s32 $0x5B80  }
0x55: {  	[hbm4b:s28+s3] =	stream.linear.scatter [tilespmem:s31], [sflag:$0x7], $0x800, $0x38;
	[tilespmem:$0x1C380] =	vst v63  }
0x56: {  	s12 =	simm.s32 $0x6380;
	s25 =	rddreg [dreg:$0x19]  }
0x57: {  	[hbm4b:s15+s3] =	stream.linear.scatter [tilespmem:s12], [sflag:$0x7], $0x800, $0x38;
	[tilespmem:$0x1C380] =	vst v63  }
0x58: {  	s17 =	simm.s32 $0x6B80;
	s31 =	rddreg [dreg:$0x1a]  }
0x59: {  	[hbm4b:s25+s3] =	stream.linear.scatter [tilespmem:s17], [sflag:$0x7], $0x800, $0x38;
	[tilespmem:$0x1C380] =	vst v63  }
0x5a: {  	s28 =	simm.s32 $0x7380;
	s15 =	sld [smem:$0x7FB]  }
0x5b: {  	[hbm4b:s31+s3] =	stream.linear.scatter [tilespmem:s28], [sflag:$0x7], $0x800, $0x38;
	[tilespmem:$0x1C380] =	vst v63  }
0x5c: {  	s12 =	simm.s32 $0x7B80;
	s25 =	rddreg [dreg:$0x1d]  }
0x5d: {  	[hbm4b:s15+s3] =	stream.linear.scatter [tilespmem:s12], [sflag:$0x7], $0x800, $0x38;
	[tilespmem:$0x1C380] =	vst v63  }
0x5e: {  	s17 =	simm.s32 $0x8380;
	s31 =	rddreg [dreg:$0x1f]  }
0x5f: {  	[hbm4b:s25+s3] =	stream.linear.scatter [tilespmem:s17], [sflag:$0x7], $0x800, $0x38;
	[tilespmem:$0x1C380] =	vst v63  }
0x60: {  	s28 =	simm.s32 $0x8B80;
	s15 =	sld [smem:$0x7EF]  }
0x61: {  	[hbm4b:s31+s3] =	stream.linear.scatter [tilespmem:s28], [sflag:$0x7], $0x800, $0x38;
	[tilespmem:$0x1C380] =	vst v63  }
0x62: {  	s12 =	simm.s32 $0x9380;
	s25 =	sld [smem:$0x7FD]  }
0x63: {  	[hbm4b:s15+s3] =	stream.linear.scatter [tilespmem:s12], [sflag:$0x7], $0x800, $0x38;
	[tilespmem:$0x1C380] =	vst v63  }
0x64: {  	s17 =	simm.s32 $0x9B80;
	s31 =	sld [smem:$0x7F0]  }
0x65: {  	[hbm4b:s25+s3] =	stream.linear.scatter [tilespmem:s17], [sflag:$0x7], $0x800, $0x38;
	[tilespmem:$0x1C380] =	vst v63  }
0x66: {  	s28 =	simm.s32 $0xA380;
	s15 =	sld [smem:$0x7F3]  }
0x67: {  	[hbm4b:s31+s3] =	stream.linear.scatter [tilespmem:s28], [sflag:$0x7], $0x800, $0x38;
	[tilespmem:$0x1C380] =	vst v63  }
0x68: {  	s12 =	simm.s32 $0xAB80;
	s25 =	sld [smem:$0x7F4]  }
0x69: {  	[hbm4b:s15+s3] =	stream.linear.scatter [tilespmem:s12], [sflag:$0x7], $0x800, $0x38;
	[tilespmem:$0x1C380] =	vst v63  }
0x6a: {  	s17 =	simm.s32 $0xB380  }
0x6b: {  	[hbm4b:s25+s3] =	stream.linear.scatter [tilespmem:s17], [sflag:$0x7], $0x800, $0x38;
	[tilespmem:$0x1C380] =	vst v63  }
0x6c: {  	_ =	swait.ge [sflag:s11], $0x800  }
0x6d: {  	[sflag:s11] =	ssyncset.done $0x0  }
0x6e: {  	[sflag:s11] =	ssyncadd.s32 $0xFFFFF800  }
0x6f: {  	_ =	swait.ge [sflag:s11], $0x800  }
0x70: {  	[sflag:s11] =	ssyncset.done $0x0  }
0x71: {  	[sflag:s11] =	ssyncadd.s32 $0xFFFFF800  }
0x72: {  	_ =	swait.ge [sflag:s11], $0x800  }
0x73: {  	[sflag:s11] =	ssyncset.done $0x0  }
0x74: {  	[sflag:s11] =	ssyncadd.s32 $0xFFFFF800  }
0x75: {  	_ =	swait.ge [sflag:s11], $0x800  }
0x76: {  	[sflag:s11] =	ssyncset.done $0x0  }
0x77: {  	[sflag:s11] =	ssyncadd.s32 $0xFFFFF800  }
0x78: {  	_ =	swait.ge [sflag:s11], $0x800  }
0x79: {  	[sflag:s11] =	ssyncset.done $0x0  }
0x7a: {  	[sflag:s11] =	ssyncadd.s32 $0xFFFFF800  }
0x7b: {  	_ =	swait.ge [sflag:s11], $0x800  }
0x7c: {  	[sflag:s11] =	ssyncset.done $0x0  }
0x7d: {  	[sflag:s11] =	ssyncadd.s32 $0xFFFFF800  }
0x7e: {  	_ =	swait.ge [sflag:s11], $0x800  }
0x7f: {  	[sflag:s11] =	ssyncset.done $0x0  }
0x80: {  	[sflag:s11] =	ssyncadd.s32 $0xFFFFF800  }
0x81: {  	_ =	swait.ge [sflag:s11], $0x800  }
0x82: {  	[sflag:s11] =	ssyncset.done $0x0  }
0x83: {  	[sflag:s11] =	ssyncadd.s32 $0xFFFFF800  }
0x84: {  	_ =	swait.ge [sflag:s11], $0x800  }
0x85: {  	[sflag:s11] =	ssyncset.done $0x0  }
0x86: {  	[sflag:s11] =	ssyncadd.s32 $0xFFFFF800  }
0x87: {  	_ =	swait.ge [sflag:s11], $0x800  }
0x88: {  	[sflag:s11] =	ssyncset.done $0x0  }
0x89: {  	[sflag:s11] =	ssyncadd.s32 $0xFFFFF800  }
0x8a: {  	_ =	swait.ge [sflag:s11], $0x800  }
0x8b: {  	[sflag:s11] =	ssyncset.done $0x0  }
0x8c: {  	[sflag:s11] =	ssyncadd.s32 $0xFFFFF800  }
0x8d: {  	_ =	swait.ge [sflag:s11], $0x800  }
0x8e: {  	[sflag:s11] =	ssyncset.done $0x0  }
0x8f: {  	[sflag:s11] =	ssyncadd.s32 $0xFFFFF800  }
0x90: {  	_ =	swait.ge [sflag:s11], $0x800  }
0x91: {  	[sflag:s11] =	ssyncset.done $0x0  }
0x92: {  	[sflag:s11] =	ssyncadd.s32 $0xFFFFF800  }
0x93: {  	_ =	swait.ge [sflag:s11], $0x800  }
0x94: {  	[sflag:s11] =	ssyncset.done $0x0  }
0x95: {  	[sflag:s11] =	ssyncadd.s32 $0xFFFFF800  }
0x96: {  	_ =	swait.ge [sflag:s11], $0x800  }
0x97: {  	[sflag:s11] =	ssyncset.done $0x0  }
0x98: {  	[sflag:s11] =	ssyncadd.s32 $0xFFFFF800  }
0x99: {  	_ =	swait.ge [sflag:s11], $0x800  }
0x9a: {  	[sflag:s11] =	ssyncset.done $0x0  }
0x9b: {  	[sflag:s11] =	ssyncadd.s32 $0xFFFFF800  }
0x9c: {  	_ =	swait.ge [sflag:s11], $0x800  }
0x9d: {  	[sflag:s11] =	ssyncset.done $0x0  }
0x9e: {  	[sflag:s11] =	ssyncadd.s32 $0xFFFFF800  }
0x9f: {  	_ =	swait.ge [sflag:s11], $0x800  }
0xa0: {  	[sflag:s11] =	ssyncset.done $0x0  }
0xa1: {  	[sflag:s11] =	ssyncadd.s32 $0xFFFFF800  }
0xa2: {  	_ =	swait.ge [sflag:s11], $0x800  }
0xa3: {  	[sflag:s11] =	ssyncset.done $0x0  }
0xa4: {  	[sflag:s11] =	ssyncadd.s32 $0xFFFFF800  }
0xa5: {  	_ =	swait.ge [sflag:s11], $0x800  }
0xa6: {  	s28 =	sld [smem:$0x7EE]  }
0xa7: {  	s31 =	sld [smem:$0x7F5];
	_ =	sdelay $0x1  }
0xa8: {  	s1 =	sadd.s32 $0x1, s28  }
0xa9: {  	p0 =	sne.s32 s1, s31  }
.Ltmp1:
0xaa: {  	_ = 	snop;
	(pc) =	sbr.rel @!p0 .LBB2_15-.Ltmp1, $3  }
0xab: {  	_ =	sdelay $0x1  }
0xac: {  	[sflag:s11] =	ssyncset.done $0x0  }
0xad: {  	[sflag:s11] =	ssyncadd.s32 $0xFFFFF800  }
.LBB2_1:
0xae: {  	[smem:$0x7EE] =	sst s1  }
0xaf: {  	s12 =	rddreg [dreg:$0x4];
	s15 =	simm.s32 $0x8  }
0xb0: {  	[tilespmem:s3], [sflag:$0x8] =	stream.linear.gather [hbm4b:s12+s3], $0x280, $0x38;
	[tilespmem:$0x1C380] =	vst v63  }
0xb1: {  	_ =	swait.ge [sflag:s15], $0x280  }
0xb2: {  	[sflag:s15] =	ssyncset.done $0x0  }
0xb3: {  	s17 =	simm.s32 $0x280;
	s12 =	rddreg [dreg:$0x5];
	[sflag:s15] =	ssyncadd.s32 $0xFFFFFD80  }
0xb4: {  	[tilespmem:s17], [sflag:$0x8] =	stream.linear.gather [hbm4b:s12+s3], $0x1900, $0x38;
	[tilespmem:$0x1C380] =	vst v63  }
0xb5: {  	_ =	swait.ge [sflag:s15], $0x1900  }
0xb6: {  	[sflag:s15] =	ssyncset.done $0x0  }
0xb7: {  	s12 =	rddreg [dreg:$0x6];
	[sflag:s15] =	ssyncadd.s32 $0xFFFFE700  }
0xb8: {  	v0 =	vld [tilespmem:s12+$0x0];
	_ =	sdelay $0x7  }
0xb9: {  	[tilespmem:s21], [sflag:$0x7] =	stream.indirect_vreg.gather [hbm4b:s2+s3], $0x80, v0, vm0, $0xb8;
	[tilespmem:$0x1C380] =	vst v63  }
0xba: {  	s21 =	rddreg [dreg:$0x7]  }
0xbb: {  	v0 =	vld [tilespmem:s21+$0x0];
	_ =	sdelay $0x7  }
0xbc: {  	[tilespmem:s22], [sflag:$0x7] =	stream.indirect_vreg.gather [hbm4b:s2+s3], $0x80, v0, vm0, $0xb8;
	[tilespmem:$0x1C380] =	vst v63  }
0xbd: {  	s22 =	rddreg [dreg:$0x8]  }
0xbe: {  	v0 =	vld [tilespmem:s22+$0x0];
	_ =	sdelay $0x7  }
0xbf: {  	[tilespmem:s24], [sflag:$0x7] =	stream.indirect_vreg.gather [hbm4b:s2+s3], $0x80, v0, vm0, $0xb8;
	[tilespmem:$0x1C380] =	vst v63  }
0xc0: {  	s24 =	rddreg [dreg:$0x9]  }
0xc1: {  	v0 =	vld [tilespmem:s24+$0x0];
	_ =	sdelay $0x6  }
0xc2: {  	s25 =	simm.s32 $0x3380  }
0xc3: {  	[tilespmem:s25], [sflag:$0x7] =	stream.indirect_vreg.gather [hbm4b:s2+s3], $0x80, v0, vm0, $0xb8;
	[tilespmem:$0x1C380] =	vst v63  }
0xc4: {  	v0 =	vld [tilespmem:s12+$0x80];
	_ =	sdelay $0x6  }
0xc5: {  	s28 =	simm.s32 $0x3B80;
	s25 =	rddreg [dreg:$0xa]  }
0xc6: {  	[tilespmem:s28], [sflag:$0x7] =	stream.indirect_vreg.gather [hbm4b:s2+s3], $0x80, v0, vm0, $0xb8;
	[tilespmem:$0x1C380] =	vst v63  }
0xc7: {  	v0 =	vld [tilespmem:s25+$0x0];
	_ =	sdelay $0x6  }
0xc8: {  	s17 =	rddreg [dreg:$0xb];
	s28 =	simm.s32 $0x4380  }
0xc9: {  	[tilespmem:s28], [sflag:$0x7] =	stream.indirect_vreg.gather [hbm4b:s2+s3], $0x80, v0, vm0, $0xb8;
	[tilespmem:$0x1C380] =	vst v63  }
0xca: {  	v0 =	vld [tilespmem:s17+$0x0];
	_ =	sdelay $0x6  }
0xcb: {  	s31 =	simm.s32 $0x4B80;
	s21 =	rddreg [dreg:$0xc]  }
0xcc: {  	[tilespmem:s31], [sflag:$0x7] =	stream.indirect_vreg.gather [hbm4b:s2+s3], $0x80, v0, vm0, $0xb8;
	[tilespmem:$0x1C380] =	vst v63  }
0xcd: {  	v0 =	vld [tilespmem:s21+$0x0];
	_ =	sdelay $0x6  }
0xce: {  	s31 =	simm.s32 $0x5380  }
0xcf: {  	[tilespmem:s31], [sflag:$0x7] =	stream.indirect_vreg.gather [hbm4b:s2+s3], $0x80, v0, vm0, $0xb8;
	[tilespmem:$0x1C380] =	vst v63  }
0xd0: {  	v0 =	vld [tilespmem:s12+$0x100];
	_ =	sdelay $0x6  }
0xd1: {  	s1 =	simm.s32 $0x5B80;
	s24 =	rddreg [dreg:$0x12]  }
0xd2: {  	[tilespmem:s1], [sflag:$0x7] =	stream.indirect_vreg.gather [hbm4b:s2+s3], $0x80, v0, vm0, $0xb8;
	[tilespmem:$0x1C380] =	vst v63  }
0xd3: {  	v0 =	vld [tilespmem:s24+$0x0];
	_ =	sdelay $0x6  }
0xd4: {  	s22 =	simm.s32 $0x6380;
	s17 =	rddreg [dreg:$0x15]  }
0xd5: {  	[tilespmem:s22], [sflag:$0x7] =	stream.indirect_vreg.gather [hbm4b:s2+s3], $0x80, v0, vm0, $0xb8;
	[tilespmem:$0x1C380] =	vst v63  }
0xd6: {  	v0 =	vld [tilespmem:s17+$0x0];
	_ =	sdelay $0x6  }
0xd7: {  	s25 =	simm.s32 $0x6B80;
	s22 =	rddreg [dreg:$0x16]  }
0xd8: {  	[tilespmem:s25], [sflag:$0x7] =	stream.indirect_vreg.gather [hbm4b:s2+s3], $0x80, v0, vm0, $0xb8;
	[tilespmem:$0x1C380] =	vst v63  }
0xd9: {  	v0 =	vld [tilespmem:s22+$0x0];
	_ =	sdelay $0x6  }
0xda: {  	s21 =	simm.s32 $0x7380  }
0xdb: {  	[tilespmem:s21], [sflag:$0x7] =	stream.indirect_vreg.gather [hbm4b:s2+s3], $0x80, v0, vm0, $0xb8;
	[tilespmem:$0x1C380] =	vst v63  }
0xdc: {  	v0 =	vld [tilespmem:s12+$0x180];
	_ =	sdelay $0x6  }
0xdd: {  	s24 =	simm.s32 $0x7B80;
	s17 =	rddreg [dreg:$0x18]  }
0xde: {  	[tilespmem:s24], [sflag:$0x7] =	stream.indirect_vreg.gather [hbm4b:s2+s3], $0x80, v0, vm0, $0xb8;
	[tilespmem:$0x1C380] =	vst v63  }
0xdf: {  	v0 =	vld [tilespmem:s17+$0x0];
	_ =	sdelay $0x6  }
0xe0: {  	s25 =	simm.s32 $0x8380;
	s22 =	rddreg [dreg:$0x1b]  }
0xe1: {  	[tilespmem:s25], [sflag:$0x7] =	stream.indirect_vreg.gather [hbm4b:s2+s3], $0x80, v0, vm0, $0xb8;
	[tilespmem:$0x1C380] =	vst v63  }
0xe2: {  	v0 =	vld [tilespmem:s22+$0x0];
	_ =	sdelay $0x6  }
0xe3: {  	s21 =	simm.s32 $0x8B80;
	s25 =	rddreg [dreg:$0x1c]  }
0xe4: {  	[tilespmem:s21], [sflag:$0x7] =	stream.indirect_vreg.gather [hbm4b:s2+s3], $0x80, v0, vm0, $0xb8;
	[tilespmem:$0x1C380] =	vst v63  }
0xe5: {  	v0 =	vld [tilespmem:s25+$0x0];
	_ =	sdelay $0x6  }
0xe6: {  	s24 =	simm.s32 $0x9380  }
0xe7: {  	[tilespmem:s24], [sflag:$0x7] =	stream.indirect_vreg.gather [hbm4b:s2+s3], $0x80, v0, vm0, $0xb8;
	[tilespmem:$0x1C380] =	vst v63  }
0xe8: {  	v0 =	vld [tilespmem:s12+$0x200];
	_ =	sdelay $0x6  }
0xe9: {  	s17 =	simm.s32 $0x9B80;
	s22 =	rddreg [dreg:$0x1e]  }
0xea: {  	[tilespmem:s17], [sflag:$0x7] =	stream.indirect_vreg.gather [hbm4b:s2+s3], $0x80, v0, vm0, $0xb8;
	[tilespmem:$0x1C380] =	vst v63  }
0xeb: {  	v0 =	vld [tilespmem:s22+$0x0];
	_ =	sdelay $0x5  }
0xec: {  	s25 =	sld [smem:$0x7F1]  }
0xed: {  	s21 =	simm.s32 $0xA380  }
0xee: {  	[tilespmem:s21], [sflag:$0x7] =	stream.indirect_vreg.gather [hbm4b:s2+s3], $0x80, v0, vm0, $0xb8;
	[tilespmem:$0x1C380] =	vst v63  }
0xef: {  	v0 =	vld [tilespmem:s25+$0x0];
	_ =	sdelay $0x5  }
0xf0: {  	s17 =	sld [smem:$0x7F2]  }
0xf1: {  	s24 =	simm.s32 $0xAB80  }
0xf2: {  	[tilespmem:s24], [sflag:$0x7] =	stream.indirect_vreg.gather [hbm4b:s2+s3], $0x80, v0, vm0, $0xb8;
	[tilespmem:$0x1C380] =	vst v63  }
0xf3: {  	v0 =	vld [tilespmem:s17+$0x0];
	_ =	sdelay $0x5  }
0xf4: {  	s12 =	sld [smem:$0x7F6]  }
0xf5: {  	s15 =	simm.s32 $0xB380  }
0xf6: {  	[tilespmem:s15], [sflag:$0x7] =	stream.indirect_vreg.gather [hbm4b:s2+s3], $0x80, v0, vm0, $0xb8;
	[tilespmem:$0x1C380] =	vst v63  }
0xf7: {  	v0 =	vld [tilespmem:s12+$0x280];
	_ =	sdelay $0x6  }
0xf8: {  	s1 =	simm.s32 $0xBB80  }
0xf9: {  	[tilespmem:s1], [sflag:$0x1] =	stream.indirect_vreg.gather [hbm4b:s2+s3], $0x80, v0, vm0, $0xb8;
	[tilespmem:$0x1C380] =	vst v63  }
0xfa: {  	v0 =	vld [tilespmem:s12+$0x290];
	_ =	sdelay $0x6  }
0xfb: {  	s21 =	simm.s32 $0xC380  }
0xfc: {  	[tilespmem:s21], [sflag:$0x1] =	stream.indirect_vreg.gather [hbm4b:s2+s3], $0x80, v0, vm0, $0xb8;
	[tilespmem:$0x1C380] =	vst v63  }
0xfd: {  	v0 =	vld [tilespmem:s12+$0x2A0];
	_ =	sdelay $0x6  }
0xfe: {  	s22 =	simm.s32 $0xCB80  }
0xff: {  	[tilespmem:s22], [sflag:$0x1] =	stream.indirect_vreg.gather [hbm4b:s2+s3], $0x80, v0, vm0, $0xb8;
	[tilespmem:$0x1C380] =	vst v63  }
0x100: {  	v0 =	vld [tilespmem:s12+$0x2B0];
	_ =	sdelay $0x6  }
0x101: {  	s24 =	simm.s32 $0xD380  }
0x102: {  	[tilespmem:s24], [sflag:$0x1] =	stream.indirect_vreg.gather [hbm4b:s2+s3], $0x80, v0, vm0, $0xb8;
	[tilespmem:$0x1C380] =	vst v63  }
0x103: {  	v0 =	vld [tilespmem:s12+$0x2C0];
	_ =	sdelay $0x6  }
0x104: {  	s25 =	simm.s32 $0xDB80  }
0x105: {  	[tilespmem:s25], [sflag:$0x1] =	stream.indirect_vreg.gather [hbm4b:s2+s3], $0x80, v0, vm0, $0xb8;
	[tilespmem:$0x1C380] =	vst v63  }
0x106: {  	v0 =	vld [tilespmem:s12+$0x2D0];
	_ =	sdelay $0x6  }
0x107: {  	s17 =	simm.s32 $0xE380  }
0x108: {  	[tilespmem:s17], [sflag:$0x1] =	stream.indirect_vreg.gather [hbm4b:s2+s3], $0x80, v0, vm0, $0xb8;
	[tilespmem:$0x1C380] =	vst v63  }
0x109: {  	v0 =	vld [tilespmem:s12+$0x2E0];
	_ =	sdelay $0x6  }
0x10a: {  	s21 =	simm.s32 $0xEB80  }
0x10b: {  	[tilespmem:s21], [sflag:$0x1] =	stream.indirect_vreg.gather [hbm4b:s2+s3], $0x80, v0, vm0, $0xb8;
	[tilespmem:$0x1C380] =	vst v63  }
0x10c: {  	v0 =	vld [tilespmem:s12+$0x2F0];
	_ =	sdelay $0x5  }
0x10d: {  	s24 =	sld [smem:$0x7F7]  }
0x10e: {  	s22 =	simm.s32 $0xF380  }
0x10f: {  	[tilespmem:s22], [sflag:$0x1] =	stream.indirect_vreg.gather [hbm4b:s2+s3], $0x80, v0, vm0, $0xb8;
	[tilespmem:$0x1C380] =	vst v63  }
0x110: {  	v0 =	vld [tilespmem:s24+$0x0];
	_ =	sdelay $0x6  }
0x111: {  	s25 =	simm.s32 $0xFB80  }
0x112: {  	[tilespmem:s25], [sflag:$0x1] =	stream.indirect_vreg.gather [hbm4b:s2+s3], $0x80, v0, vm0, $0xb8;
	[tilespmem:$0x1C380] =	vst v63  }
0x113: {  	v0 =	vld [tilespmem:s12+$0x310];
	_ =	sdelay $0x6  }
0x114: {  	s15 =	simm.s32 $0x10380;
	s17 =	rddreg [dreg:$0xd]  }
0x115: {  	[tilespmem:s15], [sflag:$0x1] =	stream.indirect_vreg.gather [hbm4b:s2+s3], $0x80, v0, vm0, $0xb8;
	[tilespmem:$0x1C380] =	vst v63  }
0x116: {  	v0 =	vld [tilespmem:s17+$0x280];
	_ =	sdelay $0x6  }
0x117: {  	s21 =	simm.s32 $0x10B80  }
0x118: {  	[tilespmem:s21], [sflag:$0x2] =	stream.indirect_vreg.gather [hbm4b:s2+s3], $0x80, v0, vm0, $0xb8;
	[tilespmem:$0x1C380] =	vst v63  }
0x119: {  	v0 =	vld [tilespmem:s17+$0x290];
	_ =	sdelay $0x6  }
0x11a: {  	s22 =	simm.s32 $0x11380  }
0x11b: {  	[tilespmem:s22], [sflag:$0x2] =	stream.indirect_vreg.gather [hbm4b:s2+s3], $0x80, v0, vm0, $0xb8;
	[tilespmem:$0x1C380] =	vst v63  }
0x11c: {  	v0 =	vld [tilespmem:s17+$0x2A0];
	_ =	sdelay $0x6  }
0x11d: {  	s24 =	simm.s32 $0x11B80  }
0x11e: {  	[tilespmem:s24], [sflag:$0x2] =	stream.indirect_vreg.gather [hbm4b:s2+s3], $0x80, v0, vm0, $0xb8;
	[tilespmem:$0x1C380] =	vst v63  }
0x11f: {  	v0 =	vld [tilespmem:s17+$0x2B0];
	_ =	sdelay $0x6  }
0x120: {  	s25 =	simm.s32 $0x12380  }
0x121: {  	[tilespmem:s25], [sflag:$0x2] =	stream.indirect_vreg.gather [hbm4b:s2+s3], $0x80, v0, vm0, $0xb8;
	[tilespmem:$0x1C380] =	vst v63  }
0x122: {  	v0 =	vld [tilespmem:s17+$0x2C0];
	_ =	sdelay $0x7  }
0x123: {  	[tilespmem:s6], [sflag:$0x2] =	stream.indirect_vreg.gather [hbm4b:s2+s3], $0x80, v0, vm0, $0xb8;
	[tilespmem:$0x1C380] =	vst v63  }
0x124: {  	v0 =	vld [tilespmem:s17+$0x2D0];
	_ =	sdelay $0x7  }
0x125: {  	[tilespmem:s18], [sflag:$0x2] =	stream.indirect_vreg.gather [hbm4b:s2+s3], $0x80, v0, vm0, $0xb8;
	[tilespmem:$0x1C380] =	vst v63  }
0x126: {  	v0 =	vld [tilespmem:s17+$0x2E0];
	_ =	sdelay $0x7  }
0x127: {  	[tilespmem:s19], [sflag:$0x2] =	stream.indirect_vreg.gather [hbm4b:s2+s3], $0x80, v0, vm0, $0xb8;
	[tilespmem:$0x1C380] =	vst v63  }
0x128: {  	v0 =	vld [tilespmem:s17+$0x2F0];
	_ =	sdelay $0x7  }
0x129: {  	[tilespmem:s29], [sflag:$0x2] =	stream.indirect_vreg.gather [hbm4b:s2+s3], $0x80, v0, vm0, $0xb8;
	[tilespmem:$0x1C380] =	vst v63  }
0x12a: {  	v0 =	vld [tilespmem:s17+$0x300];
	_ =	sdelay $0x7  }
0x12b: {  	[tilespmem:s26], [sflag:$0x2] =	stream.indirect_vreg.gather [hbm4b:s2+s3], $0x80, v0, vm0, $0xb8;
	[tilespmem:$0x1C380] =	vst v63  }
0x12c: {  	v0 =	vld [tilespmem:s17+$0x310];
	_ =	sdelay $0x6  }
0x12d: {  	s21 =	simm.s32 $0x0  }
0x12e: {  	[tilespmem:s8], [sflag:$0x2] =	stream.indirect_vreg.gather [hbm4b:s2+s3], $0x80, v0, vm0, $0xb8;
	[tilespmem:$0x1C380] =	vst v63  }
.LBB2_2:
0x12f: {  	s12 =	smul.u32 $0x3, s21;
	_ =	sdelay $0x1  }
0x130: {  	p0 =	seq.s32 s21, $0x6;
	s24 =	sadd.s32 $0x2, s12  }
0x131: {  	s12 =	sshll.u32 @!p0 s24, $0x1  }
0x132: {  	s12 =	sor.u32 @!p0 s4, s12  }
0x133: {  	s12 =	smul.u32 @!p0 $0xA0, s12;
	_ =	sdelay $0x1  }
0x134: {  	v0 =	vld @!p0 [tilespmem:s12+$0x280];
	_ =	sdelay $0x6  }
0x135: {  	vm1 =	vmmov @!p0 $0xffff;
	s15 =	simm.s32 @!p0 $0x0;
	s17 =	simm.s32 @!p0 $0x15B80  }
0x136: {  	[tilespmem:s17], [sflag:$0x3] =	stream.indirect_vreg.gather @!p0 [hbm4b:s2+s15], $0x80, v0, vm1, $0xb8;
	[tilespmem:$0x1C380] =	vst v63  }
0x137: {  	v0 =	vld @!p0 [tilespmem:s12+$0x290];
	_ =	sdelay $0x6  }
0x138: {  	s17 =	simm.s32 @!p0 $0x16380  }
0x139: {  	[tilespmem:s17], [sflag:$0x3] =	stream.indirect_vreg.gather @!p0 [hbm4b:s2+s15], $0x80, v0, vm1, $0xb8;
	[tilespmem:$0x1C380] =	vst v63  }
0x13a: {  	v0 =	vld @!p0 [tilespmem:s12+$0x2A0];
	_ =	sdelay $0x6  }
0x13b: {  	s17 =	simm.s32 @!p0 $0x16B80  }
0x13c: {  	[tilespmem:s17], [sflag:$0x3] =	stream.indirect_vreg.gather @!p0 [hbm4b:s2+s15], $0x80, v0, vm1, $0xb8;
	[tilespmem:$0x1C380] =	vst v63  }
0x13d: {  	v0 =	vld @!p0 [tilespmem:s12+$0x2B0];
	_ =	sdelay $0x6  }
0x13e: {  	s17 =	simm.s32 @!p0 $0x17380  }
0x13f: {  	[tilespmem:s17], [sflag:$0x3] =	stream.indirect_vreg.gather @!p0 [hbm4b:s2+s15], $0x80, v0, vm1, $0xb8;
	[tilespmem:$0x1C380] =	vst v63  }
0x140: {  	v0 =	vld @!p0 [tilespmem:s12+$0x2C0];
	_ =	sdelay $0x6  }
0x141: {  	s17 =	simm.s32 @!p0 $0x17B80  }
0x142: {  	[tilespmem:s17], [sflag:$0x3] =	stream.indirect_vreg.gather @!p0 [hbm4b:s2+s15], $0x80, v0, vm1, $0xb8;
	[tilespmem:$0x1C380] =	vst v63  }
0x143: {  	v0 =	vld @!p0 [tilespmem:s12+$0x2D0];
	_ =	sdelay $0x6  }
0x144: {  	s17 =	simm.s32 @!p0 $0x18380  }
0x145: {  	[tilespmem:s17], [sflag:$0x3] =	stream.indirect_vreg.gather @!p0 [hbm4b:s2+s15], $0x80, v0, vm1, $0xb8;
	[tilespmem:$0x1C380] =	vst v63  }
0x146: {  	v0 =	vld @!p0 [tilespmem:s12+$0x2E0];
	_ =	sdelay $0x6  }
0x147: {  	s17 =	simm.s32 @!p0 $0x18B80  }
0x148: {  	[tilespmem:s17], [sflag:$0x3] =	stream.indirect_vreg.gather @!p0 [hbm4b:s2+s15], $0x80, v0, vm1, $0xb8;
	[tilespmem:$0x1C380] =	vst v63  }
0x149: {  	v0 =	vld @!p0 [tilespmem:s12+$0x2F0];
	_ =	sdelay $0x6  }
0x14a: {  	s17 =	simm.s32 @!p0 $0x19380  }
0x14b: {  	[tilespmem:s17], [sflag:$0x3] =	stream.indirect_vreg.gather @!p0 [hbm4b:s2+s15], $0x80, v0, vm1, $0xb8;
	[tilespmem:$0x1C380] =	vst v63  }
0x14c: {  	s17 =	sand.u32 @!p0 $0x7FFFFFE0, s12  }
0x14d: {  	v0 =	vld @!p0 [tilespmem:s17+$0x300];
	_ =	sdelay $0x6  }
0x14e: {  	s17 =	simm.s32 @!p0 $0x19B80  }
0x14f: {  	[tilespmem:s17], [sflag:$0x3] =	stream.indirect_vreg.gather @!p0 [hbm4b:s2+s15], $0x80, v0, vm1, $0xb8;
	[tilespmem:$0x1C380] =	vst v63  }
0x150: {  	v0 =	vld @!p0 [tilespmem:s12+$0x310];
	_ =	sdelay $0x6  }
0x151: {  	s12 =	simm.s32 @!p0 $0x1A380  }
0x152: {  	[tilespmem:s12], [sflag:$0x3] =	stream.indirect_vreg.gather @!p0 [hbm4b:s2+s15], $0x80, v0, vm1, $0xb8;
	[tilespmem:$0x1C380] =	vst v63  }
0x153: {  	_ =	swait.ge [sflag:s14], $0x5000  }
0x154: {  	p1 =	seq.s32 s21, $0x0;
	[sflag:s14] =	ssyncset.done $0x0  }
0x155: {  	s12 =	simm.s32 @!p1 $0x4;
	[sflag:s14] =	ssyncadd.s32 $0xFFFFB000  }
0x156: {  	_ =	swait.ge @!p1 [sflag:s12], $0x800  }
0x157: {  	[sflag:s12] =	ssyncset.done @!p1 $0x0  }
0x158: {  	s22 =	simm.s32 $0xBE00;
	[sflag:s12] =	ssyncadd.s32 @!p1 $0xFFFFF800  }
0x159: {  	v0 =	vld [tilespmem:s22+$0xFFFFFE00]  }
0x15a: {  	v1 =	vld [tilespmem:s22+$0xFFFFFD80];
	_ =	sdelay $0x1  }
0x15b: {  	v2 =	vld [tilespmem:s22+$0xFFFFFE80];
	_ =	sdelay $0x1  }
0x15c: {  	v3 =	vld [tilespmem:s22+$0xFFFFFF00]  }
0x15d: {  	v0 =	vadd.f32 v0, v1  }
0x15e: {  	v1 =	vld [tilespmem:s22+$0xFFFFFF80]  }
0x15f: {  	v0 =	vadd.f32 v2, v0  }
0x160: {  	v2 =	vld [tilespmem:s22+$0x0]  }
0x161: {  	v0 =	vadd.f32 v3, v0  }
0x162: {  	v3 =	vld [tilespmem:s22+$0x80]  }
0x163: {  	v0 =	vadd.f32 v1, v0  }
0x164: {  	v1 =	vld [tilespmem:s22+$0x100]  }
0x165: {  	v0 =	vadd.f32 v2, v0  }
0x166: {  	v2 =	vld [tilespmem:s22+$0x180]  }
0x167: {  	v0 =	vadd.f32 v3, v0  }
0x168: {  	v3 =	vld [tilespmem:s22+$0x200]  }
0x169: {  	v0 =	vadd.f32 v1, v0;
	_ =	sdelay $0x1  }
0x16a: {  	v0 =	vadd.f32 v2, v0;
	_ =	sdelay $0x1  }
0x16b: {  	v0 =	vadd.f32 v3, v0  }
0x16c: {  	s15 =	simm.s32 $0x0  }
0x16d: {  	[tilespmem:s15+$0x1AB80] =	vst v0  }
0x16e: {  	v0 =	vld [tilespmem:s22+$0xFFFFFD90]  }
0x16f: {  	v1 =	vld [tilespmem:s22+$0xFFFFFE10];
	_ =	sdelay $0x1  }
0x170: {  	v2 =	vld [tilespmem:s22+$0xFFFFFE90];
	_ =	sdelay $0x1  }
0x171: {  	v3 =	vld [tilespmem:s22+$0xFFFFFF10]  }
0x172: {  	v0 =	vadd.f32 v1, v0  }
0x173: {  	v1 =	vld [tilespmem:s22+$0xFFFFFF90]  }
0x174: {  	v0 =	vadd.f32 v2, v0  }
0x175: {  	v2 =	vld [tilespmem:s22+$0x10]  }
0x176: {  	v0 =	vadd.f32 v3, v0  }
0x177: {  	v3 =	vld [tilespmem:s22+$0x90]  }
0x178: {  	v0 =	vadd.f32 v1, v0  }
0x179: {  	v1 =	vld [tilespmem:s22+$0x110]  }
0x17a: {  	v0 =	vadd.f32 v2, v0  }
0x17b: {  	v2 =	vld [tilespmem:s22+$0x190]  }
0x17c: {  	v0 =	vadd.f32 v3, v0  }
0x17d: {  	v3 =	vld [tilespmem:s22+$0x210]  }
0x17e: {  	v0 =	vadd.f32 v1, v0;
	_ =	sdelay $0x1  }
0x17f: {  	v0 =	vadd.f32 v2, v0;
	_ =	sdelay $0x1  }
0x180: {  	v0 =	vadd.f32 v3, v0;
	_ =	sdelay $0x1  }
0x181: {  	[tilespmem:s15+$0x1AB90] =	vst v0  }
0x182: {  	v0 =	vld [tilespmem:s22+$0xFFFFFDA0]  }
0x183: {  	v1 =	vld [tilespmem:s22+$0xFFFFFE20];
	_ =	sdelay $0x1  }
0x184: {  	v2 =	vld [tilespmem:s22+$0xFFFFFEA0];
	_ =	sdelay $0x1  }
0x185: {  	v3 =	vld [tilespmem:s22+$0xFFFFFF20]  }
0x186: {  	v0 =	vadd.f32 v1, v0  }
0x187: {  	v1 =	vld [tilespmem:s22+$0xFFFFFFA0]  }
0x188: {  	v0 =	vadd.f32 v2, v0  }
0x189: {  	v2 =	vld [tilespmem:s22+$0x20]  }
0x18a: {  	v0 =	vadd.f32 v3, v0  }
0x18b: {  	v3 =	vld [tilespmem:s22+$0xA0]  }
0x18c: {  	v0 =	vadd.f32 v1, v0  }
0x18d: {  	v1 =	vld [tilespmem:s22+$0x120]  }
0x18e: {  	v0 =	vadd.f32 v2, v0  }
0x18f: {  	v2 =	vld [tilespmem:s22+$0x1A0]  }
0x190: {  	v0 =	vadd.f32 v3, v0  }
0x191: {  	v3 =	vld [tilespmem:s22+$0x220]  }
0x192: {  	v0 =	vadd.f32 v1, v0;
	_ =	sdelay $0x1  }
0x193: {  	v0 =	vadd.f32 v2, v0;
	_ =	sdelay $0x1  }
0x194: {  	v0 =	vadd.f32 v3, v0;
	_ =	sdelay $0x1  }
0x195: {  	[tilespmem:s15+$0x1ABA0] =	vst v0  }
0x196: {  	v0 =	vld [tilespmem:s22+$0xFFFFFDB0]  }
0x197: {  	v1 =	vld [tilespmem:s22+$0xFFFFFE30];
	_ =	sdelay $0x1  }
0x198: {  	v2 =	vld [tilespmem:s22+$0xFFFFFEB0];
	_ =	sdelay $0x1  }
0x199: {  	v3 =	vld [tilespmem:s22+$0xFFFFFF30]  }
0x19a: {  	v0 =	vadd.f32 v1, v0  }
0x19b: {  	v1 =	vld [tilespmem:s22+$0xFFFFFFB0]  }
0x19c: {  	v0 =	vadd.f32 v2, v0  }
0x19d: {  	v2 =	vld [tilespmem:s22+$0x30]  }
0x19e: {  	v0 =	vadd.f32 v3, v0  }
0x19f: {  	v3 =	vld [tilespmem:s22+$0xB0]  }
0x1a0: {  	v0 =	vadd.f32 v1, v0  }
0x1a1: {  	v1 =	vld [tilespmem:s22+$0x130]  }
0x1a2: {  	v0 =	vadd.f32 v2, v0  }
0x1a3: {  	v2 =	vld [tilespmem:s22+$0x1B0]  }
0x1a4: {  	v0 =	vadd.f32 v3, v0  }
0x1a5: {  	v3 =	vld [tilespmem:s22+$0x230]  }
0x1a6: {  	v0 =	vadd.f32 v1, v0;
	_ =	sdelay $0x1  }
0x1a7: {  	v0 =	vadd.f32 v2, v0;
	_ =	sdelay $0x1  }
0x1a8: {  	v0 =	vadd.f32 v3, v0;
	_ =	sdelay $0x1  }
0x1a9: {  	[tilespmem:s15+$0x1ABB0] =	vst v0  }
0x1aa: {  	v0 =	vld [tilespmem:s22+$0xFFFFFDC0]  }
0x1ab: {  	v1 =	vld [tilespmem:s22+$0xFFFFFE40];
	_ =	sdelay $0x1  }
0x1ac: {  	v2 =	vld [tilespmem:s22+$0xFFFFFEC0];
	_ =	sdelay $0x1  }
0x1ad: {  	v3 =	vld [tilespmem:s22+$0xFFFFFF40]  }
0x1ae: {  	v0 =	vadd.f32 v1, v0  }
0x1af: {  	v1 =	vld [tilespmem:s22+$0xFFFFFFC0]  }
0x1b0: {  	v0 =	vadd.f32 v2, v0  }
0x1b1: {  	v2 =	vld [tilespmem:s22+$0x40]  }
0x1b2: {  	v0 =	vadd.f32 v3, v0  }
0x1b3: {  	v3 =	vld [tilespmem:s22+$0xC0]  }
0x1b4: {  	v0 =	vadd.f32 v1, v0  }
0x1b5: {  	v1 =	vld [tilespmem:s22+$0x140]  }
0x1b6: {  	v0 =	vadd.f32 v2, v0  }
0x1b7: {  	v2 =	vld [tilespmem:s22+$0x1C0]  }
0x1b8: {  	v0 =	vadd.f32 v3, v0  }
0x1b9: {  	v3 =	vld [tilespmem:s22+$0x240]  }
0x1ba: {  	v0 =	vadd.f32 v1, v0;
	_ =	sdelay $0x1  }
0x1bb: {  	v0 =	vadd.f32 v2, v0;
	_ =	sdelay $0x1  }
0x1bc: {  	v0 =	vadd.f32 v3, v0;
	_ =	sdelay $0x1  }
0x1bd: {  	[tilespmem:s15+$0x1ABC0] =	vst v0  }
0x1be: {  	v0 =	vld [tilespmem:s22+$0xFFFFFDD0]  }
0x1bf: {  	v1 =	vld [tilespmem:s22+$0xFFFFFE50];
	_ =	sdelay $0x1  }
0x1c0: {  	v2 =	vld [tilespmem:s22+$0xFFFFFED0];
	_ =	sdelay $0x1  }
0x1c1: {  	v3 =	vld [tilespmem:s22+$0xFFFFFF50]  }
0x1c2: {  	v0 =	vadd.f32 v1, v0  }
0x1c3: {  	v1 =	vld [tilespmem:s22+$0xFFFFFFD0]  }
0x1c4: {  	v0 =	vadd.f32 v2, v0  }
0x1c5: {  	v2 =	vld [tilespmem:s22+$0x50]  }
0x1c6: {  	v0 =	vadd.f32 v3, v0  }
0x1c7: {  	v3 =	vld [tilespmem:s22+$0xD0]  }
0x1c8: {  	v0 =	vadd.f32 v1, v0  }
0x1c9: {  	v1 =	vld [tilespmem:s22+$0x150]  }
0x1ca: {  	v0 =	vadd.f32 v2, v0  }
0x1cb: {  	v2 =	vld [tilespmem:s22+$0x1D0]  }
0x1cc: {  	v0 =	vadd.f32 v3, v0  }
0x1cd: {  	v3 =	vld [tilespmem:s22+$0x250]  }
0x1ce: {  	v0 =	vadd.f32 v1, v0;
	_ =	sdelay $0x1  }
0x1cf: {  	v0 =	vadd.f32 v2, v0;
	_ =	sdelay $0x1  }
0x1d0: {  	v0 =	vadd.f32 v3, v0;
	_ =	sdelay $0x1  }
0x1d1: {  	[tilespmem:s15+$0x1ABD0] =	vst v0  }
0x1d2: {  	v0 =	vld [tilespmem:s22+$0xFFFFFDE0]  }
0x1d3: {  	v1 =	vld [tilespmem:s22+$0xFFFFFE60];
	_ =	sdelay $0x1  }
0x1d4: {  	v2 =	vld [tilespmem:s22+$0xFFFFFEE0];
	_ =	sdelay $0x1  }
0x1d5: {  	v3 =	vld [tilespmem:s22+$0xFFFFFF60]  }
0x1d6: {  	v0 =	vadd.f32 v1, v0  }
0x1d7: {  	v1 =	vld [tilespmem:s22+$0xFFFFFFE0]  }
0x1d8: {  	v0 =	vadd.f32 v2, v0  }
0x1d9: {  	v2 =	vld [tilespmem:s22+$0x60]  }
0x1da: {  	v0 =	vadd.f32 v3, v0  }
0x1db: {  	v3 =	vld [tilespmem:s22+$0xE0]  }
0x1dc: {  	v0 =	vadd.f32 v1, v0  }
0x1dd: {  	v1 =	vld [tilespmem:s22+$0x160]  }
0x1de: {  	v0 =	vadd.f32 v2, v0  }
0x1df: {  	v2 =	vld [tilespmem:s22+$0x1E0]  }
0x1e0: {  	v0 =	vadd.f32 v3, v0  }
0x1e1: {  	v3 =	vld [tilespmem:s22+$0x260]  }
0x1e2: {  	v0 =	vadd.f32 v1, v0;
	_ =	sdelay $0x1  }
0x1e3: {  	v0 =	vadd.f32 v2, v0;
	_ =	sdelay $0x1  }
0x1e4: {  	v0 =	vadd.f32 v3, v0;
	_ =	sdelay $0x1  }
0x1e5: {  	[tilespmem:s15+$0x1ABE0] =	vst v0  }
0x1e6: {  	v0 =	vld [tilespmem:s22+$0xFFFFFDF0]  }
0x1e7: {  	v1 =	vld [tilespmem:s22+$0xFFFFFE70];
	_ =	sdelay $0x1  }
0x1e8: {  	v2 =	vld [tilespmem:s22+$0xFFFFFEF0];
	_ =	sdelay $0x1  }
0x1e9: {  	v3 =	vld [tilespmem:s22+$0xFFFFFF70]  }
0x1ea: {  	v0 =	vadd.f32 v1, v0  }
0x1eb: {  	v4 =	vld [tilespmem:s22+$0xFFFFFFF0]  }
0x1ec: {  	v0 =	vadd.f32 v2, v0  }
0x1ed: {  	v5 =	vld [tilespmem:s22+$0x70]  }
0x1ee: {  	v0 =	vadd.f32 v3, v0  }
0x1ef: {  	v3 =	vld [tilespmem:s22+$0xF0]  }
0x1f0: {  	v1 =	vld [tilespmem:s22+$0x170];
	v4 =	vadd.f32 v4, v0  }
0x1f1: {  	v2 =	vld [tilespmem:s22+$0x1F0]  }
0x1f2: {  	s12 =	simm.s32 $0x200;
	v0 =	vld [tilespmem:s22+$0x270];
	v4 =	vadd.f32 v5, v4  }
.LBB2_3:
0x1f3: {  	p2 =	sne.s32 s12, $0x1E00  }
0x1f4: {  	s22 =	sadd.s32 $0x500, s22;
	s17 =	smov.u32 s12;
	s12 =	sadd.s32 $0x200, s12;
	v3 =	vadd.f32 v3, v4  }
0x1f5: {  	_ = 	snop  }
0x1f6: {  	v1 =	vadd.f32 v1, v3;
	_ =	sdelay $0x1  }
0x1f7: {  	v1 =	vadd.f32 v2, v1;
	_ =	sdelay $0x1  }
0x1f8: {  	v0 =	vadd.f32 v0, v1;
	_ =	sdelay $0x1  }
0x1f9: {  	[tilespmem:s15+$0x1ABF0] =	vst v0  }
0x1fa: {  	v0 =	vld [tilespmem:s22+$0xFFFFFE00]  }
0x1fb: {  	v1 =	vld [tilespmem:s22+$0xFFFFFD80]  }
0x1fc: {  	v2 =	vld [tilespmem:s22+$0xFFFFFE80];
	_ =	sdelay $0x2  }
0x1fd: {  	v3 =	vld [tilespmem:s22+$0xFFFFFF00]  }
0x1fe: {  	v0 =	vadd.f32 v0, v1  }
0x1ff: {  	v1 =	vld [tilespmem:s22+$0xFFFFFF80]  }
0x200: {  	v0 =	vadd.f32 v2, v0  }
0x201: {  	v2 =	vld [tilespmem:s22+$0x0]  }
0x202: {  	v0 =	vadd.f32 v3, v0  }
0x203: {  	v3 =	vld [tilespmem:s22+$0x80]  }
0x204: {  	v0 =	vadd.f32 v1, v0  }
0x205: {  	v1 =	vld [tilespmem:s22+$0x100]  }
0x206: {  	v0 =	vadd.f32 v2, v0  }
0x207: {  	v2 =	vld [tilespmem:s22+$0x180]  }
0x208: {  	v0 =	vadd.f32 v3, v0  }
0x209: {  	v3 =	vld [tilespmem:s22+$0x200]  }
0x20a: {  	v0 =	vadd.f32 v1, v0;
	_ =	sdelay $0x1  }
0x20b: {  	v0 =	vadd.f32 v2, v0;
	_ =	sdelay $0x1  }
0x20c: {  	v0 =	vadd.f32 v3, v0  }
0x20d: {  	s15 =	sshra.s32 s17, $0x2  }
0x20e: {  	[tilespmem:s15+$0x1AB80] =	vst v0  }
0x20f: {  	v0 =	vld [tilespmem:s22+$0xFFFFFD90]  }
0x210: {  	v1 =	vld [tilespmem:s22+$0xFFFFFE10];
	_ =	sdelay $0x1  }
0x211: {  	v2 =	vld [tilespmem:s22+$0xFFFFFE90];
	_ =	sdelay $0x1  }
0x212: {  	v3 =	vld [tilespmem:s22+$0xFFFFFF10]  }
0x213: {  	v0 =	vadd.f32 v1, v0  }
0x214: {  	v1 =	vld [tilespmem:s22+$0xFFFFFF90]  }
0x215: {  	v0 =	vadd.f32 v2, v0  }
0x216: {  	v2 =	vld [tilespmem:s22+$0x10]  }
0x217: {  	v0 =	vadd.f32 v3, v0  }
0x218: {  	v3 =	vld [tilespmem:s22+$0x90]  }
0x219: {  	v0 =	vadd.f32 v1, v0  }
0x21a: {  	v1 =	vld [tilespmem:s22+$0x110]  }
0x21b: {  	v0 =	vadd.f32 v2, v0  }
0x21c: {  	v2 =	vld [tilespmem:s22+$0x190]  }
0x21d: {  	v0 =	vadd.f32 v3, v0  }
0x21e: {  	v3 =	vld [tilespmem:s22+$0x210]  }
0x21f: {  	v0 =	vadd.f32 v1, v0;
	_ =	sdelay $0x1  }
0x220: {  	v0 =	vadd.f32 v2, v0;
	_ =	sdelay $0x1  }
0x221: {  	v0 =	vadd.f32 v3, v0;
	_ =	sdelay $0x1  }
0x222: {  	[tilespmem:s15+$0x1AB90] =	vst v0  }
0x223: {  	v0 =	vld [tilespmem:s22+$0xFFFFFDA0]  }
0x224: {  	v1 =	vld [tilespmem:s22+$0xFFFFFE20];
	_ =	sdelay $0x1  }
0x225: {  	v2 =	vld [tilespmem:s22+$0xFFFFFEA0];
	_ =	sdelay $0x1  }
0x226: {  	v3 =	vld [tilespmem:s22+$0xFFFFFF20]  }
0x227: {  	v0 =	vadd.f32 v1, v0  }
0x228: {  	v1 =	vld [tilespmem:s22+$0xFFFFFFA0]  }
0x229: {  	v0 =	vadd.f32 v2, v0  }
0x22a: {  	v2 =	vld [tilespmem:s22+$0x20]  }
0x22b: {  	v0 =	vadd.f32 v3, v0  }
0x22c: {  	v3 =	vld [tilespmem:s22+$0xA0]  }
0x22d: {  	v0 =	vadd.f32 v1, v0  }
0x22e: {  	v1 =	vld [tilespmem:s22+$0x120]  }
0x22f: {  	v0 =	vadd.f32 v2, v0  }
0x230: {  	v2 =	vld [tilespmem:s22+$0x1A0]  }
0x231: {  	v0 =	vadd.f32 v3, v0  }
0x232: {  	v3 =	vld [tilespmem:s22+$0x220]  }
0x233: {  	v0 =	vadd.f32 v1, v0;
	_ =	sdelay $0x1  }
0x234: {  	v0 =	vadd.f32 v2, v0;
	_ =	sdelay $0x1  }
0x235: {  	v0 =	vadd.f32 v3, v0;
	_ =	sdelay $0x1  }
0x236: {  	[tilespmem:s15+$0x1ABA0] =	vst v0  }
0x237: {  	v0 =	vld [tilespmem:s22+$0xFFFFFDB0]  }
0x238: {  	v1 =	vld [tilespmem:s22+$0xFFFFFE30];
	_ =	sdelay $0x1  }
0x239: {  	v2 =	vld [tilespmem:s22+$0xFFFFFEB0];
	_ =	sdelay $0x1  }
0x23a: {  	v3 =	vld [tilespmem:s22+$0xFFFFFF30]  }
0x23b: {  	v0 =	vadd.f32 v1, v0  }
0x23c: {  	v1 =	vld [tilespmem:s22+$0xFFFFFFB0]  }
0x23d: {  	v0 =	vadd.f32 v2, v0  }
0x23e: {  	v2 =	vld [tilespmem:s22+$0x30]  }
0x23f: {  	v0 =	vadd.f32 v3, v0  }
0x240: {  	v3 =	vld [tilespmem:s22+$0xB0]  }
0x241: {  	v0 =	vadd.f32 v1, v0  }
0x242: {  	v1 =	vld [tilespmem:s22+$0x130]  }
0x243: {  	v0 =	vadd.f32 v2, v0  }
0x244: {  	v2 =	vld [tilespmem:s22+$0x1B0]  }
0x245: {  	v0 =	vadd.f32 v3, v0  }
0x246: {  	v3 =	vld [tilespmem:s22+$0x230]  }
0x247: {  	v0 =	vadd.f32 v1, v0;
	_ =	sdelay $0x1  }
0x248: {  	v0 =	vadd.f32 v2, v0;
	_ =	sdelay $0x1  }
0x249: {  	v0 =	vadd.f32 v3, v0;
	_ =	sdelay $0x1  }
0x24a: {  	[tilespmem:s15+$0x1ABB0] =	vst v0  }
0x24b: {  	v0 =	vld [tilespmem:s22+$0xFFFFFDC0]  }
0x24c: {  	v1 =	vld [tilespmem:s22+$0xFFFFFE40];
	_ =	sdelay $0x1  }
0x24d: {  	v2 =	vld [tilespmem:s22+$0xFFFFFEC0];
	_ =	sdelay $0x1  }
0x24e: {  	v3 =	vld [tilespmem:s22+$0xFFFFFF40]  }
0x24f: {  	v0 =	vadd.f32 v1, v0  }
0x250: {  	v1 =	vld [tilespmem:s22+$0xFFFFFFC0]  }
0x251: {  	v0 =	vadd.f32 v2, v0  }
0x252: {  	v2 =	vld [tilespmem:s22+$0x40]  }
0x253: {  	v0 =	vadd.f32 v3, v0  }
0x254: {  	v3 =	vld [tilespmem:s22+$0xC0]  }
0x255: {  	v0 =	vadd.f32 v1, v0  }
0x256: {  	v1 =	vld [tilespmem:s22+$0x140]  }
0x257: {  	v0 =	vadd.f32 v2, v0  }
0x258: {  	v2 =	vld [tilespmem:s22+$0x1C0]  }
0x259: {  	v0 =	vadd.f32 v3, v0  }
0x25a: {  	v3 =	vld [tilespmem:s22+$0x240]  }
0x25b: {  	v0 =	vadd.f32 v1, v0;
	_ =	sdelay $0x1  }
0x25c: {  	v0 =	vadd.f32 v2, v0;
	_ =	sdelay $0x1  }
0x25d: {  	v0 =	vadd.f32 v3, v0;
	_ =	sdelay $0x1  }
0x25e: {  	[tilespmem:s15+$0x1ABC0] =	vst v0  }
0x25f: {  	v0 =	vld [tilespmem:s22+$0xFFFFFDD0]  }
0x260: {  	v1 =	vld [tilespmem:s22+$0xFFFFFE50]  }
0x261: {  	v2 =	vld [tilespmem:s22+$0xFFFFFED0]  }
0x262: {  	v3 =	vld [tilespmem:s22+$0xFFFFFF50]  }
0x263: {  	v4 =	vld [tilespmem:s22+$0xFFFFFFD0]  }
0x264: {  	v5 =	vld [tilespmem:s22+$0x50]  }
0x265: {  	v0 =	vadd.f32 v1, v0;
	v1 =	vld [tilespmem:s22+$0xD0]  }
0x266: {  	v6 =	vld [tilespmem:s22+$0x150]  }
0x267: {  	v0 =	vadd.f32 v2, v0;
	v2 =	vld [tilespmem:s22+$0x1D0]  }
0x268: {  	v7 =	vld [tilespmem:s22+$0x250]  }
0x269: {  	v0 =	vadd.f32 v3, v0;
	_ =	sdelay $0x1  }
0x26a: {  	v0 =	vadd.f32 v4, v0;
	_ =	sdelay $0x1  }
0x26b: {  	v0 =	vadd.f32 v5, v0;
	_ =	sdelay $0x1  }
0x26c: {  	v0 =	vadd.f32 v1, v0;
	_ =	sdelay $0x1  }
0x26d: {  	v0 =	vadd.f32 v6, v0;
	_ =	sdelay $0x1  }
0x26e: {  	v0 =	vadd.f32 v2, v0;
	_ =	sdelay $0x1  }
0x26f: {  	v0 =	vadd.f32 v7, v0;
	_ =	sdelay $0x1  }
0x270: {  	[tilespmem:s15+$0x1ABD0] =	vst v0  }
0x271: {  	v0 =	vld [tilespmem:s22+$0xFFFFFDE0]  }
0x272: {  	v1 =	vld [tilespmem:s22+$0xFFFFFE60]  }
0x273: {  	v2 =	vld [tilespmem:s22+$0xFFFFFEE0]  }
0x274: {  	v3 =	vld [tilespmem:s22+$0xFFFFFF60]  }
0x275: {  	v4 =	vld [tilespmem:s22+$0xFFFFFFE0]  }
0x276: {  	v5 =	vld [tilespmem:s22+$0x60]  }
0x277: {  	v0 =	vadd.f32 v1, v0;
	v1 =	vld [tilespmem:s22+$0xE0]  }
0x278: {  	v6 =	vld [tilespmem:s22+$0x160]  }
0x279: {  	v0 =	vadd.f32 v2, v0;
	v2 =	vld [tilespmem:s22+$0x1E0]  }
0x27a: {  	v7 =	vld [tilespmem:s22+$0x260]  }
0x27b: {  	v0 =	vadd.f32 v3, v0;
	_ =	sdelay $0x1  }
0x27c: {  	v0 =	vadd.f32 v4, v0;
	_ =	sdelay $0x1  }
0x27d: {  	v0 =	vadd.f32 v5, v0;
	_ =	sdelay $0x1  }
0x27e: {  	v0 =	vadd.f32 v1, v0;
	_ =	sdelay $0x1  }
0x27f: {  	v0 =	vadd.f32 v6, v0;
	_ =	sdelay $0x1  }
0x280: {  	v0 =	vadd.f32 v2, v0;
	_ =	sdelay $0x1  }
0x281: {  	v0 =	vadd.f32 v7, v0;
	_ =	sdelay $0x1  }
0x282: {  	[tilespmem:s15+$0x1ABE0] =	vst v0  }
0x283: {  	v0 =	vld [tilespmem:s22+$0xFFFFFDF0]  }
0x284: {  	v1 =	vld [tilespmem:s22+$0xFFFFFE70]  }
0x285: {  	v2 =	vld [tilespmem:s22+$0xFFFFFEF0]  }
0x286: {  	v4 =	vld [tilespmem:s22+$0xFFFFFF70]  }
0x287: {  	v5 =	vld [tilespmem:s22+$0xFFFFFFF0]  }
0x288: {  	v6 =	vld [tilespmem:s22+$0x70]  }
0x289: {  	v0 =	vadd.f32 v1, v0;
	v3 =	vld [tilespmem:s22+$0xF0]  }
0x28a: {  	v1 =	vld [tilespmem:s22+$0x170]  }
0x28b: {  	v7 =	vadd.f32 v2, v0;
	v2 =	vld [tilespmem:s22+$0x1F0]  }
0x28c: {  	v0 =	vld [tilespmem:s22+$0x270]  }
.Ltmp2:
0x28d: {  	v4 =	vadd.f32 v4, v7;
	(pc) =	sbr.rel @p2 .LBB2_3-.Ltmp2, $3  }
0x28e: {  	_ = 	snop  }
0x28f: {  	v4 =	vadd.f32 v5, v4;
	_ =	sdelay $0x1  }
0x290: {  	v4 =	vadd.f32 v6, v4  }
0x291: {  	_ = 	snop  }
0x292: {  	v3 =	vadd.f32 v3, v4;
	_ =	sdelay $0x1  }
0x293: {  	s22 =	smul.u32 $0x6, s21;
	v1 =	vadd.f32 v1, v3;
	_ =	sdelay $0x1  }
0x294: {  	p2 =	sne.s32 s21, $0x6;
	s12 =	sor.u32 s4, s22;
	v1 =	vadd.f32 v2, v1  }
.Ltmp3:
0x295: {  	s12 =	sshll.u32 s12, $0xB;
	(pc) =	sbr.rel @p2 .LBB2_6-.Ltmp3, $4  }
0x296: {  	s12 =	sadd.s32 s9, s12;
	v0 =	vadd.f32 v0, v1  }
0x297: {  	s12 =	sshrl.u32 s12, $0x3  }
0x298: {  	s12 =	sadd.s32 s5, s12;
	[tilespmem:s15+$0x1ABF0] =	vst v0  }
0x299: {  	[hbm4b:s12+s3] =	stream.linear.scatter [tilespmem:s30], [sflag:$0x4], $0x800, $0x38;
	[tilespmem:$0x1C380] =	vst v63  }
.Ltmp4:
0x29a: {  	(pc) =	sbr.rel .LBB2_7-.Ltmp4, $4  }
0x29b: {  	_ = 	snop  }
0x29c: {  	_ =	swait.ge [sflag:s13], $0x5000  }
0x29d: {  	[sflag:s13] =	ssyncset.done $0x0  }
0x29e: {  	[sflag:s13] =	ssyncadd.s32 $0xFFFFB000  }
.LBB2_6:
0x29f: {  	s12 =	sld [smem:$0x7F8];
	_ =	sdelay $0x2  }
0x2a0: {  	s12 =	sadd.s32 s12, s22  }
0x2a1: {  	s12 =	smul.u32 $0xA0, s12;
	_ =	sdelay $0x1  }
0x2a2: {  	v0 =	vld [tilespmem:s12+$0x280];
	_ =	sdelay $0x7  }
0x2a3: {  	[tilespmem:s1], [sflag:$0x1] =	stream.indirect_vreg.gather [hbm4b:s2+s3], $0x80, v0, vm0, $0xb8;
	[tilespmem:$0x1C380] =	vst v63  }
0x2a4: {  	v0 =	vld [tilespmem:s12+$0x290];
	_ =	sdelay $0x6  }
0x2a5: {  	s15 =	simm.s32 $0xC380  }
0x2a6: {  	[tilespmem:s15], [sflag:$0x1] =	stream.indirect_vreg.gather [hbm4b:s2+s3], $0x80, v0, vm0, $0xb8;
	[tilespmem:$0x1C380] =	vst v63  }
0x2a7: {  	v0 =	vld [tilespmem:s12+$0x2A0];
	_ =	sdelay $0x6  }
0x2a8: {  	s25 =	simm.s32 $0xCB80  }
0x2a9: {  	[tilespmem:s25], [sflag:$0x1] =	stream.indirect_vreg.gather [hbm4b:s2+s3], $0x80, v0, vm0, $0xb8;
	[tilespmem:$0x1C380] =	vst v63  }
0x2aa: {  	v0 =	vld [tilespmem:s12+$0x2B0];
	_ =	sdelay $0x6  }
0x2ab: {  	s17 =	simm.s32 $0xD380  }
0x2ac: {  	[tilespmem:s17], [sflag:$0x1] =	stream.indirect_vreg.gather [hbm4b:s2+s3], $0x80, v0, vm0, $0xb8;
	[tilespmem:$0x1C380] =	vst v63  }
0x2ad: {  	v0 =	vld [tilespmem:s12+$0x2C0];
	_ =	sdelay $0x6  }
0x2ae: {  	s25 =	simm.s32 $0xDB80  }
0x2af: {  	[tilespmem:s25], [sflag:$0x1] =	stream.indirect_vreg.gather [hbm4b:s2+s3], $0x80, v0, vm0, $0xb8;
	[tilespmem:$0x1C380] =	vst v63  }
0x2b0: {  	v0 =	vld [tilespmem:s12+$0x2D0];
	_ =	sdelay $0x6  }
0x2b1: {  	s17 =	simm.s32 $0xE380  }
0x2b2: {  	[tilespmem:s17], [sflag:$0x1] =	stream.indirect_vreg.gather [hbm4b:s2+s3], $0x80, v0, vm0, $0xb8;
	[tilespmem:$0x1C380] =	vst v63  }
0x2b3: {  	v0 =	vld [tilespmem:s12+$0x2E0];
	_ =	sdelay $0x6  }
0x2b4: {  	s25 =	simm.s32 $0xEB80  }
0x2b5: {  	[tilespmem:s25], [sflag:$0x1] =	stream.indirect_vreg.gather [hbm4b:s2+s3], $0x80, v0, vm0, $0xb8;
	[tilespmem:$0x1C380] =	vst v63  }
0x2b6: {  	v0 =	vld [tilespmem:s12+$0x2F0];
	_ =	sdelay $0x6  }
0x2b7: {  	s17 =	simm.s32 $0xF380;
	s25 =	sand.u32 $0x7FE0, s12  }
0x2b8: {  	[tilespmem:s17], [sflag:$0x1] =	stream.indirect_vreg.gather [hbm4b:s2+s3], $0x80, v0, vm0, $0xb8;
	[tilespmem:$0x1C380] =	vst v63  }
0x2b9: {  	v0 =	vld [tilespmem:s25+$0x300];
	_ =	sdelay $0x6  }
0x2ba: {  	s17 =	simm.s32 $0xFB80  }
0x2bb: {  	[tilespmem:s17], [sflag:$0x1] =	stream.indirect_vreg.gather [hbm4b:s2+s3], $0x80, v0, vm0, $0xb8;
	[tilespmem:$0x1C380] =	vst v63  }
0x2bc: {  	v0 =	vld [tilespmem:s12+$0x310];
	_ =	sdelay $0x6  }
.Ltmp5:
0x2bd: {  	s25 =	simm.s32 $0x10380;
	(pc) =	sbr.rel @p1 .LBB2_8-.Ltmp5, $4  }
0x2be: {  	[tilespmem:s25], [sflag:$0x1] =	stream.indirect_vreg.gather [hbm4b:s2+s3], $0x80, v0, vm0, $0xb8;
	[tilespmem:$0x1C380] =	vst v63  }
0x2bf: {  	_ =	swait.ge [sflag:s13], $0x5000  }
0x2c0: {  	[sflag:s13] =	ssyncset.done $0x0  }
0x2c1: {  	[sflag:s13] =	ssyncadd.s32 $0xFFFFB000  }
.LBB2_7:
0x2c2: {  	_ =	swait.ge [sflag:s7], $0x800  }
0x2c3: {  	[sflag:s7] =	ssyncset.done $0x0  }
0x2c4: {  	[sflag:s7] =	ssyncadd.s32 $0xFFFFF800  }
.LBB2_8:
0x2c5: {  	s15 =	simm.s32 $0x10E00  }
0x2c6: {  	v0 =	vld [tilespmem:s15+$0xFFFFFE00]  }
0x2c7: {  	v1 =	vld [tilespmem:s15+$0xFFFFFD80];
	_ =	sdelay $0x1  }
0x2c8: {  	v2 =	vld [tilespmem:s15+$0xFFFFFE80];
	_ =	sdelay $0x1  }
0x2c9: {  	v3 =	vld [tilespmem:s15+$0xFFFFFF00]  }
0x2ca: {  	v0 =	vadd.f32 v0, v1  }
0x2cb: {  	v1 =	vld [tilespmem:s15+$0xFFFFFF80]  }
0x2cc: {  	v0 =	vadd.f32 v2, v0  }
0x2cd: {  	v2 =	vld [tilespmem:s15+$0x0]  }
0x2ce: {  	v0 =	vadd.f32 v3, v0  }
0x2cf: {  	v3 =	vld [tilespmem:s15+$0x80]  }
0x2d0: {  	v0 =	vadd.f32 v1, v0  }
0x2d1: {  	v1 =	vld [tilespmem:s15+$0x100]  }
0x2d2: {  	v0 =	vadd.f32 v2, v0  }
0x2d3: {  	v2 =	vld [tilespmem:s15+$0x180]  }
0x2d4: {  	v0 =	vadd.f32 v3, v0  }
0x2d5: {  	v3 =	vld [tilespmem:s15+$0x200]  }
0x2d6: {  	v0 =	vadd.f32 v1, v0;
	_ =	sdelay $0x1  }
0x2d7: {  	v0 =	vadd.f32 v2, v0;
	_ =	sdelay $0x1  }
0x2d8: {  	v0 =	vadd.f32 v3, v0  }
0x2d9: {  	s12 =	simm.s32 $0x0  }
0x2da: {  	[tilespmem:s12+$0x1B380] =	vst v0  }
0x2db: {  	v0 =	vld [tilespmem:s15+$0xFFFFFD90]  }
0x2dc: {  	v1 =	vld [tilespmem:s15+$0xFFFFFE10];
	_ =	sdelay $0x1  }
0x2dd: {  	v2 =	vld [tilespmem:s15+$0xFFFFFE90];
	_ =	sdelay $0x1  }
0x2de: {  	v3 =	vld [tilespmem:s15+$0xFFFFFF10]  }
0x2df: {  	v0 =	vadd.f32 v1, v0  }
0x2e0: {  	v1 =	vld [tilespmem:s15+$0xFFFFFF90]  }
0x2e1: {  	v0 =	vadd.f32 v2, v0  }
0x2e2: {  	v2 =	vld [tilespmem:s15+$0x10]  }
0x2e3: {  	v0 =	vadd.f32 v3, v0  }
0x2e4: {  	v3 =	vld [tilespmem:s15+$0x90]  }
0x2e5: {  	v0 =	vadd.f32 v1, v0  }
0x2e6: {  	v1 =	vld [tilespmem:s15+$0x110]  }
0x2e7: {  	v0 =	vadd.f32 v2, v0  }
0x2e8: {  	v2 =	vld [tilespmem:s15+$0x190]  }
0x2e9: {  	v0 =	vadd.f32 v3, v0  }
0x2ea: {  	v3 =	vld [tilespmem:s15+$0x210]  }
0x2eb: {  	v0 =	vadd.f32 v1, v0;
	_ =	sdelay $0x1  }
0x2ec: {  	v0 =	vadd.f32 v2, v0;
	_ =	sdelay $0x1  }
0x2ed: {  	v0 =	vadd.f32 v3, v0;
	_ =	sdelay $0x1  }
0x2ee: {  	[tilespmem:s12+$0x1B390] =	vst v0  }
0x2ef: {  	v0 =	vld [tilespmem:s15+$0xFFFFFDA0]  }
0x2f0: {  	v1 =	vld [tilespmem:s15+$0xFFFFFE20];
	_ =	sdelay $0x1  }
0x2f1: {  	v2 =	vld [tilespmem:s15+$0xFFFFFEA0];
	_ =	sdelay $0x1  }
0x2f2: {  	v3 =	vld [tilespmem:s15+$0xFFFFFF20]  }
0x2f3: {  	v0 =	vadd.f32 v1, v0  }
0x2f4: {  	v1 =	vld [tilespmem:s15+$0xFFFFFFA0]  }
0x2f5: {  	v0 =	vadd.f32 v2, v0  }
0x2f6: {  	v2 =	vld [tilespmem:s15+$0x20]  }
0x2f7: {  	v0 =	vadd.f32 v3, v0  }
0x2f8: {  	v3 =	vld [tilespmem:s15+$0xA0]  }
0x2f9: {  	v0 =	vadd.f32 v1, v0  }
0x2fa: {  	v1 =	vld [tilespmem:s15+$0x120]  }
0x2fb: {  	v0 =	vadd.f32 v2, v0  }
0x2fc: {  	v2 =	vld [tilespmem:s15+$0x1A0]  }
0x2fd: {  	v0 =	vadd.f32 v3, v0  }
0x2fe: {  	v3 =	vld [tilespmem:s15+$0x220]  }
0x2ff: {  	v0 =	vadd.f32 v1, v0;
	_ =	sdelay $0x1  }
0x300: {  	v0 =	vadd.f32 v2, v0;
	_ =	sdelay $0x1  }
0x301: {  	v0 =	vadd.f32 v3, v0;
	_ =	sdelay $0x1  }
0x302: {  	[tilespmem:s12+$0x1B3A0] =	vst v0  }
0x303: {  	v0 =	vld [tilespmem:s15+$0xFFFFFDB0]  }
0x304: {  	v1 =	vld [tilespmem:s15+$0xFFFFFE30];
	_ =	sdelay $0x1  }
0x305: {  	v2 =	vld [tilespmem:s15+$0xFFFFFEB0];
	_ =	sdelay $0x1  }
0x306: {  	v3 =	vld [tilespmem:s15+$0xFFFFFF30]  }
0x307: {  	v0 =	vadd.f32 v1, v0  }
0x308: {  	v1 =	vld [tilespmem:s15+$0xFFFFFFB0]  }
0x309: {  	v0 =	vadd.f32 v2, v0  }
0x30a: {  	v2 =	vld [tilespmem:s15+$0x30]  }
0x30b: {  	v0 =	vadd.f32 v3, v0  }
0x30c: {  	v3 =	vld [tilespmem:s15+$0xB0]  }
0x30d: {  	v0 =	vadd.f32 v1, v0  }
0x30e: {  	v1 =	vld [tilespmem:s15+$0x130]  }
0x30f: {  	v0 =	vadd.f32 v2, v0  }
0x310: {  	v2 =	vld [tilespmem:s15+$0x1B0]  }
0x311: {  	v0 =	vadd.f32 v3, v0  }
0x312: {  	v3 =	vld [tilespmem:s15+$0x230]  }
0x313: {  	v0 =	vadd.f32 v1, v0;
	_ =	sdelay $0x1  }
0x314: {  	v0 =	vadd.f32 v2, v0;
	_ =	sdelay $0x1  }
0x315: {  	v0 =	vadd.f32 v3, v0;
	_ =	sdelay $0x1  }
0x316: {  	[tilespmem:s12+$0x1B3B0] =	vst v0  }
0x317: {  	v0 =	vld [tilespmem:s15+$0xFFFFFDC0]  }
0x318: {  	v1 =	vld [tilespmem:s15+$0xFFFFFE40];
	_ =	sdelay $0x1  }
0x319: {  	v2 =	vld [tilespmem:s15+$0xFFFFFEC0];
	_ =	sdelay $0x1  }
0x31a: {  	v3 =	vld [tilespmem:s15+$0xFFFFFF40]  }
0x31b: {  	v0 =	vadd.f32 v1, v0  }
0x31c: {  	v1 =	vld [tilespmem:s15+$0xFFFFFFC0]  }
0x31d: {  	v0 =	vadd.f32 v2, v0  }
0x31e: {  	v2 =	vld [tilespmem:s15+$0x40]  }
0x31f: {  	v0 =	vadd.f32 v3, v0  }
0x320: {  	v3 =	vld [tilespmem:s15+$0xC0]  }
0x321: {  	v0 =	vadd.f32 v1, v0  }
0x322: {  	v1 =	vld [tilespmem:s15+$0x140]  }
0x323: {  	v0 =	vadd.f32 v2, v0  }
0x324: {  	v2 =	vld [tilespmem:s15+$0x1C0]  }
0x325: {  	v0 =	vadd.f32 v3, v0  }
0x326: {  	v3 =	vld [tilespmem:s15+$0x240]  }
0x327: {  	v0 =	vadd.f32 v1, v0;
	_ =	sdelay $0x1  }
0x328: {  	v0 =	vadd.f32 v2, v0;
	_ =	sdelay $0x1  }
0x329: {  	v0 =	vadd.f32 v3, v0;
	_ =	sdelay $0x1  }
0x32a: {  	[tilespmem:s12+$0x1B3C0] =	vst v0  }
0x32b: {  	v0 =	vld [tilespmem:s15+$0xFFFFFDD0]  }
0x32c: {  	v1 =	vld [tilespmem:s15+$0xFFFFFE50];
	_ =	sdelay $0x1  }
0x32d: {  	v2 =	vld [tilespmem:s15+$0xFFFFFED0];
	_ =	sdelay $0x1  }
0x32e: {  	v3 =	vld [tilespmem:s15+$0xFFFFFF50]  }
0x32f: {  	v0 =	vadd.f32 v1, v0  }
0x330: {  	v1 =	vld [tilespmem:s15+$0xFFFFFFD0]  }
0x331: {  	v0 =	vadd.f32 v2, v0  }
0x332: {  	v2 =	vld [tilespmem:s15+$0x50]  }
0x333: {  	v0 =	vadd.f32 v3, v0  }
0x334: {  	v3 =	vld [tilespmem:s15+$0xD0]  }
0x335: {  	v0 =	vadd.f32 v1, v0  }
0x336: {  	v1 =	vld [tilespmem:s15+$0x150]  }
0x337: {  	v0 =	vadd.f32 v2, v0  }
0x338: {  	v2 =	vld [tilespmem:s15+$0x1D0]  }
0x339: {  	v0 =	vadd.f32 v3, v0  }
0x33a: {  	v3 =	vld [tilespmem:s15+$0x250]  }
0x33b: {  	v0 =	vadd.f32 v1, v0;
	_ =	sdelay $0x1  }
0x33c: {  	v0 =	vadd.f32 v2, v0;
	_ =	sdelay $0x1  }
0x33d: {  	v0 =	vadd.f32 v3, v0;
	_ =	sdelay $0x1  }
0x33e: {  	[tilespmem:s12+$0x1B3D0] =	vst v0  }
0x33f: {  	v0 =	vld [tilespmem:s15+$0xFFFFFDE0]  }
0x340: {  	v1 =	vld [tilespmem:s15+$0xFFFFFE60];
	_ =	sdelay $0x1  }
0x341: {  	v2 =	vld [tilespmem:s15+$0xFFFFFEE0];
	_ =	sdelay $0x1  }
0x342: {  	v3 =	vld [tilespmem:s15+$0xFFFFFF60]  }
0x343: {  	v0 =	vadd.f32 v1, v0  }
0x344: {  	v1 =	vld [tilespmem:s15+$0xFFFFFFE0]  }
0x345: {  	v0 =	vadd.f32 v2, v0  }
0x346: {  	v2 =	vld [tilespmem:s15+$0x60]  }
0x347: {  	v0 =	vadd.f32 v3, v0  }
0x348: {  	v3 =	vld [tilespmem:s15+$0xE0]  }
0x349: {  	v0 =	vadd.f32 v1, v0  }
0x34a: {  	v1 =	vld [tilespmem:s15+$0x160]  }
0x34b: {  	v0 =	vadd.f32 v2, v0  }
0x34c: {  	v2 =	vld [tilespmem:s15+$0x1E0]  }
0x34d: {  	v0 =	vadd.f32 v3, v0  }
0x34e: {  	v3 =	vld [tilespmem:s15+$0x260]  }
0x34f: {  	v0 =	vadd.f32 v1, v0;
	_ =	sdelay $0x1  }
0x350: {  	v0 =	vadd.f32 v2, v0;
	_ =	sdelay $0x1  }
0x351: {  	v0 =	vadd.f32 v3, v0;
	_ =	sdelay $0x1  }
0x352: {  	[tilespmem:s12+$0x1B3E0] =	vst v0  }
0x353: {  	v0 =	vld [tilespmem:s15+$0xFFFFFDF0]  }
0x354: {  	v1 =	vld [tilespmem:s15+$0xFFFFFE70];
	_ =	sdelay $0x1  }
0x355: {  	v2 =	vld [tilespmem:s15+$0xFFFFFEF0];
	_ =	sdelay $0x1  }
0x356: {  	v3 =	vld [tilespmem:s15+$0xFFFFFF70]  }
0x357: {  	v0 =	vadd.f32 v1, v0  }
0x358: {  	v1 =	vld [tilespmem:s15+$0xFFFFFFF0]  }
0x359: {  	v0 =	vadd.f32 v2, v0  }
0x35a: {  	v4 =	vld [tilespmem:s15+$0x70]  }
0x35b: {  	v2 =	vadd.f32 v3, v0  }
0x35c: {  	v3 =	vld [tilespmem:s15+$0xF0]  }
0x35d: {  	v0 =	vld [tilespmem:s15+$0x170];
	v5 =	vadd.f32 v1, v2  }
0x35e: {  	v2 =	vld [tilespmem:s15+$0x1F0]  }
0x35f: {  	s17 =	simm.s32 $0x200;
	v1 =	vld [tilespmem:s15+$0x270];
	v4 =	vadd.f32 v4, v5  }
.LBB2_9:
0x360: {  	p2 =	sne.s32 s17, $0x1E00  }
0x361: {  	s15 =	sadd.s32 $0x500, s15;
	s25 =	smov.u32 s17;
	s17 =	sadd.s32 $0x200, s17;
	v3 =	vadd.f32 v3, v4  }
0x362: {  	_ = 	snop  }
0x363: {  	v0 =	vadd.f32 v0, v3;
	_ =	sdelay $0x1  }
0x364: {  	v0 =	vadd.f32 v2, v0;
	_ =	sdelay $0x1  }
0x365: {  	v0 =	vadd.f32 v1, v0;
	_ =	sdelay $0x1  }
0x366: {  	[tilespmem:s12+$0x1B3F0] =	vst v0  }
0x367: {  	v0 =	vld [tilespmem:s15+$0xFFFFFE00]  }
0x368: {  	v1 =	vld [tilespmem:s15+$0xFFFFFD80]  }
0x369: {  	v2 =	vld [tilespmem:s15+$0xFFFFFE80];
	_ =	sdelay $0x2  }
0x36a: {  	v3 =	vld [tilespmem:s15+$0xFFFFFF00]  }
0x36b: {  	v0 =	vadd.f32 v0, v1  }
0x36c: {  	v1 =	vld [tilespmem:s15+$0xFFFFFF80]  }
0x36d: {  	v0 =	vadd.f32 v2, v0  }
0x36e: {  	v2 =	vld [tilespmem:s15+$0x0]  }
0x36f: {  	v0 =	vadd.f32 v3, v0  }
0x370: {  	v3 =	vld [tilespmem:s15+$0x80]  }
0x371: {  	v0 =	vadd.f32 v1, v0  }
0x372: {  	v1 =	vld [tilespmem:s15+$0x100]  }
0x373: {  	v0 =	vadd.f32 v2, v0  }
0x374: {  	v2 =	vld [tilespmem:s15+$0x180]  }
0x375: {  	v0 =	vadd.f32 v3, v0  }
0x376: {  	v3 =	vld [tilespmem:s15+$0x200]  }
0x377: {  	v0 =	vadd.f32 v1, v0;
	_ =	sdelay $0x1  }
0x378: {  	v0 =	vadd.f32 v2, v0;
	_ =	sdelay $0x1  }
0x379: {  	v0 =	vadd.f32 v3, v0  }
0x37a: {  	s12 =	sshra.s32 s25, $0x2  }
0x37b: {  	[tilespmem:s12+$0x1B380] =	vst v0  }
0x37c: {  	v0 =	vld [tilespmem:s15+$0xFFFFFD90]  }
0x37d: {  	v1 =	vld [tilespmem:s15+$0xFFFFFE10];
	_ =	sdelay $0x1  }
0x37e: {  	v2 =	vld [tilespmem:s15+$0xFFFFFE90];
	_ =	sdelay $0x1  }
0x37f: {  	v3 =	vld [tilespmem:s15+$0xFFFFFF10]  }
0x380: {  	v0 =	vadd.f32 v1, v0  }
0x381: {  	v1 =	vld [tilespmem:s15+$0xFFFFFF90]  }
0x382: {  	v0 =	vadd.f32 v2, v0  }
0x383: {  	v2 =	vld [tilespmem:s15+$0x10]  }
0x384: {  	v0 =	vadd.f32 v3, v0  }
0x385: {  	v3 =	vld [tilespmem:s15+$0x90]  }
0x386: {  	v0 =	vadd.f32 v1, v0  }
0x387: {  	v1 =	vld [tilespmem:s15+$0x110]  }
0x388: {  	v0 =	vadd.f32 v2, v0  }
0x389: {  	v2 =	vld [tilespmem:s15+$0x190]  }
0x38a: {  	v0 =	vadd.f32 v3, v0  }
0x38b: {  	v3 =	vld [tilespmem:s15+$0x210]  }
0x38c: {  	v0 =	vadd.f32 v1, v0;
	_ =	sdelay $0x1  }
0x38d: {  	v0 =	vadd.f32 v2, v0;
	_ =	sdelay $0x1  }
0x38e: {  	v0 =	vadd.f32 v3, v0;
	_ =	sdelay $0x1  }
0x38f: {  	[tilespmem:s12+$0x1B390] =	vst v0  }
0x390: {  	v0 =	vld [tilespmem:s15+$0xFFFFFDA0]  }
0x391: {  	v1 =	vld [tilespmem:s15+$0xFFFFFE20];
	_ =	sdelay $0x1  }
0x392: {  	v2 =	vld [tilespmem:s15+$0xFFFFFEA0];
	_ =	sdelay $0x1  }
0x393: {  	v3 =	vld [tilespmem:s15+$0xFFFFFF20]  }
0x394: {  	v0 =	vadd.f32 v1, v0  }
0x395: {  	v1 =	vld [tilespmem:s15+$0xFFFFFFA0]  }
0x396: {  	v0 =	vadd.f32 v2, v0  }
0x397: {  	v2 =	vld [tilespmem:s15+$0x20]  }
0x398: {  	v0 =	vadd.f32 v3, v0  }
0x399: {  	v3 =	vld [tilespmem:s15+$0xA0]  }
0x39a: {  	v0 =	vadd.f32 v1, v0  }
0x39b: {  	v1 =	vld [tilespmem:s15+$0x120]  }
0x39c: {  	v0 =	vadd.f32 v2, v0  }
0x39d: {  	v2 =	vld [tilespmem:s15+$0x1A0]  }
0x39e: {  	v0 =	vadd.f32 v3, v0  }
0x39f: {  	v3 =	vld [tilespmem:s15+$0x220]  }
0x3a0: {  	v0 =	vadd.f32 v1, v0;
	_ =	sdelay $0x1  }
0x3a1: {  	v0 =	vadd.f32 v2, v0;
	_ =	sdelay $0x1  }
0x3a2: {  	v0 =	vadd.f32 v3, v0;
	_ =	sdelay $0x1  }
0x3a3: {  	[tilespmem:s12+$0x1B3A0] =	vst v0  }
0x3a4: {  	v0 =	vld [tilespmem:s15+$0xFFFFFDB0]  }
0x3a5: {  	v1 =	vld [tilespmem:s15+$0xFFFFFE30];
	_ =	sdelay $0x1  }
0x3a6: {  	v2 =	vld [tilespmem:s15+$0xFFFFFEB0];
	_ =	sdelay $0x1  }
0x3a7: {  	v3 =	vld [tilespmem:s15+$0xFFFFFF30]  }
0x3a8: {  	v0 =	vadd.f32 v1, v0  }
0x3a9: {  	v1 =	vld [tilespmem:s15+$0xFFFFFFB0]  }
0x3aa: {  	v0 =	vadd.f32 v2, v0  }
0x3ab: {  	v2 =	vld [tilespmem:s15+$0x30]  }
0x3ac: {  	v0 =	vadd.f32 v3, v0  }
0x3ad: {  	v3 =	vld [tilespmem:s15+$0xB0]  }
0x3ae: {  	v0 =	vadd.f32 v1, v0  }
0x3af: {  	v1 =	vld [tilespmem:s15+$0x130]  }
0x3b0: {  	v0 =	vadd.f32 v2, v0  }
0x3b1: {  	v2 =	vld [tilespmem:s15+$0x1B0]  }
0x3b2: {  	v0 =	vadd.f32 v3, v0  }
0x3b3: {  	v3 =	vld [tilespmem:s15+$0x230]  }
0x3b4: {  	v0 =	vadd.f32 v1, v0;
	_ =	sdelay $0x1  }
0x3b5: {  	v0 =	vadd.f32 v2, v0;
	_ =	sdelay $0x1  }
0x3b6: {  	v0 =	vadd.f32 v3, v0;
	_ =	sdelay $0x1  }
0x3b7: {  	[tilespmem:s12+$0x1B3B0] =	vst v0  }
0x3b8: {  	v0 =	vld [tilespmem:s15+$0xFFFFFDC0]  }
0x3b9: {  	v1 =	vld [tilespmem:s15+$0xFFFFFE40];
	_ =	sdelay $0x1  }
0x3ba: {  	v2 =	vld [tilespmem:s15+$0xFFFFFEC0];
	_ =	sdelay $0x1  }
0x3bb: {  	v3 =	vld [tilespmem:s15+$0xFFFFFF40]  }
0x3bc: {  	v0 =	vadd.f32 v1, v0  }
0x3bd: {  	v1 =	vld [tilespmem:s15+$0xFFFFFFC0]  }
0x3be: {  	v0 =	vadd.f32 v2, v0  }
0x3bf: {  	v2 =	vld [tilespmem:s15+$0x40]  }
0x3c0: {  	v0 =	vadd.f32 v3, v0  }
0x3c1: {  	v3 =	vld [tilespmem:s15+$0xC0]  }
0x3c2: {  	v0 =	vadd.f32 v1, v0  }
0x3c3: {  	v1 =	vld [tilespmem:s15+$0x140]  }
0x3c4: {  	v0 =	vadd.f32 v2, v0  }
0x3c5: {  	v2 =	vld [tilespmem:s15+$0x1C0]  }
0x3c6: {  	v0 =	vadd.f32 v3, v0  }
0x3c7: {  	v3 =	vld [tilespmem:s15+$0x240]  }
0x3c8: {  	v0 =	vadd.f32 v1, v0;
	_ =	sdelay $0x1  }
0x3c9: {  	v0 =	vadd.f32 v2, v0;
	_ =	sdelay $0x1  }
0x3ca: {  	v0 =	vadd.f32 v3, v0;
	_ =	sdelay $0x1  }
0x3cb: {  	[tilespmem:s12+$0x1B3C0] =	vst v0  }
0x3cc: {  	v0 =	vld [tilespmem:s15+$0xFFFFFDD0]  }
0x3cd: {  	v1 =	vld [tilespmem:s15+$0xFFFFFE50]  }
0x3ce: {  	v2 =	vld [tilespmem:s15+$0xFFFFFED0]  }
0x3cf: {  	v3 =	vld [tilespmem:s15+$0xFFFFFF50]  }
0x3d0: {  	v4 =	vld [tilespmem:s15+$0xFFFFFFD0]  }
0x3d1: {  	v5 =	vld [tilespmem:s15+$0x50]  }
0x3d2: {  	v0 =	vadd.f32 v1, v0;
	v1 =	vld [tilespmem:s15+$0xD0]  }
0x3d3: {  	v6 =	vld [tilespmem:s15+$0x150]  }
0x3d4: {  	v0 =	vadd.f32 v2, v0;
	v2 =	vld [tilespmem:s15+$0x1D0]  }
0x3d5: {  	v7 =	vld [tilespmem:s15+$0x250]  }
0x3d6: {  	v0 =	vadd.f32 v3, v0;
	_ =	sdelay $0x1  }
0x3d7: {  	v0 =	vadd.f32 v4, v0;
	_ =	sdelay $0x1  }
0x3d8: {  	v0 =	vadd.f32 v5, v0;
	_ =	sdelay $0x1  }
0x3d9: {  	v0 =	vadd.f32 v1, v0;
	_ =	sdelay $0x1  }
0x3da: {  	v0 =	vadd.f32 v6, v0;
	_ =	sdelay $0x1  }
0x3db: {  	v0 =	vadd.f32 v2, v0;
	_ =	sdelay $0x1  }
0x3dc: {  	v0 =	vadd.f32 v7, v0;
	_ =	sdelay $0x1  }
0x3dd: {  	[tilespmem:s12+$0x1B3D0] =	vst v0  }
0x3de: {  	v0 =	vld [tilespmem:s15+$0xFFFFFDE0]  }
0x3df: {  	v1 =	vld [tilespmem:s15+$0xFFFFFE60]  }
0x3e0: {  	v2 =	vld [tilespmem:s15+$0xFFFFFEE0]  }
0x3e1: {  	v3 =	vld [tilespmem:s15+$0xFFFFFF60]  }
0x3e2: {  	v4 =	vld [tilespmem:s15+$0xFFFFFFE0]  }
0x3e3: {  	v5 =	vld [tilespmem:s15+$0x60]  }
0x3e4: {  	v0 =	vadd.f32 v1, v0;
	v1 =	vld [tilespmem:s15+$0xE0]  }
0x3e5: {  	v6 =	vld [tilespmem:s15+$0x160]  }
0x3e6: {  	v0 =	vadd.f32 v2, v0;
	v2 =	vld [tilespmem:s15+$0x1E0]  }
0x3e7: {  	v7 =	vld [tilespmem:s15+$0x260]  }
0x3e8: {  	v0 =	vadd.f32 v3, v0;
	_ =	sdelay $0x1  }
0x3e9: {  	v0 =	vadd.f32 v4, v0;
	_ =	sdelay $0x1  }
0x3ea: {  	v0 =	vadd.f32 v5, v0;
	_ =	sdelay $0x1  }
0x3eb: {  	v0 =	vadd.f32 v1, v0;
	_ =	sdelay $0x1  }
0x3ec: {  	v0 =	vadd.f32 v6, v0;
	_ =	sdelay $0x1  }
0x3ed: {  	v0 =	vadd.f32 v2, v0;
	_ =	sdelay $0x1  }
0x3ee: {  	v0 =	vadd.f32 v7, v0;
	_ =	sdelay $0x1  }
0x3ef: {  	[tilespmem:s12+$0x1B3E0] =	vst v0  }
0x3f0: {  	v0 =	vld [tilespmem:s15+$0xFFFFFDF0]  }
0x3f1: {  	v1 =	vld [tilespmem:s15+$0xFFFFFE70]  }
0x3f2: {  	v2 =	vld [tilespmem:s15+$0xFFFFFEF0]  }
0x3f3: {  	v4 =	vld [tilespmem:s15+$0xFFFFFF70]  }
0x3f4: {  	v5 =	vld [tilespmem:s15+$0xFFFFFFF0]  }
0x3f5: {  	v6 =	vld [tilespmem:s15+$0x70]  }
0x3f6: {  	v1 =	vadd.f32 v1, v0;
	v3 =	vld [tilespmem:s15+$0xF0]  }
0x3f7: {  	v0 =	vld [tilespmem:s15+$0x170]  }
0x3f8: {  	v7 =	vadd.f32 v2, v1;
	v2 =	vld [tilespmem:s15+$0x1F0]  }
0x3f9: {  	v1 =	vld [tilespmem:s15+$0x270]  }
.Ltmp6:
0x3fa: {  	v4 =	vadd.f32 v4, v7;
	(pc) =	sbr.rel @p2 .LBB2_9-.Ltmp6, $3  }
0x3fb: {  	_ = 	snop  }
0x3fc: {  	v4 =	vadd.f32 v5, v4;
	_ =	sdelay $0x1  }
0x3fd: {  	v4 =	vadd.f32 v6, v4  }
0x3fe: {  	_ = 	snop  }
0x3ff: {  	v3 =	vadd.f32 v3, v4;
	_ =	sdelay $0x1  }
0x400: {  	v0 =	vadd.f32 v0, v3;
	_ =	sdelay $0x1  }
0x401: {  	s15 =	smul.u32 $0x60, s21;
	v0 =	vadd.f32 v2, v0  }
.Ltmp7:
0x402: {  	_ = 	snop;
	(pc) =	sbr.rel @p0 .LBB2_14-.Ltmp7, $4  }
0x403: {  	s15 =	sadd.s32 s15, s16;
	v0 =	vadd.f32 v1, v0  }
0x404: {  	s15 =	sshll.u32 s15, $0x4  }
0x405: {  	s25 =	sadd.s32 s5, s15;
	[tilespmem:s12+$0x1B3F0] =	vst v0  }
0x406: {  	[hbm4b:s25+s3] =	stream.linear.scatter [tilespmem:s10], [sflag:$0x5], $0x800, $0x38;
	[tilespmem:$0x1C380] =	vst v63  }
0x407: {  	s12 =	sadd.s32 s20, s22  }
0x408: {  	s12 =	smul.u32 $0xA0, s12;
	_ =	sdelay $0x1  }
0x409: {  	v0 =	vld [tilespmem:s12+$0x280];
	_ =	sdelay $0x6  }
0x40a: {  	s15 =	simm.s32 $0x10B80  }
0x40b: {  	[tilespmem:s15], [sflag:$0x2] =	stream.indirect_vreg.gather [hbm4b:s2+s3], $0x80, v0, vm0, $0xb8;
	[tilespmem:$0x1C380] =	vst v63  }
0x40c: {  	v0 =	vld [tilespmem:s12+$0x290];
	_ =	sdelay $0x6  }
0x40d: {  	s25 =	simm.s32 $0x11380  }
0x40e: {  	[tilespmem:s25], [sflag:$0x2] =	stream.indirect_vreg.gather [hbm4b:s2+s3], $0x80, v0, vm0, $0xb8;
	[tilespmem:$0x1C380] =	vst v63  }
0x40f: {  	v0 =	vld [tilespmem:s12+$0x2A0];
	_ =	sdelay $0x6  }
0x410: {  	s17 =	simm.s32 $0x11B80  }
0x411: {  	[tilespmem:s17], [sflag:$0x2] =	stream.indirect_vreg.gather [hbm4b:s2+s3], $0x80, v0, vm0, $0xb8;
	[tilespmem:$0x1C380] =	vst v63  }
0x412: {  	v0 =	vld [tilespmem:s12+$0x2B0];
	_ =	sdelay $0x6  }
0x413: {  	s22 =	simm.s32 $0x12380  }
0x414: {  	[tilespmem:s22], [sflag:$0x2] =	stream.indirect_vreg.gather [hbm4b:s2+s3], $0x80, v0, vm0, $0xb8;
	[tilespmem:$0x1C380] =	vst v63  }
0x415: {  	v0 =	vld [tilespmem:s12+$0x2C0];
	_ =	sdelay $0x7  }
0x416: {  	[tilespmem:s6], [sflag:$0x2] =	stream.indirect_vreg.gather [hbm4b:s2+s3], $0x80, v0, vm0, $0xb8;
	[tilespmem:$0x1C380] =	vst v63  }
0x417: {  	v0 =	vld [tilespmem:s12+$0x2D0];
	_ =	sdelay $0x7  }
0x418: {  	[tilespmem:s18], [sflag:$0x2] =	stream.indirect_vreg.gather [hbm4b:s2+s3], $0x80, v0, vm0, $0xb8;
	[tilespmem:$0x1C380] =	vst v63  }
0x419: {  	v0 =	vld [tilespmem:s12+$0x2E0];
	_ =	sdelay $0x7  }
0x41a: {  	[tilespmem:s19], [sflag:$0x2] =	stream.indirect_vreg.gather [hbm4b:s2+s3], $0x80, v0, vm0, $0xb8;
	[tilespmem:$0x1C380] =	vst v63  }
0x41b: {  	v0 =	vld [tilespmem:s12+$0x2F0];
	_ =	sdelay $0x6  }
0x41c: {  	s25 =	sand.u32 $0x7FE0, s12  }
0x41d: {  	[tilespmem:s29], [sflag:$0x2] =	stream.indirect_vreg.gather [hbm4b:s2+s3], $0x80, v0, vm0, $0xb8;
	[tilespmem:$0x1C380] =	vst v63  }
0x41e: {  	v0 =	vld [tilespmem:s25+$0x300];
	_ =	sdelay $0x7  }
0x41f: {  	[tilespmem:s26], [sflag:$0x2] =	stream.indirect_vreg.gather [hbm4b:s2+s3], $0x80, v0, vm0, $0xb8;
	[tilespmem:$0x1C380] =	vst v63  }
0x420: {  	v0 =	vld [tilespmem:s12+$0x310];
	_ =	sdelay $0x7  }
0x421: {  	[tilespmem:s8], [sflag:$0x2] =	stream.indirect_vreg.gather [hbm4b:s2+s3], $0x80, v0, vm0, $0xb8;
	[tilespmem:$0x1C380] =	vst v63  }
0x422: {  	_ =	swait.ge [sflag:s23], $0x5000  }
0x423: {  	[sflag:s23] =	ssyncset.done $0x0  }
0x424: {  	s12 =	simm.s32 @!p1 $0x6;
	[sflag:s23] =	ssyncadd.s32 $0xFFFFB000  }
0x425: {  	_ =	swait.ge @!p1 [sflag:s12], $0x800  }
0x426: {  	[sflag:s12] =	ssyncset.done @!p1 $0x0  }
0x427: {  	s15 =	simm.s32 $0x15E00;
	[sflag:s12] =	ssyncadd.s32 @!p1 $0xFFFFF800  }
0x428: {  	v0 =	vld [tilespmem:s15+$0xFFFFFE00]  }
0x429: {  	v1 =	vld [tilespmem:s15+$0xFFFFFD80];
	_ =	sdelay $0x1  }
0x42a: {  	v2 =	vld [tilespmem:s15+$0xFFFFFE80];
	_ =	sdelay $0x1  }
0x42b: {  	v3 =	vld [tilespmem:s15+$0xFFFFFF00]  }
0x42c: {  	v0 =	vadd.f32 v0, v1  }
0x42d: {  	v1 =	vld [tilespmem:s15+$0xFFFFFF80]  }
0x42e: {  	v0 =	vadd.f32 v2, v0  }
0x42f: {  	v2 =	vld [tilespmem:s15+$0x0]  }
0x430: {  	v0 =	vadd.f32 v3, v0  }
0x431: {  	v3 =	vld [tilespmem:s15+$0x80]  }
0x432: {  	v0 =	vadd.f32 v1, v0  }
0x433: {  	v1 =	vld [tilespmem:s15+$0x100]  }
0x434: {  	v0 =	vadd.f32 v2, v0  }
0x435: {  	v2 =	vld [tilespmem:s15+$0x180]  }
0x436: {  	v0 =	vadd.f32 v3, v0  }
0x437: {  	v3 =	vld [tilespmem:s15+$0x200]  }
0x438: {  	v0 =	vadd.f32 v1, v0;
	_ =	sdelay $0x1  }
0x439: {  	v0 =	vadd.f32 v2, v0;
	_ =	sdelay $0x1  }
0x43a: {  	v0 =	vadd.f32 v3, v0  }
0x43b: {  	s12 =	simm.s32 $0x0  }
0x43c: {  	[tilespmem:s12+$0x1BB80] =	vst v0  }
0x43d: {  	v0 =	vld [tilespmem:s15+$0xFFFFFD90]  }
0x43e: {  	v1 =	vld [tilespmem:s15+$0xFFFFFE10];
	_ =	sdelay $0x1  }
0x43f: {  	v2 =	vld [tilespmem:s15+$0xFFFFFE90];
	_ =	sdelay $0x1  }
0x440: {  	v3 =	vld [tilespmem:s15+$0xFFFFFF10]  }
0x441: {  	v0 =	vadd.f32 v1, v0  }
0x442: {  	v1 =	vld [tilespmem:s15+$0xFFFFFF90]  }
0x443: {  	v0 =	vadd.f32 v2, v0  }
0x444: {  	v2 =	vld [tilespmem:s15+$0x10]  }
0x445: {  	v0 =	vadd.f32 v3, v0  }
0x446: {  	v3 =	vld [tilespmem:s15+$0x90]  }
0x447: {  	v0 =	vadd.f32 v1, v0  }
0x448: {  	v1 =	vld [tilespmem:s15+$0x110]  }
0x449: {  	v0 =	vadd.f32 v2, v0  }
0x44a: {  	v2 =	vld [tilespmem:s15+$0x190]  }
0x44b: {  	v0 =	vadd.f32 v3, v0  }
0x44c: {  	v3 =	vld [tilespmem:s15+$0x210]  }
0x44d: {  	v0 =	vadd.f32 v1, v0;
	_ =	sdelay $0x1  }
0x44e: {  	v0 =	vadd.f32 v2, v0;
	_ =	sdelay $0x1  }
0x44f: {  	v0 =	vadd.f32 v3, v0;
	_ =	sdelay $0x1  }
0x450: {  	[tilespmem:s12+$0x1BB90] =	vst v0  }
0x451: {  	v0 =	vld [tilespmem:s15+$0xFFFFFDA0]  }
0x452: {  	v1 =	vld [tilespmem:s15+$0xFFFFFE20];
	_ =	sdelay $0x1  }
0x453: {  	v2 =	vld [tilespmem:s15+$0xFFFFFEA0];
	_ =	sdelay $0x1  }
0x454: {  	v3 =	vld [tilespmem:s15+$0xFFFFFF20]  }
0x455: {  	v0 =	vadd.f32 v1, v0  }
0x456: {  	v1 =	vld [tilespmem:s15+$0xFFFFFFA0]  }
0x457: {  	v0 =	vadd.f32 v2, v0  }
0x458: {  	v2 =	vld [tilespmem:s15+$0x20]  }
0x459: {  	v0 =	vadd.f32 v3, v0  }
0x45a: {  	v3 =	vld [tilespmem:s15+$0xA0]  }
0x45b: {  	v0 =	vadd.f32 v1, v0  }
0x45c: {  	v1 =	vld [tilespmem:s15+$0x120]  }
0x45d: {  	v0 =	vadd.f32 v2, v0  }
0x45e: {  	v2 =	vld [tilespmem:s15+$0x1A0]  }
0x45f: {  	v0 =	vadd.f32 v3, v0  }
0x460: {  	v3 =	vld [tilespmem:s15+$0x220]  }
0x461: {  	v0 =	vadd.f32 v1, v0;
	_ =	sdelay $0x1  }
0x462: {  	v0 =	vadd.f32 v2, v0;
	_ =	sdelay $0x1  }
0x463: {  	v0 =	vadd.f32 v3, v0;
	_ =	sdelay $0x1  }
0x464: {  	[tilespmem:s12+$0x1BBA0] =	vst v0  }
0x465: {  	v0 =	vld [tilespmem:s15+$0xFFFFFDB0]  }
0x466: {  	v1 =	vld [tilespmem:s15+$0xFFFFFE30];
	_ =	sdelay $0x1  }
0x467: {  	v2 =	vld [tilespmem:s15+$0xFFFFFEB0];
	_ =	sdelay $0x1  }
0x468: {  	v3 =	vld [tilespmem:s15+$0xFFFFFF30]  }
0x469: {  	v0 =	vadd.f32 v1, v0  }
0x46a: {  	v1 =	vld [tilespmem:s15+$0xFFFFFFB0]  }
0x46b: {  	v0 =	vadd.f32 v2, v0  }
0x46c: {  	v2 =	vld [tilespmem:s15+$0x30]  }
0x46d: {  	v0 =	vadd.f32 v3, v0  }
0x46e: {  	v3 =	vld [tilespmem:s15+$0xB0]  }
0x46f: {  	v0 =	vadd.f32 v1, v0  }
0x470: {  	v1 =	vld [tilespmem:s15+$0x130]  }
0x471: {  	v0 =	vadd.f32 v2, v0  }
0x472: {  	v2 =	vld [tilespmem:s15+$0x1B0]  }
0x473: {  	v0 =	vadd.f32 v3, v0  }
0x474: {  	v3 =	vld [tilespmem:s15+$0x230]  }
0x475: {  	v0 =	vadd.f32 v1, v0;
	_ =	sdelay $0x1  }
0x476: {  	v0 =	vadd.f32 v2, v0;
	_ =	sdelay $0x1  }
0x477: {  	v0 =	vadd.f32 v3, v0;
	_ =	sdelay $0x1  }
0x478: {  	[tilespmem:s12+$0x1BBB0] =	vst v0  }
0x479: {  	v0 =	vld [tilespmem:s15+$0xFFFFFDC0]  }
0x47a: {  	v1 =	vld [tilespmem:s15+$0xFFFFFE40];
	_ =	sdelay $0x1  }
0x47b: {  	v2 =	vld [tilespmem:s15+$0xFFFFFEC0];
	_ =	sdelay $0x1  }
0x47c: {  	v3 =	vld [tilespmem:s15+$0xFFFFFF40]  }
0x47d: {  	v0 =	vadd.f32 v1, v0  }
0x47e: {  	v1 =	vld [tilespmem:s15+$0xFFFFFFC0]  }
0x47f: {  	v0 =	vadd.f32 v2, v0  }
0x480: {  	v2 =	vld [tilespmem:s15+$0x40]  }
0x481: {  	v0 =	vadd.f32 v3, v0  }
0x482: {  	v3 =	vld [tilespmem:s15+$0xC0]  }
0x483: {  	v0 =	vadd.f32 v1, v0  }
0x484: {  	v1 =	vld [tilespmem:s15+$0x140]  }
0x485: {  	v0 =	vadd.f32 v2, v0  }
0x486: {  	v2 =	vld [tilespmem:s15+$0x1C0]  }
0x487: {  	v0 =	vadd.f32 v3, v0  }
0x488: {  	v3 =	vld [tilespmem:s15+$0x240]  }
0x489: {  	v0 =	vadd.f32 v1, v0;
	_ =	sdelay $0x1  }
0x48a: {  	v0 =	vadd.f32 v2, v0;
	_ =	sdelay $0x1  }
0x48b: {  	v0 =	vadd.f32 v3, v0;
	_ =	sdelay $0x1  }
0x48c: {  	[tilespmem:s12+$0x1BBC0] =	vst v0  }
0x48d: {  	v0 =	vld [tilespmem:s15+$0xFFFFFDD0]  }
0x48e: {  	v1 =	vld [tilespmem:s15+$0xFFFFFE50];
	_ =	sdelay $0x1  }
0x48f: {  	v2 =	vld [tilespmem:s15+$0xFFFFFED0];
	_ =	sdelay $0x1  }
0x490: {  	v3 =	vld [tilespmem:s15+$0xFFFFFF50]  }
0x491: {  	v0 =	vadd.f32 v1, v0  }
0x492: {  	v1 =	vld [tilespmem:s15+$0xFFFFFFD0]  }
0x493: {  	v0 =	vadd.f32 v2, v0  }
0x494: {  	v2 =	vld [tilespmem:s15+$0x50]  }
0x495: {  	v0 =	vadd.f32 v3, v0  }
0x496: {  	v3 =	vld [tilespmem:s15+$0xD0]  }
0x497: {  	v0 =	vadd.f32 v1, v0  }
0x498: {  	v1 =	vld [tilespmem:s15+$0x150]  }
0x499: {  	v0 =	vadd.f32 v2, v0  }
0x49a: {  	v2 =	vld [tilespmem:s15+$0x1D0]  }
0x49b: {  	v0 =	vadd.f32 v3, v0  }
0x49c: {  	v3 =	vld [tilespmem:s15+$0x250]  }
0x49d: {  	v0 =	vadd.f32 v1, v0;
	_ =	sdelay $0x1  }
0x49e: {  	v0 =	vadd.f32 v2, v0;
	_ =	sdelay $0x1  }
0x49f: {  	v0 =	vadd.f32 v3, v0;
	_ =	sdelay $0x1  }
0x4a0: {  	[tilespmem:s12+$0x1BBD0] =	vst v0  }
0x4a1: {  	v0 =	vld [tilespmem:s15+$0xFFFFFDE0]  }
0x4a2: {  	v1 =	vld [tilespmem:s15+$0xFFFFFE60];
	_ =	sdelay $0x1  }
0x4a3: {  	v2 =	vld [tilespmem:s15+$0xFFFFFEE0];
	_ =	sdelay $0x1  }
0x4a4: {  	v3 =	vld [tilespmem:s15+$0xFFFFFF60]  }
0x4a5: {  	v0 =	vadd.f32 v1, v0  }
0x4a6: {  	v1 =	vld [tilespmem:s15+$0xFFFFFFE0]  }
0x4a7: {  	v0 =	vadd.f32 v2, v0  }
0x4a8: {  	v2 =	vld [tilespmem:s15+$0x60]  }
0x4a9: {  	v0 =	vadd.f32 v3, v0  }
0x4aa: {  	v3 =	vld [tilespmem:s15+$0xE0]  }
0x4ab: {  	v0 =	vadd.f32 v1, v0  }
0x4ac: {  	v1 =	vld [tilespmem:s15+$0x160]  }
0x4ad: {  	v0 =	vadd.f32 v2, v0  }
0x4ae: {  	v2 =	vld [tilespmem:s15+$0x1E0]  }
0x4af: {  	v0 =	vadd.f32 v3, v0  }
0x4b0: {  	v3 =	vld [tilespmem:s15+$0x260]  }
0x4b1: {  	v0 =	vadd.f32 v1, v0;
	_ =	sdelay $0x1  }
0x4b2: {  	v0 =	vadd.f32 v2, v0;
	_ =	sdelay $0x1  }
0x4b3: {  	v0 =	vadd.f32 v3, v0;
	_ =	sdelay $0x1  }
0x4b4: {  	[tilespmem:s12+$0x1BBE0] =	vst v0  }
0x4b5: {  	v0 =	vld [tilespmem:s15+$0xFFFFFDF0]  }
0x4b6: {  	v1 =	vld [tilespmem:s15+$0xFFFFFE70];
	_ =	sdelay $0x1  }
0x4b7: {  	v2 =	vld [tilespmem:s15+$0xFFFFFEF0];
	_ =	sdelay $0x1  }
0x4b8: {  	v3 =	vld [tilespmem:s15+$0xFFFFFF70]  }
0x4b9: {  	v0 =	vadd.f32 v1, v0  }
0x4ba: {  	v1 =	vld [tilespmem:s15+$0xFFFFFFF0]  }
0x4bb: {  	v0 =	vadd.f32 v2, v0  }
0x4bc: {  	v4 =	vld [tilespmem:s15+$0x70]  }
0x4bd: {  	v2 =	vadd.f32 v3, v0  }
0x4be: {  	v3 =	vld [tilespmem:s15+$0xF0]  }
0x4bf: {  	v0 =	vld [tilespmem:s15+$0x170];
	v5 =	vadd.f32 v1, v2  }
0x4c0: {  	v1 =	vld [tilespmem:s15+$0x1F0]  }
0x4c1: {  	s17 =	simm.s32 $0x200;
	v2 =	vld [tilespmem:s15+$0x270];
	v4 =	vadd.f32 v4, v5  }
.LBB2_12:
0x4c2: {  	p0 =	sne.s32 s17, $0x1E00  }
0x4c3: {  	s15 =	sadd.s32 $0x500, s15;
	s22 =	smov.u32 s17;
	s17 =	sadd.s32 $0x200, s17;
	v3 =	vadd.f32 v3, v4  }
0x4c4: {  	_ = 	snop  }
0x4c5: {  	v0 =	vadd.f32 v0, v3;
	_ =	sdelay $0x1  }
0x4c6: {  	v0 =	vadd.f32 v1, v0;
	_ =	sdelay $0x1  }
0x4c7: {  	v0 =	vadd.f32 v2, v0;
	_ =	sdelay $0x1  }
0x4c8: {  	[tilespmem:s12+$0x1BBF0] =	vst v0  }
0x4c9: {  	v0 =	vld [tilespmem:s15+$0xFFFFFE00]  }
0x4ca: {  	v1 =	vld [tilespmem:s15+$0xFFFFFD80]  }
0x4cb: {  	v2 =	vld [tilespmem:s15+$0xFFFFFE80];
	_ =	sdelay $0x2  }
0x4cc: {  	v3 =	vld [tilespmem:s15+$0xFFFFFF00]  }
0x4cd: {  	v0 =	vadd.f32 v0, v1  }
0x4ce: {  	v1 =	vld [tilespmem:s15+$0xFFFFFF80]  }
0x4cf: {  	v0 =	vadd.f32 v2, v0  }
0x4d0: {  	v2 =	vld [tilespmem:s15+$0x0]  }
0x4d1: {  	v0 =	vadd.f32 v3, v0  }
0x4d2: {  	v3 =	vld [tilespmem:s15+$0x80]  }
0x4d3: {  	v0 =	vadd.f32 v1, v0  }
0x4d4: {  	v1 =	vld [tilespmem:s15+$0x100]  }
0x4d5: {  	v0 =	vadd.f32 v2, v0  }
0x4d6: {  	v2 =	vld [tilespmem:s15+$0x180]  }
0x4d7: {  	v0 =	vadd.f32 v3, v0  }
0x4d8: {  	v3 =	vld [tilespmem:s15+$0x200]  }
0x4d9: {  	v0 =	vadd.f32 v1, v0;
	_ =	sdelay $0x1  }
0x4da: {  	v0 =	vadd.f32 v2, v0;
	_ =	sdelay $0x1  }
0x4db: {  	v0 =	vadd.f32 v3, v0  }
0x4dc: {  	s12 =	sshra.s32 s22, $0x2  }
0x4dd: {  	[tilespmem:s12+$0x1BB80] =	vst v0  }
0x4de: {  	v0 =	vld [tilespmem:s15+$0xFFFFFD90]  }
0x4df: {  	v1 =	vld [tilespmem:s15+$0xFFFFFE10];
	_ =	sdelay $0x1  }
0x4e0: {  	v2 =	vld [tilespmem:s15+$0xFFFFFE90];
	_ =	sdelay $0x1  }
0x4e1: {  	v3 =	vld [tilespmem:s15+$0xFFFFFF10]  }
0x4e2: {  	v0 =	vadd.f32 v1, v0  }
0x4e3: {  	v1 =	vld [tilespmem:s15+$0xFFFFFF90]  }
0x4e4: {  	v0 =	vadd.f32 v2, v0  }
0x4e5: {  	v2 =	vld [tilespmem:s15+$0x10]  }
0x4e6: {  	v0 =	vadd.f32 v3, v0  }
0x4e7: {  	v3 =	vld [tilespmem:s15+$0x90]  }
0x4e8: {  	v0 =	vadd.f32 v1, v0  }
0x4e9: {  	v1 =	vld [tilespmem:s15+$0x110]  }
0x4ea: {  	v0 =	vadd.f32 v2, v0  }
0x4eb: {  	v2 =	vld [tilespmem:s15+$0x190]  }
0x4ec: {  	v0 =	vadd.f32 v3, v0  }
0x4ed: {  	v3 =	vld [tilespmem:s15+$0x210]  }
0x4ee: {  	v0 =	vadd.f32 v1, v0;
	_ =	sdelay $0x1  }
0x4ef: {  	v0 =	vadd.f32 v2, v0;
	_ =	sdelay $0x1  }
0x4f0: {  	v0 =	vadd.f32 v3, v0;
	_ =	sdelay $0x1  }
0x4f1: {  	[tilespmem:s12+$0x1BB90] =	vst v0  }
0x4f2: {  	v0 =	vld [tilespmem:s15+$0xFFFFFDA0]  }
0x4f3: {  	v1 =	vld [tilespmem:s15+$0xFFFFFE20];
	_ =	sdelay $0x1  }
0x4f4: {  	v2 =	vld [tilespmem:s15+$0xFFFFFEA0];
	_ =	sdelay $0x1  }
0x4f5: {  	v3 =	vld [tilespmem:s15+$0xFFFFFF20]  }
0x4f6: {  	v0 =	vadd.f32 v1, v0  }
0x4f7: {  	v1 =	vld [tilespmem:s15+$0xFFFFFFA0]  }
0x4f8: {  	v0 =	vadd.f32 v2, v0  }
0x4f9: {  	v2 =	vld [tilespmem:s15+$0x20]  }
0x4fa: {  	v0 =	vadd.f32 v3, v0  }
0x4fb: {  	v3 =	vld [tilespmem:s15+$0xA0]  }
0x4fc: {  	v0 =	vadd.f32 v1, v0  }
0x4fd: {  	v1 =	vld [tilespmem:s15+$0x120]  }
0x4fe: {  	v0 =	vadd.f32 v2, v0  }
0x4ff: {  	v2 =	vld [tilespmem:s15+$0x1A0]  }
0x500: {  	v0 =	vadd.f32 v3, v0  }
0x501: {  	v3 =	vld [tilespmem:s15+$0x220]  }
0x502: {  	v0 =	vadd.f32 v1, v0;
	_ =	sdelay $0x1  }
0x503: {  	v0 =	vadd.f32 v2, v0;
	_ =	sdelay $0x1  }
0x504: {  	v0 =	vadd.f32 v3, v0;
	_ =	sdelay $0x1  }
0x505: {  	[tilespmem:s12+$0x1BBA0] =	vst v0  }
0x506: {  	v0 =	vld [tilespmem:s15+$0xFFFFFDB0]  }
0x507: {  	v1 =	vld [tilespmem:s15+$0xFFFFFE30];
	_ =	sdelay $0x1  }
0x508: {  	v2 =	vld [tilespmem:s15+$0xFFFFFEB0];
	_ =	sdelay $0x1  }
0x509: {  	v3 =	vld [tilespmem:s15+$0xFFFFFF30]  }
0x50a: {  	v0 =	vadd.f32 v1, v0  }
0x50b: {  	v1 =	vld [tilespmem:s15+$0xFFFFFFB0]  }
0x50c: {  	v0 =	vadd.f32 v2, v0  }
0x50d: {  	v2 =	vld [tilespmem:s15+$0x30]  }
0x50e: {  	v0 =	vadd.f32 v3, v0  }
0x50f: {  	v3 =	vld [tilespmem:s15+$0xB0]  }
0x510: {  	v0 =	vadd.f32 v1, v0  }
0x511: {  	v1 =	vld [tilespmem:s15+$0x130]  }
0x512: {  	v0 =	vadd.f32 v2, v0  }
0x513: {  	v2 =	vld [tilespmem:s15+$0x1B0]  }
0x514: {  	v0 =	vadd.f32 v3, v0  }
0x515: {  	v3 =	vld [tilespmem:s15+$0x230]  }
0x516: {  	v0 =	vadd.f32 v1, v0;
	_ =	sdelay $0x1  }
0x517: {  	v0 =	vadd.f32 v2, v0;
	_ =	sdelay $0x1  }
0x518: {  	v0 =	vadd.f32 v3, v0;
	_ =	sdelay $0x1  }
0x519: {  	[tilespmem:s12+$0x1BBB0] =	vst v0  }
0x51a: {  	v0 =	vld [tilespmem:s15+$0xFFFFFDC0]  }
0x51b: {  	v1 =	vld [tilespmem:s15+$0xFFFFFE40];
	_ =	sdelay $0x1  }
0x51c: {  	v2 =	vld [tilespmem:s15+$0xFFFFFEC0];
	_ =	sdelay $0x1  }
0x51d: {  	v3 =	vld [tilespmem:s15+$0xFFFFFF40]  }
0x51e: {  	v0 =	vadd.f32 v1, v0  }
0x51f: {  	v1 =	vld [tilespmem:s15+$0xFFFFFFC0]  }
0x520: {  	v0 =	vadd.f32 v2, v0  }
0x521: {  	v2 =	vld [tilespmem:s15+$0x40]  }
0x522: {  	v0 =	vadd.f32 v3, v0  }
0x523: {  	v3 =	vld [tilespmem:s15+$0xC0]  }
0x524: {  	v0 =	vadd.f32 v1, v0  }
0x525: {  	v1 =	vld [tilespmem:s15+$0x140]  }
0x526: {  	v0 =	vadd.f32 v2, v0  }
0x527: {  	v2 =	vld [tilespmem:s15+$0x1C0]  }
0x528: {  	v0 =	vadd.f32 v3, v0  }
0x529: {  	v3 =	vld [tilespmem:s15+$0x240]  }
0x52a: {  	v0 =	vadd.f32 v1, v0;
	_ =	sdelay $0x1  }
0x52b: {  	v0 =	vadd.f32 v2, v0;
	_ =	sdelay $0x1  }
0x52c: {  	v0 =	vadd.f32 v3, v0;
	_ =	sdelay $0x1  }
0x52d: {  	[tilespmem:s12+$0x1BBC0] =	vst v0  }
0x52e: {  	v0 =	vld [tilespmem:s15+$0xFFFFFDD0]  }
0x52f: {  	v1 =	vld [tilespmem:s15+$0xFFFFFE50]  }
0x530: {  	v2 =	vld [tilespmem:s15+$0xFFFFFED0]  }
0x531: {  	v3 =	vld [tilespmem:s15+$0xFFFFFF50]  }
0x532: {  	v4 =	vld [tilespmem:s15+$0xFFFFFFD0]  }
0x533: {  	v5 =	vld [tilespmem:s15+$0x50]  }
0x534: {  	v0 =	vadd.f32 v1, v0;
	v1 =	vld [tilespmem:s15+$0xD0]  }
0x535: {  	v6 =	vld [tilespmem:s15+$0x150]  }
0x536: {  	v0 =	vadd.f32 v2, v0;
	v2 =	vld [tilespmem:s15+$0x1D0]  }
0x537: {  	v7 =	vld [tilespmem:s15+$0x250]  }
0x538: {  	v0 =	vadd.f32 v3, v0;
	_ =	sdelay $0x1  }
0x539: {  	v0 =	vadd.f32 v4, v0;
	_ =	sdelay $0x1  }
0x53a: {  	v0 =	vadd.f32 v5, v0;
	_ =	sdelay $0x1  }
0x53b: {  	v0 =	vadd.f32 v1, v0;
	_ =	sdelay $0x1  }
0x53c: {  	v0 =	vadd.f32 v6, v0;
	_ =	sdelay $0x1  }
0x53d: {  	v0 =	vadd.f32 v2, v0;
	_ =	sdelay $0x1  }
0x53e: {  	v0 =	vadd.f32 v7, v0;
	_ =	sdelay $0x1  }
0x53f: {  	[tilespmem:s12+$0x1BBD0] =	vst v0  }
0x540: {  	v0 =	vld [tilespmem:s15+$0xFFFFFDE0]  }
0x541: {  	v1 =	vld [tilespmem:s15+$0xFFFFFE60]  }
0x542: {  	v2 =	vld [tilespmem:s15+$0xFFFFFEE0]  }
0x543: {  	v3 =	vld [tilespmem:s15+$0xFFFFFF60]  }
0x544: {  	v4 =	vld [tilespmem:s15+$0xFFFFFFE0]  }
0x545: {  	v5 =	vld [tilespmem:s15+$0x60]  }
0x546: {  	v0 =	vadd.f32 v1, v0;
	v1 =	vld [tilespmem:s15+$0xE0]  }
0x547: {  	v6 =	vld [tilespmem:s15+$0x160]  }
0x548: {  	v0 =	vadd.f32 v2, v0;
	v2 =	vld [tilespmem:s15+$0x1E0]  }
0x549: {  	v7 =	vld [tilespmem:s15+$0x260]  }
0x54a: {  	v0 =	vadd.f32 v3, v0;
	_ =	sdelay $0x1  }
0x54b: {  	v0 =	vadd.f32 v4, v0;
	_ =	sdelay $0x1  }
0x54c: {  	v0 =	vadd.f32 v5, v0;
	_ =	sdelay $0x1  }
0x54d: {  	v0 =	vadd.f32 v1, v0;
	_ =	sdelay $0x1  }
0x54e: {  	v0 =	vadd.f32 v6, v0;
	_ =	sdelay $0x1  }
0x54f: {  	v0 =	vadd.f32 v2, v0;
	_ =	sdelay $0x1  }
0x550: {  	v0 =	vadd.f32 v7, v0;
	_ =	sdelay $0x1  }
0x551: {  	[tilespmem:s12+$0x1BBE0] =	vst v0  }
0x552: {  	v0 =	vld [tilespmem:s15+$0xFFFFFDF0]  }
0x553: {  	v1 =	vld [tilespmem:s15+$0xFFFFFE70]  }
0x554: {  	v2 =	vld [tilespmem:s15+$0xFFFFFEF0]  }
0x555: {  	v4 =	vld [tilespmem:s15+$0xFFFFFF70]  }
0x556: {  	v5 =	vld [tilespmem:s15+$0xFFFFFFF0]  }
0x557: {  	v6 =	vld [tilespmem:s15+$0x70]  }
0x558: {  	v1 =	vadd.f32 v1, v0;
	v3 =	vld [tilespmem:s15+$0xF0]  }
0x559: {  	v0 =	vld [tilespmem:s15+$0x170]  }
0x55a: {  	v7 =	vadd.f32 v2, v1;
	v1 =	vld [tilespmem:s15+$0x1F0]  }
0x55b: {  	v2 =	vld [tilespmem:s15+$0x270]  }
.Ltmp8:
0x55c: {  	v4 =	vadd.f32 v4, v7;
	(pc) =	sbr.rel @p0 .LBB2_12-.Ltmp8, $3  }
0x55d: {  	_ = 	snop  }
0x55e: {  	v4 =	vadd.f32 v5, v4;
	_ =	sdelay $0x1  }
0x55f: {  	v4 =	vadd.f32 v6, v4  }
0x560: {  	_ = 	snop  }
0x561: {  	v3 =	vadd.f32 v3, v4;
	_ =	sdelay $0x1  }
0x562: {  	v0 =	vadd.f32 v0, v3;
	_ =	sdelay $0x1  }
0x563: {  	v0 =	vadd.f32 v1, v0  }
.Ltmp9:
0x564: {  	_ = 	snop;
	(pc) =	sbr.rel .LBB2_2-.Ltmp9, $4  }
0x565: {  	v0 =	vadd.f32 v2, v0  }
0x566: {  	s15 =	sshll.u32 s24, $0x9  }
0x567: {  	s25 =	simm.s32 $0x1BB80;
	s21 =	sadd.s32 $0x1, s21;
	s24 =	sadd.s32 s0, s15;
	[tilespmem:s12+$0x1BBF0] =	vst v0  }
0x568: {  	[hbm4b:s24+s3] =	stream.linear.scatter [tilespmem:s25], [sflag:$0x6], $0x800, $0x38;
	[tilespmem:$0x1C380] =	vst v63  }
.LBB2_15:
0x569: {  	_ =	sfence.sel $0x180000  }
0x56a: {  	[bflag:$0x0] =	sbarrier.arrive $0xFFFF  }
0x56b: {  	_ =	strace $0x90000047  }
0x56c: {  	s0 =	stileid.u32;
	[bflag:$0x2] =	sbarrier.arrive $0xFFFF  }
0x56d: {  	p0 =	sne.s32 s0, $0x0;
	s0 =	rddreg [dreg:$0x3]  }
0x56e: {  	s0 =	sadd.s32 @!p0 $0x100000, s0  }
0x56f: {  	[sflag:s0] =	ssyncadd.tile.s32 @!p0 $0x1;
	_ =	shalt  }
.Lfunc_end2:
_tile_overlayer_lowered:
.L_overlay_start_2:
0x570: {  	(tag) =	ssettag $0x2  }
0x571: {  	s0 =	rddreg [dreg:$0x0];
	s2 =	stileid.u32  }
0x572: {  	s1 =	rddreg [dreg:$0x1];
	p0 =	sne.s32 s2, $0x0  }
0x573: {  	s3 =	rddreg [dreg:$0x2];
	[bflag:$0x3] =	sbarrier.arrive $0xFFFF;
	s2 =	simm.s32 @!p0 $0x1C08  }
0x574: {  	[timem:s3], [sflag:s2] =	dma.local @!p0 [hbm:s0], s1  }
0x575: {  	s0 =	simm.s32 @!p0 $0x8  }
0x576: {  	_ =	swait.ge @!p0 [sflag:s0], s1  }
0x577: {  	s1 =	ssub.s32 @!p0 $0x0, s1;
	[sflag:s0] =	ssyncset.done @!p0 $0x0  }
0x578: {  	[sflag:s0] =	ssyncadd.s32 @!p0 s1  }
0x579: {  	[bflag:$0x3] =	sbarrier.arrive $0xFFFF  }
0x57a: {  	_ =	shalt  }

</sc_bundles>
